<compile_context>
chip_gen: v7x
topology: tpu7x:2x2x1
jax: 0.10.2.dev20260603
libtpu: 0.0.44.dev20260713+nightly
codegen_flags: <defaults>
</compile_context>

<pallas_src>
import functools

import jax
import jax.numpy as jnp
from jax import lax
from jax.experimental import pallas as pl
from jax.experimental.pallas import tpu as pltpu
from jax.experimental.pallas import tpu_sc as plsc

N = 10000
E = 320000
H = 128
LAT = 64
NODE_C = 64
EDGE_C = 8
STRUCT_D = 16
G = 64

NC = 2
NS = 16
NW = NC * NS
CH = 128
NCH = 79
EWP = CH * NCH
EP = EWP * NW
AR = 10112
RPT = AR // NS

BN = 1000
NB = N // BN

_MESH = plsc.VectorSubcoreMesh(core_axis_name="c", subcore_axis_name="s",
                               num_cores=NC, num_subcores=NS)
_PREC = jax.lax.Precision.DEFAULT


def _dot(a, b):
    return jax.lax.dot_general(a, b, (((1,), (0,)), ((), ())), precision=_PREC)


def _dot_exact(a, b, dims=(((1,), (0,)), ((), ()))):
    return jax.lax.dot_general(a, b, dims, precision=jax.lax.Precision.HIGHEST)


@functools.cache
def _make_gather_scatter(table_rows):
    @functools.partial(
        pl.kernel,
        out_type=jax.ShapeDtypeStruct((NC, AR, H), jnp.float32),
        mesh=_MESH,
        scratch_types=[
            pltpu.VMEM((NCH, CH), jnp.int32),
            pltpu.VMEM((NCH, CH), jnp.int32),
            pltpu.VMEM((CH, H), jnp.float32),
            pltpu.VMEM_SHARED((AR, H), jnp.float32),
            pltpu.SemaphoreType.DMA,
        ],
    )
    def gs(table, gidx, sidx, out, gv, sv, rows, acc, sem):
        c = lax.axis_index("c")
        s = lax.axis_index("s")
        wid = c * NS + s

        z = jnp.zeros((16,), jnp.float32)

        def zero_row(r, carry):
            for j in range(H // 16):
                rows[r, pl.ds(j * 16, 16)] = z
            return carry

        lax.fori_loop(0, CH, zero_row, 0)
        base = s * RPT
        full = RPT // CH
        for k in range(full):
            pltpu.sync_copy(rows, acc.at[pl.ds(base + k * CH, CH)])
        rem = RPT - full * CH
        if rem:
            pltpu.sync_copy(rows.at[pl.ds(0, rem)],
                            acc.at[pl.ds(base + full * CH, rem)])

        pltpu.sync_copy(gidx.at[wid], gv)
        pltpu.sync_copy(sidx.at[wid], sv)
        plsc.subcore_barrier()

        def step(j, carry):
            pltpu.async_copy(table.at[gv.at[j, :]], rows, sem).wait()
            pltpu.sync_copy(rows, acc.at[sv.at[j, :]], add=True)
            return carry

        lax.fori_loop(0, NCH, step, 0)
        plsc.subcore_barrier()
        pltpu.sync_copy(acc.at[pl.ds(base, RPT)], out.at[c, pl.ds(base, RPT)])

    return gs


@functools.partial(
    pl.kernel,
    out_type=jax.ShapeDtypeStruct((EP, 16), jnp.float32),
    mesh=_MESH,
    scratch_types=[
        pltpu.VMEM((NCH, CH), jnp.int32),
        pltpu.VMEM((NCH, CH), jnp.int32),
        pltpu.VMEM((CH, H), jnp.float32),
        pltpu.VMEM((CH, H), jnp.float32),
        pltpu.VMEM((CH, 16), jnp.float32),
        pltpu.VMEM((16,), jnp.float32),
        pltpu.SemaphoreType.DMA,
        pltpu.SemaphoreType.DMA,
    ],
)
def _edge_logits_sc(hw, b16, sidxg, didxg, out, svv, dvv, ra, rb, ov, bv,
                    sema, semb):
    c = lax.axis_index("c")
    s = lax.axis_index("s")
    wid = c * NS + s
    pltpu.sync_copy(sidxg.at[wid], svv)
    pltpu.sync_copy(didxg.at[wid], dvv)
    pltpu.sync_copy(b16, bv)
    bias = bv[...]

    def step(j, carry):
        da = pltpu.async_copy(hw.at[svv.at[j, :]], ra, sema)
        db = pltpu.async_copy(hw.at[dvv.at[j, :]], rb, semb)
        da.wait()
        db.wait()

        def addrow(r, cc):
            ov[r, :] = ra[r, pl.ds(0, 16)] + rb[r, pl.ds(0, 16)] + bias
            return cc

        lax.fori_loop(0, CH, addrow, 0)
        pltpu.sync_copy(ov, out.at[pl.ds(wid * EWP + j * CH, CH)])
        return carry

    lax.fori_loop(0, NCH, step, 0)


def _comb_body(b_ref, s_ref, o_ref):
    o_ref[...] = b_ref[...] * N + s_ref[...]


def _feat_body(oa_ref, ob_ref, deg_ref, Wn_ref, Ws_ref, bs_ref, x_ref, cnt_ref):
    i = pl.program_id(0)
    x_ref[...] = (_dot_exact(oa_ref[...], Wn_ref[...])
                  + _dot(deg_ref[...], Ws_ref[...]) + bs_ref[...])

    @pl.when(i == 0)
    def _():
        cnt_ref[...] = jnp.zeros_like(cnt_ref)

    cnt_ref[...] += jnp.sum(ob_ref[...], axis=0, keepdims=True)

    @pl.when(i == NB - 1)
    def _():
        cnt_ref[...] = jnp.maximum(cnt_ref[...], 1.0)


def _ypool_body(x_ref, emb_ref, ob_ref, y_ref, pooled_ref):
    i = pl.program_id(0)
    x = x_ref[...]
    for b in range(EDGE_C):
        y_ref[b] = jnp.maximum(x + emb_ref[b:b + 1, :], 0.0)

    @pl.when(i == 0)
    def _():
        pooled_ref[...] = jnp.zeros_like(pooled_ref)

    pooled_ref[...] += _dot_exact(ob_ref[...], x, (((0,), (0,)), ((), ())))


def _encup_body(x_ref, p_ref, pooled_ref, cnt_ref, ob_ref, Wg_ref, W_ref,
                b_ref, o_ref):
    oh = ob_ref[...]
    pg = _dot_exact(oh, pooled_ref[...])
    cnt_node = jnp.sum(oh * cnt_ref[...], axis=1, keepdims=True)
    glob = _dot(pg / cnt_node, Wg_ref[...])
    sfull = x_ref[...] + p_ref[0] + p_ref[1] + glob
    o_ref[...] = jnp.maximum(_dot(sfull, W_ref[...]) + b_ref[...], 0.0)


def _heads_body(x_ref, eps_ref, deg_ref, Wmu_ref, bmu_ref, Wls_ref, bls_ref,
                Wdi_ref, Wsd_ref, mu_ref, ls_ref, h0_ref):
    x = x_ref[...]
    mu = _dot(x, Wmu_ref[...]) + bmu_ref[...]
    ls = _dot(x, Wls_ref[...]) + bls_ref[...]
    mu_ref[...] = mu
    ls_ref[...] = ls
    smp = jnp.exp(ls) * eps_ref[...] + mu
    h0_ref[...] = jnp.maximum(_dot(smp, Wdi_ref[...])
                              + _dot(deg_ref[...], Wsd_ref[...]), 0.0)


def _decup_body(h_ref, p_ref, W_ref, b_ref, o_ref):
    sfull = h_ref[...] + p_ref[0] + p_ref[1]
    o_ref[...] = jnp.maximum(_dot(sfull, W_ref[...]) + b_ref[...], 0.0)


def _final_body(h_ref, Wno_ref, bno_ref, We_ref, nl_ref, hw_ref):
    h = h_ref[...]
    nl_ref[...] = _dot(h, Wno_ref[...]) + bno_ref[...]
    hw_ref[...] = _dot(h, We_ref[...])


def _bs(shape, index_map):
    return pl.BlockSpec(shape, index_map)


_I0 = lambda i: (i, 0)
_C0 = lambda i: (0, 0)


def kernel(atom_type, bond_type, degree_feat, edge_index, batch_vec, W_node_emb, W_edge_emb, W_struct, b_struct, enc_W, enc_b, enc_Wg, W_mu, b_mu, W_ls, b_ls, W_dec_in, W_struct_dec, dec_W, dec_b, W_node_out, b_node_out, W_edge_out, b_edge_out, eps):
    f32 = jnp.float32
    atom = atom_type.astype(jnp.int32)
    bond = bond_type.astype(jnp.int32)
    src = edge_index[0].astype(jnp.int32)
    dst = edge_index[1].astype(jnp.int32)
    batch = batch_vec.astype(jnp.int32)
    L_ENC = enc_W.shape[0]
    L_DEC = dec_W.shape[0]

    oh_atom = jax.nn.one_hot(atom, NODE_C, dtype=f32)
    oh_batch = jax.nn.one_hot(batch, G, dtype=f32)

    padlen = EP - E
    src_p = jnp.concatenate([src, jnp.zeros((padlen,), jnp.int32)])
    dst_p = jnp.concatenate([dst, jnp.full((padlen,), N, jnp.int32)])
    bond_p = jnp.concatenate([bond, jnp.zeros((padlen,), jnp.int32)])

    comb = pl.pallas_call(
        _comb_body,
        out_shape=jax.ShapeDtypeStruct((EP // CH, CH), jnp.int32),
    )(bond_p.reshape(EP // CH, CH), src_p.reshape(EP // CH, CH))
    gidx_enc = comb.reshape(NW, NCH, CH)
    gidx_dec = src_p.reshape(NW, NCH, CH)
    sidx = dst_p.reshape(NW, NCH, CH)

    x, cnt = pl.pallas_call(
        _feat_body,
        grid=(NB,),
        in_specs=[
            _bs((BN, NODE_C), _I0), _bs((BN, G), _I0), _bs((BN, STRUCT_D), _I0),
            _bs((NODE_C, H), _C0), _bs((STRUCT_D, H), _C0), _bs((1, H), _C0),
        ],
        out_specs=[_bs((BN, H), _I0), _bs((1, G), _C0)],
        out_shape=[jax.ShapeDtypeStruct((N, H), f32),
                   jax.ShapeDtypeStruct((1, G), f32)],
    )(oh_atom, oh_batch, degree_feat, W_node_emb, W_struct,
      b_struct.reshape(1, H))

    gs_enc = _make_gather_scatter(EDGE_C * N)
    for i in range(L_ENC):
        y, pooled = pl.pallas_call(
            _ypool_body,
            grid=(NB,),
            in_specs=[
                _bs((BN, H), _I0), _bs((EDGE_C, H), _C0), _bs((BN, G), _I0),
            ],
            out_specs=[pl.BlockSpec((EDGE_C, BN, H), lambda i: (0, i, 0)),
                       _bs((G, H), _C0)],
            out_shape=[jax.ShapeDtypeStruct((EDGE_C, N, H), f32),
                       jax.ShapeDtypeStruct((G, H), f32)],
        )(x, W_edge_emb, oh_batch)
        part = gs_enc(y.reshape(EDGE_C * N, H), gidx_enc, sidx)
        x = pl.pallas_call(
            _encup_body,
            grid=(NB,),
            in_specs=[
                _bs((BN, H), _I0),
                pl.BlockSpec((NC, BN, H), lambda i: (0, i, 0)),
                _bs((G, H), _C0), _bs((1, G), _C0), _bs((BN, G), _I0),
                _bs((H, H), _C0), _bs((H, H), _C0), _bs((1, H), _C0),
            ],
            out_specs=_bs((BN, H), _I0),
            out_shape=jax.ShapeDtypeStruct((N, H), f32),
        )(x, part, pooled, cnt, oh_batch, enc_Wg[i], enc_W[i],
          enc_b[i].reshape(1, H))

    mu, logsigma, h = pl.pallas_call(
        _heads_body,
        grid=(NB,),
        in_specs=[
            _bs((BN, H), _I0), _bs((BN, LAT), _I0), _bs((BN, STRUCT_D), _I0),
            _bs((H, LAT), _C0), _bs((1, LAT), _C0),
            _bs((H, LAT), _C0), _bs((1, LAT), _C0),
            _bs((LAT, H), _C0), _bs((STRUCT_D, H), _C0),
        ],
        out_specs=[_bs((BN, LAT), _I0), _bs((BN, LAT), _I0), _bs((BN, H), _I0)],
        out_shape=[jax.ShapeDtypeStruct((N, LAT), f32),
                   jax.ShapeDtypeStruct((N, LAT), f32),
                   jax.ShapeDtypeStruct((N, H), f32)],
    )(x, eps, degree_feat, W_mu, b_mu.reshape(1, LAT), W_ls,
      b_ls.reshape(1, LAT), W_dec_in, W_struct_dec)

    gs_dec = _make_gather_scatter(N)
    for i in range(L_DEC):
        part = gs_dec(h, gidx_dec, sidx)
        h = pl.pallas_call(
            _decup_body,
            grid=(NB,),
            in_specs=[
                _bs((BN, H), _I0),
                pl.BlockSpec((NC, BN, H), lambda i: (0, i, 0)),
                _bs((H, H), _C0), _bs((1, H), _C0),
            ],
            out_specs=_bs((BN, H), _I0),
            out_shape=jax.ShapeDtypeStruct((N, H), f32),
        )(h, part, dec_W[i], dec_b[i].reshape(1, H))

    node_logits, hw = pl.pallas_call(
        _final_body,
        grid=(NB,),
        in_specs=[
            _bs((BN, H), _I0), _bs((H, NODE_C), _C0), _bs((1, NODE_C), _C0),
            _bs((H, H), _C0),
        ],
        out_specs=[_bs((BN, NODE_C), _I0), _bs((BN, H), _I0)],
        out_shape=[jax.ShapeDtypeStruct((N, NODE_C), f32),
                   jax.ShapeDtypeStruct((N, H), f32)],
    )(h, W_node_out, b_node_out.reshape(1, NODE_C),
      jnp.pad(W_edge_out, ((0, 0), (0, H - EDGE_C))))

    hw_pad = jnp.pad(hw, ((0, AR - N), (0, 0)))
    b16 = jnp.pad(b_edge_out, (0, 16 - EDGE_C))
    el16 = _edge_logits_sc(hw_pad, b16, gidx_dec, sidx)
    edge_logits = el16[:E, :EDGE_C]

    return (mu, logsigma, node_logits, edge_logits)

# --- scband reference (transcript-rebuilt; emitter-appended) ---
"""Pipeline reference for scband-label-autoencoder-15238543966505 (READ-ONLY COPY).

The authoritative reference and input builder live on the scoring server;
editing this copy changes nothing except your own understanding.
"""

import jax, jax.numpy as jnp
import numpy as np

N = 10000
E = 320000
H = 128
LAT = 64
NODE_C = 64
EDGE_C = 8
STRUCT_D = 16
G = 64
L_ENC = 4
L_DEC = 4

def setup_inputs(seed: int = 0):
    key = jax.random.key(seed)
    ks = jax.random.split(key, 32)
    s = 0.02
    inp = {}
    inp["atom_type"] = jax.random.randint(ks[0], (N,), 0, NODE_C)
    inp["bond_type"] = jax.random.randint(ks[1], (E,), 0, EDGE_C)
    inp["degree_feat"] = jax.random.normal(ks[2], (N, STRUCT_D), dtype=jnp.float32)
    inp["edge_index"] = jax.random.randint(ks[3], (2, E), 0, N)
    inp["batch_vec"] = jnp.sort(jax.random.randint(ks[4], (N,), 0, G))
    inp["W_node_emb"] = jax.random.normal(ks[5], (NODE_C, H)) * s
    inp["W_edge_emb"] = jax.random.normal(ks[6], (EDGE_C, H)) * s
    inp["W_struct"] = jax.random.normal(ks[7], (STRUCT_D, H)) * s
    inp["b_struct"] = jnp.zeros((H,))
    inp["enc_W"] = jax.random.normal(ks[8], (L_ENC, H, H)) * s
    inp["enc_b"] = jnp.zeros((L_ENC, H))
    inp["enc_Wg"] = jax.random.normal(ks[9], (L_ENC, H, H)) * s
    inp["W_mu"] = jax.random.normal(ks[10], (H, LAT)) * s
    inp["b_mu"] = jnp.zeros((LAT,))
    inp["W_ls"] = jax.random.normal(ks[11], (H, LAT)) * s
    inp["b_ls"] = jnp.zeros((LAT,))
    inp["W_dec_in"] = jax.random.normal(ks[12], (LAT, H)) * s
    inp["W_struct_dec"] = jax.random.normal(ks[13], (STRUCT_D, H)) * s
    inp["dec_W"] = jax.random.normal(ks[14], (L_DEC, H, H)) * s
    inp["dec_b"] = jnp.zeros((L_DEC, H))
    inp["W_node_out"] = jax.random.normal(ks[15], (H, NODE_C)) * s
    inp["b_node_out"] = jnp.zeros((NODE_C,))
    inp["W_edge_out"] = jax.random.normal(ks[16], (H, EDGE_C)) * s
    inp["b_edge_out"] = jnp.zeros((EDGE_C,))
    inp["eps"] = jax.random.normal(ks[17], (N, LAT))
    return inp

def reference(atom_type, bond_type, degree_feat, edge_index, batch_vec, W_node_emb, W_edge_emb, W_struct, b_struct, enc_W, enc_b, enc_Wg, W_mu, b_mu, W_ls, b_ls, W_dec_in, W_struct_dec, dec_W, dec_b, W_node_out, b_node_out, W_edge_out, b_edge_out, eps):
    src = edge_index[0]
    dst = edge_index[1]
    # encode_posterior: one-hot node/edge featurizers (embedding lookups) + structural featurizer
    x = jnp.take(W_node_emb, atom_type, axis=0) + degree_feat @ W_struct + b_struct
    edge_attr = jnp.take(W_edge_emb, bond_type, axis=0)
    counts = jnp.clip(jax.ops.segment_sum(jnp.ones((N,), jnp.float32), batch_vec, num_segments=G), 1.0)[:, None]
    # GPS-style encoder layers: edge-conditioned message passing + per-graph global mixing
    for i in range(L_ENC):
        msg = jax.nn.relu(jnp.take(x, src, axis=0) + edge_attr)
        agg = jax.ops.segment_sum(msg, dst, num_segments=N)
        pooled = jax.ops.segment_sum(x, batch_vec, num_segments=G) / counts
        glob = jnp.take(pooled, batch_vec, axis=0) @ enc_Wg[i]
        x = jax.nn.relu((x + agg + glob) @ enc_W[i] + enc_b[i])
    mu = x @ W_mu + b_mu
    logsigma = x @ W_ls + b_ls
    # reparameterized sample (eps supplied as input for determinism)
    samples = jnp.exp(logsigma) * eps + mu
    # decoder: message passing over the same structure, emitting node/edge label logits
    h = jax.nn.relu(samples @ W_dec_in + degree_feat @ W_struct_dec)
    for i in range(L_DEC):
        agg = jax.ops.segment_sum(jnp.take(h, src, axis=0), dst, num_segments=N)
        h = jax.nn.relu((h + agg) @ dec_W[i] + dec_b[i])
    node_logits = h @ W_node_out + b_node_out
    edge_logits = (jnp.take(h, src, axis=0) + jnp.take(h, dst, axis=0)) @ W_edge_out + b_edge_out
    return (mu, logsigma, node_logits, edge_logits)

if __name__ == "__main__":
    import jax
    _d = setup_inputs()
    print(jax.jit(kernel)(*tuple(_d.values())))

</pallas_src>

<mosaic_0001>
#map = affine_map<(d0, d1) -> (0, 0)>
#map1 = affine_map<(d0, d1) -> (0, 0, 0)>
module attributes {stable_mosaic.version = 14 : i64} {
  func.func @gs(%arg0: i32, %arg1: i32, %arg2: memref<80000x128xf32, #tpu.memory_space<hbm>>, %arg3: memref<32x79x128xi32, #tpu.memory_space<hbm>>, %arg4: memref<32x79x128xi32, #tpu.memory_space<hbm>>, %arg5: memref<2x10112x128xf32, #tpu.memory_space<hbm>>, %arg6: memref<79x128xi32, #tpu.memory_space<vmem>>, %arg7: memref<79x128xi32, #tpu.memory_space<vmem>>, %arg8: memref<128x128xf32, #tpu.memory_space<vmem>>, %arg9: memref<10112x128xf32, #tpu.memory_space<vmem_shared>>, %arg10: memref<!tpu.dma_semaphore, #tpu.memory_space<semaphore_mem>>) attributes {dimension_semantics = [#tpu.dimension_semantics<core_parallel>, #tpu.dimension_semantics<subcore_parallel>], iteration_bounds = array<i64: 2, 16>, scalar_prefetch = 0 : i64, scratch_operands = 5 : i64, tpu.core_type = #tpu.core_type<sc_vector_subcore>, window_params = [{transform_indices = #map}, {transform_indices = #map1}, {transform_indices = #map1}, {transform_indices = #map1}]} {
    %mul3A = arith.constant 16 : i32
    %mul3A_0 = arith.muli %arg0, %mul3A : i32
    %add3A = arith.addi %mul3A_0, %arg1 : i32
    %broadcast_in_dim3A = arith.constant 0.000000e+00 : f32
    %broadcast_in_dim3A_1 = vector.broadcast %broadcast_in_dim3A : f32 to vector<16xf32>
    %scan3A = arith.constant 0 : i32
    %scan3A_2 = arith.constant 0 : i32
    %scan3A_3 = arith.constant 128 : i32
    %scan3A_4 = arith.addi %scan3A_2, %scan3A_3 : i32
    %scan3A_5 = arith.constant 1 : i32
    scf.for %scan3A_26 = %scan3A_2 to %scan3A_4 step %scan3A_5  : i32 {
      %swap3A = arith.index_cast %scan3A_26 : i32 to index
      %swap3A_27 = arith.constant 0 : index
      %swap3A_28 = tpu.vector_load %arg8[%swap3A, %swap3A_27] {strides = array<i32>} : memref<128x128xf32, #tpu.memory_space<vmem>>, vector<1x16xf32>,
      %swap3A_29 = vector.shape_cast %swap3A_28 : vector<1x16xf32> to vector<16xf32>
      %swap3A_30 = vector.shape_cast %broadcast_in_dim3A_1 : vector<16xf32> to vector<1x16xf32>
      tpu.vector_store %arg8[%swap3A, %swap3A_27], %swap3A_30 {strides = array<i32>} : memref<128x128xf32, #tpu.memory_space<vmem>>, vector<1x16xf32>,
      %swap3A_31 = arith.index_cast %scan3A_26 : i32 to index
      %swap3A_32 = arith.constant 16 : index
      %swap3A_33 = tpu.vector_load %arg8[%swap3A_31, %swap3A_32] {strides = array<i32>} : memref<128x128xf32, #tpu.memory_space<vmem>>, vector<1x16xf32>,
      %swap3A_34 = vector.shape_cast %swap3A_33 : vector<1x16xf32> to vector<16xf32>
      %swap3A_35 = vector.shape_cast %broadcast_in_dim3A_1 : vector<16xf32> to vector<1x16xf32>
      tpu.vector_store %arg8[%swap3A_31, %swap3A_32], %swap3A_35 {strides = array<i32>} : memref<128x128xf32, #tpu.memory_space<vmem>>, vector<1x16xf32>,
      %swap3A_36 = arith.index_cast %scan3A_26 : i32 to index
      %swap3A_37 = arith.constant 32 : index
      %swap3A_38 = tpu.vector_load %arg8[%swap3A_36, %swap3A_37] {strides = array<i32>} : memref<128x128xf32, #tpu.memory_space<vmem>>, vector<1x16xf32>,
      %swap3A_39 = vector.shape_cast %swap3A_38 : vector<1x16xf32> to vector<16xf32>
      %swap3A_40 = vector.shape_cast %broadcast_in_dim3A_1 : vector<16xf32> to vector<1x16xf32>
      tpu.vector_store %arg8[%swap3A_36, %swap3A_37], %swap3A_40 {strides = array<i32>} : memref<128x128xf32, #tpu.memory_space<vmem>>, vector<1x16xf32>,
      %swap3A_41 = arith.index_cast %scan3A_26 : i32 to index
      %swap3A_42 = arith.constant 48 : index
      %swap3A_43 = tpu.vector_load %arg8[%swap3A_41, %swap3A_42] {strides = array<i32>} : memref<128x128xf32, #tpu.memory_space<vmem>>, vector<1x16xf32>,
      %swap3A_44 = vector.shape_cast %swap3A_43 : vector<1x16xf32> to vector<16xf32>
      %swap3A_45 = vector.shape_cast %broadcast_in_dim3A_1 : vector<16xf32> to vector<1x16xf32>
      tpu.vector_store %arg8[%swap3A_41, %swap3A_42], %swap3A_45 {strides = array<i32>} : memref<128x128xf32, #tpu.memory_space<vmem>>, vector<1x16xf32>,
      %swap3A_46 = arith.index_cast %scan3A_26 : i32 to index
      %swap3A_47 = arith.constant 64 : index
      %swap3A_48 = tpu.vector_load %arg8[%swap3A_46, %swap3A_47] {strides = array<i32>} : memref<128x128xf32, #tpu.memory_space<vmem>>, vector<1x16xf32>,
      %swap3A_49 = vector.shape_cast %swap3A_48 : vector<1x16xf32> to vector<16xf32>
      %swap3A_50 = vector.shape_cast %broadcast_in_dim3A_1 : vector<16xf32> to vector<1x16xf32>
      tpu.vector_store %arg8[%swap3A_46, %swap3A_47], %swap3A_50 {strides = array<i32>} : memref<128x128xf32, #tpu.memory_space<vmem>>, vector<1x16xf32>,
      %swap3A_51 = arith.index_cast %scan3A_26 : i32 to index
      %swap3A_52 = arith.constant 80 : index
      %swap3A_53 = tpu.vector_load %arg8[%swap3A_51, %swap3A_52] {strides = array<i32>} : memref<128x128xf32, #tpu.memory_space<vmem>>, vector<1x16xf32>,
      %swap3A_54 = vector.shape_cast %swap3A_53 : vector<1x16xf32> to vector<16xf32>
      %swap3A_55 = vector.shape_cast %broadcast_in_dim3A_1 : vector<16xf32> to vector<1x16xf32>
      tpu.vector_store %arg8[%swap3A_51, %swap3A_52], %swap3A_55 {strides = array<i32>} : memref<128x128xf32, #tpu.memory_space<vmem>>, vector<1x16xf32>,
      %swap3A_56 = arith.index_cast %scan3A_26 : i32 to index
      %swap3A_57 = arith.constant 96 : index
      %swap3A_58 = tpu.vector_load %arg8[%swap3A_56, %swap3A_57] {strides = array<i32>} : memref<128x128xf32, #tpu.memory_space<vmem>>, vector<1x16xf32>,
      %swap3A_59 = vector.shape_cast %swap3A_58 : vector<1x16xf32> to vector<16xf32>
      %swap3A_60 = vector.shape_cast %broadcast_in_dim3A_1 : vector<16xf32> to vector<1x16xf32>
      tpu.vector_store %arg8[%swap3A_56, %swap3A_57], %swap3A_60 {strides = array<i32>} : memref<128x128xf32, #tpu.memory_space<vmem>>, vector<1x16xf32>,
      %swap3A_61 = arith.index_cast %scan3A_26 : i32 to index
      %swap3A_62 = arith.constant 112 : index
      %swap3A_63 = tpu.vector_load %arg8[%swap3A_61, %swap3A_62] {strides = array<i32>} : memref<128x128xf32, #tpu.memory_space<vmem>>, vector<1x16xf32>,
      %swap3A_64 = vector.shape_cast %swap3A_63 : vector<1x16xf32> to vector<16xf32>
      %swap3A_65 = vector.shape_cast %broadcast_in_dim3A_1 : vector<16xf32> to vector<1x16xf32>
      tpu.vector_store %arg8[%swap3A_61, %swap3A_62], %swap3A_65 {strides = array<i32>} : memref<128x128xf32, #tpu.memory_space<vmem>>, vector<1x16xf32>,
    }
    %scan3A_6 = arith.constant 128 : i32
    %mul3A_7 = arith.constant 632 : i32
    %mul3A_8 = arith.muli %arg1, %mul3A_7 : i32
    %add3A_9 = arith.constant 0 : i32
    %add3A_10 = arith.addi %mul3A_8, %add3A_9 : i32
    "tpu.region"() ({
      %run_scoped3A = tpu.sem_alloc : memref<!tpu.dma_semaphore, #tpu.memory_space<semaphore_mem>>
      %dma_start3A = arith.constant 0 : i32
      %dma_start3A_26 = tpu.memref_slice %arg9[%add3A_10, %dma_start3A] : memref<10112x128xf32, #tpu.memory_space<vmem_shared>> -> memref<128x128xf32, #tpu.memory_space<vmem_shared>>
      %dma_start3A_27 = arith.constant 0 : i32
      %dma_start3A_28 = tpu.memref_slice %arg9[%add3A_10, %dma_start3A_27] : memref<10112x128xf32, #tpu.memory_space<vmem_shared>> -> memref<128x128xf32, #tpu.memory_space<vmem_shared>>
      tpu.enqueue_dma source(%arg8 : memref<128x128xf32, #tpu.memory_space<vmem>>) target(%dma_start3A_28 : memref<128x128xf32, #tpu.memory_space<vmem_shared>>) target_semaphore(%run_scoped3A : memref<!tpu.dma_semaphore, #tpu.memory_space<semaphore_mem>>)
      %dma_wait3A = arith.constant 0 : i32
      %dma_wait3A_29 = tpu.memref_slice %arg9[%add3A_10, %dma_wait3A] : memref<10112x128xf32, #tpu.memory_space<vmem_shared>> -> memref<128x128xf32, #tpu.memory_space<vmem_shared>>
      %dma_wait3A_30 = arith.constant 0 : i32
      %dma_wait3A_31 = tpu.memref_slice %arg9[%add3A_10, %dma_wait3A_30] : memref<10112x128xf32, #tpu.memory_space<vmem_shared>> -> memref<128x128xf32, #tpu.memory_space<vmem_shared>>
      tpu.wait_dma2 semaphore(%run_scoped3A : memref<!tpu.dma_semaphore, #tpu.memory_space<semaphore_mem>>) src(%arg8 : memref<128x128xf32, #tpu.memory_space<vmem>>) dst(%dma_wait3A_31 : memref<128x128xf32, #tpu.memory_space<vmem_shared>>)
      tpu.yield
    }) : () -> ()
    %add3A_11 = arith.constant 128 : i32
    %add3A_12 = arith.addi %mul3A_8, %add3A_11 : i32
    "tpu.region"() ({
      %run_scoped3A = tpu.sem_alloc : memref<!tpu.dma_semaphore, #tpu.memory_space<semaphore_mem>>
      %dma_start3A = arith.constant 0 : i32
      %dma_start3A_26 = tpu.memref_slice %arg9[%add3A_12, %dma_start3A] : memref<10112x128xf32, #tpu.memory_space<vmem_shared>> -> memref<128x128xf32, #tpu.memory_space<vmem_shared>>
      %dma_start3A_27 = arith.constant 0 : i32
      %dma_start3A_28 = tpu.memref_slice %arg9[%add3A_12, %dma_start3A_27] : memref<10112x128xf32, #tpu.memory_space<vmem_shared>> -> memref<128x128xf32, #tpu.memory_space<vmem_shared>>
      tpu.enqueue_dma source(%arg8 : memref<128x128xf32, #tpu.memory_space<vmem>>) target(%dma_start3A_28 : memref<128x128xf32, #tpu.memory_space<vmem_shared>>) target_semaphore(%run_scoped3A : memref<!tpu.dma_semaphore, #tpu.memory_space<semaphore_mem>>)
      %dma_wait3A = arith.constant 0 : i32
      %dma_wait3A_29 = tpu.memref_slice %arg9[%add3A_12, %dma_wait3A] : memref<10112x128xf32, #tpu.memory_space<vmem_shared>> -> memref<128x128xf32, #tpu.memory_space<vmem_shared>>
      %dma_wait3A_30 = arith.constant 0 : i32
      %dma_wait3A_31 = tpu.memref_slice %arg9[%add3A_12, %dma_wait3A_30] : memref<10112x128xf32, #tpu.memory_space<vmem_shared>> -> memref<128x128xf32, #tpu.memory_space<vmem_shared>>
      tpu.wait_dma2 semaphore(%run_scoped3A : memref<!tpu.dma_semaphore, #tpu.memory_space<semaphore_mem>>) src(%arg8 : memref<128x128xf32, #tpu.memory_space<vmem>>) dst(%dma_wait3A_31 : memref<128x128xf32, #tpu.memory_space<vmem_shared>>)
      tpu.yield
    }) : () -> ()
    %add3A_13 = arith.constant 256 : i32
    %add3A_14 = arith.addi %mul3A_8, %add3A_13 : i32
    "tpu.region"() ({
      %run_scoped3A = tpu.sem_alloc : memref<!tpu.dma_semaphore, #tpu.memory_space<semaphore_mem>>
      %dma_start3A = arith.constant 0 : i32
      %dma_start3A_26 = tpu.memref_slice %arg9[%add3A_14, %dma_start3A] : memref<10112x128xf32, #tpu.memory_space<vmem_shared>> -> memref<128x128xf32, #tpu.memory_space<vmem_shared>>
      %dma_start3A_27 = arith.constant 0 : i32
      %dma_start3A_28 = tpu.memref_slice %arg9[%add3A_14, %dma_start3A_27] : memref<10112x128xf32, #tpu.memory_space<vmem_shared>> -> memref<128x128xf32, #tpu.memory_space<vmem_shared>>
      tpu.enqueue_dma source(%arg8 : memref<128x128xf32, #tpu.memory_space<vmem>>) target(%dma_start3A_28 : memref<128x128xf32, #tpu.memory_space<vmem_shared>>) target_semaphore(%run_scoped3A : memref<!tpu.dma_semaphore, #tpu.memory_space<semaphore_mem>>)
      %dma_wait3A = arith.constant 0 : i32
      %dma_wait3A_29 = tpu.memref_slice %arg9[%add3A_14, %dma_wait3A] : memref<10112x128xf32, #tpu.memory_space<vmem_shared>> -> memref<128x128xf32, #tpu.memory_space<vmem_shared>>
      %dma_wait3A_30 = arith.constant 0 : i32
      %dma_wait3A_31 = tpu.memref_slice %arg9[%add3A_14, %dma_wait3A_30] : memref<10112x128xf32, #tpu.memory_space<vmem_shared>> -> memref<128x128xf32, #tpu.memory_space<vmem_shared>>
      tpu.wait_dma2 semaphore(%run_scoped3A : memref<!tpu.dma_semaphore, #tpu.memory_space<semaphore_mem>>) src(%arg8 : memref<128x128xf32, #tpu.memory_space<vmem>>) dst(%dma_wait3A_31 : memref<128x128xf32, #tpu.memory_space<vmem_shared>>)
      tpu.yield
    }) : () -> ()
    %add3A_15 = arith.constant 384 : i32
    %add3A_16 = arith.addi %mul3A_8, %add3A_15 : i32
    "tpu.region"() ({
      %run_scoped3A = tpu.sem_alloc : memref<!tpu.dma_semaphore, #tpu.memory_space<semaphore_mem>>
      %dma_start3A = arith.constant 0 : i32
      %dma_start3A_26 = tpu.memref_slice %arg9[%add3A_16, %dma_start3A] : memref<10112x128xf32, #tpu.memory_space<vmem_shared>> -> memref<128x128xf32, #tpu.memory_space<vmem_shared>>
      %dma_start3A_27 = arith.constant 0 : i32
      %dma_start3A_28 = tpu.memref_slice %arg9[%add3A_16, %dma_start3A_27] : memref<10112x128xf32, #tpu.memory_space<vmem_shared>> -> memref<128x128xf32, #tpu.memory_space<vmem_shared>>
      tpu.enqueue_dma source(%arg8 : memref<128x128xf32, #tpu.memory_space<vmem>>) target(%dma_start3A_28 : memref<128x128xf32, #tpu.memory_space<vmem_shared>>) target_semaphore(%run_scoped3A : memref<!tpu.dma_semaphore, #tpu.memory_space<semaphore_mem>>)
      %dma_wait3A = arith.constant 0 : i32
      %dma_wait3A_29 = tpu.memref_slice %arg9[%add3A_16, %dma_wait3A] : memref<10112x128xf32, #tpu.memory_space<vmem_shared>> -> memref<128x128xf32, #tpu.memory_space<vmem_shared>>
      %dma_wait3A_30 = arith.constant 0 : i32
      %dma_wait3A_31 = tpu.memref_slice %arg9[%add3A_16, %dma_wait3A_30] : memref<10112x128xf32, #tpu.memory_space<vmem_shared>> -> memref<128x128xf32, #tpu.memory_space<vmem_shared>>
      tpu.wait_dma2 semaphore(%run_scoped3A : memref<!tpu.dma_semaphore, #tpu.memory_space<semaphore_mem>>) src(%arg8 : memref<128x128xf32, #tpu.memory_space<vmem>>) dst(%dma_wait3A_31 : memref<128x128xf32, #tpu.memory_space<vmem_shared>>)
      tpu.yield
    }) : () -> ()
    %add3A_17 = arith.constant 512 : i32
    %add3A_18 = arith.addi %mul3A_8, %add3A_17 : i32
    "tpu.region"() ({
      %run_scoped3A = tpu.sem_alloc : memref<!tpu.dma_semaphore, #tpu.memory_space<semaphore_mem>>
      %dma_start3A = arith.constant 0 : i32
      %dma_start3A_26 = arith.constant 0 : i32
      %dma_start3A_27 = tpu.memref_slice %arg8[%dma_start3A, %dma_start3A_26] : memref<128x128xf32, #tpu.memory_space<vmem>> -> memref<120x128xf32, #tpu.memory_space<vmem>>
      %dma_start3A_28 = arith.constant 0 : i32
      %dma_start3A_29 = tpu.memref_slice %arg9[%add3A_18, %dma_start3A_28] : memref<10112x128xf32, #tpu.memory_space<vmem_shared>> -> memref<120x128xf32, #tpu.memory_space<vmem_shared>>
      %dma_start3A_30 = arith.constant 0 : i32
      %dma_start3A_31 = tpu.memref_slice %arg9[%add3A_18, %dma_start3A_30] : memref<10112x128xf32, #tpu.memory_space<vmem_shared>> -> memref<120x128xf32, #tpu.memory_space<vmem_shared>>
      %dma_start3A_32 = arith.constant 0 : i32
      %dma_start3A_33 = arith.constant 0 : i32
      %dma_start3A_34 = tpu.memref_slice %arg8[%dma_start3A_32, %dma_start3A_33] : memref<128x128xf32, #tpu.memory_space<vmem>> -> memref<120x128xf32, #tpu.memory_space<vmem>>
      tpu.enqueue_dma source(%dma_start3A_34 : memref<120x128xf32, #tpu.memory_space<vmem>>) target(%dma_start3A_31 : memref<120x128xf32, #tpu.memory_space<vmem_shared>>) target_semaphore(%run_scoped3A : memref<!tpu.dma_semaphore, #tpu.memory_space<semaphore_mem>>)
      %dma_wait3A = arith.constant 0 : i32
      %dma_wait3A_35 = arith.constant 0 : i32
      %dma_wait3A_36 = tpu.memref_slice %arg8[%dma_wait3A, %dma_wait3A_35] : memref<128x128xf32, #tpu.memory_space<vmem>> -> memref<120x128xf32, #tpu.memory_space<vmem>>
      %dma_wait3A_37 = arith.constant 0 : i32
      %dma_wait3A_38 = tpu.memref_slice %arg9[%add3A_18, %dma_wait3A_37] : memref<10112x128xf32, #tpu.memory_space<vmem_shared>> -> memref<120x128xf32, #tpu.memory_space<vmem_shared>>
      %dma_wait3A_39 = arith.constant 0 : i32
      %dma_wait3A_40 = tpu.memref_slice %arg9[%add3A_18, %dma_wait3A_39] : memref<10112x128xf32, #tpu.memory_space<vmem_shared>> -> memref<120x128xf32, #tpu.memory_space<vmem_shared>>
      %dma_wait3A_41 = arith.constant 0 : i32
      %dma_wait3A_42 = arith.constant 0 : i32
      %dma_wait3A_43 = tpu.memref_slice %arg8[%dma_wait3A_41, %dma_wait3A_42] : memref<128x128xf32, #tpu.memory_space<vmem>> -> memref<120x128xf32, #tpu.memory_space<vmem>>
      tpu.wait_dma2 semaphore(%run_scoped3A : memref<!tpu.dma_semaphore, #tpu.memory_space<semaphore_mem>>) src(%dma_wait3A_43 : memref<120x128xf32, #tpu.memory_space<vmem>>) dst(%dma_wait3A_40 : memref<120x128xf32, #tpu.memory_space<vmem_shared>>)
      tpu.yield
    }) : () -> ()
    "tpu.region"() ({
      %run_scoped3A = tpu.sem_alloc : memref<!tpu.dma_semaphore, #tpu.memory_space<semaphore_mem>>
      %dma_start3A = arith.constant 0 : i32
      %dma_start3A_26 = arith.constant 0 : i32
      %dma_start3A_27 = tpu.memref_slice %arg3[%add3A, %dma_start3A, %dma_start3A_26] : memref<32x79x128xi32, #tpu.memory_space<hbm>> -> memref<1x79x128xi32, #tpu.memory_space<hbm>>
      %dma_start3A_28 = tpu.memref_squeeze %dma_start3A_27 : memref<1x79x128xi32, #tpu.memory_space<hbm>> -> memref<79x128xi32, #tpu.memory_space<hbm>>
      %dma_start3A_29 = arith.constant 0 : i32
      %dma_start3A_30 = arith.constant 0 : i32
      %dma_start3A_31 = tpu.memref_slice %arg3[%add3A, %dma_start3A_29, %dma_start3A_30] : memref<32x79x128xi32, #tpu.memory_space<hbm>> -> memref<1x79x128xi32, #tpu.memory_space<hbm>>
      %dma_start3A_32 = tpu.memref_squeeze %dma_start3A_31 : memref<1x79x128xi32, #tpu.memory_space<hbm>> -> memref<79x128xi32, #tpu.memory_space<hbm>>
      tpu.enqueue_dma source(%dma_start3A_32 : memref<79x128xi32, #tpu.memory_space<hbm>>) target(%arg6 : memref<79x128xi32, #tpu.memory_space<vmem>>) target_semaphore(%run_scoped3A : memref<!tpu.dma_semaphore, #tpu.memory_space<semaphore_mem>>)
      %dma_wait3A = arith.constant 0 : i32
      %dma_wait3A_33 = arith.constant 0 : i32
      %dma_wait3A_34 = tpu.memref_slice %arg3[%add3A, %dma_wait3A, %dma_wait3A_33] : memref<32x79x128xi32, #tpu.memory_space<hbm>> -> memref<1x79x128xi32, #tpu.memory_space<hbm>>
      %dma_wait3A_35 = tpu.memref_squeeze %dma_wait3A_34 : memref<1x79x128xi32, #tpu.memory_space<hbm>> -> memref<79x128xi32, #tpu.memory_space<hbm>>
      %dma_wait3A_36 = arith.constant 0 : i32
      %dma_wait3A_37 = arith.constant 0 : i32
      %dma_wait3A_38 = tpu.memref_slice %arg3[%add3A, %dma_wait3A_36, %dma_wait3A_37] : memref<32x79x128xi32, #tpu.memory_space<hbm>> -> memref<1x79x128xi32, #tpu.memory_space<hbm>>
      %dma_wait3A_39 = tpu.memref_squeeze %dma_wait3A_38 : memref<1x79x128xi32, #tpu.memory_space<hbm>> -> memref<79x128xi32, #tpu.memory_space<hbm>>
      tpu.wait_dma2 semaphore(%run_scoped3A : memref<!tpu.dma_semaphore, #tpu.memory_space<semaphore_mem>>) src(%dma_wait3A_39 : memref<79x128xi32, #tpu.memory_space<hbm>>) dst(%arg6 : memref<79x128xi32, #tpu.memory_space<vmem>>)
      tpu.yield
    }) : () -> ()
    "tpu.region"() ({
      %run_scoped3A = tpu.sem_alloc : memref<!tpu.dma_semaphore, #tpu.memory_space<semaphore_mem>>
      %dma_start3A = arith.constant 0 : i32
      %dma_start3A_26 = arith.constant 0 : i32
      %dma_start3A_27 = tpu.memref_slice %arg4[%add3A, %dma_start3A, %dma_start3A_26] : memref<32x79x128xi32, #tpu.memory_space<hbm>> -> memref<1x79x128xi32, #tpu.memory_space<hbm>>
      %dma_start3A_28 = tpu.memref_squeeze %dma_start3A_27 : memref<1x79x128xi32, #tpu.memory_space<hbm>> -> memref<79x128xi32, #tpu.memory_space<hbm>>
      %dma_start3A_29 = arith.constant 0 : i32
      %dma_start3A_30 = arith.constant 0 : i32
      %dma_start3A_31 = tpu.memref_slice %arg4[%add3A, %dma_start3A_29, %dma_start3A_30] : memref<32x79x128xi32, #tpu.memory_space<hbm>> -> memref<1x79x128xi32, #tpu.memory_space<hbm>>
      %dma_start3A_32 = tpu.memref_squeeze %dma_start3A_31 : memref<1x79x128xi32, #tpu.memory_space<hbm>> -> memref<79x128xi32, #tpu.memory_space<hbm>>
      tpu.enqueue_dma source(%dma_start3A_32 : memref<79x128xi32, #tpu.memory_space<hbm>>) target(%arg7 : memref<79x128xi32, #tpu.memory_space<vmem>>) target_semaphore(%run_scoped3A : memref<!tpu.dma_semaphore, #tpu.memory_space<semaphore_mem>>)
      %dma_wait3A = arith.constant 0 : i32
      %dma_wait3A_33 = arith.constant 0 : i32
      %dma_wait3A_34 = tpu.memref_slice %arg4[%add3A, %dma_wait3A, %dma_wait3A_33] : memref<32x79x128xi32, #tpu.memory_space<hbm>> -> memref<1x79x128xi32, #tpu.memory_space<hbm>>
      %dma_wait3A_35 = tpu.memref_squeeze %dma_wait3A_34 : memref<1x79x128xi32, #tpu.memory_space<hbm>> -> memref<79x128xi32, #tpu.memory_space<hbm>>
      %dma_wait3A_36 = arith.constant 0 : i32
      %dma_wait3A_37 = arith.constant 0 : i32
      %dma_wait3A_38 = tpu.memref_slice %arg4[%add3A, %dma_wait3A_36, %dma_wait3A_37] : memref<32x79x128xi32, #tpu.memory_space<hbm>> -> memref<1x79x128xi32, #tpu.memory_space<hbm>>
      %dma_wait3A_39 = tpu.memref_squeeze %dma_wait3A_38 : memref<1x79x128xi32, #tpu.memory_space<hbm>> -> memref<79x128xi32, #tpu.memory_space<hbm>>
      tpu.wait_dma2 semaphore(%run_scoped3A : memref<!tpu.dma_semaphore, #tpu.memory_space<semaphore_mem>>) src(%dma_wait3A_39 : memref<79x128xi32, #tpu.memory_space<hbm>>) dst(%arg7 : memref<79x128xi32, #tpu.memory_space<vmem>>)
      tpu.yield
    }) : () -> ()
    %barrier3A = arith.constant 0 : index
    tpu.barrier barrier_id(%barrier3A)
    %scan3A_19 = arith.constant 0 : i32
    %scan3A_20 = arith.constant 0 : i32
    %scan3A_21 = arith.constant 79 : i32
    %scan3A_22 = arith.addi %scan3A_20, %scan3A_21 : i32
    %scan3A_23 = arith.constant 1 : i32
    scf.for %scan3A_26 = %scan3A_20 to %scan3A_22 step %scan3A_23  : i32 {
      %dma_start3A = arith.constant 0 : i32
      %dma_start3A_27 = tpu.memref_slice %arg6[%scan3A_26, %dma_start3A] : memref<79x128xi32, #tpu.memory_space<vmem>> -> memref<1x128xi32, #tpu.memory_space<vmem>>
      %dma_start3A_28 = tpu.memref_squeeze %dma_start3A_27 : memref<1x128xi32, #tpu.memory_space<vmem>> -> memref<128xi32, #tpu.memory_space<vmem>>
      %dma_start3A_29 = arith.constant 0 : i32
      %dma_start3A_30 = arith.constant 0 : i32
      %dma_start3A_31 = tpu.memref_slice %arg2[%dma_start3A_29, %dma_start3A_30] : memref<80000x128xf32, #tpu.memory_space<hbm>> -> memref<80000x128xf32, #tpu.memory_space<hbm>>
      tpu.enqueue_indirect_dma source(%dma_start3A_31 : memref<80000x128xf32, #tpu.memory_space<hbm>>) target(%arg8 : memref<128x128xf32, #tpu.memory_space<vmem>>) offsets(%dma_start3A_28 : memref<128xi32, #tpu.memory_space<vmem>>) semaphore(%arg10 : memref<!tpu.dma_semaphore, #tpu.memory_space<semaphore_mem>>)
      %dma_wait3A = arith.constant 0 : i32
      %dma_wait3A_32 = tpu.memref_slice %arg6[%scan3A_26, %dma_wait3A] : memref<79x128xi32, #tpu.memory_space<vmem>> -> memref<1x128xi32, #tpu.memory_space<vmem>>
      %dma_wait3A_33 = tpu.memref_squeeze %dma_wait3A_32 : memref<1x128xi32, #tpu.memory_space<vmem>> -> memref<128xi32, #tpu.memory_space<vmem>>
      %dma_wait3A_34 = arith.constant 0 : i32
      %dma_wait3A_35 = arith.constant 0 : i32
      %dma_wait3A_36 = tpu.memref_slice %arg2[%dma_wait3A_34, %dma_wait3A_35] : memref<80000x128xf32, #tpu.memory_space<hbm>> -> memref<80000x128xf32, #tpu.memory_space<hbm>>
      tpu.wait_indirect_dma semaphore(%arg10 : memref<!tpu.dma_semaphore, #tpu.memory_space<semaphore_mem>>) src(%dma_wait3A_36 : memref<80000x128xf32, #tpu.memory_space<hbm>>) dst(%arg8 : memref<128x128xf32, #tpu.memory_space<vmem>>)
      "tpu.region"() ({
        %run_scoped3A = tpu.sem_alloc : memref<!tpu.dma_semaphore, #tpu.memory_space<semaphore_mem>>
        %dma_start3A_37 = arith.constant 0 : i32
        %dma_start3A_38 = tpu.memref_slice %arg7[%scan3A_26, %dma_start3A_37] : memref<79x128xi32, #tpu.memory_space<vmem>> -> memref<1x128xi32, #tpu.memory_space<vmem>>
        %dma_start3A_39 = tpu.memref_squeeze %dma_start3A_38 : memref<1x128xi32, #tpu.memory_space<vmem>> -> memref<128xi32, #tpu.memory_space<vmem>>
        %dma_start3A_40 = arith.constant 0 : i32
        %dma_start3A_41 = arith.constant 0 : i32
        %dma_start3A_42 = tpu.memref_slice %arg9[%dma_start3A_40, %dma_start3A_41] : memref<10112x128xf32, #tpu.memory_space<vmem_shared>> -> memref<10112x128xf32, #tpu.memory_space<vmem_shared>>
        tpu.enqueue_indirect_dma source(%arg8 : memref<128x128xf32, #tpu.memory_space<vmem>>) target(%dma_start3A_42 : memref<10112x128xf32, #tpu.memory_space<vmem_shared>>) offsets(%dma_start3A_39 : memref<128xi32, #tpu.memory_space<vmem>>) semaphore(%run_scoped3A : memref<!tpu.dma_semaphore, #tpu.memory_space<semaphore_mem>>) {add = true}
        %dma_wait3A_43 = arith.constant 0 : i32
        %dma_wait3A_44 = tpu.memref_slice %arg7[%scan3A_26, %dma_wait3A_43] : memref<79x128xi32, #tpu.memory_space<vmem>> -> memref<1x128xi32, #tpu.memory_space<vmem>>
        %dma_wait3A_45 = tpu.memref_squeeze %dma_wait3A_44 : memref<1x128xi32, #tpu.memory_space<vmem>> -> memref<128xi32, #tpu.memory_space<vmem>>
        %dma_wait3A_46 = arith.constant 0 : i32
        %dma_wait3A_47 = arith.constant 0 : i32
        %dma_wait3A_48 = tpu.memref_slice %arg9[%dma_wait3A_46, %dma_wait3A_47] : memref<10112x128xf32, #tpu.memory_space<vmem_shared>> -> memref<10112x128xf32, #tpu.memory_space<vmem_shared>>
        tpu.wait_indirect_dma semaphore(%run_scoped3A : memref<!tpu.dma_semaphore, #tpu.memory_space<semaphore_mem>>) src(%arg8 : memref<128x128xf32, #tpu.memory_space<vmem>>) dst(%dma_wait3A_48 : memref<10112x128xf32, #tpu.memory_space<vmem_shared>>)
        tpu.yield
      }) : () -> ()
    }
    %scan3A_24 = arith.constant 79 : i32
    %barrier3A_25 = arith.constant 0 : index
    tpu.barrier barrier_id(%barrier3A_25)
    "tpu.region"() ({
      %run_scoped3A = tpu.sem_alloc : memref<!tpu.dma_semaphore, #tpu.memory_space<semaphore_mem>>
      %dma_start3A = arith.constant 0 : i32
      %dma_start3A_26 = tpu.memref_slice %arg5[%arg0, %mul3A_8, %dma_start3A] : memref<2x10112x128xf32, #tpu.memory_space<hbm>> -> memref<1x632x128xf32, #tpu.memory_space<hbm>>
      %dma_start3A_27 = tpu.memref_squeeze %dma_start3A_26 : memref<1x632x128xf32, #tpu.memory_space<hbm>> -> memref<632x128xf32, #tpu.memory_space<hbm>>
      %dma_start3A_28 = arith.constant 0 : i32
      %dma_start3A_29 = tpu.memref_slice %arg9[%mul3A_8, %dma_start3A_28] : memref<10112x128xf32, #tpu.memory_space<vmem_shared>> -> memref<632x128xf32, #tpu.memory_space<vmem_shared>>
      tpu.enqueue_dma source(%dma_start3A_29 : memref<632x128xf32, #tpu.memory_space<vmem_shared>>) target(%dma_start3A_27 : memref<632x128xf32, #tpu.memory_space<hbm>>) target_semaphore(%run_scoped3A : memref<!tpu.dma_semaphore, #tpu.memory_space<semaphore_mem>>)
      %dma_wait3A = arith.constant 0 : i32
      %dma_wait3A_30 = tpu.memref_slice %arg5[%arg0, %mul3A_8, %dma_wait3A] : memref<2x10112x128xf32, #tpu.memory_space<hbm>> -> memref<1x632x128xf32, #tpu.memory_space<hbm>>
      %dma_wait3A_31 = tpu.memref_squeeze %dma_wait3A_30 : memref<1x632x128xf32, #tpu.memory_space<hbm>> -> memref<632x128xf32, #tpu.memory_space<hbm>>
      %dma_wait3A_32 = arith.constant 0 : i32
      %dma_wait3A_33 = tpu.memref_slice %arg9[%mul3A_8, %dma_wait3A_32] : memref<10112x128xf32, #tpu.memory_space<vmem_shared>> -> memref<632x128xf32, #tpu.memory_space<vmem_shared>>
      tpu.wait_dma2 semaphore(%run_scoped3A : memref<!tpu.dma_semaphore, #tpu.memory_space<semaphore_mem>>) src(%dma_wait3A_33 : memref<632x128xf32, #tpu.memory_space<vmem_shared>>) dst(%dma_wait3A_31 : memref<632x128xf32, #tpu.memory_space<hbm>>)
      tpu.yield
    }) : () -> ()
    return
  }
}

#map = affine_map<(d0, d1) -> (0, 0)>
#map1 = affine_map<(d0, d1) -> (0, 0, 0)>
module attributes {stable_mosaic.version = 14 : i64} {
  func.func @gs(%arg0: i32, %arg1: i32, %arg2: memref<80000x128xf32, #tpu.memory_space<hbm>>, %arg3: memref<32x79x128xi32, #tpu.memory_space<hbm>>, %arg4: memref<32x79x128xi32, #tpu.memory_space<hbm>>, %arg5: memref<2x10112x128xf32, #tpu.memory_space<hbm>>, %arg6: memref<79x128xi32, #tpu.memory_space<vmem>>, %arg7: memref<79x128xi32, #tpu.memory_space<vmem>>, %arg8: memref<128x128xf32, #tpu.memory_space<vmem>>, %arg9: memref<10112x128xf32, #tpu.memory_space<vmem_shared>>, %arg10: memref<!tpu.dma_semaphore, #tpu.memory_space<semaphore_mem>>) attributes {dimension_semantics = [#tpu.dimension_semantics<core_parallel>, #tpu.dimension_semantics<subcore_parallel>], iteration_bounds = array<i64: 2, 16>, scalar_prefetch = 0 : i64, scratch_operands = 5 : i64, tpu.core_type = #tpu.core_type<sc_vector_subcore>, window_params = [{transform_indices = #map}, {transform_indices = #map1}, {transform_indices = #map1}, {transform_indices = #map1}]} {
    %mul3A = arith.constant 16 : i32
    %mul3A_0 = arith.muli %arg0, %mul3A : i32
    %add3A = arith.addi %mul3A_0, %arg1 : i32
    %broadcast_in_dim3A = arith.constant 0.000000e+00 : f32
    %broadcast_in_dim3A_1 = vector.broadcast %broadcast_in_dim3A : f32 to vector<16xf32>
    %scan3A = arith.constant 0 : i32
    %scan3A_2 = arith.constant 0 : i32
    %scan3A_3 = arith.constant 128 : i32
    %scan3A_4 = arith.addi %scan3A_2, %scan3A_3 : i32
    %scan3A_5 = arith.constant 1 : i32
    scf.for %scan3A_26 = %scan3A_2 to %scan3A_4 step %scan3A_5  : i32 {
      %swap3A = arith.index_cast %scan3A_26 : i32 to index
      %swap3A_27 = arith.constant 0 : index
      %swap3A_28 = tpu.vector_load %arg8[%swap3A, %swap3A_27] {strides = array<i32>} : memref<128x128xf32, #tpu.memory_space<vmem>>, vector<1x16xf32>,
      %swap3A_29 = vector.shape_cast %swap3A_28 : vector<1x16xf32> to vector<16xf32>
      %swap3A_30 = vector.shape_cast %broadcast_in_dim3A_1 : vector<16xf32> to vector<1x16xf32>
      tpu.vector_store %arg8[%swap3A, %swap3A_27], %swap3A_30 {strides = array<i32>} : memref<128x128xf32, #tpu.memory_space<vmem>>, vector<1x16xf32>,
      %swap3A_31 = arith.index_cast %scan3A_26 : i32 to index
      %swap3A_32 = arith.constant 16 : index
      %swap3A_33 = tpu.vector_load %arg8[%swap3A_31, %swap3A_32] {strides = array<i32>} : memref<128x128xf32, #tpu.memory_space<vmem>>, vector<1x16xf32>,
      %swap3A_34 = vector.shape_cast %swap3A_33 : vector<1x16xf32> to vector<16xf32>
      %swap3A_35 = vector.shape_cast %broadcast_in_dim3A_1 : vector<16xf32> to vector<1x16xf32>
      tpu.vector_store %arg8[%swap3A_31, %swap3A_32], %swap3A_35 {strides = array<i32>} : memref<128x128xf32, #tpu.memory_space<vmem>>, vector<1x16xf32>,
      %swap3A_36 = arith.index_cast %scan3A_26 : i32 to index
      %swap3A_37 = arith.constant 32 : index
      %swap3A_38 = tpu.vector_load %arg8[%swap3A_36, %swap3A_37] {strides = array<i32>} : memref<128x128xf32, #tpu.memory_space<vmem>>, vector<1x16xf32>,
      %swap3A_39 = vector.shape_cast %swap3A_38 : vector<1x16xf32> to vector<16xf32>
      %swap3A_40 = vector.shape_cast %broadcast_in_dim3A_1 : vector<16xf32> to vector<1x16xf32>
      tpu.vector_store %arg8[%swap3A_36, %swap3A_37], %swap3A_40 {strides = array<i32>} : memref<128x128xf32, #tpu.memory_space<vmem>>, vector<1x16xf32>,
      %swap3A_41 = arith.index_cast %scan3A_26 : i32 to index
      %swap3A_42 = arith.constant 48 : index
      %swap3A_43 = tpu.vector_load %arg8[%swap3A_41, %swap3A_42] {strides = array<i32>} : memref<128x128xf32, #tpu.memory_space<vmem>>, vector<1x16xf32>,
      %swap3A_44 = vector.shape_cast %swap3A_43 : vector<1x16xf32> to vector<16xf32>
      %swap3A_45 = vector.shape_cast %broadcast_in_dim3A_1 : vector<16xf32> to vector<1x16xf32>
      tpu.vector_store %arg8[%swap3A_41, %swap3A_42], %swap3A_45 {strides = array<i32>} : memref<128x128xf32, #tpu.memory_space<vmem>>, vector<1x16xf32>,
      %swap3A_46 = arith.index_cast %scan3A_26 : i32 to index
      %swap3A_47 = arith.constant 64 : index
      %swap3A_48 = tpu.vector_load %arg8[%swap3A_46, %swap3A_47] {strides = array<i32>} : memref<128x128xf32, #tpu.memory_space<vmem>>, vector<1x16xf32>,
      %swap3A_49 = vector.shape_cast %swap3A_48 : vector<1x16xf32> to vector<16xf32>
      %swap3A_50 = vector.shape_cast %broadcast_in_dim3A_1 : vector<16xf32> to vector<1x16xf32>
      tpu.vector_store %arg8[%swap3A_46, %swap3A_47], %swap3A_50 {strides = array<i32>} : memref<128x128xf32, #tpu.memory_space<vmem>>, vector<1x16xf32>,
      %swap3A_51 = arith.index_cast %scan3A_26 : i32 to index
      %swap3A_52 = arith.constant 80 : index
      %swap3A_53 = tpu.vector_load %arg8[%swap3A_51, %swap3A_52] {strides = array<i32>} : memref<128x128xf32, #tpu.memory_space<vmem>>, vector<1x16xf32>,
      %swap3A_54 = vector.shape_cast %swap3A_53 : vector<1x16xf32> to vector<16xf32>
      %swap3A_55 = vector.shape_cast %broadcast_in_dim3A_1 : vector<16xf32> to vector<1x16xf32>
      tpu.vector_store %arg8[%swap3A_51, %swap3A_52], %swap3A_55 {strides = array<i32>} : memref<128x128xf32, #tpu.memory_space<vmem>>, vector<1x16xf32>,
      %swap3A_56 = arith.index_cast %scan3A_26 : i32 to index
      %swap3A_57 = arith.constant 96 : index
      %swap3A_58 = tpu.vector_load %arg8[%swap3A_56, %swap3A_57] {strides = array<i32>} : memref<128x128xf32, #tpu.memory_space<vmem>>, vector<1x16xf32>,
      %swap3A_59 = vector.shape_cast %swap3A_58 : vector<1x16xf32> to vector<16xf32>
      %swap3A_60 = vector.shape_cast %broadcast_in_dim3A_1 : vector<16xf32> to vector<1x16xf32>
      tpu.vector_store %arg8[%swap3A_56, %swap3A_57], %swap3A_60 {strides = array<i32>} : memref<128x128xf32, #tpu.memory_space<vmem>>, vector<1x16xf32>,
      %swap3A_61 = arith.index_cast %scan3A_26 : i32 to index
      %swap3A_62 = arith.constant 112 : index
      %swap3A_63 = tpu.vector_load %arg8[%swap3A_61, %swap3A_62] {strides = array<i32>} : memref<128x128xf32, #tpu.memory_space<vmem>>, vector<1x16xf32>,
      %swap3A_64 = vector.shape_cast %swap3A_63 : vector<1x16xf32> to vector<16xf32>
      %swap3A_65 = vector.shape_cast %broadcast_in_dim3A_1 : vector<16xf32> to vector<1x16xf32>
      tpu.vector_store %arg8[%swap3A_61, %swap3A_62], %swap3A_65 {strides = array<i32>} : memref<128x128xf32, #tpu.memory_space<vmem>>, vector<1x16xf32>,
    }
    %scan3A_6 = arith.constant 128 : i32
    %mul3A_7 = arith.constant 632 : i32
    %mul3A_8 = arith.muli %arg1, %mul3A_7 : i32
    %add3A_9 = arith.constant 0 : i32
    %add3A_10 = arith.addi %mul3A_8, %add3A_9 : i32
    "tpu.region"() ({
      %run_scoped3A = tpu.sem_alloc : memref<!tpu.dma_semaphore, #tpu.memory_space<semaphore_mem>>
      %dma_start3A = arith.constant 0 : i32
      %dma_start3A_26 = tpu.memref_slice %arg9[%add3A_10, %dma_start3A] : memref<10112x128xf32, #tpu.memory_space<vmem_shared>> -> memref<128x128xf32, #tpu.memory_space<vmem_shared>>
      %dma_start3A_27 = arith.constant 0 : i32
      %dma_start3A_28 = tpu.memref_slice %arg9[%add3A_10, %dma_start3A_27] : memref<10112x128xf32, #tpu.memory_space<vmem_shared>> -> memref<128x128xf32, #tpu.memory_space<vmem_shared>>
      tpu.enqueue_dma source(%arg8 : memref<128x128xf32, #tpu.memory_space<vmem>>) target(%dma_start3A_28 : memref<128x128xf32, #tpu.memory_space<vmem_shared>>) target_semaphore(%run_scoped3A : memref<!tpu.dma_semaphore, #tpu.memory_space<semaphore_mem>>)
      %dma_wait3A = arith.constant 0 : i32
      %dma_wait3A_29 = tpu.memref_slice %arg9[%add3A_10, %dma_wait3A] : memref<10112x128xf32, #tpu.memory_space<vmem_shared>> -> memref<128x128xf32, #tpu.memory_space<vmem_shared>>
      %dma_wait3A_30 = arith.constant 0 : i32
      %dma_wait3A_31 = tpu.memref_slice %arg9[%add3A_10, %dma_wait3A_30] : memref<10112x128xf32, #tpu.memory_space<vmem_shared>> -> memref<128x128xf32, #tpu.memory_space<vmem_shared>>
      tpu.wait_dma2 semaphore(%run_scoped3A : memref<!tpu.dma_semaphore, #tpu.memory_space<semaphore_mem>>) src(%arg8 : memref<128x128xf32, #tpu.memory_space<vmem>>) dst(%dma_wait3A_31 : memref<128x128xf32, #tpu.memory_space<vmem_shared>>)
      tpu.yield
    }) : () -> ()
    %add3A_11 = arith.constant 128 : i32
    %add3A_12 = arith.addi %mul3A_8, %add3A_11 : i32
    "tpu.region"() ({
      %run_scoped3A = tpu.sem_alloc : memref<!tpu.dma_semaphore, #tpu.memory_space<semaphore_mem>>
      %dma_start3A = arith.constant 0 : i32
      %dma_start3A_26 = tpu.memref_slice %arg9[%add3A_12, %dma_start3A] : memref<10112x128xf32, #tpu.memory_space<vmem_shared>> -> memref<128x128xf32, #tpu.memory_space<vmem_shared>>
      %dma_start3A_27 = arith.constant 0 : i32
      %dma_start3A_28 = tpu.memref_slice %arg9[%add3A_12, %dma_start3A_27] : memref<10112x128xf32, #tpu.memory_space<vmem_shared>> -> memref<128x128xf32, #tpu.memory_space<vmem_shared>>
      tpu.enqueue_dma source(%arg8 : memref<128x128xf32, #tpu.memory_space<vmem>>) target(%dma_start3A_28 : memref<128x128xf32, #tpu.memory_space<vmem_shared>>) target_semaphore(%run_scoped3A : memref<!tpu.dma_semaphore, #tpu.memory_space<semaphore_mem>>)
      %dma_wait3A = arith.constant 0 : i32
      %dma_wait3A_29 = tpu.memref_slice %arg9[%add3A_12, %dma_wait3A] : memref<10112x128xf32, #tpu.memory_space<vmem_shared>> -> memref<128x128xf32, #tpu.memory_space<vmem_shared>>
      %dma_wait3A_30 = arith.constant 0 : i32
      %dma_wait3A_31 = tpu.memref_slice %arg9[%add3A_12, %dma_wait3A_30] : memref<10112x128xf32, #tpu.memory_space<vmem_shared>> -> memref<128x128xf32, #tpu.memory_space<vmem_shared>>
      tpu.wait_dma2 semaphore(%run_scoped3A : memref<!tpu.dma_semaphore, #tpu.memory_space<semaphore_mem>>) src(%arg8 : memref<128x128xf32, #tpu.memory_space<vmem>>) dst(%dma_wait3A_31 : memref<128x128xf32, #tpu.memory_space<vmem_shared>>)
      tpu.yield
    }) : () -> ()
    %add3A_13 = arith.constant 256 : i32
    %add3A_14 = arith.addi %mul3A_8, %add3A_13 : i32
    "tpu.region"() ({
      %run_scoped3A = tpu.sem_alloc : memref<!tpu.dma_semaphore, #tpu.memory_space<semaphore_mem>>
      %dma_start3A = arith.constant 0 : i32
      %dma_start3A_26 = tpu.memref_slice %arg9[%add3A_14, %dma_start3A] : memref<10112x128xf32, #tpu.memory_space<vmem_shared>> -> memref<128x128xf32, #tpu.memory_space<vmem_shared>>
      %dma_start3A_27 = arith.constant 0 : i32
      %dma_start3A_28 = tpu.memref_slice %arg9[%add3A_14, %dma_start3A_27] : memref<10112x128xf32, #tpu.memory_space<vmem_shared>> -> memref<128x128xf32, #tpu.memory_space<vmem_shared>>
      tpu.enqueue_dma source(%arg8 : memref<128x128xf32, #tpu.memory_space<vmem>>) target(%dma_start3A_28 : memref<128x128xf32, #tpu.memory_space<vmem_shared>>) target_semaphore(%run_scoped3A : memref<!tpu.dma_semaphore, #tpu.memory_space<semaphore_mem>>)
      %dma_wait3A = arith.constant 0 : i32
      %dma_wait3A_29 = tpu.memref_slice %arg9[%add3A_14, %dma_wait3A] : memref<10112x128xf32, #tpu.memory_space<vmem_shared>> -> memref<128x128xf32, #tpu.memory_space<vmem_shared>>
      %dma_wait3A_30 = arith.constant 0 : i32
      %dma_wait3A_31 = tpu.memref_slice %arg9[%add3A_14, %dma_wait3A_30] : memref<10112x128xf32, #tpu.memory_space<vmem_shared>> -> memref<128x128xf32, #tpu.memory_space<vmem_shared>>
      tpu.wait_dma2 semaphore(%run_scoped3A : memref<!tpu.dma_semaphore, #tpu.memory_space<semaphore_mem>>) src(%arg8 : memref<128x128xf32, #tpu.memory_space<vmem>>) dst(%dma_wait3A_31 : memref<128x128xf32, #tpu.memory_space<vmem_shared>>)
      tpu.yield
    }) : () -> ()
    %add3A_15 = arith.constant 384 : i32
    %add3A_16 = arith.addi %mul3A_8, %add3A_15 : i32
    "tpu.region"() ({
      %run_scoped3A = tpu.sem_alloc : memref<!tpu.dma_semaphore, #tpu.memory_space<semaphore_mem>>
      %dma_start3A = arith.constant 0 : i32
      %dma_start3A_26 = tpu.memref_slice %arg9[%add3A_16, %dma_start3A] : memref<10112x128xf32, #tpu.memory_space<vmem_shared>> -> memref<128x128xf32, #tpu.memory_space<vmem_shared>>
      %dma_start3A_27 = arith.constant 0 : i32
      %dma_start3A_28 = tpu.memref_slice %arg9[%add3A_16, %dma_start3A_27] : memref<10112x128xf32, #tpu.memory_space<vmem_shared>> -> memref<128x128xf32, #tpu.memory_space<vmem_shared>>
      tpu.enqueue_dma source(%arg8 : memref<128x128xf32, #tpu.memory_space<vmem>>) target(%dma_start3A_28 : memref<128x128xf32, #tpu.memory_space<vmem_shared>>) target_semaphore(%run_scoped3A : memref<!tpu.dma_semaphore, #tpu.memory_space<semaphore_mem>>)
      %dma_wait3A = arith.constant 0 : i32
      %dma_wait3A_29 = tpu.memref_slice %arg9[%add3A_16, %dma_wait3A] : memref<10112x128xf32, #tpu.memory_space<vmem_shared>> -> memref<128x128xf32, #tpu.memory_space<vmem_shared>>
      %dma_wait3A_30 = arith.constant 0 : i32
      %dma_wait3A_31 = tpu.memref_slice %arg9[%add3A_16, %dma_wait3A_30] : memref<10112x128xf32, #tpu.memory_space<vmem_shared>> -> memref<128x128xf32, #tpu.memory_space<vmem_shared>>
      tpu.wait_dma2 semaphore(%run_scoped3A : memref<!tpu.dma_semaphore, #tpu.memory_space<semaphore_mem>>) src(%arg8 : memref<128x128xf32, #tpu.memory_space<vmem>>) dst(%dma_wait3A_31 : memref<128x128xf32, #tpu.memory_space<vmem_shared>>)
      tpu.yield
    }) : () -> ()
    %add3A_17 = arith.constant 512 : i32
    %add3A_18 = arith.addi %mul3A_8, %add3A_17 : i32
    "tpu.region"() ({
      %run_scoped3A = tpu.sem_alloc : memref<!tpu.dma_semaphore, #tpu.memory_space<semaphore_mem>>
      %dma_start3A = arith.constant 0 : i32
      %dma_start3A_26 = arith.constant 0 : i32
      %dma_start3A_27 = tpu.memref_slice %arg8[%dma_start3A, %dma_start3A_26] : memref<128x128xf32, #tpu.memory_space<vmem>> -> memref<120x128xf32, #tpu.memory_space<vmem>>
      %dma_start3A_28 = arith.constant 0 : i32
      %dma_start3A_29 = tpu.memref_slice %arg9[%add3A_18, %dma_start3A_28] : memref<10112x128xf32, #tpu.memory_space<vmem_shared>> -> memref<120x128xf32, #tpu.memory_space<vmem_shared>>
      %dma_start3A_30 = arith.constant 0 : i32
      %dma_start3A_31 = tpu.memref_slice %arg9[%add3A_18, %dma_start3A_30] : memref<10112x128xf32, #tpu.memory_space<vmem_shared>> -> memref<120x128xf32, #tpu.memory_space<vmem_shared>>
      %dma_start3A_32 = arith.constant 0 : i32
      %dma_start3A_33 = arith.constant 0 : i32
      %dma_start3A_34 = tpu.memref_slice %arg8[%dma_start3A_32, %dma_start3A_33] : memref<128x128xf32, #tpu.memory_space<vmem>> -> memref<120x128xf32, #tpu.memory_space<vmem>>
      tpu.enqueue_dma source(%dma_start3A_34 : memref<120x128xf32, #tpu.memory_space<vmem>>) target(%dma_start3A_31 : memref<120x128xf32, #tpu.memory_space<vmem_shared>>) target_semaphore(%run_scoped3A : memref<!tpu.dma_semaphore, #tpu.memory_space<semaphore_mem>>)
      %dma_wait3A = arith.constant 0 : i32
      %dma_wait3A_35 = arith.constant 0 : i32
      %dma_wait3A_36 = tpu.memref_slice %arg8[%dma_wait3A, %dma_wait3A_35] : memref<128x128xf32, #tpu.memory_space<vmem>> -> memref<120x128xf32, #tpu.memory_space<vmem>>
      %dma_wait3A_37 = arith.constant 0 : i32
      %dma_wait3A_38 = tpu.memref_slice %arg9[%add3A_18, %dma_wait3A_37] : memref<10112x128xf32, #tpu.memory_space<vmem_shared>> -> memref<120x128xf32, #tpu.memory_space<vmem_shared>>
      %dma_wait3A_39 = arith.constant 0 : i32
      %dma_wait3A_40 = tpu.memref_slice %arg9[%add3A_18, %dma_wait3A_39] : memref<10112x128xf32, #tpu.memory_space<vmem_shared>> -> memref<120x128xf32, #tpu.memory_space<vmem_shared>>
      %dma_wait3A_41 = arith.constant 0 : i32
      %dma_wait3A_42 = arith.constant 0 : i32
      %dma_wait3A_43 = tpu.memref_slice %arg8[%dma_wait3A_41, %dma_wait3A_42] : memref<128x128xf32, #tpu.memory_space<vmem>> -> memref<120x128xf32, #tpu.memory_space<vmem>>
      tpu.wait_dma2 semaphore(%run_scoped3A : memref<!tpu.dma_semaphore, #tpu.memory_space<semaphore_mem>>) src(%dma_wait3A_43 : memref<120x128xf32, #tpu.memory_space<vmem>>) dst(%dma_wait3A_40 : memref<120x128xf32, #tpu.memory_space<vmem_shared>>)
      tpu.yield
    }) : () -> ()
    "tpu.region"() ({
      %run_scoped3A = tpu.sem_alloc : memref<!tpu.dma_semaphore, #tpu.memory_space<semaphore_mem>>
      %dma_start3A = arith.constant 0 : i32
      %dma_start3A_26 = arith.constant 0 : i32
      %dma_start3A_27 = tpu.memref_slice %arg3[%add3A, %dma_start3A, %dma_start3A_26] : memref<32x79x128xi32, #tpu.memory_space<hbm>> -> memref<1x79x128xi32, #tpu.memory_space<hbm>>
      %dma_start3A_28 = tpu.memref_squeeze %dma_start3A_27 : memref<1x79x128xi32, #tpu.memory_space<hbm>> -> memref<79x128xi32, #tpu.memory_space<hbm>>
      %dma_start3A_29 = arith.constant 0 : i32
      %dma_start3A_30 = arith.constant 0 : i32
      %dma_start3A_31 = tpu.memref_slice %arg3[%add3A, %dma_start3A_29, %dma_start3A_30] : memref<32x79x128xi32, #tpu.memory_space<hbm>> -> memref<1x79x128xi32, #tpu.memory_space<hbm>>
      %dma_start3A_32 = tpu.memref_squeeze %dma_start3A_31 : memref<1x79x128xi32, #tpu.memory_space<hbm>> -> memref<79x128xi32, #tpu.memory_space<hbm>>
      tpu.enqueue_dma source(%dma_start3A_32 : memref<79x128xi32, #tpu.memory_space<hbm>>) target(%arg6 : memref<79x128xi32, #tpu.memory_space<vmem>>) target_semaphore(%run_scoped3A : memref<!tpu.dma_semaphore, #tpu.memory_space<semaphore_mem>>)
      %dma_wait3A = arith.constant 0 : i32
      %dma_wait3A_33 = arith.constant 0 : i32
      %dma_wait3A_34 = tpu.memref_slice %arg3[%add3A, %dma_wait3A, %dma_wait3A_33] : memref<32x79x128xi32, #tpu.memory_space<hbm>> -> memref<1x79x128xi32, #tpu.memory_space<hbm>>
      %dma_wait3A_35 = tpu.memref_squeeze %dma_wait3A_34 : memref<1x79x128xi32, #tpu.memory_space<hbm>> -> memref<79x128xi32, #tpu.memory_space<hbm>>
      %dma_wait3A_36 = arith.constant 0 : i32
      %dma_wait3A_37 = arith.constant 0 : i32
      %dma_wait3A_38 = tpu.memref_slice %arg3[%add3A, %dma_wait3A_36, %dma_wait3A_37] : memref<32x79x128xi32, #tpu.memory_space<hbm>> -> memref<1x79x128xi32, #tpu.memory_space<hbm>>
      %dma_wait3A_39 = tpu.memref_squeeze %dma_wait3A_38 : memref<1x79x128xi32, #tpu.memory_space<hbm>> -> memref<79x128xi32, #tpu.memory_space<hbm>>
      tpu.wait_dma2 semaphore(%run_scoped3A : memref<!tpu.dma_semaphore, #tpu.memory_space<semaphore_mem>>) src(%dma_wait3A_39 : memref<79x128xi32, #tpu.memory_space<hbm>>) dst(%arg6 : memref<79x128xi32, #tpu.memory_space<vmem>>)
      tpu.yield
    }) : () -> ()
    "tpu.region"() ({
      %run_scoped3A = tpu.sem_alloc : memref<!tpu.dma_semaphore, #tpu.memory_space<semaphore_mem>>
      %dma_start3A = arith.constant 0 : i32
      %dma_start3A_26 = arith.constant 0 : i32
      %dma_start3A_27 = tpu.memref_slice %arg4[%add3A, %dma_start3A, %dma_start3A_26] : memref<32x79x128xi32, #tpu.memory_space<hbm>> -> memref<1x79x128xi32, #tpu.memory_space<hbm>>
      %dma_start3A_28 = tpu.memref_squeeze %dma_start3A_27 : memref<1x79x128xi32, #tpu.memory_space<hbm>> -> memref<79x128xi32, #tpu.memory_space<hbm>>
      %dma_start3A_29 = arith.constant 0 : i32
      %dma_start3A_30 = arith.constant 0 : i32
      %dma_start3A_31 = tpu.memref_slice %arg4[%add3A, %dma_start3A_29, %dma_start3A_30] : memref<32x79x128xi32, #tpu.memory_space<hbm>> -> memref<1x79x128xi32, #tpu.memory_space<hbm>>
      %dma_start3A_32 = tpu.memref_squeeze %dma_start3A_31 : memref<1x79x128xi32, #tpu.memory_space<hbm>> -> memref<79x128xi32, #tpu.memory_space<hbm>>
      tpu.enqueue_dma source(%dma_start3A_32 : memref<79x128xi32, #tpu.memory_space<hbm>>) target(%arg7 : memref<79x128xi32, #tpu.memory_space<vmem>>) target_semaphore(%run_scoped3A : memref<!tpu.dma_semaphore, #tpu.memory_space<semaphore_mem>>)
      %dma_wait3A = arith.constant 0 : i32
      %dma_wait3A_33 = arith.constant 0 : i32
      %dma_wait3A_34 = tpu.memref_slice %arg4[%add3A, %dma_wait3A, %dma_wait3A_33] : memref<32x79x128xi32, #tpu.memory_space<hbm>> -> memref<1x79x128xi32, #tpu.memory_space<hbm>>
      %dma_wait3A_35 = tpu.memref_squeeze %dma_wait3A_34 : memref<1x79x128xi32, #tpu.memory_space<hbm>> -> memref<79x128xi32, #tpu.memory_space<hbm>>
      %dma_wait3A_36 = arith.constant 0 : i32
      %dma_wait3A_37 = arith.constant 0 : i32
      %dma_wait3A_38 = tpu.memref_slice %arg4[%add3A, %dma_wait3A_36, %dma_wait3A_37] : memref<32x79x128xi32, #tpu.memory_space<hbm>> -> memref<1x79x128xi32, #tpu.memory_space<hbm>>
      %dma_wait3A_39 = tpu.memref_squeeze %dma_wait3A_38 : memref<1x79x128xi32, #tpu.memory_space<hbm>> -> memref<79x128xi32, #tpu.memory_space<hbm>>
      tpu.wait_dma2 semaphore(%run_scoped3A : memref<!tpu.dma_semaphore, #tpu.memory_space<semaphore_mem>>) src(%dma_wait3A_39 : memref<79x128xi32, #tpu.memory_space<hbm>>) dst(%arg7 : memref<79x128xi32, #tpu.memory_space<vmem>>)
      tpu.yield
    }) : () -> ()
    %barrier3A = arith.constant 0 : index
    tpu.barrier barrier_id(%barrier3A)
    %scan3A_19 = arith.constant 0 : i32
    %scan3A_20 = arith.constant 0 : i32
    %scan3A_21 = arith.constant 79 : i32
    %scan3A_22 = arith.addi %scan3A_20, %scan3A_21 : i32
    %scan3A_23 = arith.constant 1 : i32
    scf.for %scan3A_26 = %scan3A_20 to %scan3A_22 step %scan3A_23  : i32 {
      %dma_start3A = arith.constant 0 : i32
      %dma_start3A_27 = tpu.memref_slice %arg6[%scan3A_26, %dma_start3A] : memref<79x128xi32, #tpu.memory_space<vmem>> -> memref<1x128xi32, #tpu.memory_space<vmem>>
      %dma_start3A_28 = tpu.memref_squeeze %dma_start3A_27 : memref<1x128xi32, #tpu.memory_space<vmem>> -> memref<128xi32, #tpu.memory_space<vmem>>
      %dma_start3A_29 = arith.constant 0 : i32
      %dma_start3A_30 = arith.constant 0 : i32
      %dma_start3A_31 = tpu.memref_slice %arg2[%dma_start3A_29, %dma_start3A_30] : memref<80000x128xf32, #tpu.memory_space<hbm>> -> memref<80000x128xf32, #tpu.memory_space<hbm>>
      tpu.enqueue_indirect_dma source(%dma_start3A_31 : memref<80000x128xf32, #tpu.memory_space<hbm>>) target(%arg8 : memref<128x128xf32, #tpu.memory_space<vmem>>) offsets(%dma_start3A_28 : memref<128xi32, #tpu.memory_space<vmem>>) semaphore(%arg10 : memref<!tpu.dma_semaphore, #tpu.memory_space<semaphore_mem>>)
      %dma_wait3A = arith.constant 0 : i32
      %dma_wait3A_32 = tpu.memref_slice %arg6[%scan3A_26, %dma_wait3A] : memref<79x128xi32, #tpu.memory_space<vmem>> -> memref<1x128xi32, #tpu.memory_space<vmem>>
      %dma_wait3A_33 = tpu.memref_squeeze %dma_wait3A_32 : memref<1x128xi32, #tpu.memory_space<vmem>> -> memref<128xi32, #tpu.memory_space<vmem>>
      %dma_wait3A_34 = arith.constant 0 : i32
      %dma_wait3A_35 = arith.constant 0 : i32
      %dma_wait3A_36 = tpu.memref_slice %arg2[%dma_wait3A_34, %dma_wait3A_35] : memref<80000x128xf32, #tpu.memory_space<hbm>> -> memref<80000x128xf32, #tpu.memory_space<hbm>>
      tpu.wait_indirect_dma semaphore(%arg10 : memref<!tpu.dma_semaphore, #tpu.memory_space<semaphore_mem>>) src(%dma_wait3A_36 : memref<80000x128xf32, #tpu.memory_space<hbm>>) dst(%arg8 : memref<128x128xf32, #tpu.memory_space<vmem>>)
      "tpu.region"() ({
        %run_scoped3A = tpu.sem_alloc : memref<!tpu.dma_semaphore, #tpu.memory_space<semaphore_mem>>
        %dma_start3A_37 = arith.constant 0 : i32
        %dma_start3A_38 = tpu.memref_slice %arg7[%scan3A_26, %dma_start3A_37] : memref<79x128xi32, #tpu.memory_space<vmem>> -> memref<1x128xi32, #tpu.memory_space<vmem>>
        %dma_start3A_39 = tpu.memref_squeeze %dma_start3A_38 : memref<1x128xi32, #tpu.memory_space<vmem>> -> memref<128xi32, #tpu.memory_space<vmem>>
        %dma_start3A_40 = arith.constant 0 : i32
        %dma_start3A_41 = arith.constant 0 : i32
        %dma_start3A_42 = tpu.memref_slice %arg9[%dma_start3A_40, %dma_start3A_41] : memref<10112x128xf32, #tpu.memory_space<vmem_shared>> -> memref<10112x128xf32, #tpu.memory_space<vmem_shared>>
        tpu.enqueue_indirect_dma source(%arg8 : memref<128x128xf32, #tpu.memory_space<vmem>>) target(%dma_start3A_42 : memref<10112x128xf32, #tpu.memory_space<vmem_shared>>) offsets(%dma_start3A_39 : memref<128xi32, #tpu.memory_space<vmem>>) semaphore(%run_scoped3A : memref<!tpu.dma_semaphore, #tpu.memory_space<semaphore_mem>>) {add = true}
        %dma_wait3A_43 = arith.constant 0 : i32
        %dma_wait3A_44 = tpu.memref_slice %arg7[%scan3A_26, %dma_wait3A_43] : memref<79x128xi32, #tpu.memory_space<vmem>> -> memref<1x128xi32, #tpu.memory_space<vmem>>
        %dma_wait3A_45 = tpu.memref_squeeze %dma_wait3A_44 : memref<1x128xi32, #tpu.memory_space<vmem>> -> memref<128xi32, #tpu.memory_space<vmem>>
        %dma_wait3A_46 = arith.constant 0 : i32
        %dma_wait3A_47 = arith.constant 0 : i32
        %dma_wait3A_48 = tpu.memref_slice %arg9[%dma_wait3A_46, %dma_wait3A_47] : memref<10112x128xf32, #tpu.memory_space<vmem_shared>> -> memref<10112x128xf32, #tpu.memory_space<vmem_shared>>
        tpu.wait_indirect_dma semaphore(%run_scoped3A : memref<!tpu.dma_semaphore, #tpu.memory_space<semaphore_mem>>) src(%arg8 : memref<128x128xf32, #tpu.memory_space<vmem>>) dst(%dma_wait3A_48 : memref<10112x128xf32, #tpu.memory_space<vmem_shared>>)
        tpu.yield
      }) : () -> ()
    }
    %scan3A_24 = arith.constant 79 : i32
    %barrier3A_25 = arith.constant 0 : index
    tpu.barrier barrier_id(%barrier3A_25)
    "tpu.region"() ({
      %run_scoped3A = tpu.sem_alloc : memref<!tpu.dma_semaphore, #tpu.memory_space<semaphore_mem>>
      %dma_start3A = arith.constant 0 : i32
      %dma_start3A_26 = tpu.memref_slice %arg5[%arg0, %mul3A_8, %dma_start3A] : memref<2x10112x128xf32, #tpu.memory_space<hbm>> -> memref<1x632x128xf32, #tpu.memory_space<hbm>>
      %dma_start3A_27 = tpu.memref_squeeze %dma_start3A_26 : memref<1x632x128xf32, #tpu.memory_space<hbm>> -> memref<632x128xf32, #tpu.memory_space<hbm>>
      %dma_start3A_28 = arith.constant 0 : i32
      %dma_start3A_29 = tpu.memref_slice %arg9[%mul3A_8, %dma_start3A_28] : memref<10112x128xf32, #tpu.memory_space<vmem_shared>> -> memref<632x128xf32, #tpu.memory_space<vmem_shared>>
      tpu.enqueue_dma source(%dma_start3A_29 : memref<632x128xf32, #tpu.memory_space<vmem_shared>>) target(%dma_start3A_27 : memref<632x128xf32, #tpu.memory_space<hbm>>) target_semaphore(%run_scoped3A : memref<!tpu.dma_semaphore, #tpu.memory_space<semaphore_mem>>)
      %dma_wait3A = arith.constant 0 : i32
      %dma_wait3A_30 = tpu.memref_slice %arg5[%arg0, %mul3A_8, %dma_wait3A] : memref<2x10112x128xf32, #tpu.memory_space<hbm>> -> memref<1x632x128xf32, #tpu.memory_space<hbm>>
      %dma_wait3A_31 = tpu.memref_squeeze %dma_wait3A_30 : memref<1x632x128xf32, #tpu.memory_space<hbm>> -> memref<632x128xf32, #tpu.memory_space<hbm>>
      %dma_wait3A_32 = arith.constant 0 : i32
      %dma_wait3A_33 = tpu.memref_slice %arg9[%mul3A_8, %dma_wait3A_32] : memref<10112x128xf32, #tpu.memory_space<vmem_shared>> -> memref<632x128xf32, #tpu.memory_space<vmem_shared>>
      tpu.wait_dma2 semaphore(%run_scoped3A : memref<!tpu.dma_semaphore, #tpu.memory_space<semaphore_mem>>) src(%dma_wait3A_33 : memref<632x128xf32, #tpu.memory_space<vmem_shared>>) dst(%dma_wait3A_31 : memref<632x128xf32, #tpu.memory_space<hbm>>)
      tpu.yield
    }) : () -> ()
    return
  }
}

#map = affine_map<(d0, d1) -> (0, 0)>
#map1 = affine_map<(d0, d1) -> (0, 0, 0)>
module attributes {stable_mosaic.version = 14 : i64} {
  func.func @gs(%arg0: i32, %arg1: i32, %arg2: memref<80000x128xf32, #tpu.memory_space<hbm>>, %arg3: memref<32x79x128xi32, #tpu.memory_space<hbm>>, %arg4: memref<32x79x128xi32, #tpu.memory_space<hbm>>, %arg5: memref<2x10112x128xf32, #tpu.memory_space<hbm>>, %arg6: memref<79x128xi32, #tpu.memory_space<vmem>>, %arg7: memref<79x128xi32, #tpu.memory_space<vmem>>, %arg8: memref<128x128xf32, #tpu.memory_space<vmem>>, %arg9: memref<10112x128xf32, #tpu.memory_space<vmem_shared>>, %arg10: memref<!tpu.dma_semaphore, #tpu.memory_space<semaphore_mem>>) attributes {dimension_semantics = [#tpu.dimension_semantics<core_parallel>, #tpu.dimension_semantics<subcore_parallel>], iteration_bounds = array<i64: 2, 16>, scalar_prefetch = 0 : i64, scratch_operands = 5 : i64, tpu.core_type = #tpu.core_type<sc_vector_subcore>, window_params = [{transform_indices = #map}, {transform_indices = #map1}, {transform_indices = #map1}, {transform_indices = #map1}]} {
    %mul3A = arith.constant 16 : i32
    %mul3A_0 = arith.muli %arg0, %mul3A : i32
    %add3A = arith.addi %mul3A_0, %arg1 : i32
    %broadcast_in_dim3A = arith.constant 0.000000e+00 : f32
    %broadcast_in_dim3A_1 = vector.broadcast %broadcast_in_dim3A : f32 to vector<16xf32>
    %scan3A = arith.constant 0 : i32
    %scan3A_2 = arith.constant 0 : i32
    %scan3A_3 = arith.constant 128 : i32
    %scan3A_4 = arith.addi %scan3A_2, %scan3A_3 : i32
    %scan3A_5 = arith.constant 1 : i32
    scf.for %scan3A_26 = %scan3A_2 to %scan3A_4 step %scan3A_5  : i32 {
      %swap3A = arith.index_cast %scan3A_26 : i32 to index
      %swap3A_27 = arith.constant 0 : index
      %swap3A_28 = tpu.vector_load %arg8[%swap3A, %swap3A_27] {strides = array<i32>} : memref<128x128xf32, #tpu.memory_space<vmem>>, vector<1x16xf32>,
      %swap3A_29 = vector.shape_cast %swap3A_28 : vector<1x16xf32> to vector<16xf32>
      %swap3A_30 = vector.shape_cast %broadcast_in_dim3A_1 : vector<16xf32> to vector<1x16xf32>
      tpu.vector_store %arg8[%swap3A, %swap3A_27], %swap3A_30 {strides = array<i32>} : memref<128x128xf32, #tpu.memory_space<vmem>>, vector<1x16xf32>,
      %swap3A_31 = arith.index_cast %scan3A_26 : i32 to index
      %swap3A_32 = arith.constant 16 : index
      %swap3A_33 = tpu.vector_load %arg8[%swap3A_31, %swap3A_32] {strides = array<i32>} : memref<128x128xf32, #tpu.memory_space<vmem>>, vector<1x16xf32>,
      %swap3A_34 = vector.shape_cast %swap3A_33 : vector<1x16xf32> to vector<16xf32>
      %swap3A_35 = vector.shape_cast %broadcast_in_dim3A_1 : vector<16xf32> to vector<1x16xf32>
      tpu.vector_store %arg8[%swap3A_31, %swap3A_32], %swap3A_35 {strides = array<i32>} : memref<128x128xf32, #tpu.memory_space<vmem>>, vector<1x16xf32>,
      %swap3A_36 = arith.index_cast %scan3A_26 : i32 to index
      %swap3A_37 = arith.constant 32 : index
      %swap3A_38 = tpu.vector_load %arg8[%swap3A_36, %swap3A_37] {strides = array<i32>} : memref<128x128xf32, #tpu.memory_space<vmem>>, vector<1x16xf32>,
      %swap3A_39 = vector.shape_cast %swap3A_38 : vector<1x16xf32> to vector<16xf32>
      %swap3A_40 = vector.shape_cast %broadcast_in_dim3A_1 : vector<16xf32> to vector<1x16xf32>
      tpu.vector_store %arg8[%swap3A_36, %swap3A_37], %swap3A_40 {strides = array<i32>} : memref<128x128xf32, #tpu.memory_space<vmem>>, vector<1x16xf32>,
      %swap3A_41 = arith.index_cast %scan3A_26 : i32 to index
      %swap3A_42 = arith.constant 48 : index
      %swap3A_43 = tpu.vector_load %arg8[%swap3A_41, %swap3A_42] {strides = array<i32>} : memref<128x128xf32, #tpu.memory_space<vmem>>, vector<1x16xf32>,
      %swap3A_44 = vector.shape_cast %swap3A_43 : vector<1x16xf32> to vector<16xf32>
      %swap3A_45 = vector.shape_cast %broadcast_in_dim3A_1 : vector<16xf32> to vector<1x16xf32>
      tpu.vector_store %arg8[%swap3A_41, %swap3A_42], %swap3A_45 {strides = array<i32>} : memref<128x128xf32, #tpu.memory_space<vmem>>, vector<1x16xf32>,
      %swap3A_46 = arith.index_cast %scan3A_26 : i32 to index
      %swap3A_47 = arith.constant 64 : index
      %swap3A_48 = tpu.vector_load %arg8[%swap3A_46, %swap3A_47] {strides = array<i32>} : memref<128x128xf32, #tpu.memory_space<vmem>>, vector<1x16xf32>,
      %swap3A_49 = vector.shape_cast %swap3A_48 : vector<1x16xf32> to vector<16xf32>
      %swap3A_50 = vector.shape_cast %broadcast_in_dim3A_1 : vector<16xf32> to vector<1x16xf32>
      tpu.vector_store %arg8[%swap3A_46, %swap3A_47], %swap3A_50 {strides = array<i32>} : memref<128x128xf32, #tpu.memory_space<vmem>>, vector<1x16xf32>,
      %swap3A_51 = arith.index_cast %scan3A_26 : i32 to index
      %swap3A_52 = arith.constant 80 : index
      %swap3A_53 = tpu.vector_load %arg8[%swap3A_51, %swap3A_52] {strides = array<i32>} : memref<128x128xf32, #tpu.memory_space<vmem>>, vector<1x16xf32>,
      %swap3A_54 = vector.shape_cast %swap3A_53 : vector<1x16xf32> to vector<16xf32>
      %swap3A_55 = vector.shape_cast %broadcast_in_dim3A_1 : vector<16xf32> to vector<1x16xf32>
      tpu.vector_store %arg8[%swap3A_51, %swap3A_52], %swap3A_55 {strides = array<i32>} : memref<128x128xf32, #tpu.memory_space<vmem>>, vector<1x16xf32>,
      %swap3A_56 = arith.index_cast %scan3A_26 : i32 to index
      %swap3A_57 = arith.constant 96 : index
      %swap3A_58 = tpu.vector_load %arg8[%swap3A_56, %swap3A_57] {strides = array<i32>} : memref<128x128xf32, #tpu.memory_space<vmem>>, vector<1x16xf32>,
      %swap3A_59 = vector.shape_cast %swap3A_58 : vector<1x16xf32> to vector<16xf32>
      %swap3A_60 = vector.shape_cast %broadcast_in_dim3A_1 : vector<16xf32> to vector<1x16xf32>
      tpu.vector_store %arg8[%swap3A_56, %swap3A_57], %swap3A_60 {strides = array<i32>} : memref<128x128xf32, #tpu.memory_space<vmem>>, vector<1x16xf32>,
      %swap3A_61 = arith.index_cast %scan3A_26 : i32 to index
      %swap3A_62 = arith.constant 112 : index
      %swap3A_63 = tpu.vector_load %arg8[%swap3A_61, %swap3A_62] {strides = array<i32>} : memref<128x128xf32, #tpu.memory_space<vmem>>, vector<1x16xf32>,
      %swap3A_64 = vector.shape_cast %swap3A_63 : vector<1x16xf32> to vector<16xf32>
      %swap3A_65 = vector.shape_cast %broadcast_in_dim3A_1 : vector<16xf32> to vector<1x16xf32>
      tpu.vector_store %arg8[%swap3A_61, %swap3A_62], %swap3A_65 {strides = array<i32>} : memref<128x128xf32, #tpu.memory_space<vmem>>, vector<1x16xf32>,
    }
    %scan3A_6 = arith.constant 128 : i32
    %mul3A_7 = arith.constant 632 : i32
    %mul3A_8 = arith.muli %arg1, %mul3A_7 : i32
    %add3A_9 = arith.constant 0 : i32
    %add3A_10 = arith.addi %mul3A_8, %add3A_9 : i32
    "tpu.region"() ({
      %run_scoped3A = tpu.sem_alloc : memref<!tpu.dma_semaphore, #tpu.memory_space<semaphore_mem>>
      %dma_start3A = arith.constant 0 : i32
      %dma_start3A_26 = tpu.memref_slice %arg9[%add3A_10, %dma_start3A] : memref<10112x128xf32, #tpu.memory_space<vmem_shared>> -> memref<128x128xf32, #tpu.memory_space<vmem_shared>>
      %dma_start3A_27 = arith.constant 0 : i32
      %dma_start3A_28 = tpu.memref_slice %arg9[%add3A_10, %dma_start3A_27] : memref<10112x128xf32, #tpu.memory_space<vmem_shared>> -> memref<128x128xf32, #tpu.memory_space<vmem_shared>>
      tpu.enqueue_dma source(%arg8 : memref<128x128xf32, #tpu.memory_space<vmem>>) target(%dma_start3A_28 : memref<128x128xf32, #tpu.memory_space<vmem_shared>>) target_semaphore(%run_scoped3A : memref<!tpu.dma_semaphore, #tpu.memory_space<semaphore_mem>>)
      %dma_wait3A = arith.constant 0 : i32
      %dma_wait3A_29 = tpu.memref_slice %arg9[%add3A_10, %dma_wait3A] : memref<10112x128xf32, #tpu.memory_space<vmem_shared>> -> memref<128x128xf32, #tpu.memory_space<vmem_shared>>
      %dma_wait3A_30 = arith.constant 0 : i32
      %dma_wait3A_31 = tpu.memref_slice %arg9[%add3A_10, %dma_wait3A_30] : memref<10112x128xf32, #tpu.memory_space<vmem_shared>> -> memref<128x128xf32, #tpu.memory_space<vmem_shared>>
      tpu.wait_dma2 semaphore(%run_scoped3A : memref<!tpu.dma_semaphore, #tpu.memory_space<semaphore_mem>>) src(%arg8 : memref<128x128xf32, #tpu.memory_space<vmem>>) dst(%dma_wait3A_31 : memref<128x128xf32, #tpu.memory_space<vmem_shared>>)
      tpu.yield
    }) : () -> ()
    %add3A_11 = arith.constant 128 : i32
    %add3A_12 = arith.addi %mul3A_8, %add3A_11 : i32
    "tpu.region"() ({
      %run_scoped3A = tpu.sem_alloc : memref<!tpu.dma_semaphore, #tpu.memory_space<semaphore_mem>>
      %dma_start3A = arith.constant 0 : i32
      %dma_start3A_26 = tpu.memref_slice %arg9[%add3A_12, %dma_start3A] : memref<10112x128xf32, #tpu.memory_space<vmem_shared>> -> memref<128x128xf32, #tpu.memory_space<vmem_shared>>
      %dma_start3A_27 = arith.constant 0 : i32
      %dma_start3A_28 = tpu.memref_slice %arg9[%add3A_12, %dma_start3A_27] : memref<10112x128xf32, #tpu.memory_space<vmem_shared>> -> memref<128x128xf32, #tpu.memory_space<vmem_shared>>
      tpu.enqueue_dma source(%arg8 : memref<128x128xf32, #tpu.memory_space<vmem>>) target(%dma_start3A_28 : memref<128x128xf32, #tpu.memory_space<vmem_shared>>) target_semaphore(%run_scoped3A : memref<!tpu.dma_semaphore, #tpu.memory_space<semaphore_mem>>)
      %dma_wait3A = arith.constant 0 : i32
      %dma_wait3A_29 = tpu.memref_slice %arg9[%add3A_12, %dma_wait3A] : memref<10112x128xf32, #tpu.memory_space<vmem_shared>> -> memref<128x128xf32, #tpu.memory_space<vmem_shared>>
      %dma_wait3A_30 = arith.constant 0 : i32
      %dma_wait3A_31 = tpu.memref_slice %arg9[%add3A_12, %dma_wait3A_30] : memref<10112x128xf32, #tpu.memory_space<vmem_shared>> -> memref<128x128xf32, #tpu.memory_space<vmem_shared>>
      tpu.wait_dma2 semaphore(%run_scoped3A : memref<!tpu.dma_semaphore, #tpu.memory_space<semaphore_mem>>) src(%arg8 : memref<128x128xf32, #tpu.memory_space<vmem>>) dst(%dma_wait3A_31 : memref<128x128xf32, #tpu.memory_space<vmem_shared>>)
      tpu.yield
    }) : () -> ()
    %add3A_13 = arith.constant 256 : i32
    %add3A_14 = arith.addi %mul3A_8, %add3A_13 : i32
    "tpu.region"() ({
      %run_scoped3A = tpu.sem_alloc : memref<!tpu.dma_semaphore, #tpu.memory_space<semaphore_mem>>
      %dma_start3A = arith.constant 0 : i32
      %dma_start3A_26 = tpu.memref_slice %arg9[%add3A_14, %dma_start3A] : memref<10112x128xf32, #tpu.memory_space<vmem_shared>> -> memref<128x128xf32, #tpu.memory_space<vmem_shared>>
      %dma_start3A_27 = arith.constant 0 : i32
      %dma_start3A_28 = tpu.memref_slice %arg9[%add3A_14, %dma_start3A_27] : memref<10112x128xf32, #tpu.memory_space<vmem_shared>> -> memref<128x128xf32, #tpu.memory_space<vmem_shared>>
      tpu.enqueue_dma source(%arg8 : memref<128x128xf32, #tpu.memory_space<vmem>>) target(%dma_start3A_28 : memref<128x128xf32, #tpu.memory_space<vmem_shared>>) target_semaphore(%run_scoped3A : memref<!tpu.dma_semaphore, #tpu.memory_space<semaphore_mem>>)
      %dma_wait3A = arith.constant 0 : i32
      %dma_wait3A_29 = tpu.memref_slice %arg9[%add3A_14, %dma_wait3A] : memref<10112x128xf32, #tpu.memory_space<vmem_shared>> -> memref<128x128xf32, #tpu.memory_space<vmem_shared>>
      %dma_wait3A_30 = arith.constant 0 : i32
      %dma_wait3A_31 = tpu.memref_slice %arg9[%add3A_14, %dma_wait3A_30] : memref<10112x128xf32, #tpu.memory_space<vmem_shared>> -> memref<128x128xf32, #tpu.memory_space<vmem_shared>>
      tpu.wait_dma2 semaphore(%run_scoped3A : memref<!tpu.dma_semaphore, #tpu.memory_space<semaphore_mem>>) src(%arg8 : memref<128x128xf32, #tpu.memory_space<vmem>>) dst(%dma_wait3A_31 : memref<128x128xf32, #tpu.memory_space<vmem_shared>>)
      tpu.yield
    }) : () -> ()
    %add3A_15 = arith.constant 384 : i32
    %add3A_16 = arith.addi %mul3A_8, %add3A_15 : i32
    "tpu.region"() ({
      %run_scoped3A = tpu.sem_alloc : memref<!tpu.dma_semaphore, #tpu.memory_space<semaphore_mem>>
      %dma_start3A = arith.constant 0 : i32
      %dma_start3A_26 = tpu.memref_slice %arg9[%add3A_16, %dma_start3A] : memref<10112x128xf32, #tpu.memory_space<vmem_shared>> -> memref<128x128xf32, #tpu.memory_space<vmem_shared>>
      %dma_start3A_27 = arith.constant 0 : i32
      %dma_start3A_28 = tpu.memref_slice %arg9[%add3A_16, %dma_start3A_27] : memref<10112x128xf32, #tpu.memory_space<vmem_shared>> -> memref<128x128xf32, #tpu.memory_space<vmem_shared>>
      tpu.enqueue_dma source(%arg8 : memref<128x128xf32, #tpu.memory_space<vmem>>) target(%dma_start3A_28 : memref<128x128xf32, #tpu.memory_space<vmem_shared>>) target_semaphore(%run_scoped3A : memref<!tpu.dma_semaphore, #tpu.memory_space<semaphore_mem>>)
      %dma_wait3A = arith.constant 0 : i32
      %dma_wait3A_29 = tpu.memref_slice %arg9[%add3A_16, %dma_wait3A] : memref<10112x128xf32, #tpu.memory_space<vmem_shared>> -> memref<128x128xf32, #tpu.memory_space<vmem_shared>>
      %dma_wait3A_30 = arith.constant 0 : i32
      %dma_wait3A_31 = tpu.memref_slice %arg9[%add3A_16, %dma_wait3A_30] : memref<10112x128xf32, #tpu.memory_space<vmem_shared>> -> memref<128x128xf32, #tpu.memory_space<vmem_shared>>
      tpu.wait_dma2 semaphore(%run_scoped3A : memref<!tpu.dma_semaphore, #tpu.memory_space<semaphore_mem>>) src(%arg8 : memref<128x128xf32, #tpu.memory_space<vmem>>) dst(%dma_wait3A_31 : memref<128x128xf32, #tpu.memory_space<vmem_shared>>)
      tpu.yield
    }) : () -> ()
    %add3A_17 = arith.constant 512 : i32
    %add3A_18 = arith.addi %mul3A_8, %add3A_17 : i32
    "tpu.region"() ({
      %run_scoped3A = tpu.sem_alloc : memref<!tpu.dma_semaphore, #tpu.memory_space<semaphore_mem>>
      %dma_start3A = arith.constant 0 : i32
      %dma_start3A_26 = arith.constant 0 : i32
      %dma_start3A_27 = tpu.memref_slice %arg8[%dma_start3A, %dma_start3A_26] : memref<128x128xf32, #tpu.memory_space<vmem>> -> memref<120x128xf32, #tpu.memory_space<vmem>>
      %dma_start3A_28 = arith.constant 0 : i32
      %dma_start3A_29 = tpu.memref_slice %arg9[%add3A_18, %dma_start3A_28] : memref<10112x128xf32, #tpu.memory_space<vmem_shared>> -> memref<120x128xf32, #tpu.memory_space<vmem_shared>>
      %dma_start3A_30 = arith.constant 0 : i32
      %dma_start3A_31 = tpu.memref_slice %arg9[%add3A_18, %dma_start3A_30] : memref<10112x128xf32, #tpu.memory_space<vmem_shared>> -> memref<120x128xf32, #tpu.memory_space<vmem_shared>>
      %dma_start3A_32 = arith.constant 0 : i32
      %dma_start3A_33 = arith.constant 0 : i32
      %dma_start3A_34 = tpu.memref_slice %arg8[%dma_start3A_32, %dma_start3A_33] : memref<128x128xf32, #tpu.memory_space<vmem>> -> memref<120x128xf32, #tpu.memory_space<vmem>>
      tpu.enqueue_dma source(%dma_start3A_34 : memref<120x128xf32, #tpu.memory_space<vmem>>) target(%dma_start3A_31 : memref<120x128xf32, #tpu.memory_space<vmem_shared>>) target_semaphore(%run_scoped3A : memref<!tpu.dma_semaphore, #tpu.memory_space<semaphore_mem>>)
      %dma_wait3A = arith.constant 0 : i32
      %dma_wait3A_35 = arith.constant 0 : i32
      %dma_wait3A_36 = tpu.memref_slice %arg8[%dma_wait3A, %dma_wait3A_35] : memref<128x128xf32, #tpu.memory_space<vmem>> -> memref<120x128xf32, #tpu.memory_space<vmem>>
      %dma_wait3A_37 = arith.constant 0 : i32
      %dma_wait3A_38 = tpu.memref_slice %arg9[%add3A_18, %dma_wait3A_37] : memref<10112x128xf32, #tpu.memory_space<vmem_shared>> -> memref<120x128xf32, #tpu.memory_space<vmem_shared>>
      %dma_wait3A_39 = arith.constant 0 : i32
      %dma_wait3A_40 = tpu.memref_slice %arg9[%add3A_18, %dma_wait3A_39] : memref<10112x128xf32, #tpu.memory_space<vmem_shared>> -> memref<120x128xf32, #tpu.memory_space<vmem_shared>>
      %dma_wait3A_41 = arith.constant 0 : i32
      %dma_wait3A_42 = arith.constant 0 : i32
      %dma_wait3A_43 = tpu.memref_slice %arg8[%dma_wait3A_41, %dma_wait3A_42] : memref<128x128xf32, #tpu.memory_space<vmem>> -> memref<120x128xf32, #tpu.memory_space<vmem>>
      tpu.wait_dma2 semaphore(%run_scoped3A : memref<!tpu.dma_semaphore, #tpu.memory_space<semaphore_mem>>) src(%dma_wait3A_43 : memref<120x128xf32, #tpu.memory_space<vmem>>) dst(%dma_wait3A_40 : memref<120x128xf32, #tpu.memory_space<vmem_shared>>)
      tpu.yield
    }) : () -> ()
    "tpu.region"() ({
      %run_scoped3A = tpu.sem_alloc : memref<!tpu.dma_semaphore, #tpu.memory_space<semaphore_mem>>
      %dma_start3A = arith.constant 0 : i32
      %dma_start3A_26 = arith.constant 0 : i32
      %dma_start3A_27 = tpu.memref_slice %arg3[%add3A, %dma_start3A, %dma_start3A_26] : memref<32x79x128xi32, #tpu.memory_space<hbm>> -> memref<1x79x128xi32, #tpu.memory_space<hbm>>
      %dma_start3A_28 = tpu.memref_squeeze %dma_start3A_27 : memref<1x79x128xi32, #tpu.memory_space<hbm>> -> memref<79x128xi32, #tpu.memory_space<hbm>>
      %dma_start3A_29 = arith.constant 0 : i32
      %dma_start3A_30 = arith.constant 0 : i32
      %dma_start3A_31 = tpu.memref_slice %arg3[%add3A, %dma_start3A_29, %dma_start3A_30] : memref<32x79x128xi32, #tpu.memory_space<hbm>> -> memref<1x79x128xi32, #tpu.memory_space<hbm>>
      %dma_start3A_32 = tpu.memref_squeeze %dma_start3A_31 : memref<1x79x128xi32, #tpu.memory_space<hbm>> -> memref<79x128xi32, #tpu.memory_space<hbm>>
      tpu.enqueue_dma source(%dma_start3A_32 : memref<79x128xi32, #tpu.memory_space<hbm>>) target(%arg6 : memref<79x128xi32, #tpu.memory_space<vmem>>) target_semaphore(%run_scoped3A : memref<!tpu.dma_semaphore, #tpu.memory_space<semaphore_mem>>)
      %dma_wait3A = arith.constant 0 : i32
      %dma_wait3A_33 = arith.constant 0 : i32
      %dma_wait3A_34 = tpu.memref_slice %arg3[%add3A, %dma_wait3A, %dma_wait3A_33] : memref<32x79x128xi32, #tpu.memory_space<hbm>> -> memref<1x79x128xi32, #tpu.memory_space<hbm>>
      %dma_wait3A_35 = tpu.memref_squeeze %dma_wait3A_34 : memref<1x79x128xi32, #tpu.memory_space<hbm>> -> memref<79x128xi32, #tpu.memory_space<hbm>>
      %dma_wait3A_36 = arith.constant 0 : i32
      %dma_wait3A_37 = arith.constant 0 : i32
      %dma_wait3A_38 = tpu.memref_slice %arg3[%add3A, %dma_wait3A_36, %dma_wait3A_37] : memref<32x79x128xi32, #tpu.memory_space<hbm>> -> memref<1x79x128xi32, #tpu.memory_space<hbm>>
      %dma_wait3A_39 = tpu.memref_squeeze %dma_wait3A_38 : memref<1x79x128xi32, #tpu.memory_space<hbm>> -> memref<79x128xi32, #tpu.memory_space<hbm>>
      tpu.wait_dma2 semaphore(%run_scoped3A : memref<!tpu.dma_semaphore, #tpu.memory_space<semaphore_mem>>) src(%dma_wait3A_39 : memref<79x128xi32, #tpu.memory_space<hbm>>) dst(%arg6 : memref<79x128xi32, #tpu.memory_space<vmem>>)
      tpu.yield
    }) : () -> ()
    "tpu.region"() ({
      %run_scoped3A = tpu.sem_alloc : memref<!tpu.dma_semaphore, #tpu.memory_space<semaphore_mem>>
      %dma_start3A = arith.constant 0 : i32
      %dma_start3A_26 = arith.constant 0 : i32
      %dma_start3A_27 = tpu.memref_slice %arg4[%add3A, %dma_start3A, %dma_start3A_26] : memref<32x79x128xi32, #tpu.memory_space<hbm>> -> memref<1x79x128xi32, #tpu.memory_space<hbm>>
      %dma_start3A_28 = tpu.memref_squeeze %dma_start3A_27 : memref<1x79x128xi32, #tpu.memory_space<hbm>> -> memref<79x128xi32, #tpu.memory_space<hbm>>
      %dma_start3A_29 = arith.constant 0 : i32
      %dma_start3A_30 = arith.constant 0 : i32
      %dma_start3A_31 = tpu.memref_slice %arg4[%add3A, %dma_start3A_29, %dma_start3A_30] : memref<32x79x128xi32, #tpu.memory_space<hbm>> -> memref<1x79x128xi32, #tpu.memory_space<hbm>>
      %dma_start3A_32 = tpu.memref_squeeze %dma_start3A_31 : memref<1x79x128xi32, #tpu.memory_space<hbm>> -> memref<79x128xi32, #tpu.memory_space<hbm>>
      tpu.enqueue_dma source(%dma_start3A_32 : memref<79x128xi32, #tpu.memory_space<hbm>>) target(%arg7 : memref<79x128xi32, #tpu.memory_space<vmem>>) target_semaphore(%run_scoped3A : memref<!tpu.dma_semaphore, #tpu.memory_space<semaphore_mem>>)
      %dma_wait3A = arith.constant 0 : i32
      %dma_wait3A_33 = arith.constant 0 : i32
      %dma_wait3A_34 = tpu.memref_slice %arg4[%add3A, %dma_wait3A, %dma_wait3A_33] : memref<32x79x128xi32, #tpu.memory_space<hbm>> -> memref<1x79x128xi32, #tpu.memory_space<hbm>>
      %dma_wait3A_35 = tpu.memref_squeeze %dma_wait3A_34 : memref<1x79x128xi32, #tpu.memory_space<hbm>> -> memref<79x128xi32, #tpu.memory_space<hbm>>
      %dma_wait3A_36 = arith.constant 0 : i32
      %dma_wait3A_37 = arith.constant 0 : i32
      %dma_wait3A_38 = tpu.memref_slice %arg4[%add3A, %dma_wait3A_36, %dma_wait3A_37] : memref<32x79x128xi32, #tpu.memory_space<hbm>> -> memref<1x79x128xi32, #tpu.memory_space<hbm>>
      %dma_wait3A_39 = tpu.memref_squeeze %dma_wait3A_38 : memref<1x79x128xi32, #tpu.memory_space<hbm>> -> memref<79x128xi32, #tpu.memory_space<hbm>>
      tpu.wait_dma2 semaphore(%run_scoped3A : memref<!tpu.dma_semaphore, #tpu.memory_space<semaphore_mem>>) src(%dma_wait3A_39 : memref<79x128xi32, #tpu.memory_space<hbm>>) dst(%arg7 : memref<79x128xi32, #tpu.memory_space<vmem>>)
      tpu.yield
    }) : () -> ()
    %barrier3A = arith.constant 0 : index
    tpu.barrier barrier_id(%barrier3A)
    %scan3A_19 = arith.constant 0 : i32
    %scan3A_20 = arith.constant 0 : i32
    %scan3A_21 = arith.constant 79 : i32
    %scan3A_22 = arith.addi %scan3A_20, %scan3A_21 : i32
    %scan3A_23 = arith.constant 1 : i32
    scf.for %scan3A_26 = %scan3A_20 to %scan3A_22 step %scan3A_23  : i32 {
      %dma_start3A = arith.constant 0 : i32
      %dma_start3A_27 = tpu.memref_slice %arg6[%scan3A_26, %dma_start3A] : memref<79x128xi32, #tpu.memory_space<vmem>> -> memref<1x128xi32, #tpu.memory_space<vmem>>
      %dma_start3A_28 = tpu.memref_squeeze %dma_start3A_27 : memref<1x128xi32, #tpu.memory_space<vmem>> -> memref<128xi32, #tpu.memory_space<vmem>>
      %dma_start3A_29 = arith.constant 0 : i32
      %dma_start3A_30 = arith.constant 0 : i32
      %dma_start3A_31 = tpu.memref_slice %arg2[%dma_start3A_29, %dma_start3A_30] : memref<80000x128xf32, #tpu.memory_space<hbm>> -> memref<80000x128xf32, #tpu.memory_space<hbm>>
      tpu.enqueue_indirect_dma source(%dma_start3A_31 : memref<80000x128xf32, #tpu.memory_space<hbm>>) target(%arg8 : memref<128x128xf32, #tpu.memory_space<vmem>>) offsets(%dma_start3A_28 : memref<128xi32, #tpu.memory_space<vmem>>) semaphore(%arg10 : memref<!tpu.dma_semaphore, #tpu.memory_space<semaphore_mem>>)
      %dma_wait3A = arith.constant 0 : i32
      %dma_wait3A_32 = tpu.memref_slice %arg6[%scan3A_26, %dma_wait3A] : memref<79x128xi32, #tpu.memory_space<vmem>> -> memref<1x128xi32, #tpu.memory_space<vmem>>
      %dma_wait3A_33 = tpu.memref_squeeze %dma_wait3A_32 : memref<1x128xi32, #tpu.memory_space<vmem>> -> memref<128xi32, #tpu.memory_space<vmem>>
      %dma_wait3A_34 = arith.constant 0 : i32
      %dma_wait3A_35 = arith.constant 0 : i32
      %dma_wait3A_36 = tpu.memref_slice %arg2[%dma_wait3A_34, %dma_wait3A_35] : memref<80000x128xf32, #tpu.memory_space<hbm>> -> memref<80000x128xf32, #tpu.memory_space<hbm>>
      tpu.wait_indirect_dma semaphore(%arg10 : memref<!tpu.dma_semaphore, #tpu.memory_space<semaphore_mem>>) src(%dma_wait3A_36 : memref<80000x128xf32, #tpu.memory_space<hbm>>) dst(%arg8 : memref<128x128xf32, #tpu.memory_space<vmem>>)
      "tpu.region"() ({
        %run_scoped3A = tpu.sem_alloc : memref<!tpu.dma_semaphore, #tpu.memory_space<semaphore_mem>>
        %dma_start3A_37 = arith.constant 0 : i32
        %dma_start3A_38 = tpu.memref_slice %arg7[%scan3A_26, %dma_start3A_37] : memref<79x128xi32, #tpu.memory_space<vmem>> -> memref<1x128xi32, #tpu.memory_space<vmem>>
        %dma_start3A_39 = tpu.memref_squeeze %dma_start3A_38 : memref<1x128xi32, #tpu.memory_space<vmem>> -> memref<128xi32, #tpu.memory_space<vmem>>
        %dma_start3A_40 = arith.constant 0 : i32
        %dma_start3A_41 = arith.constant 0 : i32
        %dma_start3A_42 = tpu.memref_slice %arg9[%dma_start3A_40, %dma_start3A_41] : memref<10112x128xf32, #tpu.memory_space<vmem_shared>> -> memref<10112x128xf32, #tpu.memory_space<vmem_shared>>
        tpu.enqueue_indirect_dma source(%arg8 : memref<128x128xf32, #tpu.memory_space<vmem>>) target(%dma_start3A_42 : memref<10112x128xf32, #tpu.memory_space<vmem_shared>>) offsets(%dma_start3A_39 : memref<128xi32, #tpu.memory_space<vmem>>) semaphore(%run_scoped3A : memref<!tpu.dma_semaphore, #tpu.memory_space<semaphore_mem>>) {add = true}
        %dma_wait3A_43 = arith.constant 0 : i32
        %dma_wait3A_44 = tpu.memref_slice %arg7[%scan3A_26, %dma_wait3A_43] : memref<79x128xi32, #tpu.memory_space<vmem>> -> memref<1x128xi32, #tpu.memory_space<vmem>>
        %dma_wait3A_45 = tpu.memref_squeeze %dma_wait3A_44 : memref<1x128xi32, #tpu.memory_space<vmem>> -> memref<128xi32, #tpu.memory_space<vmem>>
        %dma_wait3A_46 = arith.constant 0 : i32
        %dma_wait3A_47 = arith.constant 0 : i32
        %dma_wait3A_48 = tpu.memref_slice %arg9[%dma_wait3A_46, %dma_wait3A_47] : memref<10112x128xf32, #tpu.memory_space<vmem_shared>> -> memref<10112x128xf32, #tpu.memory_space<vmem_shared>>
        tpu.wait_indirect_dma semaphore(%run_scoped3A : memref<!tpu.dma_semaphore, #tpu.memory_space<semaphore_mem>>) src(%arg8 : memref<128x128xf32, #tpu.memory_space<vmem>>) dst(%dma_wait3A_48 : memref<10112x128xf32, #tpu.memory_space<vmem_shared>>)
        tpu.yield
      }) : () -> ()
    }
    %scan3A_24 = arith.constant 79 : i32
    %barrier3A_25 = arith.constant 0 : index
    tpu.barrier barrier_id(%barrier3A_25)
    "tpu.region"() ({
      %run_scoped3A = tpu.sem_alloc : memref<!tpu.dma_semaphore, #tpu.memory_space<semaphore_mem>>
      %dma_start3A = arith.constant 0 : i32
      %dma_start3A_26 = tpu.memref_slice %arg5[%arg0, %mul3A_8, %dma_start3A] : memref<2x10112x128xf32, #tpu.memory_space<hbm>> -> memref<1x632x128xf32, #tpu.memory_space<hbm>>
      %dma_start3A_27 = tpu.memref_squeeze %dma_start3A_26 : memref<1x632x128xf32, #tpu.memory_space<hbm>> -> memref<632x128xf32, #tpu.memory_space<hbm>>
      %dma_start3A_28 = arith.constant 0 : i32
      %dma_start3A_29 = tpu.memref_slice %arg9[%mul3A_8, %dma_start3A_28] : memref<10112x128xf32, #tpu.memory_space<vmem_shared>> -> memref<632x128xf32, #tpu.memory_space<vmem_shared>>
      tpu.enqueue_dma source(%dma_start3A_29 : memref<632x128xf32, #tpu.memory_space<vmem_shared>>) target(%dma_start3A_27 : memref<632x128xf32, #tpu.memory_space<hbm>>) target_semaphore(%run_scoped3A : memref<!tpu.dma_semaphore, #tpu.memory_space<semaphore_mem>>)
      %dma_wait3A = arith.constant 0 : i32
      %dma_wait3A_30 = tpu.memref_slice %arg5[%arg0, %mul3A_8, %dma_wait3A] : memref<2x10112x128xf32, #tpu.memory_space<hbm>> -> memref<1x632x128xf32, #tpu.memory_space<hbm>>
      %dma_wait3A_31 = tpu.memref_squeeze %dma_wait3A_30 : memref<1x632x128xf32, #tpu.memory_space<hbm>> -> memref<632x128xf32, #tpu.memory_space<hbm>>
      %dma_wait3A_32 = arith.constant 0 : i32
      %dma_wait3A_33 = tpu.memref_slice %arg9[%mul3A_8, %dma_wait3A_32] : memref<10112x128xf32, #tpu.memory_space<vmem_shared>> -> memref<632x128xf32, #tpu.memory_space<vmem_shared>>
      tpu.wait_dma2 semaphore(%run_scoped3A : memref<!tpu.dma_semaphore, #tpu.memory_space<semaphore_mem>>) src(%dma_wait3A_33 : memref<632x128xf32, #tpu.memory_space<vmem_shared>>) dst(%dma_wait3A_31 : memref<632x128xf32, #tpu.memory_space<hbm>>)
      tpu.yield
    }) : () -> ()
    return
  }
}

#map = affine_map<(d0, d1) -> (0, 0)>
#map1 = affine_map<(d0, d1) -> (0, 0, 0)>
module attributes {stable_mosaic.version = 14 : i64} {
  func.func @gs(%arg0: i32, %arg1: i32, %arg2: memref<80000x128xf32, #tpu.memory_space<hbm>>, %arg3: memref<32x79x128xi32, #tpu.memory_space<hbm>>, %arg4: memref<32x79x128xi32, #tpu.memory_space<hbm>>, %arg5: memref<2x10112x128xf32, #tpu.memory_space<hbm>>, %arg6: memref<79x128xi32, #tpu.memory_space<vmem>>, %arg7: memref<79x128xi32, #tpu.memory_space<vmem>>, %arg8: memref<128x128xf32, #tpu.memory_space<vmem>>, %arg9: memref<10112x128xf32, #tpu.memory_space<vmem_shared>>, %arg10: memref<!tpu.dma_semaphore, #tpu.memory_space<semaphore_mem>>) attributes {dimension_semantics = [#tpu.dimension_semantics<core_parallel>, #tpu.dimension_semantics<subcore_parallel>], iteration_bounds = array<i64: 2, 16>, scalar_prefetch = 0 : i64, scratch_operands = 5 : i64, tpu.core_type = #tpu.core_type<sc_vector_subcore>, window_params = [{transform_indices = #map}, {transform_indices = #map1}, {transform_indices = #map1}, {transform_indices = #map1}]} {
    %mul3A = arith.constant 16 : i32
    %mul3A_0 = arith.muli %arg0, %mul3A : i32
    %add3A = arith.addi %mul3A_0, %arg1 : i32
    %broadcast_in_dim3A = arith.constant 0.000000e+00 : f32
    %broadcast_in_dim3A_1 = vector.broadcast %broadcast_in_dim3A : f32 to vector<16xf32>
    %scan3A = arith.constant 0 : i32
    %scan3A_2 = arith.constant 0 : i32
    %scan3A_3 = arith.constant 128 : i32
    %scan3A_4 = arith.addi %scan3A_2, %scan3A_3 : i32
    %scan3A_5 = arith.constant 1 : i32
    scf.for %scan3A_26 = %scan3A_2 to %scan3A_4 step %scan3A_5  : i32 {
      %swap3A = arith.index_cast %scan3A_26 : i32 to index
      %swap3A_27 = arith.constant 0 : index
      %swap3A_28 = tpu.vector_load %arg8[%swap3A, %swap3A_27] {strides = array<i32>} : memref<128x128xf32, #tpu.memory_space<vmem>>, vector<1x16xf32>,
      %swap3A_29 = vector.shape_cast %swap3A_28 : vector<1x16xf32> to vector<16xf32>
      %swap3A_30 = vector.shape_cast %broadcast_in_dim3A_1 : vector<16xf32> to vector<1x16xf32>
      tpu.vector_store %arg8[%swap3A, %swap3A_27], %swap3A_30 {strides = array<i32>} : memref<128x128xf32, #tpu.memory_space<vmem>>, vector<1x16xf32>,
      %swap3A_31 = arith.index_cast %scan3A_26 : i32 to index
      %swap3A_32 = arith.constant 16 : index
      %swap3A_33 = tpu.vector_load %arg8[%swap3A_31, %swap3A_32] {strides = array<i32>} : memref<128x128xf32, #tpu.memory_space<vmem>>, vector<1x16xf32>,
      %swap3A_34 = vector.shape_cast %swap3A_33 : vector<1x16xf32> to vector<16xf32>
      %swap3A_35 = vector.shape_cast %broadcast_in_dim3A_1 : vector<16xf32> to vector<1x16xf32>
      tpu.vector_store %arg8[%swap3A_31, %swap3A_32], %swap3A_35 {strides = array<i32>} : memref<128x128xf32, #tpu.memory_space<vmem>>, vector<1x16xf32>,
      %swap3A_36 = arith.index_cast %scan3A_26 : i32 to index
      %swap3A_37 = arith.constant 32 : index
      %swap3A_38 = tpu.vector_load %arg8[%swap3A_36, %swap3A_37] {strides = array<i32>} : memref<128x128xf32, #tpu.memory_space<vmem>>, vector<1x16xf32>,
      %swap3A_39 = vector.shape_cast %swap3A_38 : vector<1x16xf32> to vector<16xf32>
      %swap3A_40 = vector.shape_cast %broadcast_in_dim3A_1 : vector<16xf32> to vector<1x16xf32>
      tpu.vector_store %arg8[%swap3A_36, %swap3A_37], %swap3A_40 {strides = array<i32>} : memref<128x128xf32, #tpu.memory_space<vmem>>, vector<1x16xf32>,
      %swap3A_41 = arith.index_cast %scan3A_26 : i32 to index
      %swap3A_42 = arith.constant 48 : index
      %swap3A_43 = tpu.vector_load %arg8[%swap3A_41, %swap3A_42] {strides = array<i32>} : memref<128x128xf32, #tpu.memory_space<vmem>>, vector<1x16xf32>,
      %swap3A_44 = vector.shape_cast %swap3A_43 : vector<1x16xf32> to vector<16xf32>
      %swap3A_45 = vector.shape_cast %broadcast_in_dim3A_1 : vector<16xf32> to vector<1x16xf32>
      tpu.vector_store %arg8[%swap3A_41, %swap3A_42], %swap3A_45 {strides = array<i32>} : memref<128x128xf32, #tpu.memory_space<vmem>>, vector<1x16xf32>,
      %swap3A_46 = arith.index_cast %scan3A_26 : i32 to index
      %swap3A_47 = arith.constant 64 : index
      %swap3A_48 = tpu.vector_load %arg8[%swap3A_46, %swap3A_47] {strides = array<i32>} : memref<128x128xf32, #tpu.memory_space<vmem>>, vector<1x16xf32>,
      %swap3A_49 = vector.shape_cast %swap3A_48 : vector<1x16xf32> to vector<16xf32>
      %swap3A_50 = vector.shape_cast %broadcast_in_dim3A_1 : vector<16xf32> to vector<1x16xf32>
      tpu.vector_store %arg8[%swap3A_46, %swap3A_47], %swap3A_50 {strides = array<i32>} : memref<128x128xf32, #tpu.memory_space<vmem>>, vector<1x16xf32>,
      %swap3A_51 = arith.index_cast %scan3A_26 : i32 to index
      %swap3A_52 = arith.constant 80 : index
      %swap3A_53 = tpu.vector_load %arg8[%swap3A_51, %swap3A_52] {strides = array<i32>} : memref<128x128xf32, #tpu.memory_space<vmem>>, vector<1x16xf32>,
      %swap3A_54 = vector.shape_cast %swap3A_53 : vector<1x16xf32> to vector<16xf32>
      %swap3A_55 = vector.shape_cast %broadcast_in_dim3A_1 : vector<16xf32> to vector<1x16xf32>
      tpu.vector_store %arg8[%swap3A_51, %swap3A_52], %swap3A_55 {strides = array<i32>} : memref<128x128xf32, #tpu.memory_space<vmem>>, vector<1x16xf32>,
      %swap3A_56 = arith.index_cast %scan3A_26 : i32 to index
      %swap3A_57 = arith.constant 96 : index
      %swap3A_58 = tpu.vector_load %arg8[%swap3A_56, %swap3A_57] {strides = array<i32>} : memref<128x128xf32, #tpu.memory_space<vmem>>, vector<1x16xf32>,
      %swap3A_59 = vector.shape_cast %swap3A_58 : vector<1x16xf32> to vector<16xf32>
      %swap3A_60 = vector.shape_cast %broadcast_in_dim3A_1 : vector<16xf32> to vector<1x16xf32>
      tpu.vector_store %arg8[%swap3A_56, %swap3A_57], %swap3A_60 {strides = array<i32>} : memref<128x128xf32, #tpu.memory_space<vmem>>, vector<1x16xf32>,
      %swap3A_61 = arith.index_cast %scan3A_26 : i32 to index
      %swap3A_62 = arith.constant 112 : index
      %swap3A_63 = tpu.vector_load %arg8[%swap3A_61, %swap3A_62] {strides = array<i32>} : memref<128x128xf32, #tpu.memory_space<vmem>>, vector<1x16xf32>,
      %swap3A_64 = vector.shape_cast %swap3A_63 : vector<1x16xf32> to vector<16xf32>
      %swap3A_65 = vector.shape_cast %broadcast_in_dim3A_1 : vector<16xf32> to vector<1x16xf32>
      tpu.vector_store %arg8[%swap3A_61, %swap3A_62], %swap3A_65 {strides = array<i32>} : memref<128x128xf32, #tpu.memory_space<vmem>>, vector<1x16xf32>,
    }
    %scan3A_6 = arith.constant 128 : i32
    %mul3A_7 = arith.constant 632 : i32
    %mul3A_8 = arith.muli %arg1, %mul3A_7 : i32
    %add3A_9 = arith.constant 0 : i32
    %add3A_10 = arith.addi %mul3A_8, %add3A_9 : i32
    "tpu.region"() ({
      %run_scoped3A = tpu.sem_alloc : memref<!tpu.dma_semaphore, #tpu.memory_space<semaphore_mem>>
      %dma_start3A = arith.constant 0 : i32
      %dma_start3A_26 = tpu.memref_slice %arg9[%add3A_10, %dma_start3A] : memref<10112x128xf32, #tpu.memory_space<vmem_shared>> -> memref<128x128xf32, #tpu.memory_space<vmem_shared>>
      %dma_start3A_27 = arith.constant 0 : i32
      %dma_start3A_28 = tpu.memref_slice %arg9[%add3A_10, %dma_start3A_27] : memref<10112x128xf32, #tpu.memory_space<vmem_shared>> -> memref<128x128xf32, #tpu.memory_space<vmem_shared>>
      tpu.enqueue_dma source(%arg8 : memref<128x128xf32, #tpu.memory_space<vmem>>) target(%dma_start3A_28 : memref<128x128xf32, #tpu.memory_space<vmem_shared>>) target_semaphore(%run_scoped3A : memref<!tpu.dma_semaphore, #tpu.memory_space<semaphore_mem>>)
      %dma_wait3A = arith.constant 0 : i32
      %dma_wait3A_29 = tpu.memref_slice %arg9[%add3A_10, %dma_wait3A] : memref<10112x128xf32, #tpu.memory_space<vmem_shared>> -> memref<128x128xf32, #tpu.memory_space<vmem_shared>>
      %dma_wait3A_30 = arith.constant 0 : i32
      %dma_wait3A_31 = tpu.memref_slice %arg9[%add3A_10, %dma_wait3A_30] : memref<10112x128xf32, #tpu.memory_space<vmem_shared>> -> memref<128x128xf32, #tpu.memory_space<vmem_shared>>
      tpu.wait_dma2 semaphore(%run_scoped3A : memref<!tpu.dma_semaphore, #tpu.memory_space<semaphore_mem>>) src(%arg8 : memref<128x128xf32, #tpu.memory_space<vmem>>) dst(%dma_wait3A_31 : memref<128x128xf32, #tpu.memory_space<vmem_shared>>)
      tpu.yield
    }) : () -> ()
    %add3A_11 = arith.constant 128 : i32
    %add3A_12 = arith.addi %mul3A_8, %add3A_11 : i32
    "tpu.region"() ({
      %run_scoped3A = tpu.sem_alloc : memref<!tpu.dma_semaphore, #tpu.memory_space<semaphore_mem>>
      %dma_start3A = arith.constant 0 : i32
      %dma_start3A_26 = tpu.memref_slice %arg9[%add3A_12, %dma_start3A] : memref<10112x128xf32, #tpu.memory_space<vmem_shared>> -> memref<128x128xf32, #tpu.memory_space<vmem_shared>>
      %dma_start3A_27 = arith.constant 0 : i32
      %dma_start3A_28 = tpu.memref_slice %arg9[%add3A_12, %dma_start3A_27] : memref<10112x128xf32, #tpu.memory_space<vmem_shared>> -> memref<128x128xf32, #tpu.memory_space<vmem_shared>>
      tpu.enqueue_dma source(%arg8 : memref<128x128xf32, #tpu.memory_space<vmem>>) target(%dma_start3A_28 : memref<128x128xf32, #tpu.memory_space<vmem_shared>>) target_semaphore(%run_scoped3A : memref<!tpu.dma_semaphore, #tpu.memory_space<semaphore_mem>>)
      %dma_wait3A = arith.constant 0 : i32
      %dma_wait3A_29 = tpu.memref_slice %arg9[%add3A_12, %dma_wait3A] : memref<10112x128xf32, #tpu.memory_space<vmem_shared>> -> memref<128x128xf32, #tpu.memory_space<vmem_shared>>
      %dma_wait3A_30 = arith.constant 0 : i32
      %dma_wait3A_31 = tpu.memref_slice %arg9[%add3A_12, %dma_wait3A_30] : memref<10112x128xf32, #tpu.memory_space<vmem_shared>> -> memref<128x128xf32, #tpu.memory_space<vmem_shared>>
      tpu.wait_dma2 semaphore(%run_scoped3A : memref<!tpu.dma_semaphore, #tpu.memory_space<semaphore_mem>>) src(%arg8 : memref<128x128xf32, #tpu.memory_space<vmem>>) dst(%dma_wait3A_31 : memref<128x128xf32, #tpu.memory_space<vmem_shared>>)
      tpu.yield
    }) : () -> ()
    %add3A_13 = arith.constant 256 : i32
    %add3A_14 = arith.addi %mul3A_8, %add3A_13 : i32
    "tpu.region"() ({
      %run_scoped3A = tpu.sem_alloc : memref<!tpu.dma_semaphore, #tpu.memory_space<semaphore_mem>>
      %dma_start3A = arith.constant 0 : i32
      %dma_start3A_26 = tpu.memref_slice %arg9[%add3A_14, %dma_start3A] : memref<10112x128xf32, #tpu.memory_space<vmem_shared>> -> memref<128x128xf32, #tpu.memory_space<vmem_shared>>
      %dma_start3A_27 = arith.constant 0 : i32
      %dma_start3A_28 = tpu.memref_slice %arg9[%add3A_14, %dma_start3A_27] : memref<10112x128xf32, #tpu.memory_space<vmem_shared>> -> memref<128x128xf32, #tpu.memory_space<vmem_shared>>
      tpu.enqueue_dma source(%arg8 : memref<128x128xf32, #tpu.memory_space<vmem>>) target(%dma_start3A_28 : memref<128x128xf32, #tpu.memory_space<vmem_shared>>) target_semaphore(%run_scoped3A : memref<!tpu.dma_semaphore, #tpu.memory_space<semaphore_mem>>)
      %dma_wait3A = arith.constant 0 : i32
      %dma_wait3A_29 = tpu.memref_slice %arg9[%add3A_14, %dma_wait3A] : memref<10112x128xf32, #tpu.memory_space<vmem_shared>> -> memref<128x128xf32, #tpu.memory_space<vmem_shared>>
      %dma_wait3A_30 = arith.constant 0 : i32
      %dma_wait3A_31 = tpu.memref_slice %arg9[%add3A_14, %dma_wait3A_30] : memref<10112x128xf32, #tpu.memory_space<vmem_shared>> -> memref<128x128xf32, #tpu.memory_space<vmem_shared>>
      tpu.wait_dma2 semaphore(%run_scoped3A : memref<!tpu.dma_semaphore, #tpu.memory_space<semaphore_mem>>) src(%arg8 : memref<128x128xf32, #tpu.memory_space<vmem>>) dst(%dma_wait3A_31 : memref<128x128xf32, #tpu.memory_space<vmem_shared>>)
      tpu.yield
    }) : () -> ()
    %add3A_15 = arith.constant 384 : i32
    %add3A_16 = arith.addi %mul3A_8, %add3A_15 : i32
    "tpu.region"() ({
      %run_scoped3A = tpu.sem_alloc : memref<!tpu.dma_semaphore, #tpu.memory_space<semaphore_mem>>
      %dma_start3A = arith.constant 0 : i32
      %dma_start3A_26 = tpu.memref_slice %arg9[%add3A_16, %dma_start3A] : memref<10112x128xf32, #tpu.memory_space<vmem_shared>> -> memref<128x128xf32, #tpu.memory_space<vmem_shared>>
      %dma_start3A_27 = arith.constant 0 : i32
      %dma_start3A_28 = tpu.memref_slice %arg9[%add3A_16, %dma_start3A_27] : memref<10112x128xf32, #tpu.memory_space<vmem_shared>> -> memref<128x128xf32, #tpu.memory_space<vmem_shared>>
      tpu.enqueue_dma source(%arg8 : memref<128x128xf32, #tpu.memory_space<vmem>>) target(%dma_start3A_28 : memref<128x128xf32, #tpu.memory_space<vmem_shared>>) target_semaphore(%run_scoped3A : memref<!tpu.dma_semaphore, #tpu.memory_space<semaphore_mem>>)
      %dma_wait3A = arith.constant 0 : i32
      %dma_wait3A_29 = tpu.memref_slice %arg9[%add3A_16, %dma_wait3A] : memref<10112x128xf32, #tpu.memory_space<vmem_shared>> -> memref<128x128xf32, #tpu.memory_space<vmem_shared>>
      %dma_wait3A_30 = arith.constant 0 : i32
      %dma_wait3A_31 = tpu.memref_slice %arg9[%add3A_16, %dma_wait3A_30] : memref<10112x128xf32, #tpu.memory_space<vmem_shared>> -> memref<128x128xf32, #tpu.memory_space<vmem_shared>>
      tpu.wait_dma2 semaphore(%run_scoped3A : memref<!tpu.dma_semaphore, #tpu.memory_space<semaphore_mem>>) src(%arg8 : memref<128x128xf32, #tpu.memory_space<vmem>>) dst(%dma_wait3A_31 : memref<128x128xf32, #tpu.memory_space<vmem_shared>>)
      tpu.yield
    }) : () -> ()
    %add3A_17 = arith.constant 512 : i32
    %add3A_18 = arith.addi %mul3A_8, %add3A_17 : i32
    "tpu.region"() ({
      %run_scoped3A = tpu.sem_alloc : memref<!tpu.dma_semaphore, #tpu.memory_space<semaphore_mem>>
      %dma_start3A = arith.constant 0 : i32
      %dma_start3A_26 = arith.constant 0 : i32
      %dma_start3A_27 = tpu.memref_slice %arg8[%dma_start3A, %dma_start3A_26] : memref<128x128xf32, #tpu.memory_space<vmem>> -> memref<120x128xf32, #tpu.memory_space<vmem>>
      %dma_start3A_28 = arith.constant 0 : i32
      %dma_start3A_29 = tpu.memref_slice %arg9[%add3A_18, %dma_start3A_28] : memref<10112x128xf32, #tpu.memory_space<vmem_shared>> -> memref<120x128xf32, #tpu.memory_space<vmem_shared>>
      %dma_start3A_30 = arith.constant 0 : i32
      %dma_start3A_31 = tpu.memref_slice %arg9[%add3A_18, %dma_start3A_30] : memref<10112x128xf32, #tpu.memory_space<vmem_shared>> -> memref<120x128xf32, #tpu.memory_space<vmem_shared>>
      %dma_start3A_32 = arith.constant 0 : i32
      %dma_start3A_33 = arith.constant 0 : i32
      %dma_start3A_34 = tpu.memref_slice %arg8[%dma_start3A_32, %dma_start3A_33] : memref<128x128xf32, #tpu.memory_space<vmem>> -> memref<120x128xf32, #tpu.memory_space<vmem>>
      tpu.enqueue_dma source(%dma_start3A_34 : memref<120x128xf32, #tpu.memory_space<vmem>>) target(%dma_start3A_31 : memref<120x128xf32, #tpu.memory_space<vmem_shared>>) target_semaphore(%run_scoped3A : memref<!tpu.dma_semaphore, #tpu.memory_space<semaphore_mem>>)
      %dma_wait3A = arith.constant 0 : i32
      %dma_wait3A_35 = arith.constant 0 : i32
      %dma_wait3A_36 = tpu.memref_slice %arg8[%dma_wait3A, %dma_wait3A_35] : memref<128x128xf32, #tpu.memory_space<vmem>> -> memref<120x128xf32, #tpu.memory_space<vmem>>
      %dma_wait3A_37 = arith.constant 0 : i32
      %dma_wait3A_38 = tpu.memref_slice %arg9[%add3A_18, %dma_wait3A_37] : memref<10112x128xf32, #tpu.memory_space<vmem_shared>> -> memref<120x128xf32, #tpu.memory_space<vmem_shared>>
      %dma_wait3A_39 = arith.constant 0 : i32
      %dma_wait3A_40 = tpu.memref_slice %arg9[%add3A_18, %dma_wait3A_39] : memref<10112x128xf32, #tpu.memory_space<vmem_shared>> -> memref<120x128xf32, #tpu.memory_space<vmem_shared>>
      %dma_wait3A_41 = arith.constant 0 : i32
      %dma_wait3A_42 = arith.constant 0 : i32
      %dma_wait3A_43 = tpu.memref_slice %arg8[%dma_wait3A_41, %dma_wait3A_42] : memref<128x128xf32, #tpu.memory_space<vmem>> -> memref<120x128xf32, #tpu.memory_space<vmem>>
      tpu.wait_dma2 semaphore(%run_scoped3A : memref<!tpu.dma_semaphore, #tpu.memory_space<semaphore_mem>>) src(%dma_wait3A_43 : memref<120x128xf32, #tpu.memory_space<vmem>>) dst(%dma_wait3A_40 : memref<120x128xf32, #tpu.memory_space<vmem_shared>>)
      tpu.yield
    }) : () -> ()
    "tpu.region"() ({
      %run_scoped3A = tpu.sem_alloc : memref<!tpu.dma_semaphore, #tpu.memory_space<semaphore_mem>>
      %dma_start3A = arith.constant 0 : i32
      %dma_start3A_26 = arith.constant 0 : i32
      %dma_start3A_27 = tpu.memref_slice %arg3[%add3A, %dma_start3A, %dma_start3A_26] : memref<32x79x128xi32, #tpu.memory_space<hbm>> -> memref<1x79x128xi32, #tpu.memory_space<hbm>>
      %dma_start3A_28 = tpu.memref_squeeze %dma_start3A_27 : memref<1x79x128xi32, #tpu.memory_space<hbm>> -> memref<79x128xi32, #tpu.memory_space<hbm>>
      %dma_start3A_29 = arith.constant 0 : i32
      %dma_start3A_30 = arith.constant 0 : i32
      %dma_start3A_31 = tpu.memref_slice %arg3[%add3A, %dma_start3A_29, %dma_start3A_30] : memref<32x79x128xi32, #tpu.memory_space<hbm>> -> memref<1x79x128xi32, #tpu.memory_space<hbm>>
      %dma_start3A_32 = tpu.memref_squeeze %dma_start3A_31 : memref<1x79x128xi32, #tpu.memory_space<hbm>> -> memref<79x128xi32, #tpu.memory_space<hbm>>
      tpu.enqueue_dma source(%dma_start3A_32 : memref<79x128xi32, #tpu.memory_space<hbm>>) target(%arg6 : memref<79x128xi32, #tpu.memory_space<vmem>>) target_semaphore(%run_scoped3A : memref<!tpu.dma_semaphore, #tpu.memory_space<semaphore_mem>>)
      %dma_wait3A = arith.constant 0 : i32
      %dma_wait3A_33 = arith.constant 0 : i32
      %dma_wait3A_34 = tpu.memref_slice %arg3[%add3A, %dma_wait3A, %dma_wait3A_33] : memref<32x79x128xi32, #tpu.memory_space<hbm>> -> memref<1x79x128xi32, #tpu.memory_space<hbm>>
      %dma_wait3A_35 = tpu.memref_squeeze %dma_wait3A_34 : memref<1x79x128xi32, #tpu.memory_space<hbm>> -> memref<79x128xi32, #tpu.memory_space<hbm>>
      %dma_wait3A_36 = arith.constant 0 : i32
      %dma_wait3A_37 = arith.constant 0 : i32
      %dma_wait3A_38 = tpu.memref_slice %arg3[%add3A, %dma_wait3A_36, %dma_wait3A_37] : memref<32x79x128xi32, #tpu.memory_space<hbm>> -> memref<1x79x128xi32, #tpu.memory_space<hbm>>
      %dma_wait3A_39 = tpu.memref_squeeze %dma_wait3A_38 : memref<1x79x128xi32, #tpu.memory_space<hbm>> -> memref<79x128xi32, #tpu.memory_space<hbm>>
      tpu.wait_dma2 semaphore(%run_scoped3A : memref<!tpu.dma_semaphore, #tpu.memory_space<semaphore_mem>>) src(%dma_wait3A_39 : memref<79x128xi32, #tpu.memory_space<hbm>>) dst(%arg6 : memref<79x128xi32, #tpu.memory_space<vmem>>)
      tpu.yield
    }) : () -> ()
    "tpu.region"() ({
      %run_scoped3A = tpu.sem_alloc : memref<!tpu.dma_semaphore, #tpu.memory_space<semaphore_mem>>
      %dma_start3A = arith.constant 0 : i32
      %dma_start3A_26 = arith.constant 0 : i32
      %dma_start3A_27 = tpu.memref_slice %arg4[%add3A, %dma_start3A, %dma_start3A_26] : memref<32x79x128xi32, #tpu.memory_space<hbm>> -> memref<1x79x128xi32, #tpu.memory_space<hbm>>
      %dma_start3A_28 = tpu.memref_squeeze %dma_start3A_27 : memref<1x79x128xi32, #tpu.memory_space<hbm>> -> memref<79x128xi32, #tpu.memory_space<hbm>>
      %dma_start3A_29 = arith.constant 0 : i32
      %dma_start3A_30 = arith.constant 0 : i32
      %dma_start3A_31 = tpu.memref_slice %arg4[%add3A, %dma_start3A_29, %dma_start3A_30] : memref<32x79x128xi32, #tpu.memory_space<hbm>> -> memref<1x79x128xi32, #tpu.memory_space<hbm>>
      %dma_start3A_32 = tpu.memref_squeeze %dma_start3A_31 : memref<1x79x128xi32, #tpu.memory_space<hbm>> -> memref<79x128xi32, #tpu.memory_space<hbm>>
      tpu.enqueue_dma source(%dma_start3A_32 : memref<79x128xi32, #tpu.memory_space<hbm>>) target(%arg7 : memref<79x128xi32, #tpu.memory_space<vmem>>) target_semaphore(%run_scoped3A : memref<!tpu.dma_semaphore, #tpu.memory_space<semaphore_mem>>)
      %dma_wait3A = arith.constant 0 : i32
      %dma_wait3A_33 = arith.constant 0 : i32
      %dma_wait3A_34 = tpu.memref_slice %arg4[%add3A, %dma_wait3A, %dma_wait3A_33] : memref<32x79x128xi32, #tpu.memory_space<hbm>> -> memref<1x79x128xi32, #tpu.memory_space<hbm>>
      %dma_wait3A_35 = tpu.memref_squeeze %dma_wait3A_34 : memref<1x79x128xi32, #tpu.memory_space<hbm>> -> memref<79x128xi32, #tpu.memory_space<hbm>>
      %dma_wait3A_36 = arith.constant 0 : i32
      %dma_wait3A_37 = arith.constant 0 : i32
      %dma_wait3A_38 = tpu.memref_slice %arg4[%add3A, %dma_wait3A_36, %dma_wait3A_37] : memref<32x79x128xi32, #tpu.memory_space<hbm>> -> memref<1x79x128xi32, #tpu.memory_space<hbm>>
      %dma_wait3A_39 = tpu.memref_squeeze %dma_wait3A_38 : memref<1x79x128xi32, #tpu.memory_space<hbm>> -> memref<79x128xi32, #tpu.memory_space<hbm>>
      tpu.wait_dma2 semaphore(%run_scoped3A : memref<!tpu.dma_semaphore, #tpu.memory_space<semaphore_mem>>) src(%dma_wait3A_39 : memref<79x128xi32, #tpu.memory_space<hbm>>) dst(%arg7 : memref<79x128xi32, #tpu.memory_space<vmem>>)
      tpu.yield
    }) : () -> ()
    %barrier3A = arith.constant 0 : index
    tpu.barrier barrier_id(%barrier3A)
    %scan3A_19 = arith.constant 0 : i32
    %scan3A_20 = arith.constant 0 : i32
    %scan3A_21 = arith.constant 79 : i32
    %scan3A_22 = arith.addi %scan3A_20, %scan3A_21 : i32
    %scan3A_23 = arith.constant 1 : i32
    scf.for %scan3A_26 = %scan3A_20 to %scan3A_22 step %scan3A_23  : i32 {
      %dma_start3A = arith.constant 0 : i32
      %dma_start3A_27 = tpu.memref_slice %arg6[%scan3A_26, %dma_start3A] : memref<79x128xi32, #tpu.memory_space<vmem>> -> memref<1x128xi32, #tpu.memory_space<vmem>>
      %dma_start3A_28 = tpu.memref_squeeze %dma_start3A_27 : memref<1x128xi32, #tpu.memory_space<vmem>> -> memref<128xi32, #tpu.memory_space<vmem>>
      %dma_start3A_29 = arith.constant 0 : i32
      %dma_start3A_30 = arith.constant 0 : i32
      %dma_start3A_31 = tpu.memref_slice %arg2[%dma_start3A_29, %dma_start3A_30] : memref<80000x128xf32, #tpu.memory_space<hbm>> -> memref<80000x128xf32, #tpu.memory_space<hbm>>
      tpu.enqueue_indirect_dma source(%dma_start3A_31 : memref<80000x128xf32, #tpu.memory_space<hbm>>) target(%arg8 : memref<128x128xf32, #tpu.memory_space<vmem>>) offsets(%dma_start3A_28 : memref<128xi32, #tpu.memory_space<vmem>>) semaphore(%arg10 : memref<!tpu.dma_semaphore, #tpu.memory_space<semaphore_mem>>)
      %dma_wait3A = arith.constant 0 : i32
      %dma_wait3A_32 = tpu.memref_slice %arg6[%scan3A_26, %dma_wait3A] : memref<79x128xi32, #tpu.memory_space<vmem>> -> memref<1x128xi32, #tpu.memory_space<vmem>>
      %dma_wait3A_33 = tpu.memref_squeeze %dma_wait3A_32 : memref<1x128xi32, #tpu.memory_space<vmem>> -> memref<128xi32, #tpu.memory_space<vmem>>
      %dma_wait3A_34 = arith.constant 0 : i32
      %dma_wait3A_35 = arith.constant 0 : i32
      %dma_wait3A_36 = tpu.memref_slice %arg2[%dma_wait3A_34, %dma_wait3A_35] : memref<80000x128xf32, #tpu.memory_space<hbm>> -> memref<80000x128xf32, #tpu.memory_space<hbm>>
      tpu.wait_indirect_dma semaphore(%arg10 : memref<!tpu.dma_semaphore, #tpu.memory_space<semaphore_mem>>) src(%dma_wait3A_36 : memref<80000x128xf32, #tpu.memory_space<hbm>>) dst(%arg8 : memref<128x128xf32, #tpu.memory_space<vmem>>)
      "tpu.region"() ({
        %run_scoped3A = tpu.sem_alloc : memref<!tpu.dma_semaphore, #tpu.memory_space<semaphore_mem>>
        %dma_start3A_37 = arith.constant 0 : i32
        %dma_start3A_38 = tpu.memref_slice %arg7[%scan3A_26, %dma_start3A_37] : memref<79x128xi32, #tpu.memory_space<vmem>> -> memref<1x128xi32, #tpu.memory_space<vmem>>
        %dma_start3A_39 = tpu.memref_squeeze %dma_start3A_38 : memref<1x128xi32, #tpu.memory_space<vmem>> -> memref<128xi32, #tpu.memory_space<vmem>>
        %dma_start3A_40 = arith.constant 0 : i32
        %dma_start3A_41 = arith.constant 0 : i32
        %dma_start3A_42 = tpu.memref_slice %arg9[%dma_start3A_40, %dma_start3A_41] : memref<10112x128xf32, #tpu.memory_space<vmem_shared>> -> memref<10112x128xf32, #tpu.memory_space<vmem_shared>>
        tpu.enqueue_indirect_dma source(%arg8 : memref<128x128xf32, #tpu.memory_space<vmem>>) target(%dma_start3A_42 : memref<10112x128xf32, #tpu.memory_space<vmem_shared>>) offsets(%dma_start3A_39 : memref<128xi32, #tpu.memory_space<vmem>>) semaphore(%run_scoped3A : memref<!tpu.dma_semaphore, #tpu.memory_space<semaphore_mem>>) {add = true}
        %dma_wait3A_43 = arith.constant 0 : i32
        %dma_wait3A_44 = tpu.memref_slice %arg7[%scan3A_26, %dma_wait3A_43] : memref<79x128xi32, #tpu.memory_space<vmem>> -> memref<1x128xi32, #tpu.memory_space<vmem>>
        %dma_wait3A_45 = tpu.memref_squeeze %dma_wait3A_44 : memref<1x128xi32, #tpu.memory_space<vmem>> -> memref<128xi32, #tpu.memory_space<vmem>>
        %dma_wait3A_46 = arith.constant 0 : i32
        %dma_wait3A_47 = arith.constant 0 : i32
        %dma_wait3A_48 = tpu.memref_slice %arg9[%dma_wait3A_46, %dma_wait3A_47] : memref<10112x128xf32, #tpu.memory_space<vmem_shared>> -> memref<10112x128xf32, #tpu.memory_space<vmem_shared>>
        tpu.wait_indirect_dma semaphore(%run_scoped3A : memref<!tpu.dma_semaphore, #tpu.memory_space<semaphore_mem>>) src(%arg8 : memref<128x128xf32, #tpu.memory_space<vmem>>) dst(%dma_wait3A_48 : memref<10112x128xf32, #tpu.memory_space<vmem_shared>>)
        tpu.yield
      }) : () -> ()
    }
    %scan3A_24 = arith.constant 79 : i32
    %barrier3A_25 = arith.constant 0 : index
    tpu.barrier barrier_id(%barrier3A_25)
    "tpu.region"() ({
      %run_scoped3A = tpu.sem_alloc : memref<!tpu.dma_semaphore, #tpu.memory_space<semaphore_mem>>
      %dma_start3A = arith.constant 0 : i32
      %dma_start3A_26 = tpu.memref_slice %arg5[%arg0, %mul3A_8, %dma_start3A] : memref<2x10112x128xf32, #tpu.memory_space<hbm>> -> memref<1x632x128xf32, #tpu.memory_space<hbm>>
      %dma_start3A_27 = tpu.memref_squeeze %dma_start3A_26 : memref<1x632x128xf32, #tpu.memory_space<hbm>> -> memref<632x128xf32, #tpu.memory_space<hbm>>
      %dma_start3A_28 = arith.constant 0 : i32
      %dma_start3A_29 = tpu.memref_slice %arg9[%mul3A_8, %dma_start3A_28] : memref<10112x128xf32, #tpu.memory_space<vmem_shared>> -> memref<632x128xf32, #tpu.memory_space<vmem_shared>>
      tpu.enqueue_dma source(%dma_start3A_29 : memref<632x128xf32, #tpu.memory_space<vmem_shared>>) target(%dma_start3A_27 : memref<632x128xf32, #tpu.memory_space<hbm>>) target_semaphore(%run_scoped3A : memref<!tpu.dma_semaphore, #tpu.memory_space<semaphore_mem>>)
      %dma_wait3A = arith.constant 0 : i32
      %dma_wait3A_30 = tpu.memref_slice %arg5[%arg0, %mul3A_8, %dma_wait3A] : memref<2x10112x128xf32, #tpu.memory_space<hbm>> -> memref<1x632x128xf32, #tpu.memory_space<hbm>>
      %dma_wait3A_31 = tpu.memref_squeeze %dma_wait3A_30 : memref<1x632x128xf32, #tpu.memory_space<hbm>> -> memref<632x128xf32, #tpu.memory_space<hbm>>
      %dma_wait3A_32 = arith.constant 0 : i32
      %dma_wait3A_33 = tpu.memref_slice %arg9[%mul3A_8, %dma_wait3A_32] : memref<10112x128xf32, #tpu.memory_space<vmem_shared>> -> memref<632x128xf32, #tpu.memory_space<vmem_shared>>
      tpu.wait_dma2 semaphore(%run_scoped3A : memref<!tpu.dma_semaphore, #tpu.memory_space<semaphore_mem>>) src(%dma_wait3A_33 : memref<632x128xf32, #tpu.memory_space<vmem_shared>>) dst(%dma_wait3A_31 : memref<632x128xf32, #tpu.memory_space<hbm>>)
      tpu.yield
    }) : () -> ()
    return
  }
}

#map = affine_map<(d0, d1) -> (0, 0)>
#map1 = affine_map<(d0, d1) -> (0, 0, 0)>
module attributes {stable_mosaic.version = 14 : i64} {
  func.func @gs(%arg0: i32, %arg1: i32, %arg2: memref<10000x128xf32, #tpu.memory_space<hbm>>, %arg3: memref<32x79x128xi32, #tpu.memory_space<hbm>>, %arg4: memref<32x79x128xi32, #tpu.memory_space<hbm>>, %arg5: memref<2x10112x128xf32, #tpu.memory_space<hbm>>, %arg6: memref<79x128xi32, #tpu.memory_space<vmem>>, %arg7: memref<79x128xi32, #tpu.memory_space<vmem>>, %arg8: memref<128x128xf32, #tpu.memory_space<vmem>>, %arg9: memref<10112x128xf32, #tpu.memory_space<vmem_shared>>, %arg10: memref<!tpu.dma_semaphore, #tpu.memory_space<semaphore_mem>>) attributes {dimension_semantics = [#tpu.dimension_semantics<core_parallel>, #tpu.dimension_semantics<subcore_parallel>], iteration_bounds = array<i64: 2, 16>, scalar_prefetch = 0 : i64, scratch_operands = 5 : i64, tpu.core_type = #tpu.core_type<sc_vector_subcore>, window_params = [{transform_indices = #map}, {transform_indices = #map1}, {transform_indices = #map1}, {transform_indices = #map1}]} {
    %mul3A = arith.constant 16 : i32
    %mul3A_0 = arith.muli %arg0, %mul3A : i32
    %add3A = arith.addi %mul3A_0, %arg1 : i32
    %broadcast_in_dim3A = arith.constant 0.000000e+00 : f32
    %broadcast_in_dim3A_1 = vector.broadcast %broadcast_in_dim3A : f32 to vector<16xf32>
    %scan3A = arith.constant 0 : i32
    %scan3A_2 = arith.constant 0 : i32
    %scan3A_3 = arith.constant 128 : i32
    %scan3A_4 = arith.addi %scan3A_2, %scan3A_3 : i32
    %scan3A_5 = arith.constant 1 : i32
    scf.for %scan3A_26 = %scan3A_2 to %scan3A_4 step %scan3A_5  : i32 {
      %swap3A = arith.index_cast %scan3A_26 : i32 to index
      %swap3A_27 = arith.constant 0 : index
      %swap3A_28 = tpu.vector_load %arg8[%swap3A, %swap3A_27] {strides = array<i32>} : memref<128x128xf32, #tpu.memory_space<vmem>>, vector<1x16xf32>,
      %swap3A_29 = vector.shape_cast %swap3A_28 : vector<1x16xf32> to vector<16xf32>
      %swap3A_30 = vector.shape_cast %broadcast_in_dim3A_1 : vector<16xf32> to vector<1x16xf32>
      tpu.vector_store %arg8[%swap3A, %swap3A_27], %swap3A_30 {strides = array<i32>} : memref<128x128xf32, #tpu.memory_space<vmem>>, vector<1x16xf32>,
      %swap3A_31 = arith.index_cast %scan3A_26 : i32 to index
      %swap3A_32 = arith.constant 16 : index
      %swap3A_33 = tpu.vector_load %arg8[%swap3A_31, %swap3A_32] {strides = array<i32>} : memref<128x128xf32, #tpu.memory_space<vmem>>, vector<1x16xf32>,
      %swap3A_34 = vector.shape_cast %swap3A_33 : vector<1x16xf32> to vector<16xf32>
      %swap3A_35 = vector.shape_cast %broadcast_in_dim3A_1 : vector<16xf32> to vector<1x16xf32>
      tpu.vector_store %arg8[%swap3A_31, %swap3A_32], %swap3A_35 {strides = array<i32>} : memref<128x128xf32, #tpu.memory_space<vmem>>, vector<1x16xf32>,
      %swap3A_36 = arith.index_cast %scan3A_26 : i32 to index
      %swap3A_37 = arith.constant 32 : index
      %swap3A_38 = tpu.vector_load %arg8[%swap3A_36, %swap3A_37] {strides = array<i32>} : memref<128x128xf32, #tpu.memory_space<vmem>>, vector<1x16xf32>,
      %swap3A_39 = vector.shape_cast %swap3A_38 : vector<1x16xf32> to vector<16xf32>
      %swap3A_40 = vector.shape_cast %broadcast_in_dim3A_1 : vector<16xf32> to vector<1x16xf32>
      tpu.vector_store %arg8[%swap3A_36, %swap3A_37], %swap3A_40 {strides = array<i32>} : memref<128x128xf32, #tpu.memory_space<vmem>>, vector<1x16xf32>,
      %swap3A_41 = arith.index_cast %scan3A_26 : i32 to index
      %swap3A_42 = arith.constant 48 : index
      %swap3A_43 = tpu.vector_load %arg8[%swap3A_41, %swap3A_42] {strides = array<i32>} : memref<128x128xf32, #tpu.memory_space<vmem>>, vector<1x16xf32>,
      %swap3A_44 = vector.shape_cast %swap3A_43 : vector<1x16xf32> to vector<16xf32>
      %swap3A_45 = vector.shape_cast %broadcast_in_dim3A_1 : vector<16xf32> to vector<1x16xf32>
      tpu.vector_store %arg8[%swap3A_41, %swap3A_42], %swap3A_45 {strides = array<i32>} : memref<128x128xf32, #tpu.memory_space<vmem>>, vector<1x16xf32>,
      %swap3A_46 = arith.index_cast %scan3A_26 : i32 to index
      %swap3A_47 = arith.constant 64 : index
      %swap3A_48 = tpu.vector_load %arg8[%swap3A_46, %swap3A_47] {strides = array<i32>} : memref<128x128xf32, #tpu.memory_space<vmem>>, vector<1x16xf32>,
      %swap3A_49 = vector.shape_cast %swap3A_48 : vector<1x16xf32> to vector<16xf32>
      %swap3A_50 = vector.shape_cast %broadcast_in_dim3A_1 : vector<16xf32> to vector<1x16xf32>
      tpu.vector_store %arg8[%swap3A_46, %swap3A_47], %swap3A_50 {strides = array<i32>} : memref<128x128xf32, #tpu.memory_space<vmem>>, vector<1x16xf32>,
      %swap3A_51 = arith.index_cast %scan3A_26 : i32 to index
      %swap3A_52 = arith.constant 80 : index
      %swap3A_53 = tpu.vector_load %arg8[%swap3A_51, %swap3A_52] {strides = array<i32>} : memref<128x128xf32, #tpu.memory_space<vmem>>, vector<1x16xf32>,
      %swap3A_54 = vector.shape_cast %swap3A_53 : vector<1x16xf32> to vector<16xf32>
      %swap3A_55 = vector.shape_cast %broadcast_in_dim3A_1 : vector<16xf32> to vector<1x16xf32>
      tpu.vector_store %arg8[%swap3A_51, %swap3A_52], %swap3A_55 {strides = array<i32>} : memref<128x128xf32, #tpu.memory_space<vmem>>, vector<1x16xf32>,
      %swap3A_56 = arith.index_cast %scan3A_26 : i32 to index
      %swap3A_57 = arith.constant 96 : index
      %swap3A_58 = tpu.vector_load %arg8[%swap3A_56, %swap3A_57] {strides = array<i32>} : memref<128x128xf32, #tpu.memory_space<vmem>>, vector<1x16xf32>,
      %swap3A_59 = vector.shape_cast %swap3A_58 : vector<1x16xf32> to vector<16xf32>
      %swap3A_60 = vector.shape_cast %broadcast_in_dim3A_1 : vector<16xf32> to vector<1x16xf32>
      tpu.vector_store %arg8[%swap3A_56, %swap3A_57], %swap3A_60 {strides = array<i32>} : memref<128x128xf32, #tpu.memory_space<vmem>>, vector<1x16xf32>,
      %swap3A_61 = arith.index_cast %scan3A_26 : i32 to index
      %swap3A_62 = arith.constant 112 : index
      %swap3A_63 = tpu.vector_load %arg8[%swap3A_61, %swap3A_62] {strides = array<i32>} : memref<128x128xf32, #tpu.memory_space<vmem>>, vector<1x16xf32>,
      %swap3A_64 = vector.shape_cast %swap3A_63 : vector<1x16xf32> to vector<16xf32>
      %swap3A_65 = vector.shape_cast %broadcast_in_dim3A_1 : vector<16xf32> to vector<1x16xf32>
      tpu.vector_store %arg8[%swap3A_61, %swap3A_62], %swap3A_65 {strides = array<i32>} : memref<128x128xf32, #tpu.memory_space<vmem>>, vector<1x16xf32>,
    }
    %scan3A_6 = arith.constant 128 : i32
    %mul3A_7 = arith.constant 632 : i32
    %mul3A_8 = arith.muli %arg1, %mul3A_7 : i32
    %add3A_9 = arith.constant 0 : i32
    %add3A_10 = arith.addi %mul3A_8, %add3A_9 : i32
    "tpu.region"() ({
      %run_scoped3A = tpu.sem_alloc : memref<!tpu.dma_semaphore, #tpu.memory_space<semaphore_mem>>
      %dma_start3A = arith.constant 0 : i32
      %dma_start3A_26 = tpu.memref_slice %arg9[%add3A_10, %dma_start3A] : memref<10112x128xf32, #tpu.memory_space<vmem_shared>> -> memref<128x128xf32, #tpu.memory_space<vmem_shared>>
      %dma_start3A_27 = arith.constant 0 : i32
      %dma_start3A_28 = tpu.memref_slice %arg9[%add3A_10, %dma_start3A_27] : memref<10112x128xf32, #tpu.memory_space<vmem_shared>> -> memref<128x128xf32, #tpu.memory_space<vmem_shared>>
      tpu.enqueue_dma source(%arg8 : memref<128x128xf32, #tpu.memory_space<vmem>>) target(%dma_start3A_28 : memref<128x128xf32, #tpu.memory_space<vmem_shared>>) target_semaphore(%run_scoped3A : memref<!tpu.dma_semaphore, #tpu.memory_space<semaphore_mem>>)
      %dma_wait3A = arith.constant 0 : i32
      %dma_wait3A_29 = tpu.memref_slice %arg9[%add3A_10, %dma_wait3A] : memref<10112x128xf32, #tpu.memory_space<vmem_shared>> -> memref<128x128xf32, #tpu.memory_space<vmem_shared>>
      %dma_wait3A_30 = arith.constant 0 : i32
      %dma_wait3A_31 = tpu.memref_slice %arg9[%add3A_10, %dma_wait3A_30] : memref<10112x128xf32, #tpu.memory_space<vmem_shared>> -> memref<128x128xf32, #tpu.memory_space<vmem_shared>>
      tpu.wait_dma2 semaphore(%run_scoped3A : memref<!tpu.dma_semaphore, #tpu.memory_space<semaphore_mem>>) src(%arg8 : memref<128x128xf32, #tpu.memory_space<vmem>>) dst(%dma_wait3A_31 : memref<128x128xf32, #tpu.memory_space<vmem_shared>>)
      tpu.yield
    }) : () -> ()
    %add3A_11 = arith.constant 128 : i32
    %add3A_12 = arith.addi %mul3A_8, %add3A_11 : i32
    "tpu.region"() ({
      %run_scoped3A = tpu.sem_alloc : memref<!tpu.dma_semaphore, #tpu.memory_space<semaphore_mem>>
      %dma_start3A = arith.constant 0 : i32
      %dma_start3A_26 = tpu.memref_slice %arg9[%add3A_12, %dma_start3A] : memref<10112x128xf32, #tpu.memory_space<vmem_shared>> -> memref<128x128xf32, #tpu.memory_space<vmem_shared>>
      %dma_start3A_27 = arith.constant 0 : i32
      %dma_start3A_28 = tpu.memref_slice %arg9[%add3A_12, %dma_start3A_27] : memref<10112x128xf32, #tpu.memory_space<vmem_shared>> -> memref<128x128xf32, #tpu.memory_space<vmem_shared>>
      tpu.enqueue_dma source(%arg8 : memref<128x128xf32, #tpu.memory_space<vmem>>) target(%dma_start3A_28 : memref<128x128xf32, #tpu.memory_space<vmem_shared>>) target_semaphore(%run_scoped3A : memref<!tpu.dma_semaphore, #tpu.memory_space<semaphore_mem>>)
      %dma_wait3A = arith.constant 0 : i32
      %dma_wait3A_29 = tpu.memref_slice %arg9[%add3A_12, %dma_wait3A] : memref<10112x128xf32, #tpu.memory_space<vmem_shared>> -> memref<128x128xf32, #tpu.memory_space<vmem_shared>>
      %dma_wait3A_30 = arith.constant 0 : i32
      %dma_wait3A_31 = tpu.memref_slice %arg9[%add3A_12, %dma_wait3A_30] : memref<10112x128xf32, #tpu.memory_space<vmem_shared>> -> memref<128x128xf32, #tpu.memory_space<vmem_shared>>
      tpu.wait_dma2 semaphore(%run_scoped3A : memref<!tpu.dma_semaphore, #tpu.memory_space<semaphore_mem>>) src(%arg8 : memref<128x128xf32, #tpu.memory_space<vmem>>) dst(%dma_wait3A_31 : memref<128x128xf32, #tpu.memory_space<vmem_shared>>)
      tpu.yield
    }) : () -> ()
    %add3A_13 = arith.constant 256 : i32
    %add3A_14 = arith.addi %mul3A_8, %add3A_13 : i32
    "tpu.region"() ({
      %run_scoped3A = tpu.sem_alloc : memref<!tpu.dma_semaphore, #tpu.memory_space<semaphore_mem>>
      %dma_start3A = arith.constant 0 : i32
      %dma_start3A_26 = tpu.memref_slice %arg9[%add3A_14, %dma_start3A] : memref<10112x128xf32, #tpu.memory_space<vmem_shared>> -> memref<128x128xf32, #tpu.memory_space<vmem_shared>>
      %dma_start3A_27 = arith.constant 0 : i32
      %dma_start3A_28 = tpu.memref_slice %arg9[%add3A_14, %dma_start3A_27] : memref<10112x128xf32, #tpu.memory_space<vmem_shared>> -> memref<128x128xf32, #tpu.memory_space<vmem_shared>>
      tpu.enqueue_dma source(%arg8 : memref<128x128xf32, #tpu.memory_space<vmem>>) target(%dma_start3A_28 : memref<128x128xf32, #tpu.memory_space<vmem_shared>>) target_semaphore(%run_scoped3A : memref<!tpu.dma_semaphore, #tpu.memory_space<semaphore_mem>>)
      %dma_wait3A = arith.constant 0 : i32
      %dma_wait3A_29 = tpu.memref_slice %arg9[%add3A_14, %dma_wait3A] : memref<10112x128xf32, #tpu.memory_space<vmem_shared>> -> memref<128x128xf32, #tpu.memory_space<vmem_shared>>
      %dma_wait3A_30 = arith.constant 0 : i32
      %dma_wait3A_31 = tpu.memref_slice %arg9[%add3A_14, %dma_wait3A_30] : memref<10112x128xf32, #tpu.memory_space<vmem_shared>> -> memref<128x128xf32, #tpu.memory_space<vmem_shared>>
      tpu.wait_dma2 semaphore(%run_scoped3A : memref<!tpu.dma_semaphore, #tpu.memory_space<semaphore_mem>>) src(%arg8 : memref<128x128xf32, #tpu.memory_space<vmem>>) dst(%dma_wait3A_31 : memref<128x128xf32, #tpu.memory_space<vmem_shared>>)
      tpu.yield
    }) : () -> ()
    %add3A_15 = arith.constant 384 : i32
    %add3A_16 = arith.addi %mul3A_8, %add3A_15 : i32
    "tpu.region"() ({
      %run_scoped3A = tpu.sem_alloc : memref<!tpu.dma_semaphore, #tpu.memory_space<semaphore_mem>>
      %dma_start3A = arith.constant 0 : i32
      %dma_start3A_26 = tpu.memref_slice %arg9[%add3A_16, %dma_start3A] : memref<10112x128xf32, #tpu.memory_space<vmem_shared>> -> memref<128x128xf32, #tpu.memory_space<vmem_shared>>
      %dma_start3A_27 = arith.constant 0 : i32
      %dma_start3A_28 = tpu.memref_slice %arg9[%add3A_16, %dma_start3A_27] : memref<10112x128xf32, #tpu.memory_space<vmem_shared>> -> memref<128x128xf32, #tpu.memory_space<vmem_shared>>
      tpu.enqueue_dma source(%arg8 : memref<128x128xf32, #tpu.memory_space<vmem>>) target(%dma_start3A_28 : memref<128x128xf32, #tpu.memory_space<vmem_shared>>) target_semaphore(%run_scoped3A : memref<!tpu.dma_semaphore, #tpu.memory_space<semaphore_mem>>)
      %dma_wait3A = arith.constant 0 : i32
      %dma_wait3A_29 = tpu.memref_slice %arg9[%add3A_16, %dma_wait3A] : memref<10112x128xf32, #tpu.memory_space<vmem_shared>> -> memref<128x128xf32, #tpu.memory_space<vmem_shared>>
      %dma_wait3A_30 = arith.constant 0 : i32
      %dma_wait3A_31 = tpu.memref_slice %arg9[%add3A_16, %dma_wait3A_30] : memref<10112x128xf32, #tpu.memory_space<vmem_shared>> -> memref<128x128xf32, #tpu.memory_space<vmem_shared>>
      tpu.wait_dma2 semaphore(%run_scoped3A : memref<!tpu.dma_semaphore, #tpu.memory_space<semaphore_mem>>) src(%arg8 : memref<128x128xf32, #tpu.memory_space<vmem>>) dst(%dma_wait3A_31 : memref<128x128xf32, #tpu.memory_space<vmem_shared>>)
      tpu.yield
    }) : () -> ()
    %add3A_17 = arith.constant 512 : i32
    %add3A_18 = arith.addi %mul3A_8, %add3A_17 : i32
    "tpu.region"() ({
      %run_scoped3A = tpu.sem_alloc : memref<!tpu.dma_semaphore, #tpu.memory_space<semaphore_mem>>
      %dma_start3A = arith.constant 0 : i32
      %dma_start3A_26 = arith.constant 0 : i32
      %dma_start3A_27 = tpu.memref_slice %arg8[%dma_start3A, %dma_start3A_26] : memref<128x128xf32, #tpu.memory_space<vmem>> -> memref<120x128xf32, #tpu.memory_space<vmem>>
      %dma_start3A_28 = arith.constant 0 : i32
      %dma_start3A_29 = tpu.memref_slice %arg9[%add3A_18, %dma_start3A_28] : memref<10112x128xf32, #tpu.memory_space<vmem_shared>> -> memref<120x128xf32, #tpu.memory_space<vmem_shared>>
      %dma_start3A_30 = arith.constant 0 : i32
      %dma_start3A_31 = tpu.memref_slice %arg9[%add3A_18, %dma_start3A_30] : memref<10112x128xf32, #tpu.memory_space<vmem_shared>> -> memref<120x128xf32, #tpu.memory_space<vmem_shared>>
      %dma_start3A_32 = arith.constant 0 : i32
      %dma_start3A_33 = arith.constant 0 : i32
      %dma_start3A_34 = tpu.memref_slice %arg8[%dma_start3A_32, %dma_start3A_33] : memref<128x128xf32, #tpu.memory_space<vmem>> -> memref<120x128xf32, #tpu.memory_space<vmem>>
      tpu.enqueue_dma source(%dma_start3A_34 : memref<120x128xf32, #tpu.memory_space<vmem>>) target(%dma_start3A_31 : memref<120x128xf32, #tpu.memory_space<vmem_shared>>) target_semaphore(%run_scoped3A : memref<!tpu.dma_semaphore, #tpu.memory_space<semaphore_mem>>)
      %dma_wait3A = arith.constant 0 : i32
      %dma_wait3A_35 = arith.constant 0 : i32
      %dma_wait3A_36 = tpu.memref_slice %arg8[%dma_wait3A, %dma_wait3A_35] : memref<128x128xf32, #tpu.memory_space<vmem>> -> memref<120x128xf32, #tpu.memory_space<vmem>>
      %dma_wait3A_37 = arith.constant 0 : i32
      %dma_wait3A_38 = tpu.memref_slice %arg9[%add3A_18, %dma_wait3A_37] : memref<10112x128xf32, #tpu.memory_space<vmem_shared>> -> memref<120x128xf32, #tpu.memory_space<vmem_shared>>
      %dma_wait3A_39 = arith.constant 0 : i32
      %dma_wait3A_40 = tpu.memref_slice %arg9[%add3A_18, %dma_wait3A_39] : memref<10112x128xf32, #tpu.memory_space<vmem_shared>> -> memref<120x128xf32, #tpu.memory_space<vmem_shared>>
      %dma_wait3A_41 = arith.constant 0 : i32
      %dma_wait3A_42 = arith.constant 0 : i32
      %dma_wait3A_43 = tpu.memref_slice %arg8[%dma_wait3A_41, %dma_wait3A_42] : memref<128x128xf32, #tpu.memory_space<vmem>> -> memref<120x128xf32, #tpu.memory_space<vmem>>
      tpu.wait_dma2 semaphore(%run_scoped3A : memref<!tpu.dma_semaphore, #tpu.memory_space<semaphore_mem>>) src(%dma_wait3A_43 : memref<120x128xf32, #tpu.memory_space<vmem>>) dst(%dma_wait3A_40 : memref<120x128xf32, #tpu.memory_space<vmem_shared>>)
      tpu.yield
    }) : () -> ()
    "tpu.region"() ({
      %run_scoped3A = tpu.sem_alloc : memref<!tpu.dma_semaphore, #tpu.memory_space<semaphore_mem>>
      %dma_start3A = arith.constant 0 : i32
      %dma_start3A_26 = arith.constant 0 : i32
      %dma_start3A_27 = tpu.memref_slice %arg3[%add3A, %dma_start3A, %dma_start3A_26] : memref<32x79x128xi32, #tpu.memory_space<hbm>> -> memref<1x79x128xi32, #tpu.memory_space<hbm>>
      %dma_start3A_28 = tpu.memref_squeeze %dma_start3A_27 : memref<1x79x128xi32, #tpu.memory_space<hbm>> -> memref<79x128xi32, #tpu.memory_space<hbm>>
      %dma_start3A_29 = arith.constant 0 : i32
      %dma_start3A_30 = arith.constant 0 : i32
      %dma_start3A_31 = tpu.memref_slice %arg3[%add3A, %dma_start3A_29, %dma_start3A_30] : memref<32x79x128xi32, #tpu.memory_space<hbm>> -> memref<1x79x128xi32, #tpu.memory_space<hbm>>
      %dma_start3A_32 = tpu.memref_squeeze %dma_start3A_31 : memref<1x79x128xi32, #tpu.memory_space<hbm>> -> memref<79x128xi32, #tpu.memory_space<hbm>>
      tpu.enqueue_dma source(%dma_start3A_32 : memref<79x128xi32, #tpu.memory_space<hbm>>) target(%arg6 : memref<79x128xi32, #tpu.memory_space<vmem>>) target_semaphore(%run_scoped3A : memref<!tpu.dma_semaphore, #tpu.memory_space<semaphore_mem>>)
      %dma_wait3A = arith.constant 0 : i32
      %dma_wait3A_33 = arith.constant 0 : i32
      %dma_wait3A_34 = tpu.memref_slice %arg3[%add3A, %dma_wait3A, %dma_wait3A_33] : memref<32x79x128xi32, #tpu.memory_space<hbm>> -> memref<1x79x128xi32, #tpu.memory_space<hbm>>
      %dma_wait3A_35 = tpu.memref_squeeze %dma_wait3A_34 : memref<1x79x128xi32, #tpu.memory_space<hbm>> -> memref<79x128xi32, #tpu.memory_space<hbm>>
      %dma_wait3A_36 = arith.constant 0 : i32
      %dma_wait3A_37 = arith.constant 0 : i32
      %dma_wait3A_38 = tpu.memref_slice %arg3[%add3A, %dma_wait3A_36, %dma_wait3A_37] : memref<32x79x128xi32, #tpu.memory_space<hbm>> -> memref<1x79x128xi32, #tpu.memory_space<hbm>>
      %dma_wait3A_39 = tpu.memref_squeeze %dma_wait3A_38 : memref<1x79x128xi32, #tpu.memory_space<hbm>> -> memref<79x128xi32, #tpu.memory_space<hbm>>
      tpu.wait_dma2 semaphore(%run_scoped3A : memref<!tpu.dma_semaphore, #tpu.memory_space<semaphore_mem>>) src(%dma_wait3A_39 : memref<79x128xi32, #tpu.memory_space<hbm>>) dst(%arg6 : memref<79x128xi32, #tpu.memory_space<vmem>>)
      tpu.yield
    }) : () -> ()
    "tpu.region"() ({
      %run_scoped3A = tpu.sem_alloc : memref<!tpu.dma_semaphore, #tpu.memory_space<semaphore_mem>>
      %dma_start3A = arith.constant 0 : i32
      %dma_start3A_26 = arith.constant 0 : i32
      %dma_start3A_27 = tpu.memref_slice %arg4[%add3A, %dma_start3A, %dma_start3A_26] : memref<32x79x128xi32, #tpu.memory_space<hbm>> -> memref<1x79x128xi32, #tpu.memory_space<hbm>>
      %dma_start3A_28 = tpu.memref_squeeze %dma_start3A_27 : memref<1x79x128xi32, #tpu.memory_space<hbm>> -> memref<79x128xi32, #tpu.memory_space<hbm>>
      %dma_start3A_29 = arith.constant 0 : i32
      %dma_start3A_30 = arith.constant 0 : i32
      %dma_start3A_31 = tpu.memref_slice %arg4[%add3A, %dma_start3A_29, %dma_start3A_30] : memref<32x79x128xi32, #tpu.memory_space<hbm>> -> memref<1x79x128xi32, #tpu.memory_space<hbm>>
      %dma_start3A_32 = tpu.memref_squeeze %dma_start3A_31 : memref<1x79x128xi32, #tpu.memory_space<hbm>> -> memref<79x128xi32, #tpu.memory_space<hbm>>
      tpu.enqueue_dma source(%dma_start3A_32 : memref<79x128xi32, #tpu.memory_space<hbm>>) target(%arg7 : memref<79x128xi32, #tpu.memory_space<vmem>>) target_semaphore(%run_scoped3A : memref<!tpu.dma_semaphore, #tpu.memory_space<semaphore_mem>>)
      %dma_wait3A = arith.constant 0 : i32
      %dma_wait3A_33 = arith.constant 0 : i32
      %dma_wait3A_34 = tpu.memref_slice %arg4[%add3A, %dma_wait3A, %dma_wait3A_33] : memref<32x79x128xi32, #tpu.memory_space<hbm>> -> memref<1x79x128xi32, #tpu.memory_space<hbm>>
      %dma_wait3A_35 = tpu.memref_squeeze %dma_wait3A_34 : memref<1x79x128xi32, #tpu.memory_space<hbm>> -> memref<79x128xi32, #tpu.memory_space<hbm>>
      %dma_wait3A_36 = arith.constant 0 : i32
      %dma_wait3A_37 = arith.constant 0 : i32
      %dma_wait3A_38 = tpu.memref_slice %arg4[%add3A, %dma_wait3A_36, %dma_wait3A_37] : memref<32x79x128xi32, #tpu.memory_space<hbm>> -> memref<1x79x128xi32, #tpu.memory_space<hbm>>
      %dma_wait3A_39 = tpu.memref_squeeze %dma_wait3A_38 : memref<1x79x128xi32, #tpu.memory_space<hbm>> -> memref<79x128xi32, #tpu.memory_space<hbm>>
      tpu.wait_dma2 semaphore(%run_scoped3A : memref<!tpu.dma_semaphore, #tpu.memory_space<semaphore_mem>>) src(%dma_wait3A_39 : memref<79x128xi32, #tpu.memory_space<hbm>>) dst(%arg7 : memref<79x128xi32, #tpu.memory_space<vmem>>)
      tpu.yield
    }) : () -> ()
    %barrier3A = arith.constant 0 : index
    tpu.barrier barrier_id(%barrier3A)
    %scan3A_19 = arith.constant 0 : i32
    %scan3A_20 = arith.constant 0 : i32
    %scan3A_21 = arith.constant 79 : i32
    %scan3A_22 = arith.addi %scan3A_20, %scan3A_21 : i32
    %scan3A_23 = arith.constant 1 : i32
    scf.for %scan3A_26 = %scan3A_20 to %scan3A_22 step %scan3A_23  : i32 {
      %dma_start3A = arith.constant 0 : i32
      %dma_start3A_27 = tpu.memref_slice %arg6[%scan3A_26, %dma_start3A] : memref<79x128xi32, #tpu.memory_space<vmem>> -> memref<1x128xi32, #tpu.memory_space<vmem>>
      %dma_start3A_28 = tpu.memref_squeeze %dma_start3A_27 : memref<1x128xi32, #tpu.memory_space<vmem>> -> memref<128xi32, #tpu.memory_space<vmem>>
      %dma_start3A_29 = arith.constant 0 : i32
      %dma_start3A_30 = arith.constant 0 : i32
      %dma_start3A_31 = tpu.memref_slice %arg2[%dma_start3A_29, %dma_start3A_30] : memref<10000x128xf32, #tpu.memory_space<hbm>> -> memref<10000x128xf32, #tpu.memory_space<hbm>>
      tpu.enqueue_indirect_dma source(%dma_start3A_31 : memref<10000x128xf32, #tpu.memory_space<hbm>>) target(%arg8 : memref<128x128xf32, #tpu.memory_space<vmem>>) offsets(%dma_start3A_28 : memref<128xi32, #tpu.memory_space<vmem>>) semaphore(%arg10 : memref<!tpu.dma_semaphore, #tpu.memory_space<semaphore_mem>>)
      %dma_wait3A = arith.constant 0 : i32
      %dma_wait3A_32 = tpu.memref_slice %arg6[%scan3A_26, %dma_wait3A] : memref<79x128xi32, #tpu.memory_space<vmem>> -> memref<1x128xi32, #tpu.memory_space<vmem>>
      %dma_wait3A_33 = tpu.memref_squeeze %dma_wait3A_32 : memref<1x128xi32, #tpu.memory_space<vmem>> -> memref<128xi32, #tpu.memory_space<vmem>>
      %dma_wait3A_34 = arith.constant 0 : i32
      %dma_wait3A_35 = arith.constant 0 : i32
      %dma_wait3A_36 = tpu.memref_slice %arg2[%dma_wait3A_34, %dma_wait3A_35] : memref<10000x128xf32, #tpu.memory_space<hbm>> -> memref<10000x128xf32, #tpu.memory_space<hbm>>
      tpu.wait_indirect_dma semaphore(%arg10 : memref<!tpu.dma_semaphore, #tpu.memory_space<semaphore_mem>>) src(%dma_wait3A_36 : memref<10000x128xf32, #tpu.memory_space<hbm>>) dst(%arg8 : memref<128x128xf32, #tpu.memory_space<vmem>>)
      "tpu.region"() ({
        %run_scoped3A = tpu.sem_alloc : memref<!tpu.dma_semaphore, #tpu.memory_space<semaphore_mem>>
        %dma_start3A_37 = arith.constant 0 : i32
        %dma_start3A_38 = tpu.memref_slice %arg7[%scan3A_26, %dma_start3A_37] : memref<79x128xi32, #tpu.memory_space<vmem>> -> memref<1x128xi32, #tpu.memory_space<vmem>>
        %dma_start3A_39 = tpu.memref_squeeze %dma_start3A_38 : memref<1x128xi32, #tpu.memory_space<vmem>> -> memref<128xi32, #tpu.memory_space<vmem>>
        %dma_start3A_40 = arith.constant 0 : i32
        %dma_start3A_41 = arith.constant 0 : i32
        %dma_start3A_42 = tpu.memref_slice %arg9[%dma_start3A_40, %dma_start3A_41] : memref<10112x128xf32, #tpu.memory_space<vmem_shared>> -> memref<10112x128xf32, #tpu.memory_space<vmem_shared>>
        tpu.enqueue_indirect_dma source(%arg8 : memref<128x128xf32, #tpu.memory_space<vmem>>) target(%dma_start3A_42 : memref<10112x128xf32, #tpu.memory_space<vmem_shared>>) offsets(%dma_start3A_39 : memref<128xi32, #tpu.memory_space<vmem>>) semaphore(%run_scoped3A : memref<!tpu.dma_semaphore, #tpu.memory_space<semaphore_mem>>) {add = true}
        %dma_wait3A_43 = arith.constant 0 : i32
        %dma_wait3A_44 = tpu.memref_slice %arg7[%scan3A_26, %dma_wait3A_43] : memref<79x128xi32, #tpu.memory_space<vmem>> -> memref<1x128xi32, #tpu.memory_space<vmem>>
        %dma_wait3A_45 = tpu.memref_squeeze %dma_wait3A_44 : memref<1x128xi32, #tpu.memory_space<vmem>> -> memref<128xi32, #tpu.memory_space<vmem>>
        %dma_wait3A_46 = arith.constant 0 : i32
        %dma_wait3A_47 = arith.constant 0 : i32
        %dma_wait3A_48 = tpu.memref_slice %arg9[%dma_wait3A_46, %dma_wait3A_47] : memref<10112x128xf32, #tpu.memory_space<vmem_shared>> -> memref<10112x128xf32, #tpu.memory_space<vmem_shared>>
        tpu.wait_indirect_dma semaphore(%run_scoped3A : memref<!tpu.dma_semaphore, #tpu.memory_space<semaphore_mem>>) src(%arg8 : memref<128x128xf32, #tpu.memory_space<vmem>>) dst(%dma_wait3A_48 : memref<10112x128xf32, #tpu.memory_space<vmem_shared>>)
        tpu.yield
      }) : () -> ()
    }
    %scan3A_24 = arith.constant 79 : i32
    %barrier3A_25 = arith.constant 0 : index
    tpu.barrier barrier_id(%barrier3A_25)
    "tpu.region"() ({
      %run_scoped3A = tpu.sem_alloc : memref<!tpu.dma_semaphore, #tpu.memory_space<semaphore_mem>>
      %dma_start3A = arith.constant 0 : i32
      %dma_start3A_26 = tpu.memref_slice %arg5[%arg0, %mul3A_8, %dma_start3A] : memref<2x10112x128xf32, #tpu.memory_space<hbm>> -> memref<1x632x128xf32, #tpu.memory_space<hbm>>
      %dma_start3A_27 = tpu.memref_squeeze %dma_start3A_26 : memref<1x632x128xf32, #tpu.memory_space<hbm>> -> memref<632x128xf32, #tpu.memory_space<hbm>>
      %dma_start3A_28 = arith.constant 0 : i32
      %dma_start3A_29 = tpu.memref_slice %arg9[%mul3A_8, %dma_start3A_28] : memref<10112x128xf32, #tpu.memory_space<vmem_shared>> -> memref<632x128xf32, #tpu.memory_space<vmem_shared>>
      tpu.enqueue_dma source(%dma_start3A_29 : memref<632x128xf32, #tpu.memory_space<vmem_shared>>) target(%dma_start3A_27 : memref<632x128xf32, #tpu.memory_space<hbm>>) target_semaphore(%run_scoped3A : memref<!tpu.dma_semaphore, #tpu.memory_space<semaphore_mem>>)
      %dma_wait3A = arith.constant 0 : i32
      %dma_wait3A_30 = tpu.memref_slice %arg5[%arg0, %mul3A_8, %dma_wait3A] : memref<2x10112x128xf32, #tpu.memory_space<hbm>> -> memref<1x632x128xf32, #tpu.memory_space<hbm>>
      %dma_wait3A_31 = tpu.memref_squeeze %dma_wait3A_30 : memref<1x632x128xf32, #tpu.memory_space<hbm>> -> memref<632x128xf32, #tpu.memory_space<hbm>>
      %dma_wait3A_32 = arith.constant 0 : i32
      %dma_wait3A_33 = tpu.memref_slice %arg9[%mul3A_8, %dma_wait3A_32] : memref<10112x128xf32, #tpu.memory_space<vmem_shared>> -> memref<632x128xf32, #tpu.memory_space<vmem_shared>>
      tpu.wait_dma2 semaphore(%run_scoped3A : memref<!tpu.dma_semaphore, #tpu.memory_space<semaphore_mem>>) src(%dma_wait3A_33 : memref<632x128xf32, #tpu.memory_space<vmem_shared>>) dst(%dma_wait3A_31 : memref<632x128xf32, #tpu.memory_space<hbm>>)
      tpu.yield
    }) : () -> ()
    return
  }
}

#map = affine_map<(d0, d1) -> (0, 0)>
#map1 = affine_map<(d0, d1) -> (0, 0, 0)>
module attributes {stable_mosaic.version = 14 : i64} {
  func.func @gs(%arg0: i32, %arg1: i32, %arg2: memref<10000x128xf32, #tpu.memory_space<hbm>>, %arg3: memref<32x79x128xi32, #tpu.memory_space<hbm>>, %arg4: memref<32x79x128xi32, #tpu.memory_space<hbm>>, %arg5: memref<2x10112x128xf32, #tpu.memory_space<hbm>>, %arg6: memref<79x128xi32, #tpu.memory_space<vmem>>, %arg7: memref<79x128xi32, #tpu.memory_space<vmem>>, %arg8: memref<128x128xf32, #tpu.memory_space<vmem>>, %arg9: memref<10112x128xf32, #tpu.memory_space<vmem_shared>>, %arg10: memref<!tpu.dma_semaphore, #tpu.memory_space<semaphore_mem>>) attributes {dimension_semantics = [#tpu.dimension_semantics<core_parallel>, #tpu.dimension_semantics<subcore_parallel>], iteration_bounds = array<i64: 2, 16>, scalar_prefetch = 0 : i64, scratch_operands = 5 : i64, tpu.core_type = #tpu.core_type<sc_vector_subcore>, window_params = [{transform_indices = #map}, {transform_indices = #map1}, {transform_indices = #map1}, {transform_indices = #map1}]} {
    %mul3A = arith.constant 16 : i32
    %mul3A_0 = arith.muli %arg0, %mul3A : i32
    %add3A = arith.addi %mul3A_0, %arg1 : i32
    %broadcast_in_dim3A = arith.constant 0.000000e+00 : f32
    %broadcast_in_dim3A_1 = vector.broadcast %broadcast_in_dim3A : f32 to vector<16xf32>
    %scan3A = arith.constant 0 : i32
    %scan3A_2 = arith.constant 0 : i32
    %scan3A_3 = arith.constant 128 : i32
    %scan3A_4 = arith.addi %scan3A_2, %scan3A_3 : i32
    %scan3A_5 = arith.constant 1 : i32
    scf.for %scan3A_26 = %scan3A_2 to %scan3A_4 step %scan3A_5  : i32 {
      %swap3A = arith.index_cast %scan3A_26 : i32 to index
      %swap3A_27 = arith.constant 0 : index
      %swap3A_28 = tpu.vector_load %arg8[%swap3A, %swap3A_27] {strides = array<i32>} : memref<128x128xf32, #tpu.memory_space<vmem>>, vector<1x16xf32>,
      %swap3A_29 = vector.shape_cast %swap3A_28 : vector<1x16xf32> to vector<16xf32>
      %swap3A_30 = vector.shape_cast %broadcast_in_dim3A_1 : vector<16xf32> to vector<1x16xf32>
      tpu.vector_store %arg8[%swap3A, %swap3A_27], %swap3A_30 {strides = array<i32>} : memref<128x128xf32, #tpu.memory_space<vmem>>, vector<1x16xf32>,
      %swap3A_31 = arith.index_cast %scan3A_26 : i32 to index
      %swap3A_32 = arith.constant 16 : index
      %swap3A_33 = tpu.vector_load %arg8[%swap3A_31, %swap3A_32] {strides = array<i32>} : memref<128x128xf32, #tpu.memory_space<vmem>>, vector<1x16xf32>,
      %swap3A_34 = vector.shape_cast %swap3A_33 : vector<1x16xf32> to vector<16xf32>
      %swap3A_35 = vector.shape_cast %broadcast_in_dim3A_1 : vector<16xf32> to vector<1x16xf32>
      tpu.vector_store %arg8[%swap3A_31, %swap3A_32], %swap3A_35 {strides = array<i32>} : memref<128x128xf32, #tpu.memory_space<vmem>>, vector<1x16xf32>,
      %swap3A_36 = arith.index_cast %scan3A_26 : i32 to index
      %swap3A_37 = arith.constant 32 : index
      %swap3A_38 = tpu.vector_load %arg8[%swap3A_36, %swap3A_37] {strides = array<i32>} : memref<128x128xf32, #tpu.memory_space<vmem>>, vector<1x16xf32>,
      %swap3A_39 = vector.shape_cast %swap3A_38 : vector<1x16xf32> to vector<16xf32>
      %swap3A_40 = vector.shape_cast %broadcast_in_dim3A_1 : vector<16xf32> to vector<1x16xf32>
      tpu.vector_store %arg8[%swap3A_36, %swap3A_37], %swap3A_40 {strides = array<i32>} : memref<128x128xf32, #tpu.memory_space<vmem>>, vector<1x16xf32>,
      %swap3A_41 = arith.index_cast %scan3A_26 : i32 to index
      %swap3A_42 = arith.constant 48 : index
      %swap3A_43 = tpu.vector_load %arg8[%swap3A_41, %swap3A_42] {strides = array<i32>} : memref<128x128xf32, #tpu.memory_space<vmem>>, vector<1x16xf32>,
      %swap3A_44 = vector.shape_cast %swap3A_43 : vector<1x16xf32> to vector<16xf32>
      %swap3A_45 = vector.shape_cast %broadcast_in_dim3A_1 : vector<16xf32> to vector<1x16xf32>
      tpu.vector_store %arg8[%swap3A_41, %swap3A_42], %swap3A_45 {strides = array<i32>} : memref<128x128xf32, #tpu.memory_space<vmem>>, vector<1x16xf32>,
      %swap3A_46 = arith.index_cast %scan3A_26 : i32 to index
      %swap3A_47 = arith.constant 64 : index
      %swap3A_48 = tpu.vector_load %arg8[%swap3A_46, %swap3A_47] {strides = array<i32>} : memref<128x128xf32, #tpu.memory_space<vmem>>, vector<1x16xf32>,
      %swap3A_49 = vector.shape_cast %swap3A_48 : vector<1x16xf32> to vector<16xf32>
      %swap3A_50 = vector.shape_cast %broadcast_in_dim3A_1 : vector<16xf32> to vector<1x16xf32>
      tpu.vector_store %arg8[%swap3A_46, %swap3A_47], %swap3A_50 {strides = array<i32>} : memref<128x128xf32, #tpu.memory_space<vmem>>, vector<1x16xf32>,
      %swap3A_51 = arith.index_cast %scan3A_26 : i32 to index
      %swap3A_52 = arith.constant 80 : index
      %swap3A_53 = tpu.vector_load %arg8[%swap3A_51, %swap3A_52] {strides = array<i32>} : memref<128x128xf32, #tpu.memory_space<vmem>>, vector<1x16xf32>,
      %swap3A_54 = vector.shape_cast %swap3A_53 : vector<1x16xf32> to vector<16xf32>
      %swap3A_55 = vector.shape_cast %broadcast_in_dim3A_1 : vector<16xf32> to vector<1x16xf32>
      tpu.vector_store %arg8[%swap3A_51, %swap3A_52], %swap3A_55 {strides = array<i32>} : memref<128x128xf32, #tpu.memory_space<vmem>>, vector<1x16xf32>,
      %swap3A_56 = arith.index_cast %scan3A_26 : i32 to index
      %swap3A_57 = arith.constant 96 : index
      %swap3A_58 = tpu.vector_load %arg8[%swap3A_56, %swap3A_57] {strides = array<i32>} : memref<128x128xf32, #tpu.memory_space<vmem>>, vector<1x16xf32>,
      %swap3A_59 = vector.shape_cast %swap3A_58 : vector<1x16xf32> to vector<16xf32>
      %swap3A_60 = vector.shape_cast %broadcast_in_dim3A_1 : vector<16xf32> to vector<1x16xf32>
      tpu.vector_store %arg8[%swap3A_56, %swap3A_57], %swap3A_60 {strides = array<i32>} : memref<128x128xf32, #tpu.memory_space<vmem>>, vector<1x16xf32>,
      %swap3A_61 = arith.index_cast %scan3A_26 : i32 to index
      %swap3A_62 = arith.constant 112 : index
      %swap3A_63 = tpu.vector_load %arg8[%swap3A_61, %swap3A_62] {strides = array<i32>} : memref<128x128xf32, #tpu.memory_space<vmem>>, vector<1x16xf32>,
      %swap3A_64 = vector.shape_cast %swap3A_63 : vector<1x16xf32> to vector<16xf32>
      %swap3A_65 = vector.shape_cast %broadcast_in_dim3A_1 : vector<16xf32> to vector<1x16xf32>
      tpu.vector_store %arg8[%swap3A_61, %swap3A_62], %swap3A_65 {strides = array<i32>} : memref<128x128xf32, #tpu.memory_space<vmem>>, vector<1x16xf32>,
    }
    %scan3A_6 = arith.constant 128 : i32
    %mul3A_7 = arith.constant 632 : i32
    %mul3A_8 = arith.muli %arg1, %mul3A_7 : i32
    %add3A_9 = arith.constant 0 : i32
    %add3A_10 = arith.addi %mul3A_8, %add3A_9 : i32
    "tpu.region"() ({
      %run_scoped3A = tpu.sem_alloc : memref<!tpu.dma_semaphore, #tpu.memory_space<semaphore_mem>>
      %dma_start3A = arith.constant 0 : i32
      %dma_start3A_26 = tpu.memref_slice %arg9[%add3A_10, %dma_start3A] : memref<10112x128xf32, #tpu.memory_space<vmem_shared>> -> memref<128x128xf32, #tpu.memory_space<vmem_shared>>
      %dma_start3A_27 = arith.constant 0 : i32
      %dma_start3A_28 = tpu.memref_slice %arg9[%add3A_10, %dma_start3A_27] : memref<10112x128xf32, #tpu.memory_space<vmem_shared>> -> memref<128x128xf32, #tpu.memory_space<vmem_shared>>
      tpu.enqueue_dma source(%arg8 : memref<128x128xf32, #tpu.memory_space<vmem>>) target(%dma_start3A_28 : memref<128x128xf32, #tpu.memory_space<vmem_shared>>) target_semaphore(%run_scoped3A : memref<!tpu.dma_semaphore, #tpu.memory_space<semaphore_mem>>)
      %dma_wait3A = arith.constant 0 : i32
      %dma_wait3A_29 = tpu.memref_slice %arg9[%add3A_10, %dma_wait3A] : memref<10112x128xf32, #tpu.memory_space<vmem_shared>> -> memref<128x128xf32, #tpu.memory_space<vmem_shared>>
      %dma_wait3A_30 = arith.constant 0 : i32
      %dma_wait3A_31 = tpu.memref_slice %arg9[%add3A_10, %dma_wait3A_30] : memref<10112x128xf32, #tpu.memory_space<vmem_shared>> -> memref<128x128xf32, #tpu.memory_space<vmem_shared>>
      tpu.wait_dma2 semaphore(%run_scoped3A : memref<!tpu.dma_semaphore, #tpu.memory_space<semaphore_mem>>) src(%arg8 : memref<128x128xf32, #tpu.memory_space<vmem>>) dst(%dma_wait3A_31 : memref<128x128xf32, #tpu.memory_space<vmem_shared>>)
      tpu.yield
    }) : () -> ()
    %add3A_11 = arith.constant 128 : i32
    %add3A_12 = arith.addi %mul3A_8, %add3A_11 : i32
    "tpu.region"() ({
      %run_scoped3A = tpu.sem_alloc : memref<!tpu.dma_semaphore, #tpu.memory_space<semaphore_mem>>
      %dma_start3A = arith.constant 0 : i32
      %dma_start3A_26 = tpu.memref_slice %arg9[%add3A_12, %dma_start3A] : memref<10112x128xf32, #tpu.memory_space<vmem_shared>> -> memref<128x128xf32, #tpu.memory_space<vmem_shared>>
      %dma_start3A_27 = arith.constant 0 : i32
      %dma_start3A_28 = tpu.memref_slice %arg9[%add3A_12, %dma_start3A_27] : memref<10112x128xf32, #tpu.memory_space<vmem_shared>> -> memref<128x128xf32, #tpu.memory_space<vmem_shared>>
      tpu.enqueue_dma source(%arg8 : memref<128x128xf32, #tpu.memory_space<vmem>>) target(%dma_start3A_28 : memref<128x128xf32, #tpu.memory_space<vmem_shared>>) target_semaphore(%run_scoped3A : memref<!tpu.dma_semaphore, #tpu.memory_space<semaphore_mem>>)
      %dma_wait3A = arith.constant 0 : i32
      %dma_wait3A_29 = tpu.memref_slice %arg9[%add3A_12, %dma_wait3A] : memref<10112x128xf32, #tpu.memory_space<vmem_shared>> -> memref<128x128xf32, #tpu.memory_space<vmem_shared>>
      %dma_wait3A_30 = arith.constant 0 : i32
      %dma_wait3A_31 = tpu.memref_slice %arg9[%add3A_12, %dma_wait3A_30] : memref<10112x128xf32, #tpu.memory_space<vmem_shared>> -> memref<128x128xf32, #tpu.memory_space<vmem_shared>>
      tpu.wait_dma2 semaphore(%run_scoped3A : memref<!tpu.dma_semaphore, #tpu.memory_space<semaphore_mem>>) src(%arg8 : memref<128x128xf32, #tpu.memory_space<vmem>>) dst(%dma_wait3A_31 : memref<128x128xf32, #tpu.memory_space<vmem_shared>>)
      tpu.yield
    }) : () -> ()
    %add3A_13 = arith.constant 256 : i32
    %add3A_14 = arith.addi %mul3A_8, %add3A_13 : i32
    "tpu.region"() ({
      %run_scoped3A = tpu.sem_alloc : memref<!tpu.dma_semaphore, #tpu.memory_space<semaphore_mem>>
      %dma_start3A = arith.constant 0 : i32
      %dma_start3A_26 = tpu.memref_slice %arg9[%add3A_14, %dma_start3A] : memref<10112x128xf32, #tpu.memory_space<vmem_shared>> -> memref<128x128xf32, #tpu.memory_space<vmem_shared>>
      %dma_start3A_27 = arith.constant 0 : i32
      %dma_start3A_28 = tpu.memref_slice %arg9[%add3A_14, %dma_start3A_27] : memref<10112x128xf32, #tpu.memory_space<vmem_shared>> -> memref<128x128xf32, #tpu.memory_space<vmem_shared>>
      tpu.enqueue_dma source(%arg8 : memref<128x128xf32, #tpu.memory_space<vmem>>) target(%dma_start3A_28 : memref<128x128xf32, #tpu.memory_space<vmem_shared>>) target_semaphore(%run_scoped3A : memref<!tpu.dma_semaphore, #tpu.memory_space<semaphore_mem>>)
      %dma_wait3A = arith.constant 0 : i32
      %dma_wait3A_29 = tpu.memref_slice %arg9[%add3A_14, %dma_wait3A] : memref<10112x128xf32, #tpu.memory_space<vmem_shared>> -> memref<128x128xf32, #tpu.memory_space<vmem_shared>>
      %dma_wait3A_30 = arith.constant 0 : i32
      %dma_wait3A_31 = tpu.memref_slice %arg9[%add3A_14, %dma_wait3A_30] : memref<10112x128xf32, #tpu.memory_space<vmem_shared>> -> memref<128x128xf32, #tpu.memory_space<vmem_shared>>
      tpu.wait_dma2 semaphore(%run_scoped3A : memref<!tpu.dma_semaphore, #tpu.memory_space<semaphore_mem>>) src(%arg8 : memref<128x128xf32, #tpu.memory_space<vmem>>) dst(%dma_wait3A_31 : memref<128x128xf32, #tpu.memory_space<vmem_shared>>)
      tpu.yield
    }) : () -> ()
    %add3A_15 = arith.constant 384 : i32
    %add3A_16 = arith.addi %mul3A_8, %add3A_15 : i32
    "tpu.region"() ({
      %run_scoped3A = tpu.sem_alloc : memref<!tpu.dma_semaphore, #tpu.memory_space<semaphore_mem>>
      %dma_start3A = arith.constant 0 : i32
      %dma_start3A_26 = tpu.memref_slice %arg9[%add3A_16, %dma_start3A] : memref<10112x128xf32, #tpu.memory_space<vmem_shared>> -> memref<128x128xf32, #tpu.memory_space<vmem_shared>>
      %dma_start3A_27 = arith.constant 0 : i32
      %dma_start3A_28 = tpu.memref_slice %arg9[%add3A_16, %dma_start3A_27] : memref<10112x128xf32, #tpu.memory_space<vmem_shared>> -> memref<128x128xf32, #tpu.memory_space<vmem_shared>>
      tpu.enqueue_dma source(%arg8 : memref<128x128xf32, #tpu.memory_space<vmem>>) target(%dma_start3A_28 : memref<128x128xf32, #tpu.memory_space<vmem_shared>>) target_semaphore(%run_scoped3A : memref<!tpu.dma_semaphore, #tpu.memory_space<semaphore_mem>>)
      %dma_wait3A = arith.constant 0 : i32
      %dma_wait3A_29 = tpu.memref_slice %arg9[%add3A_16, %dma_wait3A] : memref<10112x128xf32, #tpu.memory_space<vmem_shared>> -> memref<128x128xf32, #tpu.memory_space<vmem_shared>>
      %dma_wait3A_30 = arith.constant 0 : i32
      %dma_wait3A_31 = tpu.memref_slice %arg9[%add3A_16, %dma_wait3A_30] : memref<10112x128xf32, #tpu.memory_space<vmem_shared>> -> memref<128x128xf32, #tpu.memory_space<vmem_shared>>
      tpu.wait_dma2 semaphore(%run_scoped3A : memref<!tpu.dma_semaphore, #tpu.memory_space<semaphore_mem>>) src(%arg8 : memref<128x128xf32, #tpu.memory_space<vmem>>) dst(%dma_wait3A_31 : memref<128x128xf32, #tpu.memory_space<vmem_shared>>)
      tpu.yield
    }) : () -> ()
    %add3A_17 = arith.constant 512 : i32
    %add3A_18 = arith.addi %mul3A_8, %add3A_17 : i32
    "tpu.region"() ({
      %run_scoped3A = tpu.sem_alloc : memref<!tpu.dma_semaphore, #tpu.memory_space<semaphore_mem>>
      %dma_start3A = arith.constant 0 : i32
      %dma_start3A_26 = arith.constant 0 : i32
      %dma_start3A_27 = tpu.memref_slice %arg8[%dma_start3A, %dma_start3A_26] : memref<128x128xf32, #tpu.memory_space<vmem>> -> memref<120x128xf32, #tpu.memory_space<vmem>>
      %dma_start3A_28 = arith.constant 0 : i32
      %dma_start3A_29 = tpu.memref_slice %arg9[%add3A_18, %dma_start3A_28] : memref<10112x128xf32, #tpu.memory_space<vmem_shared>> -> memref<120x128xf32, #tpu.memory_space<vmem_shared>>
      %dma_start3A_30 = arith.constant 0 : i32
      %dma_start3A_31 = tpu.memref_slice %arg9[%add3A_18, %dma_start3A_30] : memref<10112x128xf32, #tpu.memory_space<vmem_shared>> -> memref<120x128xf32, #tpu.memory_space<vmem_shared>>
      %dma_start3A_32 = arith.constant 0 : i32
      %dma_start3A_33 = arith.constant 0 : i32
      %dma_start3A_34 = tpu.memref_slice %arg8[%dma_start3A_32, %dma_start3A_33] : memref<128x128xf32, #tpu.memory_space<vmem>> -> memref<120x128xf32, #tpu.memory_space<vmem>>
      tpu.enqueue_dma source(%dma_start3A_34 : memref<120x128xf32, #tpu.memory_space<vmem>>) target(%dma_start3A_31 : memref<120x128xf32, #tpu.memory_space<vmem_shared>>) target_semaphore(%run_scoped3A : memref<!tpu.dma_semaphore, #tpu.memory_space<semaphore_mem>>)
      %dma_wait3A = arith.constant 0 : i32
      %dma_wait3A_35 = arith.constant 0 : i32
      %dma_wait3A_36 = tpu.memref_slice %arg8[%dma_wait3A, %dma_wait3A_35] : memref<128x128xf32, #tpu.memory_space<vmem>> -> memref<120x128xf32, #tpu.memory_space<vmem>>
      %dma_wait3A_37 = arith.constant 0 : i32
      %dma_wait3A_38 = tpu.memref_slice %arg9[%add3A_18, %dma_wait3A_37] : memref<10112x128xf32, #tpu.memory_space<vmem_shared>> -> memref<120x128xf32, #tpu.memory_space<vmem_shared>>
      %dma_wait3A_39 = arith.constant 0 : i32
      %dma_wait3A_40 = tpu.memref_slice %arg9[%add3A_18, %dma_wait3A_39] : memref<10112x128xf32, #tpu.memory_space<vmem_shared>> -> memref<120x128xf32, #tpu.memory_space<vmem_shared>>
      %dma_wait3A_41 = arith.constant 0 : i32
      %dma_wait3A_42 = arith.constant 0 : i32
      %dma_wait3A_43 = tpu.memref_slice %arg8[%dma_wait3A_41, %dma_wait3A_42] : memref<128x128xf32, #tpu.memory_space<vmem>> -> memref<120x128xf32, #tpu.memory_space<vmem>>
      tpu.wait_dma2 semaphore(%run_scoped3A : memref<!tpu.dma_semaphore, #tpu.memory_space<semaphore_mem>>) src(%dma_wait3A_43 : memref<120x128xf32, #tpu.memory_space<vmem>>) dst(%dma_wait3A_40 : memref<120x128xf32, #tpu.memory_space<vmem_shared>>)
      tpu.yield
    }) : () -> ()
    "tpu.region"() ({
      %run_scoped3A = tpu.sem_alloc : memref<!tpu.dma_semaphore, #tpu.memory_space<semaphore_mem>>
      %dma_start3A = arith.constant 0 : i32
      %dma_start3A_26 = arith.constant 0 : i32
      %dma_start3A_27 = tpu.memref_slice %arg3[%add3A, %dma_start3A, %dma_start3A_26] : memref<32x79x128xi32, #tpu.memory_space<hbm>> -> memref<1x79x128xi32, #tpu.memory_space<hbm>>
      %dma_start3A_28 = tpu.memref_squeeze %dma_start3A_27 : memref<1x79x128xi32, #tpu.memory_space<hbm>> -> memref<79x128xi32, #tpu.memory_space<hbm>>
      %dma_start3A_29 = arith.constant 0 : i32
      %dma_start3A_30 = arith.constant 0 : i32
      %dma_start3A_31 = tpu.memref_slice %arg3[%add3A, %dma_start3A_29, %dma_start3A_30] : memref<32x79x128xi32, #tpu.memory_space<hbm>> -> memref<1x79x128xi32, #tpu.memory_space<hbm>>
      %dma_start3A_32 = tpu.memref_squeeze %dma_start3A_31 : memref<1x79x128xi32, #tpu.memory_space<hbm>> -> memref<79x128xi32, #tpu.memory_space<hbm>>
      tpu.enqueue_dma source(%dma_start3A_32 : memref<79x128xi32, #tpu.memory_space<hbm>>) target(%arg6 : memref<79x128xi32, #tpu.memory_space<vmem>>) target_semaphore(%run_scoped3A : memref<!tpu.dma_semaphore, #tpu.memory_space<semaphore_mem>>)
      %dma_wait3A = arith.constant 0 : i32
      %dma_wait3A_33 = arith.constant 0 : i32
      %dma_wait3A_34 = tpu.memref_slice %arg3[%add3A, %dma_wait3A, %dma_wait3A_33] : memref<32x79x128xi32, #tpu.memory_space<hbm>> -> memref<1x79x128xi32, #tpu.memory_space<hbm>>
      %dma_wait3A_35 = tpu.memref_squeeze %dma_wait3A_34 : memref<1x79x128xi32, #tpu.memory_space<hbm>> -> memref<79x128xi32, #tpu.memory_space<hbm>>
      %dma_wait3A_36 = arith.constant 0 : i32
      %dma_wait3A_37 = arith.constant 0 : i32
      %dma_wait3A_38 = tpu.memref_slice %arg3[%add3A, %dma_wait3A_36, %dma_wait3A_37] : memref<32x79x128xi32, #tpu.memory_space<hbm>> -> memref<1x79x128xi32, #tpu.memory_space<hbm>>
      %dma_wait3A_39 = tpu.memref_squeeze %dma_wait3A_38 : memref<1x79x128xi32, #tpu.memory_space<hbm>> -> memref<79x128xi32, #tpu.memory_space<hbm>>
      tpu.wait_dma2 semaphore(%run_scoped3A : memref<!tpu.dma_semaphore, #tpu.memory_space<semaphore_mem>>) src(%dma_wait3A_39 : memref<79x128xi32, #tpu.memory_space<hbm>>) dst(%arg6 : memref<79x128xi32, #tpu.memory_space<vmem>>)
      tpu.yield
    }) : () -> ()
    "tpu.region"() ({
      %run_scoped3A = tpu.sem_alloc : memref<!tpu.dma_semaphore, #tpu.memory_space<semaphore_mem>>
      %dma_start3A = arith.constant 0 : i32
      %dma_start3A_26 = arith.constant 0 : i32
      %dma_start3A_27 = tpu.memref_slice %arg4[%add3A, %dma_start3A, %dma_start3A_26] : memref<32x79x128xi32, #tpu.memory_space<hbm>> -> memref<1x79x128xi32, #tpu.memory_space<hbm>>
      %dma_start3A_28 = tpu.memref_squeeze %dma_start3A_27 : memref<1x79x128xi32, #tpu.memory_space<hbm>> -> memref<79x128xi32, #tpu.memory_space<hbm>>
      %dma_start3A_29 = arith.constant 0 : i32
      %dma_start3A_30 = arith.constant 0 : i32
      %dma_start3A_31 = tpu.memref_slice %arg4[%add3A, %dma_start3A_29, %dma_start3A_30] : memref<32x79x128xi32, #tpu.memory_space<hbm>> -> memref<1x79x128xi32, #tpu.memory_space<hbm>>
      %dma_start3A_32 = tpu.memref_squeeze %dma_start3A_31 : memref<1x79x128xi32, #tpu.memory_space<hbm>> -> memref<79x128xi32, #tpu.memory_space<hbm>>
      tpu.enqueue_dma source(%dma_start3A_32 : memref<79x128xi32, #tpu.memory_space<hbm>>) target(%arg7 : memref<79x128xi32, #tpu.memory_space<vmem>>) target_semaphore(%run_scoped3A : memref<!tpu.dma_semaphore, #tpu.memory_space<semaphore_mem>>)
      %dma_wait3A = arith.constant 0 : i32
      %dma_wait3A_33 = arith.constant 0 : i32
      %dma_wait3A_34 = tpu.memref_slice %arg4[%add3A, %dma_wait3A, %dma_wait3A_33] : memref<32x79x128xi32, #tpu.memory_space<hbm>> -> memref<1x79x128xi32, #tpu.memory_space<hbm>>
      %dma_wait3A_35 = tpu.memref_squeeze %dma_wait3A_34 : memref<1x79x128xi32, #tpu.memory_space<hbm>> -> memref<79x128xi32, #tpu.memory_space<hbm>>
      %dma_wait3A_36 = arith.constant 0 : i32
      %dma_wait3A_37 = arith.constant 0 : i32
      %dma_wait3A_38 = tpu.memref_slice %arg4[%add3A, %dma_wait3A_36, %dma_wait3A_37] : memref<32x79x128xi32, #tpu.memory_space<hbm>> -> memref<1x79x128xi32, #tpu.memory_space<hbm>>
      %dma_wait3A_39 = tpu.memref_squeeze %dma_wait3A_38 : memref<1x79x128xi32, #tpu.memory_space<hbm>> -> memref<79x128xi32, #tpu.memory_space<hbm>>
      tpu.wait_dma2 semaphore(%run_scoped3A : memref<!tpu.dma_semaphore, #tpu.memory_space<semaphore_mem>>) src(%dma_wait3A_39 : memref<79x128xi32, #tpu.memory_space<hbm>>) dst(%arg7 : memref<79x128xi32, #tpu.memory_space<vmem>>)
      tpu.yield
    }) : () -> ()
    %barrier3A = arith.constant 0 : index
    tpu.barrier barrier_id(%barrier3A)
    %scan3A_19 = arith.constant 0 : i32
    %scan3A_20 = arith.constant 0 : i32
    %scan3A_21 = arith.constant 79 : i32
    %scan3A_22 = arith.addi %scan3A_20, %scan3A_21 : i32
    %scan3A_23 = arith.constant 1 : i32
    scf.for %scan3A_26 = %scan3A_20 to %scan3A_22 step %scan3A_23  : i32 {
      %dma_start3A = arith.constant 0 : i32
      %dma_start3A_27 = tpu.memref_slice %arg6[%scan3A_26, %dma_start3A] : memref<79x128xi32, #tpu.memory_space<vmem>> -> memref<1x128xi32, #tpu.memory_space<vmem>>
      %dma_start3A_28 = tpu.memref_squeeze %dma_start3A_27 : memref<1x128xi32, #tpu.memory_space<vmem>> -> memref<128xi32, #tpu.memory_space<vmem>>
      %dma_start3A_29 = arith.constant 0 : i32
      %dma_start3A_30 = arith.constant 0 : i32
      %dma_start3A_31 = tpu.memref_slice %arg2[%dma_start3A_29, %dma_start3A_30] : memref<10000x128xf32, #tpu.memory_space<hbm>> -> memref<10000x128xf32, #tpu.memory_space<hbm>>
      tpu.enqueue_indirect_dma source(%dma_start3A_31 : memref<10000x128xf32, #tpu.memory_space<hbm>>) target(%arg8 : memref<128x128xf32, #tpu.memory_space<vmem>>) offsets(%dma_start3A_28 : memref<128xi32, #tpu.memory_space<vmem>>) semaphore(%arg10 : memref<!tpu.dma_semaphore, #tpu.memory_space<semaphore_mem>>)
      %dma_wait3A = arith.constant 0 : i32
      %dma_wait3A_32 = tpu.memref_slice %arg6[%scan3A_26, %dma_wait3A] : memref<79x128xi32, #tpu.memory_space<vmem>> -> memref<1x128xi32, #tpu.memory_space<vmem>>
      %dma_wait3A_33 = tpu.memref_squeeze %dma_wait3A_32 : memref<1x128xi32, #tpu.memory_space<vmem>> -> memref<128xi32, #tpu.memory_space<vmem>>
      %dma_wait3A_34 = arith.constant 0 : i32
      %dma_wait3A_35 = arith.constant 0 : i32
      %dma_wait3A_36 = tpu.memref_slice %arg2[%dma_wait3A_34, %dma_wait3A_35] : memref<10000x128xf32, #tpu.memory_space<hbm>> -> memref<10000x128xf32, #tpu.memory_space<hbm>>
      tpu.wait_indirect_dma semaphore(%arg10 : memref<!tpu.dma_semaphore, #tpu.memory_space<semaphore_mem>>) src(%dma_wait3A_36 : memref<10000x128xf32, #tpu.memory_space<hbm>>) dst(%arg8 : memref<128x128xf32, #tpu.memory_space<vmem>>)
      "tpu.region"() ({
        %run_scoped3A = tpu.sem_alloc : memref<!tpu.dma_semaphore, #tpu.memory_space<semaphore_mem>>
        %dma_start3A_37 = arith.constant 0 : i32
        %dma_start3A_38 = tpu.memref_slice %arg7[%scan3A_26, %dma_start3A_37] : memref<79x128xi32, #tpu.memory_space<vmem>> -> memref<1x128xi32, #tpu.memory_space<vmem>>
        %dma_start3A_39 = tpu.memref_squeeze %dma_start3A_38 : memref<1x128xi32, #tpu.memory_space<vmem>> -> memref<128xi32, #tpu.memory_space<vmem>>
        %dma_start3A_40 = arith.constant 0 : i32
        %dma_start3A_41 = arith.constant 0 : i32
        %dma_start3A_42 = tpu.memref_slice %arg9[%dma_start3A_40, %dma_start3A_41] : memref<10112x128xf32, #tpu.memory_space<vmem_shared>> -> memref<10112x128xf32, #tpu.memory_space<vmem_shared>>
        tpu.enqueue_indirect_dma source(%arg8 : memref<128x128xf32, #tpu.memory_space<vmem>>) target(%dma_start3A_42 : memref<10112x128xf32, #tpu.memory_space<vmem_shared>>) offsets(%dma_start3A_39 : memref<128xi32, #tpu.memory_space<vmem>>) semaphore(%run_scoped3A : memref<!tpu.dma_semaphore, #tpu.memory_space<semaphore_mem>>) {add = true}
        %dma_wait3A_43 = arith.constant 0 : i32
        %dma_wait3A_44 = tpu.memref_slice %arg7[%scan3A_26, %dma_wait3A_43] : memref<79x128xi32, #tpu.memory_space<vmem>> -> memref<1x128xi32, #tpu.memory_space<vmem>>
        %dma_wait3A_45 = tpu.memref_squeeze %dma_wait3A_44 : memref<1x128xi32, #tpu.memory_space<vmem>> -> memref<128xi32, #tpu.memory_space<vmem>>
        %dma_wait3A_46 = arith.constant 0 : i32
        %dma_wait3A_47 = arith.constant 0 : i32
        %dma_wait3A_48 = tpu.memref_slice %arg9[%dma_wait3A_46, %dma_wait3A_47] : memref<10112x128xf32, #tpu.memory_space<vmem_shared>> -> memref<10112x128xf32, #tpu.memory_space<vmem_shared>>
        tpu.wait_indirect_dma semaphore(%run_scoped3A : memref<!tpu.dma_semaphore, #tpu.memory_space<semaphore_mem>>) src(%arg8 : memref<128x128xf32, #tpu.memory_space<vmem>>) dst(%dma_wait3A_48 : memref<10112x128xf32, #tpu.memory_space<vmem_shared>>)
        tpu.yield
      }) : () -> ()
    }
    %scan3A_24 = arith.constant 79 : i32
    %barrier3A_25 = arith.constant 0 : index
    tpu.barrier barrier_id(%barrier3A_25)
    "tpu.region"() ({
      %run_scoped3A = tpu.sem_alloc : memref<!tpu.dma_semaphore, #tpu.memory_space<semaphore_mem>>
      %dma_start3A = arith.constant 0 : i32
      %dma_start3A_26 = tpu.memref_slice %arg5[%arg0, %mul3A_8, %dma_start3A] : memref<2x10112x128xf32, #tpu.memory_space<hbm>> -> memref<1x632x128xf32, #tpu.memory_space<hbm>>
      %dma_start3A_27 = tpu.memref_squeeze %dma_start3A_26 : memref<1x632x128xf32, #tpu.memory_space<hbm>> -> memref<632x128xf32, #tpu.memory_space<hbm>>
      %dma_start3A_28 = arith.constant 0 : i32
      %dma_start3A_29 = tpu.memref_slice %arg9[%mul3A_8, %dma_start3A_28] : memref<10112x128xf32, #tpu.memory_space<vmem_shared>> -> memref<632x128xf32, #tpu.memory_space<vmem_shared>>
      tpu.enqueue_dma source(%dma_start3A_29 : memref<632x128xf32, #tpu.memory_space<vmem_shared>>) target(%dma_start3A_27 : memref<632x128xf32, #tpu.memory_space<hbm>>) target_semaphore(%run_scoped3A : memref<!tpu.dma_semaphore, #tpu.memory_space<semaphore_mem>>)
      %dma_wait3A = arith.constant 0 : i32
      %dma_wait3A_30 = tpu.memref_slice %arg5[%arg0, %mul3A_8, %dma_wait3A] : memref<2x10112x128xf32, #tpu.memory_space<hbm>> -> memref<1x632x128xf32, #tpu.memory_space<hbm>>
      %dma_wait3A_31 = tpu.memref_squeeze %dma_wait3A_30 : memref<1x632x128xf32, #tpu.memory_space<hbm>> -> memref<632x128xf32, #tpu.memory_space<hbm>>
      %dma_wait3A_32 = arith.constant 0 : i32
      %dma_wait3A_33 = tpu.memref_slice %arg9[%mul3A_8, %dma_wait3A_32] : memref<10112x128xf32, #tpu.memory_space<vmem_shared>> -> memref<632x128xf32, #tpu.memory_space<vmem_shared>>
      tpu.wait_dma2 semaphore(%run_scoped3A : memref<!tpu.dma_semaphore, #tpu.memory_space<semaphore_mem>>) src(%dma_wait3A_33 : memref<632x128xf32, #tpu.memory_space<vmem_shared>>) dst(%dma_wait3A_31 : memref<632x128xf32, #tpu.memory_space<hbm>>)
      tpu.yield
    }) : () -> ()
    return
  }
}

#map = affine_map<(d0, d1) -> (0, 0)>
#map1 = affine_map<(d0, d1) -> (0, 0, 0)>
module attributes {stable_mosaic.version = 14 : i64} {
  func.func @gs(%arg0: i32, %arg1: i32, %arg2: memref<10000x128xf32, #tpu.memory_space<hbm>>, %arg3: memref<32x79x128xi32, #tpu.memory_space<hbm>>, %arg4: memref<32x79x128xi32, #tpu.memory_space<hbm>>, %arg5: memref<2x10112x128xf32, #tpu.memory_space<hbm>>, %arg6: memref<79x128xi32, #tpu.memory_space<vmem>>, %arg7: memref<79x128xi32, #tpu.memory_space<vmem>>, %arg8: memref<128x128xf32, #tpu.memory_space<vmem>>, %arg9: memref<10112x128xf32, #tpu.memory_space<vmem_shared>>, %arg10: memref<!tpu.dma_semaphore, #tpu.memory_space<semaphore_mem>>) attributes {dimension_semantics = [#tpu.dimension_semantics<core_parallel>, #tpu.dimension_semantics<subcore_parallel>], iteration_bounds = array<i64: 2, 16>, scalar_prefetch = 0 : i64, scratch_operands = 5 : i64, tpu.core_type = #tpu.core_type<sc_vector_subcore>, window_params = [{transform_indices = #map}, {transform_indices = #map1}, {transform_indices = #map1}, {transform_indices = #map1}]} {
    %mul3A = arith.constant 16 : i32
    %mul3A_0 = arith.muli %arg0, %mul3A : i32
    %add3A = arith.addi %mul3A_0, %arg1 : i32
    %broadcast_in_dim3A = arith.constant 0.000000e+00 : f32
    %broadcast_in_dim3A_1 = vector.broadcast %broadcast_in_dim3A : f32 to vector<16xf32>
    %scan3A = arith.constant 0 : i32
    %scan3A_2 = arith.constant 0 : i32
    %scan3A_3 = arith.constant 128 : i32
    %scan3A_4 = arith.addi %scan3A_2, %scan3A_3 : i32
    %scan3A_5 = arith.constant 1 : i32
    scf.for %scan3A_26 = %scan3A_2 to %scan3A_4 step %scan3A_5  : i32 {
      %swap3A = arith.index_cast %scan3A_26 : i32 to index
      %swap3A_27 = arith.constant 0 : index
      %swap3A_28 = tpu.vector_load %arg8[%swap3A, %swap3A_27] {strides = array<i32>} : memref<128x128xf32, #tpu.memory_space<vmem>>, vector<1x16xf32>,
      %swap3A_29 = vector.shape_cast %swap3A_28 : vector<1x16xf32> to vector<16xf32>
      %swap3A_30 = vector.shape_cast %broadcast_in_dim3A_1 : vector<16xf32> to vector<1x16xf32>
      tpu.vector_store %arg8[%swap3A, %swap3A_27], %swap3A_30 {strides = array<i32>} : memref<128x128xf32, #tpu.memory_space<vmem>>, vector<1x16xf32>,
      %swap3A_31 = arith.index_cast %scan3A_26 : i32 to index
      %swap3A_32 = arith.constant 16 : index
      %swap3A_33 = tpu.vector_load %arg8[%swap3A_31, %swap3A_32] {strides = array<i32>} : memref<128x128xf32, #tpu.memory_space<vmem>>, vector<1x16xf32>,
      %swap3A_34 = vector.shape_cast %swap3A_33 : vector<1x16xf32> to vector<16xf32>
      %swap3A_35 = vector.shape_cast %broadcast_in_dim3A_1 : vector<16xf32> to vector<1x16xf32>
      tpu.vector_store %arg8[%swap3A_31, %swap3A_32], %swap3A_35 {strides = array<i32>} : memref<128x128xf32, #tpu.memory_space<vmem>>, vector<1x16xf32>,
      %swap3A_36 = arith.index_cast %scan3A_26 : i32 to index
      %swap3A_37 = arith.constant 32 : index
      %swap3A_38 = tpu.vector_load %arg8[%swap3A_36, %swap3A_37] {strides = array<i32>} : memref<128x128xf32, #tpu.memory_space<vmem>>, vector<1x16xf32>,
      %swap3A_39 = vector.shape_cast %swap3A_38 : vector<1x16xf32> to vector<16xf32>
      %swap3A_40 = vector.shape_cast %broadcast_in_dim3A_1 : vector<16xf32> to vector<1x16xf32>
      tpu.vector_store %arg8[%swap3A_36, %swap3A_37], %swap3A_40 {strides = array<i32>} : memref<128x128xf32, #tpu.memory_space<vmem>>, vector<1x16xf32>,
      %swap3A_41 = arith.index_cast %scan3A_26 : i32 to index
      %swap3A_42 = arith.constant 48 : index
      %swap3A_43 = tpu.vector_load %arg8[%swap3A_41, %swap3A_42] {strides = array<i32>} : memref<128x128xf32, #tpu.memory_space<vmem>>, vector<1x16xf32>,
      %swap3A_44 = vector.shape_cast %swap3A_43 : vector<1x16xf32> to vector<16xf32>
      %swap3A_45 = vector.shape_cast %broadcast_in_dim3A_1 : vector<16xf32> to vector<1x16xf32>
      tpu.vector_store %arg8[%swap3A_41, %swap3A_42], %swap3A_45 {strides = array<i32>} : memref<128x128xf32, #tpu.memory_space<vmem>>, vector<1x16xf32>,
      %swap3A_46 = arith.index_cast %scan3A_26 : i32 to index
      %swap3A_47 = arith.constant 64 : index
      %swap3A_48 = tpu.vector_load %arg8[%swap3A_46, %swap3A_47] {strides = array<i32>} : memref<128x128xf32, #tpu.memory_space<vmem>>, vector<1x16xf32>,
      %swap3A_49 = vector.shape_cast %swap3A_48 : vector<1x16xf32> to vector<16xf32>
      %swap3A_50 = vector.shape_cast %broadcast_in_dim3A_1 : vector<16xf32> to vector<1x16xf32>
      tpu.vector_store %arg8[%swap3A_46, %swap3A_47], %swap3A_50 {strides = array<i32>} : memref<128x128xf32, #tpu.memory_space<vmem>>, vector<1x16xf32>,
      %swap3A_51 = arith.index_cast %scan3A_26 : i32 to index
      %swap3A_52 = arith.constant 80 : index
      %swap3A_53 = tpu.vector_load %arg8[%swap3A_51, %swap3A_52] {strides = array<i32>} : memref<128x128xf32, #tpu.memory_space<vmem>>, vector<1x16xf32>,
      %swap3A_54 = vector.shape_cast %swap3A_53 : vector<1x16xf32> to vector<16xf32>
      %swap3A_55 = vector.shape_cast %broadcast_in_dim3A_1 : vector<16xf32> to vector<1x16xf32>
      tpu.vector_store %arg8[%swap3A_51, %swap3A_52], %swap3A_55 {strides = array<i32>} : memref<128x128xf32, #tpu.memory_space<vmem>>, vector<1x16xf32>,
      %swap3A_56 = arith.index_cast %scan3A_26 : i32 to index
      %swap3A_57 = arith.constant 96 : index
      %swap3A_58 = tpu.vector_load %arg8[%swap3A_56, %swap3A_57] {strides = array<i32>} : memref<128x128xf32, #tpu.memory_space<vmem>>, vector<1x16xf32>,
      %swap3A_59 = vector.shape_cast %swap3A_58 : vector<1x16xf32> to vector<16xf32>
      %swap3A_60 = vector.shape_cast %broadcast_in_dim3A_1 : vector<16xf32> to vector<1x16xf32>
      tpu.vector_store %arg8[%swap3A_56, %swap3A_57], %swap3A_60 {strides = array<i32>} : memref<128x128xf32, #tpu.memory_space<vmem>>, vector<1x16xf32>,
      %swap3A_61 = arith.index_cast %scan3A_26 : i32 to index
      %swap3A_62 = arith.constant 112 : index
      %swap3A_63 = tpu.vector_load %arg8[%swap3A_61, %swap3A_62] {strides = array<i32>} : memref<128x128xf32, #tpu.memory_space<vmem>>, vector<1x16xf32>,
      %swap3A_64 = vector.shape_cast %swap3A_63 : vector<1x16xf32> to vector<16xf32>
      %swap3A_65 = vector.shape_cast %broadcast_in_dim3A_1 : vector<16xf32> to vector<1x16xf32>
      tpu.vector_store %arg8[%swap3A_61, %swap3A_62], %swap3A_65 {strides = array<i32>} : memref<128x128xf32, #tpu.memory_space<vmem>>, vector<1x16xf32>,
    }
    %scan3A_6 = arith.constant 128 : i32
    %mul3A_7 = arith.constant 632 : i32
    %mul3A_8 = arith.muli %arg1, %mul3A_7 : i32
    %add3A_9 = arith.constant 0 : i32
    %add3A_10 = arith.addi %mul3A_8, %add3A_9 : i32
    "tpu.region"() ({
      %run_scoped3A = tpu.sem_alloc : memref<!tpu.dma_semaphore, #tpu.memory_space<semaphore_mem>>
      %dma_start3A = arith.constant 0 : i32
      %dma_start3A_26 = tpu.memref_slice %arg9[%add3A_10, %dma_start3A] : memref<10112x128xf32, #tpu.memory_space<vmem_shared>> -> memref<128x128xf32, #tpu.memory_space<vmem_shared>>
      %dma_start3A_27 = arith.constant 0 : i32
      %dma_start3A_28 = tpu.memref_slice %arg9[%add3A_10, %dma_start3A_27] : memref<10112x128xf32, #tpu.memory_space<vmem_shared>> -> memref<128x128xf32, #tpu.memory_space<vmem_shared>>
      tpu.enqueue_dma source(%arg8 : memref<128x128xf32, #tpu.memory_space<vmem>>) target(%dma_start3A_28 : memref<128x128xf32, #tpu.memory_space<vmem_shared>>) target_semaphore(%run_scoped3A : memref<!tpu.dma_semaphore, #tpu.memory_space<semaphore_mem>>)
      %dma_wait3A = arith.constant 0 : i32
      %dma_wait3A_29 = tpu.memref_slice %arg9[%add3A_10, %dma_wait3A] : memref<10112x128xf32, #tpu.memory_space<vmem_shared>> -> memref<128x128xf32, #tpu.memory_space<vmem_shared>>
      %dma_wait3A_30 = arith.constant 0 : i32
      %dma_wait3A_31 = tpu.memref_slice %arg9[%add3A_10, %dma_wait3A_30] : memref<10112x128xf32, #tpu.memory_space<vmem_shared>> -> memref<128x128xf32, #tpu.memory_space<vmem_shared>>
      tpu.wait_dma2 semaphore(%run_scoped3A : memref<!tpu.dma_semaphore, #tpu.memory_space<semaphore_mem>>) src(%arg8 : memref<128x128xf32, #tpu.memory_space<vmem>>) dst(%dma_wait3A_31 : memref<128x128xf32, #tpu.memory_space<vmem_shared>>)
      tpu.yield
    }) : () -> ()
    %add3A_11 = arith.constant 128 : i32
    %add3A_12 = arith.addi %mul3A_8, %add3A_11 : i32
    "tpu.region"() ({
      %run_scoped3A = tpu.sem_alloc : memref<!tpu.dma_semaphore, #tpu.memory_space<semaphore_mem>>
      %dma_start3A = arith.constant 0 : i32
      %dma_start3A_26 = tpu.memref_slice %arg9[%add3A_12, %dma_start3A] : memref<10112x128xf32, #tpu.memory_space<vmem_shared>> -> memref<128x128xf32, #tpu.memory_space<vmem_shared>>
      %dma_start3A_27 = arith.constant 0 : i32
      %dma_start3A_28 = tpu.memref_slice %arg9[%add3A_12, %dma_start3A_27] : memref<10112x128xf32, #tpu.memory_space<vmem_shared>> -> memref<128x128xf32, #tpu.memory_space<vmem_shared>>
      tpu.enqueue_dma source(%arg8 : memref<128x128xf32, #tpu.memory_space<vmem>>) target(%dma_start3A_28 : memref<128x128xf32, #tpu.memory_space<vmem_shared>>) target_semaphore(%run_scoped3A : memref<!tpu.dma_semaphore, #tpu.memory_space<semaphore_mem>>)
      %dma_wait3A = arith.constant 0 : i32
      %dma_wait3A_29 = tpu.memref_slice %arg9[%add3A_12, %dma_wait3A] : memref<10112x128xf32, #tpu.memory_space<vmem_shared>> -> memref<128x128xf32, #tpu.memory_space<vmem_shared>>
      %dma_wait3A_30 = arith.constant 0 : i32
      %dma_wait3A_31 = tpu.memref_slice %arg9[%add3A_12, %dma_wait3A_30] : memref<10112x128xf32, #tpu.memory_space<vmem_shared>> -> memref<128x128xf32, #tpu.memory_space<vmem_shared>>
      tpu.wait_dma2 semaphore(%run_scoped3A : memref<!tpu.dma_semaphore, #tpu.memory_space<semaphore_mem>>) src(%arg8 : memref<128x128xf32, #tpu.memory_space<vmem>>) dst(%dma_wait3A_31 : memref<128x128xf32, #tpu.memory_space<vmem_shared>>)
      tpu.yield
    }) : () -> ()
    %add3A_13 = arith.constant 256 : i32
    %add3A_14 = arith.addi %mul3A_8, %add3A_13 : i32
    "tpu.region"() ({
      %run_scoped3A = tpu.sem_alloc : memref<!tpu.dma_semaphore, #tpu.memory_space<semaphore_mem>>
      %dma_start3A = arith.constant 0 : i32
      %dma_start3A_26 = tpu.memref_slice %arg9[%add3A_14, %dma_start3A] : memref<10112x128xf32, #tpu.memory_space<vmem_shared>> -> memref<128x128xf32, #tpu.memory_space<vmem_shared>>
      %dma_start3A_27 = arith.constant 0 : i32
      %dma_start3A_28 = tpu.memref_slice %arg9[%add3A_14, %dma_start3A_27] : memref<10112x128xf32, #tpu.memory_space<vmem_shared>> -> memref<128x128xf32, #tpu.memory_space<vmem_shared>>
      tpu.enqueue_dma source(%arg8 : memref<128x128xf32, #tpu.memory_space<vmem>>) target(%dma_start3A_28 : memref<128x128xf32, #tpu.memory_space<vmem_shared>>) target_semaphore(%run_scoped3A : memref<!tpu.dma_semaphore, #tpu.memory_space<semaphore_mem>>)
      %dma_wait3A = arith.constant 0 : i32
      %dma_wait3A_29 = tpu.memref_slice %arg9[%add3A_14, %dma_wait3A] : memref<10112x128xf32, #tpu.memory_space<vmem_shared>> -> memref<128x128xf32, #tpu.memory_space<vmem_shared>>
      %dma_wait3A_30 = arith.constant 0 : i32
      %dma_wait3A_31 = tpu.memref_slice %arg9[%add3A_14, %dma_wait3A_30] : memref<10112x128xf32, #tpu.memory_space<vmem_shared>> -> memref<128x128xf32, #tpu.memory_space<vmem_shared>>
      tpu.wait_dma2 semaphore(%run_scoped3A : memref<!tpu.dma_semaphore, #tpu.memory_space<semaphore_mem>>) src(%arg8 : memref<128x128xf32, #tpu.memory_space<vmem>>) dst(%dma_wait3A_31 : memref<128x128xf32, #tpu.memory_space<vmem_shared>>)
      tpu.yield
    }) : () -> ()
    %add3A_15 = arith.constant 384 : i32
    %add3A_16 = arith.addi %mul3A_8, %add3A_15 : i32
    "tpu.region"() ({
      %run_scoped3A = tpu.sem_alloc : memref<!tpu.dma_semaphore, #tpu.memory_space<semaphore_mem>>
      %dma_start3A = arith.constant 0 : i32
      %dma_start3A_26 = tpu.memref_slice %arg9[%add3A_16, %dma_start3A] : memref<10112x128xf32, #tpu.memory_space<vmem_shared>> -> memref<128x128xf32, #tpu.memory_space<vmem_shared>>
      %dma_start3A_27 = arith.constant 0 : i32
      %dma_start3A_28 = tpu.memref_slice %arg9[%add3A_16, %dma_start3A_27] : memref<10112x128xf32, #tpu.memory_space<vmem_shared>> -> memref<128x128xf32, #tpu.memory_space<vmem_shared>>
      tpu.enqueue_dma source(%arg8 : memref<128x128xf32, #tpu.memory_space<vmem>>) target(%dma_start3A_28 : memref<128x128xf32, #tpu.memory_space<vmem_shared>>) target_semaphore(%run_scoped3A : memref<!tpu.dma_semaphore, #tpu.memory_space<semaphore_mem>>)
      %dma_wait3A = arith.constant 0 : i32
      %dma_wait3A_29 = tpu.memref_slice %arg9[%add3A_16, %dma_wait3A] : memref<10112x128xf32, #tpu.memory_space<vmem_shared>> -> memref<128x128xf32, #tpu.memory_space<vmem_shared>>
      %dma_wait3A_30 = arith.constant 0 : i32
      %dma_wait3A_31 = tpu.memref_slice %arg9[%add3A_16, %dma_wait3A_30] : memref<10112x128xf32, #tpu.memory_space<vmem_shared>> -> memref<128x128xf32, #tpu.memory_space<vmem_shared>>
      tpu.wait_dma2 semaphore(%run_scoped3A : memref<!tpu.dma_semaphore, #tpu.memory_space<semaphore_mem>>) src(%arg8 : memref<128x128xf32, #tpu.memory_space<vmem>>) dst(%dma_wait3A_31 : memref<128x128xf32, #tpu.memory_space<vmem_shared>>)
      tpu.yield
    }) : () -> ()
    %add3A_17 = arith.constant 512 : i32
    %add3A_18 = arith.addi %mul3A_8, %add3A_17 : i32
    "tpu.region"() ({
      %run_scoped3A = tpu.sem_alloc : memref<!tpu.dma_semaphore, #tpu.memory_space<semaphore_mem>>
      %dma_start3A = arith.constant 0 : i32
      %dma_start3A_26 = arith.constant 0 : i32
      %dma_start3A_27 = tpu.memref_slice %arg8[%dma_start3A, %dma_start3A_26] : memref<128x128xf32, #tpu.memory_space<vmem>> -> memref<120x128xf32, #tpu.memory_space<vmem>>
      %dma_start3A_28 = arith.constant 0 : i32
      %dma_start3A_29 = tpu.memref_slice %arg9[%add3A_18, %dma_start3A_28] : memref<10112x128xf32, #tpu.memory_space<vmem_shared>> -> memref<120x128xf32, #tpu.memory_space<vmem_shared>>
      %dma_start3A_30 = arith.constant 0 : i32
      %dma_start3A_31 = tpu.memref_slice %arg9[%add3A_18, %dma_start3A_30] : memref<10112x128xf32, #tpu.memory_space<vmem_shared>> -> memref<120x128xf32, #tpu.memory_space<vmem_shared>>
      %dma_start3A_32 = arith.constant 0 : i32
      %dma_start3A_33 = arith.constant 0 : i32
      %dma_start3A_34 = tpu.memref_slice %arg8[%dma_start3A_32, %dma_start3A_33] : memref<128x128xf32, #tpu.memory_space<vmem>> -> memref<120x128xf32, #tpu.memory_space<vmem>>
      tpu.enqueue_dma source(%dma_start3A_34 : memref<120x128xf32, #tpu.memory_space<vmem>>) target(%dma_start3A_31 : memref<120x128xf32, #tpu.memory_space<vmem_shared>>) target_semaphore(%run_scoped3A : memref<!tpu.dma_semaphore, #tpu.memory_space<semaphore_mem>>)
      %dma_wait3A = arith.constant 0 : i32
      %dma_wait3A_35 = arith.constant 0 : i32
      %dma_wait3A_36 = tpu.memref_slice %arg8[%dma_wait3A, %dma_wait3A_35] : memref<128x128xf32, #tpu.memory_space<vmem>> -> memref<120x128xf32, #tpu.memory_space<vmem>>
      %dma_wait3A_37 = arith.constant 0 : i32
      %dma_wait3A_38 = tpu.memref_slice %arg9[%add3A_18, %dma_wait3A_37] : memref<10112x128xf32, #tpu.memory_space<vmem_shared>> -> memref<120x128xf32, #tpu.memory_space<vmem_shared>>
      %dma_wait3A_39 = arith.constant 0 : i32
      %dma_wait3A_40 = tpu.memref_slice %arg9[%add3A_18, %dma_wait3A_39] : memref<10112x128xf32, #tpu.memory_space<vmem_shared>> -> memref<120x128xf32, #tpu.memory_space<vmem_shared>>
      %dma_wait3A_41 = arith.constant 0 : i32
      %dma_wait3A_42 = arith.constant 0 : i32
      %dma_wait3A_43 = tpu.memref_slice %arg8[%dma_wait3A_41, %dma_wait3A_42] : memref<128x128xf32, #tpu.memory_space<vmem>> -> memref<120x128xf32, #tpu.memory_space<vmem>>
      tpu.wait_dma2 semaphore(%run_scoped3A : memref<!tpu.dma_semaphore, #tpu.memory_space<semaphore_mem>>) src(%dma_wait3A_43 : memref<120x128xf32, #tpu.memory_space<vmem>>) dst(%dma_wait3A_40 : memref<120x128xf32, #tpu.memory_space<vmem_shared>>)
      tpu.yield
    }) : () -> ()
    "tpu.region"() ({
      %run_scoped3A = tpu.sem_alloc : memref<!tpu.dma_semaphore, #tpu.memory_space<semaphore_mem>>
      %dma_start3A = arith.constant 0 : i32
      %dma_start3A_26 = arith.constant 0 : i32
      %dma_start3A_27 = tpu.memref_slice %arg3[%add3A, %dma_start3A, %dma_start3A_26] : memref<32x79x128xi32, #tpu.memory_space<hbm>> -> memref<1x79x128xi32, #tpu.memory_space<hbm>>
      %dma_start3A_28 = tpu.memref_squeeze %dma_start3A_27 : memref<1x79x128xi32, #tpu.memory_space<hbm>> -> memref<79x128xi32, #tpu.memory_space<hbm>>
      %dma_start3A_29 = arith.constant 0 : i32
      %dma_start3A_30 = arith.constant 0 : i32
      %dma_start3A_31 = tpu.memref_slice %arg3[%add3A, %dma_start3A_29, %dma_start3A_30] : memref<32x79x128xi32, #tpu.memory_space<hbm>> -> memref<1x79x128xi32, #tpu.memory_space<hbm>>
      %dma_start3A_32 = tpu.memref_squeeze %dma_start3A_31 : memref<1x79x128xi32, #tpu.memory_space<hbm>> -> memref<79x128xi32, #tpu.memory_space<hbm>>
      tpu.enqueue_dma source(%dma_start3A_32 : memref<79x128xi32, #tpu.memory_space<hbm>>) target(%arg6 : memref<79x128xi32, #tpu.memory_space<vmem>>) target_semaphore(%run_scoped3A : memref<!tpu.dma_semaphore, #tpu.memory_space<semaphore_mem>>)
      %dma_wait3A = arith.constant 0 : i32
      %dma_wait3A_33 = arith.constant 0 : i32
      %dma_wait3A_34 = tpu.memref_slice %arg3[%add3A, %dma_wait3A, %dma_wait3A_33] : memref<32x79x128xi32, #tpu.memory_space<hbm>> -> memref<1x79x128xi32, #tpu.memory_space<hbm>>
      %dma_wait3A_35 = tpu.memref_squeeze %dma_wait3A_34 : memref<1x79x128xi32, #tpu.memory_space<hbm>> -> memref<79x128xi32, #tpu.memory_space<hbm>>
      %dma_wait3A_36 = arith.constant 0 : i32
      %dma_wait3A_37 = arith.constant 0 : i32
      %dma_wait3A_38 = tpu.memref_slice %arg3[%add3A, %dma_wait3A_36, %dma_wait3A_37] : memref<32x79x128xi32, #tpu.memory_space<hbm>> -> memref<1x79x128xi32, #tpu.memory_space<hbm>>
      %dma_wait3A_39 = tpu.memref_squeeze %dma_wait3A_38 : memref<1x79x128xi32, #tpu.memory_space<hbm>> -> memref<79x128xi32, #tpu.memory_space<hbm>>
      tpu.wait_dma2 semaphore(%run_scoped3A : memref<!tpu.dma_semaphore, #tpu.memory_space<semaphore_mem>>) src(%dma_wait3A_39 : memref<79x128xi32, #tpu.memory_space<hbm>>) dst(%arg6 : memref<79x128xi32, #tpu.memory_space<vmem>>)
      tpu.yield
    }) : () -> ()
    "tpu.region"() ({
      %run_scoped3A = tpu.sem_alloc : memref<!tpu.dma_semaphore, #tpu.memory_space<semaphore_mem>>
      %dma_start3A = arith.constant 0 : i32
      %dma_start3A_26 = arith.constant 0 : i32
      %dma_start3A_27 = tpu.memref_slice %arg4[%add3A, %dma_start3A, %dma_start3A_26] : memref<32x79x128xi32, #tpu.memory_space<hbm>> -> memref<1x79x128xi32, #tpu.memory_space<hbm>>
      %dma_start3A_28 = tpu.memref_squeeze %dma_start3A_27 : memref<1x79x128xi32, #tpu.memory_space<hbm>> -> memref<79x128xi32, #tpu.memory_space<hbm>>
      %dma_start3A_29 = arith.constant 0 : i32
      %dma_start3A_30 = arith.constant 0 : i32
      %dma_start3A_31 = tpu.memref_slice %arg4[%add3A, %dma_start3A_29, %dma_start3A_30] : memref<32x79x128xi32, #tpu.memory_space<hbm>> -> memref<1x79x128xi32, #tpu.memory_space<hbm>>
      %dma_start3A_32 = tpu.memref_squeeze %dma_start3A_31 : memref<1x79x128xi32, #tpu.memory_space<hbm>> -> memref<79x128xi32, #tpu.memory_space<hbm>>
      tpu.enqueue_dma source(%dma_start3A_32 : memref<79x128xi32, #tpu.memory_space<hbm>>) target(%arg7 : memref<79x128xi32, #tpu.memory_space<vmem>>) target_semaphore(%run_scoped3A : memref<!tpu.dma_semaphore, #tpu.memory_space<semaphore_mem>>)
      %dma_wait3A = arith.constant 0 : i32
      %dma_wait3A_33 = arith.constant 0 : i32
      %dma_wait3A_34 = tpu.memref_slice %arg4[%add3A, %dma_wait3A, %dma_wait3A_33] : memref<32x79x128xi32, #tpu.memory_space<hbm>> -> memref<1x79x128xi32, #tpu.memory_space<hbm>>
      %dma_wait3A_35 = tpu.memref_squeeze %dma_wait3A_34 : memref<1x79x128xi32, #tpu.memory_space<hbm>> -> memref<79x128xi32, #tpu.memory_space<hbm>>
      %dma_wait3A_36 = arith.constant 0 : i32
      %dma_wait3A_37 = arith.constant 0 : i32
      %dma_wait3A_38 = tpu.memref_slice %arg4[%add3A, %dma_wait3A_36, %dma_wait3A_37] : memref<32x79x128xi32, #tpu.memory_space<hbm>> -> memref<1x79x128xi32, #tpu.memory_space<hbm>>
      %dma_wait3A_39 = tpu.memref_squeeze %dma_wait3A_38 : memref<1x79x128xi32, #tpu.memory_space<hbm>> -> memref<79x128xi32, #tpu.memory_space<hbm>>
      tpu.wait_dma2 semaphore(%run_scoped3A : memref<!tpu.dma_semaphore, #tpu.memory_space<semaphore_mem>>) src(%dma_wait3A_39 : memref<79x128xi32, #tpu.memory_space<hbm>>) dst(%arg7 : memref<79x128xi32, #tpu.memory_space<vmem>>)
      tpu.yield
    }) : () -> ()
    %barrier3A = arith.constant 0 : index
    tpu.barrier barrier_id(%barrier3A)
    %scan3A_19 = arith.constant 0 : i32
    %scan3A_20 = arith.constant 0 : i32
    %scan3A_21 = arith.constant 79 : i32
    %scan3A_22 = arith.addi %scan3A_20, %scan3A_21 : i32
    %scan3A_23 = arith.constant 1 : i32
    scf.for %scan3A_26 = %scan3A_20 to %scan3A_22 step %scan3A_23  : i32 {
      %dma_start3A = arith.constant 0 : i32
      %dma_start3A_27 = tpu.memref_slice %arg6[%scan3A_26, %dma_start3A] : memref<79x128xi32, #tpu.memory_space<vmem>> -> memref<1x128xi32, #tpu.memory_space<vmem>>
      %dma_start3A_28 = tpu.memref_squeeze %dma_start3A_27 : memref<1x128xi32, #tpu.memory_space<vmem>> -> memref<128xi32, #tpu.memory_space<vmem>>
      %dma_start3A_29 = arith.constant 0 : i32
      %dma_start3A_30 = arith.constant 0 : i32
      %dma_start3A_31 = tpu.memref_slice %arg2[%dma_start3A_29, %dma_start3A_30] : memref<10000x128xf32, #tpu.memory_space<hbm>> -> memref<10000x128xf32, #tpu.memory_space<hbm>>
      tpu.enqueue_indirect_dma source(%dma_start3A_31 : memref<10000x128xf32, #tpu.memory_space<hbm>>) target(%arg8 : memref<128x128xf32, #tpu.memory_space<vmem>>) offsets(%dma_start3A_28 : memref<128xi32, #tpu.memory_space<vmem>>) semaphore(%arg10 : memref<!tpu.dma_semaphore, #tpu.memory_space<semaphore_mem>>)
      %dma_wait3A = arith.constant 0 : i32
      %dma_wait3A_32 = tpu.memref_slice %arg6[%scan3A_26, %dma_wait3A] : memref<79x128xi32, #tpu.memory_space<vmem>> -> memref<1x128xi32, #tpu.memory_space<vmem>>
      %dma_wait3A_33 = tpu.memref_squeeze %dma_wait3A_32 : memref<1x128xi32, #tpu.memory_space<vmem>> -> memref<128xi32, #tpu.memory_space<vmem>>
      %dma_wait3A_34 = arith.constant 0 : i32
      %dma_wait3A_35 = arith.constant 0 : i32
      %dma_wait3A_36 = tpu.memref_slice %arg2[%dma_wait3A_34, %dma_wait3A_35] : memref<10000x128xf32, #tpu.memory_space<hbm>> -> memref<10000x128xf32, #tpu.memory_space<hbm>>
      tpu.wait_indirect_dma semaphore(%arg10 : memref<!tpu.dma_semaphore, #tpu.memory_space<semaphore_mem>>) src(%dma_wait3A_36 : memref<10000x128xf32, #tpu.memory_space<hbm>>) dst(%arg8 : memref<128x128xf32, #tpu.memory_space<vmem>>)
      "tpu.region"() ({
        %run_scoped3A = tpu.sem_alloc : memref<!tpu.dma_semaphore, #tpu.memory_space<semaphore_mem>>
        %dma_start3A_37 = arith.constant 0 : i32
        %dma_start3A_38 = tpu.memref_slice %arg7[%scan3A_26, %dma_start3A_37] : memref<79x128xi32, #tpu.memory_space<vmem>> -> memref<1x128xi32, #tpu.memory_space<vmem>>
        %dma_start3A_39 = tpu.memref_squeeze %dma_start3A_38 : memref<1x128xi32, #tpu.memory_space<vmem>> -> memref<128xi32, #tpu.memory_space<vmem>>
        %dma_start3A_40 = arith.constant 0 : i32
        %dma_start3A_41 = arith.constant 0 : i32
        %dma_start3A_42 = tpu.memref_slice %arg9[%dma_start3A_40, %dma_start3A_41] : memref<10112x128xf32, #tpu.memory_space<vmem_shared>> -> memref<10112x128xf32, #tpu.memory_space<vmem_shared>>
        tpu.enqueue_indirect_dma source(%arg8 : memref<128x128xf32, #tpu.memory_space<vmem>>) target(%dma_start3A_42 : memref<10112x128xf32, #tpu.memory_space<vmem_shared>>) offsets(%dma_start3A_39 : memref<128xi32, #tpu.memory_space<vmem>>) semaphore(%run_scoped3A : memref<!tpu.dma_semaphore, #tpu.memory_space<semaphore_mem>>) {add = true}
        %dma_wait3A_43 = arith.constant 0 : i32
        %dma_wait3A_44 = tpu.memref_slice %arg7[%scan3A_26, %dma_wait3A_43] : memref<79x128xi32, #tpu.memory_space<vmem>> -> memref<1x128xi32, #tpu.memory_space<vmem>>
        %dma_wait3A_45 = tpu.memref_squeeze %dma_wait3A_44 : memref<1x128xi32, #tpu.memory_space<vmem>> -> memref<128xi32, #tpu.memory_space<vmem>>
        %dma_wait3A_46 = arith.constant 0 : i32
        %dma_wait3A_47 = arith.constant 0 : i32
        %dma_wait3A_48 = tpu.memref_slice %arg9[%dma_wait3A_46, %dma_wait3A_47] : memref<10112x128xf32, #tpu.memory_space<vmem_shared>> -> memref<10112x128xf32, #tpu.memory_space<vmem_shared>>
        tpu.wait_indirect_dma semaphore(%run_scoped3A : memref<!tpu.dma_semaphore, #tpu.memory_space<semaphore_mem>>) src(%arg8 : memref<128x128xf32, #tpu.memory_space<vmem>>) dst(%dma_wait3A_48 : memref<10112x128xf32, #tpu.memory_space<vmem_shared>>)
        tpu.yield
      }) : () -> ()
    }
    %scan3A_24 = arith.constant 79 : i32
    %barrier3A_25 = arith.constant 0 : index
    tpu.barrier barrier_id(%barrier3A_25)
    "tpu.region"() ({
      %run_scoped3A = tpu.sem_alloc : memref<!tpu.dma_semaphore, #tpu.memory_space<semaphore_mem>>
      %dma_start3A = arith.constant 0 : i32
      %dma_start3A_26 = tpu.memref_slice %arg5[%arg0, %mul3A_8, %dma_start3A] : memref<2x10112x128xf32, #tpu.memory_space<hbm>> -> memref<1x632x128xf32, #tpu.memory_space<hbm>>
      %dma_start3A_27 = tpu.memref_squeeze %dma_start3A_26 : memref<1x632x128xf32, #tpu.memory_space<hbm>> -> memref<632x128xf32, #tpu.memory_space<hbm>>
      %dma_start3A_28 = arith.constant 0 : i32
      %dma_start3A_29 = tpu.memref_slice %arg9[%mul3A_8, %dma_start3A_28] : memref<10112x128xf32, #tpu.memory_space<vmem_shared>> -> memref<632x128xf32, #tpu.memory_space<vmem_shared>>
      tpu.enqueue_dma source(%dma_start3A_29 : memref<632x128xf32, #tpu.memory_space<vmem_shared>>) target(%dma_start3A_27 : memref<632x128xf32, #tpu.memory_space<hbm>>) target_semaphore(%run_scoped3A : memref<!tpu.dma_semaphore, #tpu.memory_space<semaphore_mem>>)
      %dma_wait3A = arith.constant 0 : i32
      %dma_wait3A_30 = tpu.memref_slice %arg5[%arg0, %mul3A_8, %dma_wait3A] : memref<2x10112x128xf32, #tpu.memory_space<hbm>> -> memref<1x632x128xf32, #tpu.memory_space<hbm>>
      %dma_wait3A_31 = tpu.memref_squeeze %dma_wait3A_30 : memref<1x632x128xf32, #tpu.memory_space<hbm>> -> memref<632x128xf32, #tpu.memory_space<hbm>>
      %dma_wait3A_32 = arith.constant 0 : i32
      %dma_wait3A_33 = tpu.memref_slice %arg9[%mul3A_8, %dma_wait3A_32] : memref<10112x128xf32, #tpu.memory_space<vmem_shared>> -> memref<632x128xf32, #tpu.memory_space<vmem_shared>>
      tpu.wait_dma2 semaphore(%run_scoped3A : memref<!tpu.dma_semaphore, #tpu.memory_space<semaphore_mem>>) src(%dma_wait3A_33 : memref<632x128xf32, #tpu.memory_space<vmem_shared>>) dst(%dma_wait3A_31 : memref<632x128xf32, #tpu.memory_space<hbm>>)
      tpu.yield
    }) : () -> ()
    return
  }
}

#map = affine_map<(d0, d1) -> (0, 0)>
#map1 = affine_map<(d0, d1) -> (0, 0, 0)>
module attributes {stable_mosaic.version = 14 : i64} {
  func.func @gs(%arg0: i32, %arg1: i32, %arg2: memref<10000x128xf32, #tpu.memory_space<hbm>>, %arg3: memref<32x79x128xi32, #tpu.memory_space<hbm>>, %arg4: memref<32x79x128xi32, #tpu.memory_space<hbm>>, %arg5: memref<2x10112x128xf32, #tpu.memory_space<hbm>>, %arg6: memref<79x128xi32, #tpu.memory_space<vmem>>, %arg7: memref<79x128xi32, #tpu.memory_space<vmem>>, %arg8: memref<128x128xf32, #tpu.memory_space<vmem>>, %arg9: memref<10112x128xf32, #tpu.memory_space<vmem_shared>>, %arg10: memref<!tpu.dma_semaphore, #tpu.memory_space<semaphore_mem>>) attributes {dimension_semantics = [#tpu.dimension_semantics<core_parallel>, #tpu.dimension_semantics<subcore_parallel>], iteration_bounds = array<i64: 2, 16>, scalar_prefetch = 0 : i64, scratch_operands = 5 : i64, tpu.core_type = #tpu.core_type<sc_vector_subcore>, window_params = [{transform_indices = #map}, {transform_indices = #map1}, {transform_indices = #map1}, {transform_indices = #map1}]} {
    %mul3A = arith.constant 16 : i32
    %mul3A_0 = arith.muli %arg0, %mul3A : i32
    %add3A = arith.addi %mul3A_0, %arg1 : i32
    %broadcast_in_dim3A = arith.constant 0.000000e+00 : f32
    %broadcast_in_dim3A_1 = vector.broadcast %broadcast_in_dim3A : f32 to vector<16xf32>
    %scan3A = arith.constant 0 : i32
    %scan3A_2 = arith.constant 0 : i32
    %scan3A_3 = arith.constant 128 : i32
    %scan3A_4 = arith.addi %scan3A_2, %scan3A_3 : i32
    %scan3A_5 = arith.constant 1 : i32
    scf.for %scan3A_26 = %scan3A_2 to %scan3A_4 step %scan3A_5  : i32 {
      %swap3A = arith.index_cast %scan3A_26 : i32 to index
      %swap3A_27 = arith.constant 0 : index
      %swap3A_28 = tpu.vector_load %arg8[%swap3A, %swap3A_27] {strides = array<i32>} : memref<128x128xf32, #tpu.memory_space<vmem>>, vector<1x16xf32>,
      %swap3A_29 = vector.shape_cast %swap3A_28 : vector<1x16xf32> to vector<16xf32>
      %swap3A_30 = vector.shape_cast %broadcast_in_dim3A_1 : vector<16xf32> to vector<1x16xf32>
      tpu.vector_store %arg8[%swap3A, %swap3A_27], %swap3A_30 {strides = array<i32>} : memref<128x128xf32, #tpu.memory_space<vmem>>, vector<1x16xf32>,
      %swap3A_31 = arith.index_cast %scan3A_26 : i32 to index
      %swap3A_32 = arith.constant 16 : index
      %swap3A_33 = tpu.vector_load %arg8[%swap3A_31, %swap3A_32] {strides = array<i32>} : memref<128x128xf32, #tpu.memory_space<vmem>>, vector<1x16xf32>,
      %swap3A_34 = vector.shape_cast %swap3A_33 : vector<1x16xf32> to vector<16xf32>
      %swap3A_35 = vector.shape_cast %broadcast_in_dim3A_1 : vector<16xf32> to vector<1x16xf32>
      tpu.vector_store %arg8[%swap3A_31, %swap3A_32], %swap3A_35 {strides = array<i32>} : memref<128x128xf32, #tpu.memory_space<vmem>>, vector<1x16xf32>,
      %swap3A_36 = arith.index_cast %scan3A_26 : i32 to index
      %swap3A_37 = arith.constant 32 : index
      %swap3A_38 = tpu.vector_load %arg8[%swap3A_36, %swap3A_37] {strides = array<i32>} : memref<128x128xf32, #tpu.memory_space<vmem>>, vector<1x16xf32>,
      %swap3A_39 = vector.shape_cast %swap3A_38 : vector<1x16xf32> to vector<16xf32>
      %swap3A_40 = vector.shape_cast %broadcast_in_dim3A_1 : vector<16xf32> to vector<1x16xf32>
      tpu.vector_store %arg8[%swap3A_36, %swap3A_37], %swap3A_40 {strides = array<i32>} : memref<128x128xf32, #tpu.memory_space<vmem>>, vector<1x16xf32>,
      %swap3A_41 = arith.index_cast %scan3A_26 : i32 to index
      %swap3A_42 = arith.constant 48 : index
      %swap3A_43 = tpu.vector_load %arg8[%swap3A_41, %swap3A_42] {strides = array<i32>} : memref<128x128xf32, #tpu.memory_space<vmem>>, vector<1x16xf32>,
      %swap3A_44 = vector.shape_cast %swap3A_43 : vector<1x16xf32> to vector<16xf32>
      %swap3A_45 = vector.shape_cast %broadcast_in_dim3A_1 : vector<16xf32> to vector<1x16xf32>
      tpu.vector_store %arg8[%swap3A_41, %swap3A_42], %swap3A_45 {strides = array<i32>} : memref<128x128xf32, #tpu.memory_space<vmem>>, vector<1x16xf32>,
      %swap3A_46 = arith.index_cast %scan3A_26 : i32 to index
      %swap3A_47 = arith.constant 64 : index
      %swap3A_48 = tpu.vector_load %arg8[%swap3A_46, %swap3A_47] {strides = array<i32>} : memref<128x128xf32, #tpu.memory_space<vmem>>, vector<1x16xf32>,
      %swap3A_49 = vector.shape_cast %swap3A_48 : vector<1x16xf32> to vector<16xf32>
      %swap3A_50 = vector.shape_cast %broadcast_in_dim3A_1 : vector<16xf32> to vector<1x16xf32>
      tpu.vector_store %arg8[%swap3A_46, %swap3A_47], %swap3A_50 {strides = array<i32>} : memref<128x128xf32, #tpu.memory_space<vmem>>, vector<1x16xf32>,
      %swap3A_51 = arith.index_cast %scan3A_26 : i32 to index
      %swap3A_52 = arith.constant 80 : index
      %swap3A_53 = tpu.vector_load %arg8[%swap3A_51, %swap3A_52] {strides = array<i32>} : memref<128x128xf32, #tpu.memory_space<vmem>>, vector<1x16xf32>,
      %swap3A_54 = vector.shape_cast %swap3A_53 : vector<1x16xf32> to vector<16xf32>
      %swap3A_55 = vector.shape_cast %broadcast_in_dim3A_1 : vector<16xf32> to vector<1x16xf32>
      tpu.vector_store %arg8[%swap3A_51, %swap3A_52], %swap3A_55 {strides = array<i32>} : memref<128x128xf32, #tpu.memory_space<vmem>>, vector<1x16xf32>,
      %swap3A_56 = arith.index_cast %scan3A_26 : i32 to index
      %swap3A_57 = arith.constant 96 : index
      %swap3A_58 = tpu.vector_load %arg8[%swap3A_56, %swap3A_57] {strides = array<i32>} : memref<128x128xf32, #tpu.memory_space<vmem>>, vector<1x16xf32>,
      %swap3A_59 = vector.shape_cast %swap3A_58 : vector<1x16xf32> to vector<16xf32>
      %swap3A_60 = vector.shape_cast %broadcast_in_dim3A_1 : vector<16xf32> to vector<1x16xf32>
      tpu.vector_store %arg8[%swap3A_56, %swap3A_57], %swap3A_60 {strides = array<i32>} : memref<128x128xf32, #tpu.memory_space<vmem>>, vector<1x16xf32>,
      %swap3A_61 = arith.index_cast %scan3A_26 : i32 to index
      %swap3A_62 = arith.constant 112 : index
      %swap3A_63 = tpu.vector_load %arg8[%swap3A_61, %swap3A_62] {strides = array<i32>} : memref<128x128xf32, #tpu.memory_space<vmem>>, vector<1x16xf32>,
      %swap3A_64 = vector.shape_cast %swap3A_63 : vector<1x16xf32> to vector<16xf32>
      %swap3A_65 = vector.shape_cast %broadcast_in_dim3A_1 : vector<16xf32> to vector<1x16xf32>
      tpu.vector_store %arg8[%swap3A_61, %swap3A_62], %swap3A_65 {strides = array<i32>} : memref<128x128xf32, #tpu.memory_space<vmem>>, vector<1x16xf32>,
    }
    %scan3A_6 = arith.constant 128 : i32
    %mul3A_7 = arith.constant 632 : i32
    %mul3A_8 = arith.muli %arg1, %mul3A_7 : i32
    %add3A_9 = arith.constant 0 : i32
    %add3A_10 = arith.addi %mul3A_8, %add3A_9 : i32
    "tpu.region"() ({
      %run_scoped3A = tpu.sem_alloc : memref<!tpu.dma_semaphore, #tpu.memory_space<semaphore_mem>>
      %dma_start3A = arith.constant 0 : i32
      %dma_start3A_26 = tpu.memref_slice %arg9[%add3A_10, %dma_start3A] : memref<10112x128xf32, #tpu.memory_space<vmem_shared>> -> memref<128x128xf32, #tpu.memory_space<vmem_shared>>
      %dma_start3A_27 = arith.constant 0 : i32
      %dma_start3A_28 = tpu.memref_slice %arg9[%add3A_10, %dma_start3A_27] : memref<10112x128xf32, #tpu.memory_space<vmem_shared>> -> memref<128x128xf32, #tpu.memory_space<vmem_shared>>
      tpu.enqueue_dma source(%arg8 : memref<128x128xf32, #tpu.memory_space<vmem>>) target(%dma_start3A_28 : memref<128x128xf32, #tpu.memory_space<vmem_shared>>) target_semaphore(%run_scoped3A : memref<!tpu.dma_semaphore, #tpu.memory_space<semaphore_mem>>)
      %dma_wait3A = arith.constant 0 : i32
      %dma_wait3A_29 = tpu.memref_slice %arg9[%add3A_10, %dma_wait3A] : memref<10112x128xf32, #tpu.memory_space<vmem_shared>> -> memref<128x128xf32, #tpu.memory_space<vmem_shared>>
      %dma_wait3A_30 = arith.constant 0 : i32
      %dma_wait3A_31 = tpu.memref_slice %arg9[%add3A_10, %dma_wait3A_30] : memref<10112x128xf32, #tpu.memory_space<vmem_shared>> -> memref<128x128xf32, #tpu.memory_space<vmem_shared>>
      tpu.wait_dma2 semaphore(%run_scoped3A : memref<!tpu.dma_semaphore, #tpu.memory_space<semaphore_mem>>) src(%arg8 : memref<128x128xf32, #tpu.memory_space<vmem>>) dst(%dma_wait3A_31 : memref<128x128xf32, #tpu.memory_space<vmem_shared>>)
      tpu.yield
    }) : () -> ()
    %add3A_11 = arith.constant 128 : i32
    %add3A_12 = arith.addi %mul3A_8, %add3A_11 : i32
    "tpu.region"() ({
      %run_scoped3A = tpu.sem_alloc : memref<!tpu.dma_semaphore, #tpu.memory_space<semaphore_mem>>
      %dma_start3A = arith.constant 0 : i32
      %dma_start3A_26 = tpu.memref_slice %arg9[%add3A_12, %dma_start3A] : memref<10112x128xf32, #tpu.memory_space<vmem_shared>> -> memref<128x128xf32, #tpu.memory_space<vmem_shared>>
      %dma_start3A_27 = arith.constant 0 : i32
      %dma_start3A_28 = tpu.memref_slice %arg9[%add3A_12, %dma_start3A_27] : memref<10112x128xf32, #tpu.memory_space<vmem_shared>> -> memref<128x128xf32, #tpu.memory_space<vmem_shared>>
      tpu.enqueue_dma source(%arg8 : memref<128x128xf32, #tpu.memory_space<vmem>>) target(%dma_start3A_28 : memref<128x128xf32, #tpu.memory_space<vmem_shared>>) target_semaphore(%run_scoped3A : memref<!tpu.dma_semaphore, #tpu.memory_space<semaphore_mem>>)
      %dma_wait3A = arith.constant 0 : i32
      %dma_wait3A_29 = tpu.memref_slice %arg9[%add3A_12, %dma_wait3A] : memref<10112x128xf32, #tpu.memory_space<vmem_shared>> -> memref<128x128xf32, #tpu.memory_space<vmem_shared>>
      %dma_wait3A_30 = arith.constant 0 : i32
      %dma_wait3A_31 = tpu.memref_slice %arg9[%add3A_12, %dma_wait3A_30] : memref<10112x128xf32, #tpu.memory_space<vmem_shared>> -> memref<128x128xf32, #tpu.memory_space<vmem_shared>>
      tpu.wait_dma2 semaphore(%run_scoped3A : memref<!tpu.dma_semaphore, #tpu.memory_space<semaphore_mem>>) src(%arg8 : memref<128x128xf32, #tpu.memory_space<vmem>>) dst(%dma_wait3A_31 : memref<128x128xf32, #tpu.memory_space<vmem_shared>>)
      tpu.yield
    }) : () -> ()
    %add3A_13 = arith.constant 256 : i32
    %add3A_14 = arith.addi %mul3A_8, %add3A_13 : i32
    "tpu.region"() ({
      %run_scoped3A = tpu.sem_alloc : memref<!tpu.dma_semaphore, #tpu.memory_space<semaphore_mem>>
      %dma_start3A = arith.constant 0 : i32
      %dma_start3A_26 = tpu.memref_slice %arg9[%add3A_14, %dma_start3A] : memref<10112x128xf32, #tpu.memory_space<vmem_shared>> -> memref<128x128xf32, #tpu.memory_space<vmem_shared>>
      %dma_start3A_27 = arith.constant 0 : i32
      %dma_start3A_28 = tpu.memref_slice %arg9[%add3A_14, %dma_start3A_27] : memref<10112x128xf32, #tpu.memory_space<vmem_shared>> -> memref<128x128xf32, #tpu.memory_space<vmem_shared>>
      tpu.enqueue_dma source(%arg8 : memref<128x128xf32, #tpu.memory_space<vmem>>) target(%dma_start3A_28 : memref<128x128xf32, #tpu.memory_space<vmem_shared>>) target_semaphore(%run_scoped3A : memref<!tpu.dma_semaphore, #tpu.memory_space<semaphore_mem>>)
      %dma_wait3A = arith.constant 0 : i32
      %dma_wait3A_29 = tpu.memref_slice %arg9[%add3A_14, %dma_wait3A] : memref<10112x128xf32, #tpu.memory_space<vmem_shared>> -> memref<128x128xf32, #tpu.memory_space<vmem_shared>>
      %dma_wait3A_30 = arith.constant 0 : i32
      %dma_wait3A_31 = tpu.memref_slice %arg9[%add3A_14, %dma_wait3A_30] : memref<10112x128xf32, #tpu.memory_space<vmem_shared>> -> memref<128x128xf32, #tpu.memory_space<vmem_shared>>
      tpu.wait_dma2 semaphore(%run_scoped3A : memref<!tpu.dma_semaphore, #tpu.memory_space<semaphore_mem>>) src(%arg8 : memref<128x128xf32, #tpu.memory_space<vmem>>) dst(%dma_wait3A_31 : memref<128x128xf32, #tpu.memory_space<vmem_shared>>)
      tpu.yield
    }) : () -> ()
    %add3A_15 = arith.constant 384 : i32
    %add3A_16 = arith.addi %mul3A_8, %add3A_15 : i32
    "tpu.region"() ({
      %run_scoped3A = tpu.sem_alloc : memref<!tpu.dma_semaphore, #tpu.memory_space<semaphore_mem>>
      %dma_start3A = arith.constant 0 : i32
      %dma_start3A_26 = tpu.memref_slice %arg9[%add3A_16, %dma_start3A] : memref<10112x128xf32, #tpu.memory_space<vmem_shared>> -> memref<128x128xf32, #tpu.memory_space<vmem_shared>>
      %dma_start3A_27 = arith.constant 0 : i32
      %dma_start3A_28 = tpu.memref_slice %arg9[%add3A_16, %dma_start3A_27] : memref<10112x128xf32, #tpu.memory_space<vmem_shared>> -> memref<128x128xf32, #tpu.memory_space<vmem_shared>>
      tpu.enqueue_dma source(%arg8 : memref<128x128xf32, #tpu.memory_space<vmem>>) target(%dma_start3A_28 : memref<128x128xf32, #tpu.memory_space<vmem_shared>>) target_semaphore(%run_scoped3A : memref<!tpu.dma_semaphore, #tpu.memory_space<semaphore_mem>>)
      %dma_wait3A = arith.constant 0 : i32
      %dma_wait3A_29 = tpu.memref_slice %arg9[%add3A_16, %dma_wait3A] : memref<10112x128xf32, #tpu.memory_space<vmem_shared>> -> memref<128x128xf32, #tpu.memory_space<vmem_shared>>
      %dma_wait3A_30 = arith.constant 0 : i32
      %dma_wait3A_31 = tpu.memref_slice %arg9[%add3A_16, %dma_wait3A_30] : memref<10112x128xf32, #tpu.memory_space<vmem_shared>> -> memref<128x128xf32, #tpu.memory_space<vmem_shared>>
      tpu.wait_dma2 semaphore(%run_scoped3A : memref<!tpu.dma_semaphore, #tpu.memory_space<semaphore_mem>>) src(%arg8 : memref<128x128xf32, #tpu.memory_space<vmem>>) dst(%dma_wait3A_31 : memref<128x128xf32, #tpu.memory_space<vmem_shared>>)
      tpu.yield
    }) : () -> ()
    %add3A_17 = arith.constant 512 : i32
    %add3A_18 = arith.addi %mul3A_8, %add3A_17 : i32
    "tpu.region"() ({
      %run_scoped3A = tpu.sem_alloc : memref<!tpu.dma_semaphore, #tpu.memory_space<semaphore_mem>>
      %dma_start3A = arith.constant 0 : i32
      %dma_start3A_26 = arith.constant 0 : i32
      %dma_start3A_27 = tpu.memref_slice %arg8[%dma_start3A, %dma_start3A_26] : memref<128x128xf32, #tpu.memory_space<vmem>> -> memref<120x128xf32, #tpu.memory_space<vmem>>
      %dma_start3A_28 = arith.constant 0 : i32
      %dma_start3A_29 = tpu.memref_slice %arg9[%add3A_18, %dma_start3A_28] : memref<10112x128xf32, #tpu.memory_space<vmem_shared>> -> memref<120x128xf32, #tpu.memory_space<vmem_shared>>
      %dma_start3A_30 = arith.constant 0 : i32
      %dma_start3A_31 = tpu.memref_slice %arg9[%add3A_18, %dma_start3A_30] : memref<10112x128xf32, #tpu.memory_space<vmem_shared>> -> memref<120x128xf32, #tpu.memory_space<vmem_shared>>
      %dma_start3A_32 = arith.constant 0 : i32
      %dma_start3A_33 = arith.constant 0 : i32
      %dma_start3A_34 = tpu.memref_slice %arg8[%dma_start3A_32, %dma_start3A_33] : memref<128x128xf32, #tpu.memory_space<vmem>> -> memref<120x128xf32, #tpu.memory_space<vmem>>
      tpu.enqueue_dma source(%dma_start3A_34 : memref<120x128xf32, #tpu.memory_space<vmem>>) target(%dma_start3A_31 : memref<120x128xf32, #tpu.memory_space<vmem_shared>>) target_semaphore(%run_scoped3A : memref<!tpu.dma_semaphore, #tpu.memory_space<semaphore_mem>>)
      %dma_wait3A = arith.constant 0 : i32
      %dma_wait3A_35 = arith.constant 0 : i32
      %dma_wait3A_36 = tpu.memref_slice %arg8[%dma_wait3A, %dma_wait3A_35] : memref<128x128xf32, #tpu.memory_space<vmem>> -> memref<120x128xf32, #tpu.memory_space<vmem>>
      %dma_wait3A_37 = arith.constant 0 : i32
      %dma_wait3A_38 = tpu.memref_slice %arg9[%add3A_18, %dma_wait3A_37] : memref<10112x128xf32, #tpu.memory_space<vmem_shared>> -> memref<120x128xf32, #tpu.memory_space<vmem_shared>>
      %dma_wait3A_39 = arith.constant 0 : i32
      %dma_wait3A_40 = tpu.memref_slice %arg9[%add3A_18, %dma_wait3A_39] : memref<10112x128xf32, #tpu.memory_space<vmem_shared>> -> memref<120x128xf32, #tpu.memory_space<vmem_shared>>
      %dma_wait3A_41 = arith.constant 0 : i32
      %dma_wait3A_42 = arith.constant 0 : i32
      %dma_wait3A_43 = tpu.memref_slice %arg8[%dma_wait3A_41, %dma_wait3A_42] : memref<128x128xf32, #tpu.memory_space<vmem>> -> memref<120x128xf32, #tpu.memory_space<vmem>>
      tpu.wait_dma2 semaphore(%run_scoped3A : memref<!tpu.dma_semaphore, #tpu.memory_space<semaphore_mem>>) src(%dma_wait3A_43 : memref<120x128xf32, #tpu.memory_space<vmem>>) dst(%dma_wait3A_40 : memref<120x128xf32, #tpu.memory_space<vmem_shared>>)
      tpu.yield
    }) : () -> ()
    "tpu.region"() ({
      %run_scoped3A = tpu.sem_alloc : memref<!tpu.dma_semaphore, #tpu.memory_space<semaphore_mem>>
      %dma_start3A = arith.constant 0 : i32
      %dma_start3A_26 = arith.constant 0 : i32
      %dma_start3A_27 = tpu.memref_slice %arg3[%add3A, %dma_start3A, %dma_start3A_26] : memref<32x79x128xi32, #tpu.memory_space<hbm>> -> memref<1x79x128xi32, #tpu.memory_space<hbm>>
      %dma_start3A_28 = tpu.memref_squeeze %dma_start3A_27 : memref<1x79x128xi32, #tpu.memory_space<hbm>> -> memref<79x128xi32, #tpu.memory_space<hbm>>
      %dma_start3A_29 = arith.constant 0 : i32
      %dma_start3A_30 = arith.constant 0 : i32
      %dma_start3A_31 = tpu.memref_slice %arg3[%add3A, %dma_start3A_29, %dma_start3A_30] : memref<32x79x128xi32, #tpu.memory_space<hbm>> -> memref<1x79x128xi32, #tpu.memory_space<hbm>>
      %dma_start3A_32 = tpu.memref_squeeze %dma_start3A_31 : memref<1x79x128xi32, #tpu.memory_space<hbm>> -> memref<79x128xi32, #tpu.memory_space<hbm>>
      tpu.enqueue_dma source(%dma_start3A_32 : memref<79x128xi32, #tpu.memory_space<hbm>>) target(%arg6 : memref<79x128xi32, #tpu.memory_space<vmem>>) target_semaphore(%run_scoped3A : memref<!tpu.dma_semaphore, #tpu.memory_space<semaphore_mem>>)
      %dma_wait3A = arith.constant 0 : i32
      %dma_wait3A_33 = arith.constant 0 : i32
      %dma_wait3A_34 = tpu.memref_slice %arg3[%add3A, %dma_wait3A, %dma_wait3A_33] : memref<32x79x128xi32, #tpu.memory_space<hbm>> -> memref<1x79x128xi32, #tpu.memory_space<hbm>>
      %dma_wait3A_35 = tpu.memref_squeeze %dma_wait3A_34 : memref<1x79x128xi32, #tpu.memory_space<hbm>> -> memref<79x128xi32, #tpu.memory_space<hbm>>
      %dma_wait3A_36 = arith.constant 0 : i32
      %dma_wait3A_37 = arith.constant 0 : i32
      %dma_wait3A_38 = tpu.memref_slice %arg3[%add3A, %dma_wait3A_36, %dma_wait3A_37] : memref<32x79x128xi32, #tpu.memory_space<hbm>> -> memref<1x79x128xi32, #tpu.memory_space<hbm>>
      %dma_wait3A_39 = tpu.memref_squeeze %dma_wait3A_38 : memref<1x79x128xi32, #tpu.memory_space<hbm>> -> memref<79x128xi32, #tpu.memory_space<hbm>>
      tpu.wait_dma2 semaphore(%run_scoped3A : memref<!tpu.dma_semaphore, #tpu.memory_space<semaphore_mem>>) src(%dma_wait3A_39 : memref<79x128xi32, #tpu.memory_space<hbm>>) dst(%arg6 : memref<79x128xi32, #tpu.memory_space<vmem>>)
      tpu.yield
    }) : () -> ()
    "tpu.region"() ({
      %run_scoped3A = tpu.sem_alloc : memref<!tpu.dma_semaphore, #tpu.memory_space<semaphore_mem>>
      %dma_start3A = arith.constant 0 : i32
      %dma_start3A_26 = arith.constant 0 : i32
      %dma_start3A_27 = tpu.memref_slice %arg4[%add3A, %dma_start3A, %dma_start3A_26] : memref<32x79x128xi32, #tpu.memory_space<hbm>> -> memref<1x79x128xi32, #tpu.memory_space<hbm>>
      %dma_start3A_28 = tpu.memref_squeeze %dma_start3A_27 : memref<1x79x128xi32, #tpu.memory_space<hbm>> -> memref<79x128xi32, #tpu.memory_space<hbm>>
      %dma_start3A_29 = arith.constant 0 : i32
      %dma_start3A_30 = arith.constant 0 : i32
      %dma_start3A_31 = tpu.memref_slice %arg4[%add3A, %dma_start3A_29, %dma_start3A_30] : memref<32x79x128xi32, #tpu.memory_space<hbm>> -> memref<1x79x128xi32, #tpu.memory_space<hbm>>
      %dma_start3A_32 = tpu.memref_squeeze %dma_start3A_31 : memref<1x79x128xi32, #tpu.memory_space<hbm>> -> memref<79x128xi32, #tpu.memory_space<hbm>>
      tpu.enqueue_dma source(%dma_start3A_32 : memref<79x128xi32, #tpu.memory_space<hbm>>) target(%arg7 : memref<79x128xi32, #tpu.memory_space<vmem>>) target_semaphore(%run_scoped3A : memref<!tpu.dma_semaphore, #tpu.memory_space<semaphore_mem>>)
      %dma_wait3A = arith.constant 0 : i32
      %dma_wait3A_33 = arith.constant 0 : i32
      %dma_wait3A_34 = tpu.memref_slice %arg4[%add3A, %dma_wait3A, %dma_wait3A_33] : memref<32x79x128xi32, #tpu.memory_space<hbm>> -> memref<1x79x128xi32, #tpu.memory_space<hbm>>
      %dma_wait3A_35 = tpu.memref_squeeze %dma_wait3A_34 : memref<1x79x128xi32, #tpu.memory_space<hbm>> -> memref<79x128xi32, #tpu.memory_space<hbm>>
      %dma_wait3A_36 = arith.constant 0 : i32
      %dma_wait3A_37 = arith.constant 0 : i32
      %dma_wait3A_38 = tpu.memref_slice %arg4[%add3A, %dma_wait3A_36, %dma_wait3A_37] : memref<32x79x128xi32, #tpu.memory_space<hbm>> -> memref<1x79x128xi32, #tpu.memory_space<hbm>>
      %dma_wait3A_39 = tpu.memref_squeeze %dma_wait3A_38 : memref<1x79x128xi32, #tpu.memory_space<hbm>> -> memref<79x128xi32, #tpu.memory_space<hbm>>
      tpu.wait_dma2 semaphore(%run_scoped3A : memref<!tpu.dma_semaphore, #tpu.memory_space<semaphore_mem>>) src(%dma_wait3A_39 : memref<79x128xi32, #tpu.memory_space<hbm>>) dst(%arg7 : memref<79x128xi32, #tpu.memory_space<vmem>>)
      tpu.yield
    }) : () -> ()
    %barrier3A = arith.constant 0 : index
    tpu.barrier barrier_id(%barrier3A)
    %scan3A_19 = arith.constant 0 : i32
    %scan3A_20 = arith.constant 0 : i32
    %scan3A_21 = arith.constant 79 : i32
    %scan3A_22 = arith.addi %scan3A_20, %scan3A_21 : i32
    %scan3A_23 = arith.constant 1 : i32
    scf.for %scan3A_26 = %scan3A_20 to %scan3A_22 step %scan3A_23  : i32 {
      %dma_start3A = arith.constant 0 : i32
      %dma_start3A_27 = tpu.memref_slice %arg6[%scan3A_26, %dma_start3A] : memref<79x128xi32, #tpu.memory_space<vmem>> -> memref<1x128xi32, #tpu.memory_space<vmem>>
      %dma_start3A_28 = tpu.memref_squeeze %dma_start3A_27 : memref<1x128xi32, #tpu.memory_space<vmem>> -> memref<128xi32, #tpu.memory_space<vmem>>
      %dma_start3A_29 = arith.constant 0 : i32
      %dma_start3A_30 = arith.constant 0 : i32
      %dma_start3A_31 = tpu.memref_slice %arg2[%dma_start3A_29, %dma_start3A_30] : memref<10000x128xf32, #tpu.memory_space<hbm>> -> memref<10000x128xf32, #tpu.memory_space<hbm>>
      tpu.enqueue_indirect_dma source(%dma_start3A_31 : memref<10000x128xf32, #tpu.memory_space<hbm>>) target(%arg8 : memref<128x128xf32, #tpu.memory_space<vmem>>) offsets(%dma_start3A_28 : memref<128xi32, #tpu.memory_space<vmem>>) semaphore(%arg10 : memref<!tpu.dma_semaphore, #tpu.memory_space<semaphore_mem>>)
      %dma_wait3A = arith.constant 0 : i32
      %dma_wait3A_32 = tpu.memref_slice %arg6[%scan3A_26, %dma_wait3A] : memref<79x128xi32, #tpu.memory_space<vmem>> -> memref<1x128xi32, #tpu.memory_space<vmem>>
      %dma_wait3A_33 = tpu.memref_squeeze %dma_wait3A_32 : memref<1x128xi32, #tpu.memory_space<vmem>> -> memref<128xi32, #tpu.memory_space<vmem>>
      %dma_wait3A_34 = arith.constant 0 : i32
      %dma_wait3A_35 = arith.constant 0 : i32
      %dma_wait3A_36 = tpu.memref_slice %arg2[%dma_wait3A_34, %dma_wait3A_35] : memref<10000x128xf32, #tpu.memory_space<hbm>> -> memref<10000x128xf32, #tpu.memory_space<hbm>>
      tpu.wait_indirect_dma semaphore(%arg10 : memref<!tpu.dma_semaphore, #tpu.memory_space<semaphore_mem>>) src(%dma_wait3A_36 : memref<10000x128xf32, #tpu.memory_space<hbm>>) dst(%arg8 : memref<128x128xf32, #tpu.memory_space<vmem>>)
      "tpu.region"() ({
        %run_scoped3A = tpu.sem_alloc : memref<!tpu.dma_semaphore, #tpu.memory_space<semaphore_mem>>
        %dma_start3A_37 = arith.constant 0 : i32
        %dma_start3A_38 = tpu.memref_slice %arg7[%scan3A_26, %dma_start3A_37] : memref<79x128xi32, #tpu.memory_space<vmem>> -> memref<1x128xi32, #tpu.memory_space<vmem>>
        %dma_start3A_39 = tpu.memref_squeeze %dma_start3A_38 : memref<1x128xi32, #tpu.memory_space<vmem>> -> memref<128xi32, #tpu.memory_space<vmem>>
        %dma_start3A_40 = arith.constant 0 : i32
        %dma_start3A_41 = arith.constant 0 : i32
        %dma_start3A_42 = tpu.memref_slice %arg9[%dma_start3A_40, %dma_start3A_41] : memref<10112x128xf32, #tpu.memory_space<vmem_shared>> -> memref<10112x128xf32, #tpu.memory_space<vmem_shared>>
        tpu.enqueue_indirect_dma source(%arg8 : memref<128x128xf32, #tpu.memory_space<vmem>>) target(%dma_start3A_42 : memref<10112x128xf32, #tpu.memory_space<vmem_shared>>) offsets(%dma_start3A_39 : memref<128xi32, #tpu.memory_space<vmem>>) semaphore(%run_scoped3A : memref<!tpu.dma_semaphore, #tpu.memory_space<semaphore_mem>>) {add = true}
        %dma_wait3A_43 = arith.constant 0 : i32
        %dma_wait3A_44 = tpu.memref_slice %arg7[%scan3A_26, %dma_wait3A_43] : memref<79x128xi32, #tpu.memory_space<vmem>> -> memref<1x128xi32, #tpu.memory_space<vmem>>
        %dma_wait3A_45 = tpu.memref_squeeze %dma_wait3A_44 : memref<1x128xi32, #tpu.memory_space<vmem>> -> memref<128xi32, #tpu.memory_space<vmem>>
        %dma_wait3A_46 = arith.constant 0 : i32
        %dma_wait3A_47 = arith.constant 0 : i32
        %dma_wait3A_48 = tpu.memref_slice %arg9[%dma_wait3A_46, %dma_wait3A_47] : memref<10112x128xf32, #tpu.memory_space<vmem_shared>> -> memref<10112x128xf32, #tpu.memory_space<vmem_shared>>
        tpu.wait_indirect_dma semaphore(%run_scoped3A : memref<!tpu.dma_semaphore, #tpu.memory_space<semaphore_mem>>) src(%arg8 : memref<128x128xf32, #tpu.memory_space<vmem>>) dst(%dma_wait3A_48 : memref<10112x128xf32, #tpu.memory_space<vmem_shared>>)
        tpu.yield
      }) : () -> ()
    }
    %scan3A_24 = arith.constant 79 : i32
    %barrier3A_25 = arith.constant 0 : index
    tpu.barrier barrier_id(%barrier3A_25)
    "tpu.region"() ({
      %run_scoped3A = tpu.sem_alloc : memref<!tpu.dma_semaphore, #tpu.memory_space<semaphore_mem>>
      %dma_start3A = arith.constant 0 : i32
      %dma_start3A_26 = tpu.memref_slice %arg5[%arg0, %mul3A_8, %dma_start3A] : memref<2x10112x128xf32, #tpu.memory_space<hbm>> -> memref<1x632x128xf32, #tpu.memory_space<hbm>>
      %dma_start3A_27 = tpu.memref_squeeze %dma_start3A_26 : memref<1x632x128xf32, #tpu.memory_space<hbm>> -> memref<632x128xf32, #tpu.memory_space<hbm>>
      %dma_start3A_28 = arith.constant 0 : i32
      %dma_start3A_29 = tpu.memref_slice %arg9[%mul3A_8, %dma_start3A_28] : memref<10112x128xf32, #tpu.memory_space<vmem_shared>> -> memref<632x128xf32, #tpu.memory_space<vmem_shared>>
      tpu.enqueue_dma source(%dma_start3A_29 : memref<632x128xf32, #tpu.memory_space<vmem_shared>>) target(%dma_start3A_27 : memref<632x128xf32, #tpu.memory_space<hbm>>) target_semaphore(%run_scoped3A : memref<!tpu.dma_semaphore, #tpu.memory_space<semaphore_mem>>)
      %dma_wait3A = arith.constant 0 : i32
      %dma_wait3A_30 = tpu.memref_slice %arg5[%arg0, %mul3A_8, %dma_wait3A] : memref<2x10112x128xf32, #tpu.memory_space<hbm>> -> memref<1x632x128xf32, #tpu.memory_space<hbm>>
      %dma_wait3A_31 = tpu.memref_squeeze %dma_wait3A_30 : memref<1x632x128xf32, #tpu.memory_space<hbm>> -> memref<632x128xf32, #tpu.memory_space<hbm>>
      %dma_wait3A_32 = arith.constant 0 : i32
      %dma_wait3A_33 = tpu.memref_slice %arg9[%mul3A_8, %dma_wait3A_32] : memref<10112x128xf32, #tpu.memory_space<vmem_shared>> -> memref<632x128xf32, #tpu.memory_space<vmem_shared>>
      tpu.wait_dma2 semaphore(%run_scoped3A : memref<!tpu.dma_semaphore, #tpu.memory_space<semaphore_mem>>) src(%dma_wait3A_33 : memref<632x128xf32, #tpu.memory_space<vmem_shared>>) dst(%dma_wait3A_31 : memref<632x128xf32, #tpu.memory_space<hbm>>)
      tpu.yield
    }) : () -> ()
    return
  }
}

#map = affine_map<(d0, d1) -> (0, 0)>
#map1 = affine_map<(d0, d1) -> (0)>
#map2 = affine_map<(d0, d1) -> (0, 0, 0)>
module attributes {stable_mosaic.version = 14 : i64} {
  func.func @_edge_logits_sc(%arg0: i32, %arg1: i32, %arg2: memref<10112x128xf32, #tpu.memory_space<hbm>>, %arg3: memref<16xf32, #tpu.memory_space<hbm>>, %arg4: memref<32x79x128xi32, #tpu.memory_space<hbm>>, %arg5: memref<32x79x128xi32, #tpu.memory_space<hbm>>, %arg6: memref<323584x16xf32, #tpu.memory_space<hbm>>, %arg7: memref<79x128xi32, #tpu.memory_space<vmem>>, %arg8: memref<79x128xi32, #tpu.memory_space<vmem>>, %arg9: memref<128x128xf32, #tpu.memory_space<vmem>>, %arg10: memref<128x128xf32, #tpu.memory_space<vmem>>, %arg11: memref<128x16xf32, #tpu.memory_space<vmem>>, %arg12: memref<16xf32, #tpu.memory_space<vmem>>, %arg13: memref<!tpu.dma_semaphore, #tpu.memory_space<semaphore_mem>>, %arg14: memref<!tpu.dma_semaphore, #tpu.memory_space<semaphore_mem>>) attributes {dimension_semantics = [#tpu.dimension_semantics<core_parallel>, #tpu.dimension_semantics<subcore_parallel>], iteration_bounds = array<i64: 2, 16>, scalar_prefetch = 0 : i64, scratch_operands = 8 : i64, tpu.core_type = #tpu.core_type<sc_vector_subcore>, window_params = [{transform_indices = #map}, {transform_indices = #map1}, {transform_indices = #map2}, {transform_indices = #map2}, {transform_indices = #map}]} {
    %mul3A = arith.constant 16 : i32
    %mul3A_0 = arith.muli %arg0, %mul3A : i32
    %add3A = arith.addi %mul3A_0, %arg1 : i32
    "tpu.region"() ({
      %run_scoped3A = tpu.sem_alloc : memref<!tpu.dma_semaphore, #tpu.memory_space<semaphore_mem>>
      %dma_start3A = arith.constant 0 : i32
      %dma_start3A_8 = arith.constant 0 : i32
      %dma_start3A_9 = tpu.memref_slice %arg4[%add3A, %dma_start3A, %dma_start3A_8] : memref<32x79x128xi32, #tpu.memory_space<hbm>> -> memref<1x79x128xi32, #tpu.memory_space<hbm>>
      %dma_start3A_10 = tpu.memref_squeeze %dma_start3A_9 : memref<1x79x128xi32, #tpu.memory_space<hbm>> -> memref<79x128xi32, #tpu.memory_space<hbm>>
      %dma_start3A_11 = arith.constant 0 : i32
      %dma_start3A_12 = arith.constant 0 : i32
      %dma_start3A_13 = tpu.memref_slice %arg4[%add3A, %dma_start3A_11, %dma_start3A_12] : memref<32x79x128xi32, #tpu.memory_space<hbm>> -> memref<1x79x128xi32, #tpu.memory_space<hbm>>
      %dma_start3A_14 = tpu.memref_squeeze %dma_start3A_13 : memref<1x79x128xi32, #tpu.memory_space<hbm>> -> memref<79x128xi32, #tpu.memory_space<hbm>>
      tpu.enqueue_dma source(%dma_start3A_14 : memref<79x128xi32, #tpu.memory_space<hbm>>) target(%arg7 : memref<79x128xi32, #tpu.memory_space<vmem>>) target_semaphore(%run_scoped3A : memref<!tpu.dma_semaphore, #tpu.memory_space<semaphore_mem>>)
      %dma_wait3A = arith.constant 0 : i32
      %dma_wait3A_15 = arith.constant 0 : i32
      %dma_wait3A_16 = tpu.memref_slice %arg4[%add3A, %dma_wait3A, %dma_wait3A_15] : memref<32x79x128xi32, #tpu.memory_space<hbm>> -> memref<1x79x128xi32, #tpu.memory_space<hbm>>
      %dma_wait3A_17 = tpu.memref_squeeze %dma_wait3A_16 : memref<1x79x128xi32, #tpu.memory_space<hbm>> -> memref<79x128xi32, #tpu.memory_space<hbm>>
      %dma_wait3A_18 = arith.constant 0 : i32
      %dma_wait3A_19 = arith.constant 0 : i32
      %dma_wait3A_20 = tpu.memref_slice %arg4[%add3A, %dma_wait3A_18, %dma_wait3A_19] : memref<32x79x128xi32, #tpu.memory_space<hbm>> -> memref<1x79x128xi32, #tpu.memory_space<hbm>>
      %dma_wait3A_21 = tpu.memref_squeeze %dma_wait3A_20 : memref<1x79x128xi32, #tpu.memory_space<hbm>> -> memref<79x128xi32, #tpu.memory_space<hbm>>
      tpu.wait_dma2 semaphore(%run_scoped3A : memref<!tpu.dma_semaphore, #tpu.memory_space<semaphore_mem>>) src(%dma_wait3A_21 : memref<79x128xi32, #tpu.memory_space<hbm>>) dst(%arg7 : memref<79x128xi32, #tpu.memory_space<vmem>>)
      tpu.yield
    }) : () -> ()
    "tpu.region"() ({
      %run_scoped3A = tpu.sem_alloc : memref<!tpu.dma_semaphore, #tpu.memory_space<semaphore_mem>>
      %dma_start3A = arith.constant 0 : i32
      %dma_start3A_8 = arith.constant 0 : i32
      %dma_start3A_9 = tpu.memref_slice %arg5[%add3A, %dma_start3A, %dma_start3A_8] : memref<32x79x128xi32, #tpu.memory_space<hbm>> -> memref<1x79x128xi32, #tpu.memory_space<hbm>>
      %dma_start3A_10 = tpu.memref_squeeze %dma_start3A_9 : memref<1x79x128xi32, #tpu.memory_space<hbm>> -> memref<79x128xi32, #tpu.memory_space<hbm>>
      %dma_start3A_11 = arith.constant 0 : i32
      %dma_start3A_12 = arith.constant 0 : i32
      %dma_start3A_13 = tpu.memref_slice %arg5[%add3A, %dma_start3A_11, %dma_start3A_12] : memref<32x79x128xi32, #tpu.memory_space<hbm>> -> memref<1x79x128xi32, #tpu.memory_space<hbm>>
      %dma_start3A_14 = tpu.memref_squeeze %dma_start3A_13 : memref<1x79x128xi32, #tpu.memory_space<hbm>> -> memref<79x128xi32, #tpu.memory_space<hbm>>
      tpu.enqueue_dma source(%dma_start3A_14 : memref<79x128xi32, #tpu.memory_space<hbm>>) target(%arg8 : memref<79x128xi32, #tpu.memory_space<vmem>>) target_semaphore(%run_scoped3A : memref<!tpu.dma_semaphore, #tpu.memory_space<semaphore_mem>>)
      %dma_wait3A = arith.constant 0 : i32
      %dma_wait3A_15 = arith.constant 0 : i32
      %dma_wait3A_16 = tpu.memref_slice %arg5[%add3A, %dma_wait3A, %dma_wait3A_15] : memref<32x79x128xi32, #tpu.memory_space<hbm>> -> memref<1x79x128xi32, #tpu.memory_space<hbm>>
      %dma_wait3A_17 = tpu.memref_squeeze %dma_wait3A_16 : memref<1x79x128xi32, #tpu.memory_space<hbm>> -> memref<79x128xi32, #tpu.memory_space<hbm>>
      %dma_wait3A_18 = arith.constant 0 : i32
      %dma_wait3A_19 = arith.constant 0 : i32
      %dma_wait3A_20 = tpu.memref_slice %arg5[%add3A, %dma_wait3A_18, %dma_wait3A_19] : memref<32x79x128xi32, #tpu.memory_space<hbm>> -> memref<1x79x128xi32, #tpu.memory_space<hbm>>
      %dma_wait3A_21 = tpu.memref_squeeze %dma_wait3A_20 : memref<1x79x128xi32, #tpu.memory_space<hbm>> -> memref<79x128xi32, #tpu.memory_space<hbm>>
      tpu.wait_dma2 semaphore(%run_scoped3A : memref<!tpu.dma_semaphore, #tpu.memory_space<semaphore_mem>>) src(%dma_wait3A_21 : memref<79x128xi32, #tpu.memory_space<hbm>>) dst(%arg8 : memref<79x128xi32, #tpu.memory_space<vmem>>)
      tpu.yield
    }) : () -> ()
    "tpu.region"() ({
      %run_scoped3A = tpu.sem_alloc : memref<!tpu.dma_semaphore, #tpu.memory_space<semaphore_mem>>
      tpu.enqueue_dma source(%arg3 : memref<16xf32, #tpu.memory_space<hbm>>) target(%arg12 : memref<16xf32, #tpu.memory_space<vmem>>) target_semaphore(%run_scoped3A : memref<!tpu.dma_semaphore, #tpu.memory_space<semaphore_mem>>)
      tpu.wait_dma2 semaphore(%run_scoped3A : memref<!tpu.dma_semaphore, #tpu.memory_space<semaphore_mem>>) src(%arg3 : memref<16xf32, #tpu.memory_space<hbm>>) dst(%arg12 : memref<16xf32, #tpu.memory_space<vmem>>)
      tpu.yield
    }) : () -> ()
    %get3A = arith.constant 0 : index
    %get3A_1 = tpu.vector_load %arg12[%get3A] {strides = array<i32>} : memref<16xf32, #tpu.memory_space<vmem>>, vector<16xf32>,
    %get3A_2 = vector.shape_cast %get3A_1 : vector<16xf32> to vector<16xf32>
    %scan3A = arith.constant 0 : i32
    %scan3A_3 = arith.constant 0 : i32
    %scan3A_4 = arith.constant 79 : i32
    %scan3A_5 = arith.addi %scan3A_3, %scan3A_4 : i32
    %scan3A_6 = arith.constant 1 : i32
    scf.for %scan3A_8 = %scan3A_3 to %scan3A_5 step %scan3A_6  : i32 {
      %dma_start3A = arith.constant 0 : i32
      %dma_start3A_9 = tpu.memref_slice %arg7[%scan3A_8, %dma_start3A] : memref<79x128xi32, #tpu.memory_space<vmem>> -> memref<1x128xi32, #tpu.memory_space<vmem>>
      %dma_start3A_10 = tpu.memref_squeeze %dma_start3A_9 : memref<1x128xi32, #tpu.memory_space<vmem>> -> memref<128xi32, #tpu.memory_space<vmem>>
      %dma_start3A_11 = arith.constant 0 : i32
      %dma_start3A_12 = arith.constant 0 : i32
      %dma_start3A_13 = tpu.memref_slice %arg2[%dma_start3A_11, %dma_start3A_12] : memref<10112x128xf32, #tpu.memory_space<hbm>> -> memref<10112x128xf32, #tpu.memory_space<hbm>>
      tpu.enqueue_indirect_dma source(%dma_start3A_13 : memref<10112x128xf32, #tpu.memory_space<hbm>>) target(%arg9 : memref<128x128xf32, #tpu.memory_space<vmem>>) offsets(%dma_start3A_10 : memref<128xi32, #tpu.memory_space<vmem>>) semaphore(%arg13 : memref<!tpu.dma_semaphore, #tpu.memory_space<semaphore_mem>>)
      %dma_start3A_14 = arith.constant 0 : i32
      %dma_start3A_15 = tpu.memref_slice %arg8[%scan3A_8, %dma_start3A_14] : memref<79x128xi32, #tpu.memory_space<vmem>> -> memref<1x128xi32, #tpu.memory_space<vmem>>
      %dma_start3A_16 = tpu.memref_squeeze %dma_start3A_15 : memref<1x128xi32, #tpu.memory_space<vmem>> -> memref<128xi32, #tpu.memory_space<vmem>>
      %dma_start3A_17 = arith.constant 0 : i32
      %dma_start3A_18 = arith.constant 0 : i32
      %dma_start3A_19 = tpu.memref_slice %arg2[%dma_start3A_17, %dma_start3A_18] : memref<10112x128xf32, #tpu.memory_space<hbm>> -> memref<10112x128xf32, #tpu.memory_space<hbm>>
      tpu.enqueue_indirect_dma source(%dma_start3A_19 : memref<10112x128xf32, #tpu.memory_space<hbm>>) target(%arg10 : memref<128x128xf32, #tpu.memory_space<vmem>>) offsets(%dma_start3A_16 : memref<128xi32, #tpu.memory_space<vmem>>) semaphore(%arg14 : memref<!tpu.dma_semaphore, #tpu.memory_space<semaphore_mem>>)
      %dma_wait3A = arith.constant 0 : i32
      %dma_wait3A_20 = tpu.memref_slice %arg7[%scan3A_8, %dma_wait3A] : memref<79x128xi32, #tpu.memory_space<vmem>> -> memref<1x128xi32, #tpu.memory_space<vmem>>
      %dma_wait3A_21 = tpu.memref_squeeze %dma_wait3A_20 : memref<1x128xi32, #tpu.memory_space<vmem>> -> memref<128xi32, #tpu.memory_space<vmem>>
      %dma_wait3A_22 = arith.constant 0 : i32
      %dma_wait3A_23 = arith.constant 0 : i32
      %dma_wait3A_24 = tpu.memref_slice %arg2[%dma_wait3A_22, %dma_wait3A_23] : memref<10112x128xf32, #tpu.memory_space<hbm>> -> memref<10112x128xf32, #tpu.memory_space<hbm>>
      tpu.wait_indirect_dma semaphore(%arg13 : memref<!tpu.dma_semaphore, #tpu.memory_space<semaphore_mem>>) src(%dma_wait3A_24 : memref<10112x128xf32, #tpu.memory_space<hbm>>) dst(%arg9 : memref<128x128xf32, #tpu.memory_space<vmem>>)
      %dma_wait3A_25 = arith.constant 0 : i32
      %dma_wait3A_26 = tpu.memref_slice %arg8[%scan3A_8, %dma_wait3A_25] : memref<79x128xi32, #tpu.memory_space<vmem>> -> memref<1x128xi32, #tpu.memory_space<vmem>>
      %dma_wait3A_27 = tpu.memref_squeeze %dma_wait3A_26 : memref<1x128xi32, #tpu.memory_space<vmem>> -> memref<128xi32, #tpu.memory_space<vmem>>
      %dma_wait3A_28 = arith.constant 0 : i32
      %dma_wait3A_29 = arith.constant 0 : i32
      %dma_wait3A_30 = tpu.memref_slice %arg2[%dma_wait3A_28, %dma_wait3A_29] : memref<10112x128xf32, #tpu.memory_space<hbm>> -> memref<10112x128xf32, #tpu.memory_space<hbm>>
      tpu.wait_indirect_dma semaphore(%arg14 : memref<!tpu.dma_semaphore, #tpu.memory_space<semaphore_mem>>) src(%dma_wait3A_30 : memref<10112x128xf32, #tpu.memory_space<hbm>>) dst(%arg10 : memref<128x128xf32, #tpu.memory_space<vmem>>)
      %scan3A_31 = arith.constant 0 : i32
      %scan3A_32 = arith.constant 0 : i32
      %scan3A_33 = arith.constant 128 : i32
      %scan3A_34 = arith.addi %scan3A_32, %scan3A_33 : i32
      %scan3A_35 = arith.constant 1 : i32
      scf.for %scan3A_42 = %scan3A_32 to %scan3A_34 step %scan3A_35  : i32 {
        %get3A_43 = arith.index_cast %scan3A_42 : i32 to index
        %get3A_44 = arith.constant 0 : index
        %get3A_45 = tpu.vector_load %arg9[%get3A_43, %get3A_44] {strides = array<i32>} : memref<128x128xf32, #tpu.memory_space<vmem>>, vector<1x16xf32>,
        %get3A_46 = vector.shape_cast %get3A_45 : vector<1x16xf32> to vector<16xf32>
        %get3A_47 = arith.index_cast %scan3A_42 : i32 to index
        %get3A_48 = arith.constant 0 : index
        %get3A_49 = tpu.vector_load %arg10[%get3A_47, %get3A_48] {strides = array<i32>} : memref<128x128xf32, #tpu.memory_space<vmem>>, vector<1x16xf32>,
        %get3A_50 = vector.shape_cast %get3A_49 : vector<1x16xf32> to vector<16xf32>
        %add3A_51 = arith.addf %get3A_46, %get3A_50 : vector<16xf32>
        %add3A_52 = arith.addf %add3A_51, %get3A_2 : vector<16xf32>
        %swap3A = arith.index_cast %scan3A_42 : i32 to index
        %swap3A_53 = arith.constant 0 : index
        %swap3A_54 = tpu.vector_load %arg11[%swap3A, %swap3A_53] {strides = array<i32>} : memref<128x16xf32, #tpu.memory_space<vmem>>, vector<1x16xf32>,
        %swap3A_55 = vector.shape_cast %swap3A_54 : vector<1x16xf32> to vector<16xf32>
        %swap3A_56 = vector.shape_cast %add3A_52 : vector<16xf32> to vector<1x16xf32>
        tpu.vector_store %arg11[%swap3A, %swap3A_53], %swap3A_56 {strides = array<i32>} : memref<128x16xf32, #tpu.memory_space<vmem>>, vector<1x16xf32>,
      }
      %scan3A_36 = arith.constant 128 : i32
      %mul3A_37 = arith.constant 10112 : i32
      %mul3A_38 = arith.muli %add3A, %mul3A_37 : i32
      %mul3A_39 = arith.constant 128 : i32
      %mul3A_40 = arith.muli %scan3A_8, %mul3A_39 : i32
      %add3A_41 = arith.addi %mul3A_38, %mul3A_40 : i32
      "tpu.region"() ({
        %run_scoped3A = tpu.sem_alloc : memref<!tpu.dma_semaphore, #tpu.memory_space<semaphore_mem>>
        %dma_start3A_42 = arith.constant 0 : i32
        %dma_start3A_43 = tpu.memref_slice %arg6[%add3A_41, %dma_start3A_42] : memref<323584x16xf32, #tpu.memory_space<hbm>> -> memref<128x16xf32, #tpu.memory_space<hbm>>
        %dma_start3A_44 = arith.constant 0 : i32
        %dma_start3A_45 = tpu.memref_slice %arg6[%add3A_41, %dma_start3A_44] : memref<323584x16xf32, #tpu.memory_space<hbm>> -> memref<128x16xf32, #tpu.memory_space<hbm>>
        tpu.enqueue_dma source(%arg11 : memref<128x16xf32, #tpu.memory_space<vmem>>) target(%dma_start3A_45 : memref<128x16xf32, #tpu.memory_space<hbm>>) target_semaphore(%run_scoped3A : memref<!tpu.dma_semaphore, #tpu.memory_space<semaphore_mem>>)
        %dma_wait3A_46 = arith.constant 0 : i32
        %dma_wait3A_47 = tpu.memref_slice %arg6[%add3A_41, %dma_wait3A_46] : memref<323584x16xf32, #tpu.memory_space<hbm>> -> memref<128x16xf32, #tpu.memory_space<hbm>>
        %dma_wait3A_48 = arith.constant 0 : i32
        %dma_wait3A_49 = tpu.memref_slice %arg6[%add3A_41, %dma_wait3A_48] : memref<323584x16xf32, #tpu.memory_space<hbm>> -> memref<128x16xf32, #tpu.memory_space<hbm>>
        tpu.wait_dma2 semaphore(%run_scoped3A : memref<!tpu.dma_semaphore, #tpu.memory_space<semaphore_mem>>) src(%arg11 : memref<128x16xf32, #tpu.memory_space<vmem>>) dst(%dma_wait3A_49 : memref<128x16xf32, #tpu.memory_space<hbm>>)
        tpu.yield
      }) : () -> ()
    }
    %scan3A_7 = arith.constant 79 : i32
    return
  }
}

module attributes {stable_mosaic.version = 14 : i64} {
  func.func @_comb_body(%arg0: memref<2528x128xi32, #tpu.memory_space<vmem>>, %arg1: memref<2528x128xi32, #tpu.memory_space<vmem>>, %arg2: memref<2528x128xi32, #tpu.memory_space<vmem>>) attributes {dimension_semantics = [], scalar_prefetch = 0 : i64, scratch_operands = 0 : i64, tpu.core_type = #tpu.core_type<tc>} {
    %get3A = arith.constant 0 : index
    %get3A_0 = arith.constant 0 : index
    %get3A_1 = vector.load %arg0[%get3A, %get3A_0] : memref<2528x128xi32, #tpu.memory_space<vmem>>, vector<2528x128xi32>
    %mul3A = arith.constant 10000 : i32
    %mul3A_2 = vector.broadcast %mul3A : i32 to vector<2528x128xi32>
    %mul3A_3 = arith.muli %get3A_1, %mul3A_2 : vector<2528x128xi32>
    %get3A_4 = arith.constant 0 : index
    %get3A_5 = arith.constant 0 : index
    %get3A_6 = vector.load %arg1[%get3A_4, %get3A_5] : memref<2528x128xi32, #tpu.memory_space<vmem>>, vector<2528x128xi32>
    %add3A = arith.addi %mul3A_3, %get3A_6 : vector<2528x128xi32>
    %swap3A = arith.constant 0 : index
    %swap3A_7 = arith.constant 0 : index
    %swap3A_8 = vector.load %arg2[%swap3A, %swap3A_7] : memref<2528x128xi32, #tpu.memory_space<vmem>>, vector<2528x128xi32>
    tpu.vector_store %arg2[%swap3A, %swap3A_7], %add3A {strides = array<i32>} : memref<2528x128xi32, #tpu.memory_space<vmem>>, vector<2528x128xi32>,
    return
  }
}

module attributes {stable_mosaic.version = 14 : i64} {
  func.func @_feat_body(%arg0: i32, %arg1: memref<1000x64xf32, #tpu.memory_space<vmem>>, %arg2: memref<1000x64xf32, #tpu.memory_space<vmem>>, %arg3: memref<1000x16xf32, #tpu.memory_space<vmem>>, %arg4: memref<64x128xf32, #tpu.memory_space<vmem>>, %arg5: memref<16x128xf32, #tpu.memory_space<vmem>>, %arg6: memref<1x128xf32, #tpu.memory_space<vmem>>, %arg7: memref<1000x128xf32, #tpu.memory_space<vmem>>, %arg8: memref<1x64xf32, #tpu.memory_space<vmem>>) attributes {dimension_semantics = [#tpu.dimension_semantics<arbitrary>], iteration_bounds = array<i64: 10>, scalar_prefetch = 0 : i64, scratch_operands = 0 : i64, tpu.core_type = #tpu.core_type<tc>, window_params = [{transform_indices = @transform_0, window_bounds = array<i64: 1000, 64>}, {transform_indices = @transform_1, window_bounds = array<i64: 1000, 64>}, {transform_indices = @transform_2, window_bounds = array<i64: 1000, 16>}, {pipeline_mode = #tpu.pipeline_mode<synchronous>, transform_indices = @transform_3, window_bounds = array<i64: 64, 128>}, {pipeline_mode = #tpu.pipeline_mode<synchronous>, transform_indices = @transform_4, window_bounds = array<i64: 16, 128>}, {pipeline_mode = #tpu.pipeline_mode<synchronous>, transform_indices = @transform_5, window_bounds = array<i64: 1, 128>}, {transform_indices = @transform_6, window_bounds = array<i64: 1000, 128>}, {pipeline_mode = #tpu.pipeline_mode<synchronous>, transform_indices = @transform_7, window_bounds = array<i64: 1, 64>}]} {
    %get3A = arith.constant 0 : index
    %get3A_0 = arith.constant 0 : index
    %get3A_1 = vector.load %arg1[%get3A, %get3A_0] : memref<1000x64xf32, #tpu.memory_space<vmem>>, vector<1000x64xf32>
    %get3A_2 = arith.constant 0 : index
    %get3A_3 = arith.constant 0 : index
    %get3A_4 = vector.load %arg4[%get3A_2, %get3A_3] : memref<64x128xf32, #tpu.memory_space<vmem>>, vector<64x128xf32>
    %dot_general3A = arith.constant dense<0.000000e+00> : vector<1000x128xf32>
    %dot_general3A_5 = tpu.matmul %get3A_1, %get3A_4, %dot_general3A {dimension_numbers = #tpu.dot_dimension_numbers<[1], [0], [0], [1], [0, 0, 1, 1], [], []>, precision = #tpu.contract_precision<fp32>, transpose_lhs_hint = false} : vector<1000x64xf32>, vector<64x128xf32>, vector<1000x128xf32> -> vector<1000x128xf32>
    %get3A_6 = arith.constant 0 : index
    %get3A_7 = arith.constant 0 : index
    %get3A_8 = vector.load %arg3[%get3A_6, %get3A_7] : memref<1000x16xf32, #tpu.memory_space<vmem>>, vector<1000x16xf32>
    %get3A_9 = arith.constant 0 : index
    %get3A_10 = arith.constant 0 : index
    %get3A_11 = vector.load %arg5[%get3A_9, %get3A_10] : memref<16x128xf32, #tpu.memory_space<vmem>>, vector<16x128xf32>
    %dot_general3A_12 = arith.constant dense<0.000000e+00> : vector<1000x128xf32>
    %dot_general3A_13 = tpu.matmul %get3A_8, %get3A_11, %dot_general3A_12 {dimension_numbers = #tpu.dot_dimension_numbers<[1], [0], [0], [1], [0, 0, 1, 1], [], []>, transpose_lhs_hint = false} : vector<1000x16xf32>, vector<16x128xf32>, vector<1000x128xf32> -> vector<1000x128xf32>
    %add3A = arith.addf %dot_general3A_5, %dot_general3A_13 : vector<1000x128xf32>
    %get3A_14 = arith.constant 0 : index
    %get3A_15 = arith.constant 0 : index
    %get3A_16 = vector.load %arg6[%get3A_14, %get3A_15] : memref<1x128xf32, #tpu.memory_space<vmem>>, vector<1x128xf32>
    %add3A_17 = vector.broadcast %get3A_16 : vector<1x128xf32> to vector<1000x128xf32>
    %add3A_18 = arith.addf %add3A, %add3A_17 : vector<1000x128xf32>
    %swap3A = arith.constant 0 : index
    %swap3A_19 = arith.constant 0 : index
    %swap3A_20 = vector.load %arg7[%swap3A, %swap3A_19] : memref<1000x128xf32, #tpu.memory_space<vmem>>, vector<1000x128xf32>
    tpu.vector_store %arg7[%swap3A, %swap3A_19], %add3A_18 {strides = array<i32>} : memref<1000x128xf32, #tpu.memory_space<vmem>>, vector<1000x128xf32>,
    %eq3A = arith.constant 0 : i32
    %eq3A_21 = arith.cmpi eq, %arg0, %eq3A : i32
    %convert_element_type3A = arith.extui %eq3A_21 : i1 to i32
    %cond3A = arith.constant 0 : i32
    %cond3A_22 = arith.cmpi ne, %convert_element_type3A, %cond3A : i32
    scf.if %cond3A_22 {
      %broadcast_in_dim3A_39 = arith.constant 0.000000e+00 : f32
      %broadcast_in_dim3A_40 = vector.broadcast %broadcast_in_dim3A_39 : f32 to vector<1x64xf32>
      %swap3A_41 = arith.constant 0 : index
      %swap3A_42 = arith.constant 0 : index
      %swap3A_43 = vector.load %arg8[%swap3A_41, %swap3A_42] : memref<1x64xf32, #tpu.memory_space<vmem>>, vector<1x64xf32>
      tpu.vector_store %arg8[%swap3A_41, %swap3A_42], %broadcast_in_dim3A_40 {strides = array<i32>} : memref<1x64xf32, #tpu.memory_space<vmem>>, vector<1x64xf32>,
    } else {
    }
    %get3A_23 = arith.constant 0 : index
    %get3A_24 = arith.constant 0 : index
    %get3A_25 = vector.load %arg8[%get3A_23, %get3A_24] : memref<1x64xf32, #tpu.memory_space<vmem>>, vector<1x64xf32>
    %get3A_26 = arith.constant 0 : index
    %get3A_27 = arith.constant 0 : index
    %get3A_28 = vector.load %arg2[%get3A_26, %get3A_27] : memref<1000x64xf32, #tpu.memory_space<vmem>>, vector<1000x64xf32>
    %reduce_sum3A = arith.constant dense<0.000000e+00> : vector<64xf32>
    %reduce_sum3A_29 = vector.multi_reduction <add>, %get3A_28, %reduce_sum3A [0] : vector<1000x64xf32> to vector<64xf32>
    %broadcast_in_dim3A = vector.shape_cast %reduce_sum3A_29 : vector<64xf32> to vector<1x64xf32>
    %add3A_30 = arith.addf %get3A_25, %broadcast_in_dim3A : vector<1x64xf32>
    %swap3A_31 = arith.constant 0 : index
    %swap3A_32 = arith.constant 0 : index
    %swap3A_33 = vector.load %arg8[%swap3A_31, %swap3A_32] : memref<1x64xf32, #tpu.memory_space<vmem>>, vector<1x64xf32>
    tpu.vector_store %arg8[%swap3A_31, %swap3A_32], %add3A_30 {strides = array<i32>} : memref<1x64xf32, #tpu.memory_space<vmem>>, vector<1x64xf32>,
    %eq3A_34 = arith.constant 9 : i32
    %eq3A_35 = arith.cmpi eq, %arg0, %eq3A_34 : i32
    %convert_element_type3A_36 = arith.extui %eq3A_35 : i1 to i32
    %cond3A_37 = arith.constant 0 : i32
    %cond3A_38 = arith.cmpi ne, %convert_element_type3A_36, %cond3A_37 : i32
    scf.if %cond3A_38 {
      %get3A_39 = arith.constant 0 : index
      %get3A_40 = arith.constant 0 : index
      %get3A_41 = vector.load %arg8[%get3A_39, %get3A_40] : memref<1x64xf32, #tpu.memory_space<vmem>>, vector<1x64xf32>
      %max3A = arith.constant 1.000000e+00 : f32
      %max3A_42 = vector.broadcast %max3A : f32 to vector<1x64xf32>
      %max3A_43 = arith.maximumf %get3A_41, %max3A_42 : vector<1x64xf32>
      %swap3A_44 = arith.constant 0 : index
      %swap3A_45 = arith.constant 0 : index
      %swap3A_46 = vector.load %arg8[%swap3A_44, %swap3A_45] : memref<1x64xf32, #tpu.memory_space<vmem>>, vector<1x64xf32>
      tpu.vector_store %arg8[%swap3A_44, %swap3A_45], %max3A_43 {strides = array<i32>} : memref<1x64xf32, #tpu.memory_space<vmem>>, vector<1x64xf32>,
    } else {
    }
    return
  }
  func.func @transform_0(%arg0: i32) -> (i32, i32) {
    %c0_i32 = arith.constant 0 : i32
    %c0_i32_0 = arith.constant 0 : i32
    return %arg0, %c0_i32 : i32, i32
  }
  func.func @transform_1(%arg0: i32) -> (i32, i32) {
    %c0_i32 = arith.constant 0 : i32
    %c0_i32_0 = arith.constant 0 : i32
    return %arg0, %c0_i32 : i32, i32
  }
  func.func @transform_2(%arg0: i32) -> (i32, i32) {
    %c0_i32 = arith.constant 0 : i32
    %c0_i32_0 = arith.constant 0 : i32
    return %arg0, %c0_i32 : i32, i32
  }
  func.func @transform_3(%arg0: i32) -> (i32, i32) {
    %c0_i32 = arith.constant 0 : i32
    %c0_i32_0 = arith.constant 0 : i32
    %c0_i32_1 = arith.constant 0 : i32
    return %c0_i32, %c0_i32_0 : i32, i32
  }
  func.func @transform_4(%arg0: i32) -> (i32, i32) {
    %c0_i32 = arith.constant 0 : i32
    %c0_i32_0 = arith.constant 0 : i32
    %c0_i32_1 = arith.constant 0 : i32
    return %c0_i32, %c0_i32_0 : i32, i32
  }
  func.func @transform_5(%arg0: i32) -> (i32, i32) {
    %c0_i32 = arith.constant 0 : i32
    %c0_i32_0 = arith.constant 0 : i32
    %c0_i32_1 = arith.constant 0 : i32
    return %c0_i32, %c0_i32_0 : i32, i32
  }
  func.func @transform_6(%arg0: i32) -> (i32, i32) {
    %c0_i32 = arith.constant 0 : i32
    %c0_i32_0 = arith.constant 0 : i32
    return %arg0, %c0_i32 : i32, i32
  }
  func.func @transform_7(%arg0: i32) -> (i32, i32) {
    %c0_i32 = arith.constant 0 : i32
    %c0_i32_0 = arith.constant 0 : i32
    %c0_i32_1 = arith.constant 0 : i32
    return %c0_i32, %c0_i32_0 : i32, i32
  }
}

module attributes {stable_mosaic.version = 14 : i64} {
  func.func @_ypool_body(%arg0: i32, %arg1: memref<1000x128xf32, #tpu.memory_space<vmem>>, %arg2: memref<8x128xf32, #tpu.memory_space<vmem>>, %arg3: memref<1000x64xf32, #tpu.memory_space<vmem>>, %arg4: memref<8x1000x128xf32, #tpu.memory_space<vmem>>, %arg5: memref<64x128xf32, #tpu.memory_space<vmem>>) attributes {dimension_semantics = [#tpu.dimension_semantics<arbitrary>], iteration_bounds = array<i64: 10>, scalar_prefetch = 0 : i64, scratch_operands = 0 : i64, tpu.core_type = #tpu.core_type<tc>, window_params = [{transform_indices = @transform_0, window_bounds = array<i64: 1000, 128>}, {pipeline_mode = #tpu.pipeline_mode<synchronous>, transform_indices = @transform_1, window_bounds = array<i64: 8, 128>}, {transform_indices = @transform_2, window_bounds = array<i64: 1000, 64>}, {transform_indices = @transform_3, window_bounds = array<i64: 8, 1000, 128>}, {pipeline_mode = #tpu.pipeline_mode<synchronous>, transform_indices = @transform_4, window_bounds = array<i64: 64, 128>}]} {
    %get3A = arith.constant 0 : index
    %get3A_0 = arith.constant 0 : index
    %get3A_1 = vector.load %arg1[%get3A, %get3A_0] : memref<1000x128xf32, #tpu.memory_space<vmem>>, vector<1000x128xf32>
    %get3A_2 = arith.constant 0 : index
    %get3A_3 = arith.constant 0 : index
    %get3A_4 = vector.load %arg2[%get3A_2, %get3A_3] : memref<8x128xf32, #tpu.memory_space<vmem>>, vector<1x128xf32>
    %add3A = vector.broadcast %get3A_4 : vector<1x128xf32> to vector<1000x128xf32>
    %add3A_5 = arith.addf %get3A_1, %add3A : vector<1000x128xf32>
    %max3A = arith.constant 0.000000e+00 : f32
    %max3A_6 = vector.broadcast %max3A : f32 to vector<1000x128xf32>
    %max3A_7 = arith.maximumf %add3A_5, %max3A_6 : vector<1000x128xf32>
    %swap3A = arith.constant 0 : index
    %swap3A_8 = arith.constant 0 : index
    %swap3A_9 = arith.constant 0 : index
    %swap3A_10 = vector.load %arg4[%swap3A, %swap3A_8, %swap3A_9] : memref<8x1000x128xf32, #tpu.memory_space<vmem>>, vector<1x1000x128xf32>
    %swap3A_11 = vector.shape_cast %swap3A_10 : vector<1x1000x128xf32> to vector<1000x128xf32>
    %swap3A_12 = vector.shape_cast %max3A_7 : vector<1000x128xf32> to vector<1x1000x128xf32>
    tpu.vector_store %arg4[%swap3A, %swap3A_8, %swap3A_9], %swap3A_12 {strides = array<i32>} : memref<8x1000x128xf32, #tpu.memory_space<vmem>>, vector<1x1000x128xf32>,
    %get3A_13 = arith.constant 1 : index
    %get3A_14 = arith.constant 0 : index
    %get3A_15 = vector.load %arg2[%get3A_13, %get3A_14] : memref<8x128xf32, #tpu.memory_space<vmem>>, vector<1x128xf32>
    %add3A_16 = vector.broadcast %get3A_15 : vector<1x128xf32> to vector<1000x128xf32>
    %add3A_17 = arith.addf %get3A_1, %add3A_16 : vector<1000x128xf32>
    %max3A_18 = arith.constant 0.000000e+00 : f32
    %max3A_19 = vector.broadcast %max3A_18 : f32 to vector<1000x128xf32>
    %max3A_20 = arith.maximumf %add3A_17, %max3A_19 : vector<1000x128xf32>
    %swap3A_21 = arith.constant 1 : index
    %swap3A_22 = arith.constant 0 : index
    %swap3A_23 = arith.constant 0 : index
    %swap3A_24 = vector.load %arg4[%swap3A_21, %swap3A_22, %swap3A_23] : memref<8x1000x128xf32, #tpu.memory_space<vmem>>, vector<1x1000x128xf32>
    %swap3A_25 = vector.shape_cast %swap3A_24 : vector<1x1000x128xf32> to vector<1000x128xf32>
    %swap3A_26 = vector.shape_cast %max3A_20 : vector<1000x128xf32> to vector<1x1000x128xf32>
    tpu.vector_store %arg4[%swap3A_21, %swap3A_22, %swap3A_23], %swap3A_26 {strides = array<i32>} : memref<8x1000x128xf32, #tpu.memory_space<vmem>>, vector<1x1000x128xf32>,
    %get3A_27 = arith.constant 2 : index
    %get3A_28 = arith.constant 0 : index
    %get3A_29 = vector.load %arg2[%get3A_27, %get3A_28] : memref<8x128xf32, #tpu.memory_space<vmem>>, vector<1x128xf32>
    %add3A_30 = vector.broadcast %get3A_29 : vector<1x128xf32> to vector<1000x128xf32>
    %add3A_31 = arith.addf %get3A_1, %add3A_30 : vector<1000x128xf32>
    %max3A_32 = arith.constant 0.000000e+00 : f32
    %max3A_33 = vector.broadcast %max3A_32 : f32 to vector<1000x128xf32>
    %max3A_34 = arith.maximumf %add3A_31, %max3A_33 : vector<1000x128xf32>
    %swap3A_35 = arith.constant 2 : index
    %swap3A_36 = arith.constant 0 : index
    %swap3A_37 = arith.constant 0 : index
    %swap3A_38 = vector.load %arg4[%swap3A_35, %swap3A_36, %swap3A_37] : memref<8x1000x128xf32, #tpu.memory_space<vmem>>, vector<1x1000x128xf32>
    %swap3A_39 = vector.shape_cast %swap3A_38 : vector<1x1000x128xf32> to vector<1000x128xf32>
    %swap3A_40 = vector.shape_cast %max3A_34 : vector<1000x128xf32> to vector<1x1000x128xf32>
    tpu.vector_store %arg4[%swap3A_35, %swap3A_36, %swap3A_37], %swap3A_40 {strides = array<i32>} : memref<8x1000x128xf32, #tpu.memory_space<vmem>>, vector<1x1000x128xf32>,
    %get3A_41 = arith.constant 3 : index
    %get3A_42 = arith.constant 0 : index
    %get3A_43 = vector.load %arg2[%get3A_41, %get3A_42] : memref<8x128xf32, #tpu.memory_space<vmem>>, vector<1x128xf32>
    %add3A_44 = vector.broadcast %get3A_43 : vector<1x128xf32> to vector<1000x128xf32>
    %add3A_45 = arith.addf %get3A_1, %add3A_44 : vector<1000x128xf32>
    %max3A_46 = arith.constant 0.000000e+00 : f32
    %max3A_47 = vector.broadcast %max3A_46 : f32 to vector<1000x128xf32>
    %max3A_48 = arith.maximumf %add3A_45, %max3A_47 : vector<1000x128xf32>
    %swap3A_49 = arith.constant 3 : index
    %swap3A_50 = arith.constant 0 : index
    %swap3A_51 = arith.constant 0 : index
    %swap3A_52 = vector.load %arg4[%swap3A_49, %swap3A_50, %swap3A_51] : memref<8x1000x128xf32, #tpu.memory_space<vmem>>, vector<1x1000x128xf32>
    %swap3A_53 = vector.shape_cast %swap3A_52 : vector<1x1000x128xf32> to vector<1000x128xf32>
    %swap3A_54 = vector.shape_cast %max3A_48 : vector<1000x128xf32> to vector<1x1000x128xf32>
    tpu.vector_store %arg4[%swap3A_49, %swap3A_50, %swap3A_51], %swap3A_54 {strides = array<i32>} : memref<8x1000x128xf32, #tpu.memory_space<vmem>>, vector<1x1000x128xf32>,
    %get3A_55 = arith.constant 4 : index
    %get3A_56 = arith.constant 0 : index
    %get3A_57 = vector.load %arg2[%get3A_55, %get3A_56] : memref<8x128xf32, #tpu.memory_space<vmem>>, vector<1x128xf32>
    %add3A_58 = vector.broadcast %get3A_57 : vector<1x128xf32> to vector<1000x128xf32>
    %add3A_59 = arith.addf %get3A_1, %add3A_58 : vector<1000x128xf32>
    %max3A_60 = arith.constant 0.000000e+00 : f32
    %max3A_61 = vector.broadcast %max3A_60 : f32 to vector<1000x128xf32>
    %max3A_62 = arith.maximumf %add3A_59, %max3A_61 : vector<1000x128xf32>
    %swap3A_63 = arith.constant 4 : index
    %swap3A_64 = arith.constant 0 : index
    %swap3A_65 = arith.constant 0 : index
    %swap3A_66 = vector.load %arg4[%swap3A_63, %swap3A_64, %swap3A_65] : memref<8x1000x128xf32, #tpu.memory_space<vmem>>, vector<1x1000x128xf32>
    %swap3A_67 = vector.shape_cast %swap3A_66 : vector<1x1000x128xf32> to vector<1000x128xf32>
    %swap3A_68 = vector.shape_cast %max3A_62 : vector<1000x128xf32> to vector<1x1000x128xf32>
    tpu.vector_store %arg4[%swap3A_63, %swap3A_64, %swap3A_65], %swap3A_68 {strides = array<i32>} : memref<8x1000x128xf32, #tpu.memory_space<vmem>>, vector<1x1000x128xf32>,
    %get3A_69 = arith.constant 5 : index
    %get3A_70 = arith.constant 0 : index
    %get3A_71 = vector.load %arg2[%get3A_69, %get3A_70] : memref<8x128xf32, #tpu.memory_space<vmem>>, vector<1x128xf32>
    %add3A_72 = vector.broadcast %get3A_71 : vector<1x128xf32> to vector<1000x128xf32>
    %add3A_73 = arith.addf %get3A_1, %add3A_72 : vector<1000x128xf32>
    %max3A_74 = arith.constant 0.000000e+00 : f32
    %max3A_75 = vector.broadcast %max3A_74 : f32 to vector<1000x128xf32>
    %max3A_76 = arith.maximumf %add3A_73, %max3A_75 : vector<1000x128xf32>
    %swap3A_77 = arith.constant 5 : index
    %swap3A_78 = arith.constant 0 : index
    %swap3A_79 = arith.constant 0 : index
    %swap3A_80 = vector.load %arg4[%swap3A_77, %swap3A_78, %swap3A_79] : memref<8x1000x128xf32, #tpu.memory_space<vmem>>, vector<1x1000x128xf32>
    %swap3A_81 = vector.shape_cast %swap3A_80 : vector<1x1000x128xf32> to vector<1000x128xf32>
    %swap3A_82 = vector.shape_cast %max3A_76 : vector<1000x128xf32> to vector<1x1000x128xf32>
    tpu.vector_store %arg4[%swap3A_77, %swap3A_78, %swap3A_79], %swap3A_82 {strides = array<i32>} : memref<8x1000x128xf32, #tpu.memory_space<vmem>>, vector<1x1000x128xf32>,
    %get3A_83 = arith.constant 6 : index
    %get3A_84 = arith.constant 0 : index
    %get3A_85 = vector.load %arg2[%get3A_83, %get3A_84] : memref<8x128xf32, #tpu.memory_space<vmem>>, vector<1x128xf32>
    %add3A_86 = vector.broadcast %get3A_85 : vector<1x128xf32> to vector<1000x128xf32>
    %add3A_87 = arith.addf %get3A_1, %add3A_86 : vector<1000x128xf32>
    %max3A_88 = arith.constant 0.000000e+00 : f32
    %max3A_89 = vector.broadcast %max3A_88 : f32 to vector<1000x128xf32>
    %max3A_90 = arith.maximumf %add3A_87, %max3A_89 : vector<1000x128xf32>
    %swap3A_91 = arith.constant 6 : index
    %swap3A_92 = arith.constant 0 : index
    %swap3A_93 = arith.constant 0 : index
    %swap3A_94 = vector.load %arg4[%swap3A_91, %swap3A_92, %swap3A_93] : memref<8x1000x128xf32, #tpu.memory_space<vmem>>, vector<1x1000x128xf32>
    %swap3A_95 = vector.shape_cast %swap3A_94 : vector<1x1000x128xf32> to vector<1000x128xf32>
    %swap3A_96 = vector.shape_cast %max3A_90 : vector<1000x128xf32> to vector<1x1000x128xf32>
    tpu.vector_store %arg4[%swap3A_91, %swap3A_92, %swap3A_93], %swap3A_96 {strides = array<i32>} : memref<8x1000x128xf32, #tpu.memory_space<vmem>>, vector<1x1000x128xf32>,
    %get3A_97 = arith.constant 7 : index
    %get3A_98 = arith.constant 0 : index
    %get3A_99 = vector.load %arg2[%get3A_97, %get3A_98] : memref<8x128xf32, #tpu.memory_space<vmem>>, vector<1x128xf32>
    %add3A_100 = vector.broadcast %get3A_99 : vector<1x128xf32> to vector<1000x128xf32>
    %add3A_101 = arith.addf %get3A_1, %add3A_100 : vector<1000x128xf32>
    %max3A_102 = arith.constant 0.000000e+00 : f32
    %max3A_103 = vector.broadcast %max3A_102 : f32 to vector<1000x128xf32>
    %max3A_104 = arith.maximumf %add3A_101, %max3A_103 : vector<1000x128xf32>
    %swap3A_105 = arith.constant 7 : index
    %swap3A_106 = arith.constant 0 : index
    %swap3A_107 = arith.constant 0 : index
    %swap3A_108 = vector.load %arg4[%swap3A_105, %swap3A_106, %swap3A_107] : memref<8x1000x128xf32, #tpu.memory_space<vmem>>, vector<1x1000x128xf32>
    %swap3A_109 = vector.shape_cast %swap3A_108 : vector<1x1000x128xf32> to vector<1000x128xf32>
    %swap3A_110 = vector.shape_cast %max3A_104 : vector<1000x128xf32> to vector<1x1000x128xf32>
    tpu.vector_store %arg4[%swap3A_105, %swap3A_106, %swap3A_107], %swap3A_110 {strides = array<i32>} : memref<8x1000x128xf32, #tpu.memory_space<vmem>>, vector<1x1000x128xf32>,
    %eq3A = arith.constant 0 : i32
    %eq3A_111 = arith.cmpi eq, %arg0, %eq3A : i32
    %convert_element_type3A = arith.extui %eq3A_111 : i1 to i32
    %cond3A = arith.constant 0 : i32
    %cond3A_112 = arith.cmpi ne, %convert_element_type3A, %cond3A : i32
    scf.if %cond3A_112 {
      %broadcast_in_dim3A = arith.constant 0.000000e+00 : f32
      %broadcast_in_dim3A_124 = vector.broadcast %broadcast_in_dim3A : f32 to vector<64x128xf32>
      %swap3A_125 = arith.constant 0 : index
      %swap3A_126 = arith.constant 0 : index
      %swap3A_127 = vector.load %arg5[%swap3A_125, %swap3A_126] : memref<64x128xf32, #tpu.memory_space<vmem>>, vector<64x128xf32>
      tpu.vector_store %arg5[%swap3A_125, %swap3A_126], %broadcast_in_dim3A_124 {strides = array<i32>} : memref<64x128xf32, #tpu.memory_space<vmem>>, vector<64x128xf32>,
    } else {
    }
    %get3A_113 = arith.constant 0 : index
    %get3A_114 = arith.constant 0 : index
    %get3A_115 = vector.load %arg5[%get3A_113, %get3A_114] : memref<64x128xf32, #tpu.memory_space<vmem>>, vector<64x128xf32>
    %get3A_116 = arith.constant 0 : index
    %get3A_117 = arith.constant 0 : index
    %get3A_118 = vector.load %arg3[%get3A_116, %get3A_117] : memref<1000x64xf32, #tpu.memory_space<vmem>>, vector<1000x64xf32>
    %dot_general3A = arith.constant dense<0.000000e+00> : vector<64x128xf32>
    %dot_general3A_119 = tpu.matmul %get3A_118, %get3A_1, %dot_general3A {dimension_numbers = #tpu.dot_dimension_numbers<[0], [0], [1], [1], [0, 1, 1, 1], [], []>, precision = #tpu.contract_precision<fp32>, transpose_lhs_hint = false} : vector<1000x64xf32>, vector<1000x128xf32>, vector<64x128xf32> -> vector<64x128xf32>
    %add3A_120 = arith.addf %get3A_115, %dot_general3A_119 : vector<64x128xf32>
    %swap3A_121 = arith.constant 0 : index
    %swap3A_122 = arith.constant 0 : index
    %swap3A_123 = vector.load %arg5[%swap3A_121, %swap3A_122] : memref<64x128xf32, #tpu.memory_space<vmem>>, vector<64x128xf32>
    tpu.vector_store %arg5[%swap3A_121, %swap3A_122], %add3A_120 {strides = array<i32>} : memref<64x128xf32, #tpu.memory_space<vmem>>, vector<64x128xf32>,
    return
  }
  func.func @transform_0(%arg0: i32) -> (i32, i32) {
    %c0_i32 = arith.constant 0 : i32
    %c0_i32_0 = arith.constant 0 : i32
    return %arg0, %c0_i32 : i32, i32
  }
  func.func @transform_1(%arg0: i32) -> (i32, i32) {
    %c0_i32 = arith.constant 0 : i32
    %c0_i32_0 = arith.constant 0 : i32
    %c0_i32_1 = arith.constant 0 : i32
    return %c0_i32, %c0_i32_0 : i32, i32
  }
  func.func @transform_2(%arg0: i32) -> (i32, i32) {
    %c0_i32 = arith.constant 0 : i32
    %c0_i32_0 = arith.constant 0 : i32
    return %arg0, %c0_i32 : i32, i32
  }
  func.func @transform_3(%arg0: i32) -> (i32, i32, i32) {
    %c0_i32 = arith.constant 0 : i32
    %c0_i32_0 = arith.constant 0 : i32
    %c0_i32_1 = arith.constant 0 : i32
    return %c0_i32, %arg0, %c0_i32_0 : i32, i32, i32
  }
  func.func @transform_4(%arg0: i32) -> (i32, i32) {
    %c0_i32 = arith.constant 0 : i32
    %c0_i32_0 = arith.constant 0 : i32
    %c0_i32_1 = arith.constant 0 : i32
    return %c0_i32, %c0_i32_0 : i32, i32
  }
}

module attributes {stable_mosaic.version = 14 : i64} {
  func.func @_encup_body(%arg0: i32, %arg1: memref<1000x128xf32, #tpu.memory_space<vmem>>, %arg2: memref<2x1000x128xf32, #tpu.memory_space<vmem>>, %arg3: memref<64x128xf32, #tpu.memory_space<vmem>>, %arg4: memref<1x64xf32, #tpu.memory_space<vmem>>, %arg5: memref<1000x64xf32, #tpu.memory_space<vmem>>, %arg6: memref<128x128xf32, #tpu.memory_space<vmem>>, %arg7: memref<128x128xf32, #tpu.memory_space<vmem>>, %arg8: memref<1x128xf32, #tpu.memory_space<vmem>>, %arg9: memref<1000x128xf32, #tpu.memory_space<vmem>>) attributes {dimension_semantics = [#tpu.dimension_semantics<arbitrary>], iteration_bounds = array<i64: 10>, scalar_prefetch = 0 : i64, scratch_operands = 0 : i64, tpu.core_type = #tpu.core_type<tc>, window_params = [{transform_indices = @transform_0, window_bounds = array<i64: 1000, 128>}, {transform_indices = @transform_1, window_bounds = array<i64: 2, 1000, 128>}, {pipeline_mode = #tpu.pipeline_mode<synchronous>, transform_indices = @transform_2, window_bounds = array<i64: 64, 128>}, {pipeline_mode = #tpu.pipeline_mode<synchronous>, transform_indices = @transform_3, window_bounds = array<i64: 1, 64>}, {transform_indices = @transform_4, window_bounds = array<i64: 1000, 64>}, {pipeline_mode = #tpu.pipeline_mode<synchronous>, transform_indices = @transform_5, window_bounds = array<i64: 128, 128>}, {pipeline_mode = #tpu.pipeline_mode<synchronous>, transform_indices = @transform_6, window_bounds = array<i64: 128, 128>}, {pipeline_mode = #tpu.pipeline_mode<synchronous>, transform_indices = @transform_7, window_bounds = array<i64: 1, 128>}, {transform_indices = @transform_8, window_bounds = array<i64: 1000, 128>}]} {
    %get3A = arith.constant 0 : index
    %get3A_0 = arith.constant 0 : index
    %get3A_1 = vector.load %arg5[%get3A, %get3A_0] : memref<1000x64xf32, #tpu.memory_space<vmem>>, vector<1000x64xf32>
    %get3A_2 = arith.constant 0 : index
    %get3A_3 = arith.constant 0 : index
    %get3A_4 = vector.load %arg3[%get3A_2, %get3A_3] : memref<64x128xf32, #tpu.memory_space<vmem>>, vector<64x128xf32>
    %dot_general3A = arith.constant dense<0.000000e+00> : vector<1000x128xf32>
    %dot_general3A_5 = tpu.matmul %get3A_1, %get3A_4, %dot_general3A {dimension_numbers = #tpu.dot_dimension_numbers<[1], [0], [0], [1], [0, 0, 1, 1], [], []>, precision = #tpu.contract_precision<fp32>, transpose_lhs_hint = false} : vector<1000x64xf32>, vector<64x128xf32>, vector<1000x128xf32> -> vector<1000x128xf32>
    %get3A_6 = arith.constant 0 : index
    %get3A_7 = arith.constant 0 : index
    %get3A_8 = vector.load %arg4[%get3A_6, %get3A_7] : memref<1x64xf32, #tpu.memory_space<vmem>>, vector<1x64xf32>
    %mul3A = vector.broadcast %get3A_8 : vector<1x64xf32> to vector<1000x64xf32>
    %mul3A_9 = arith.mulf %get3A_1, %mul3A : vector<1000x64xf32>
    %reduce_sum3A = arith.constant dense<0.000000e+00> : vector<1000xf32>
    %reduce_sum3A_10 = vector.multi_reduction <add>, %mul3A_9, %reduce_sum3A [1] : vector<1000x64xf32> to vector<1000xf32>
    %broadcast_in_dim3A = vector.shape_cast %reduce_sum3A_10 : vector<1000xf32> to vector<1000x1xf32>
    %div3A = vector.broadcast %broadcast_in_dim3A : vector<1000x1xf32> to vector<1000x128xf32>
    %div3A_11 = arith.divf %dot_general3A_5, %div3A : vector<1000x128xf32>
    %get3A_12 = arith.constant 0 : index
    %get3A_13 = arith.constant 0 : index
    %get3A_14 = vector.load %arg6[%get3A_12, %get3A_13] : memref<128x128xf32, #tpu.memory_space<vmem>>, vector<128x128xf32>
    %dot_general3A_15 = arith.constant dense<0.000000e+00> : vector<1000x128xf32>
    %dot_general3A_16 = tpu.matmul %div3A_11, %get3A_14, %dot_general3A_15 {dimension_numbers = #tpu.dot_dimension_numbers<[1], [0], [0], [1], [0, 0, 1, 1], [], []>, transpose_lhs_hint = false} : vector<1000x128xf32>, vector<128x128xf32>, vector<1000x128xf32> -> vector<1000x128xf32>
    %get3A_17 = arith.constant 0 : index
    %get3A_18 = arith.constant 0 : index
    %get3A_19 = vector.load %arg1[%get3A_17, %get3A_18] : memref<1000x128xf32, #tpu.memory_space<vmem>>, vector<1000x128xf32>
    %get3A_20 = arith.constant 0 : index
    %get3A_21 = arith.constant 0 : index
    %get3A_22 = arith.constant 0 : index
    %get3A_23 = vector.load %arg2[%get3A_20, %get3A_21, %get3A_22] : memref<2x1000x128xf32, #tpu.memory_space<vmem>>, vector<1x1000x128xf32>
    %get3A_24 = vector.shape_cast %get3A_23 : vector<1x1000x128xf32> to vector<1000x128xf32>
    %add3A = arith.addf %get3A_19, %get3A_24 : vector<1000x128xf32>
    %get3A_25 = arith.constant 1 : index
    %get3A_26 = arith.constant 0 : index
    %get3A_27 = arith.constant 0 : index
    %get3A_28 = vector.load %arg2[%get3A_25, %get3A_26, %get3A_27] : memref<2x1000x128xf32, #tpu.memory_space<vmem>>, vector<1x1000x128xf32>
    %get3A_29 = vector.shape_cast %get3A_28 : vector<1x1000x128xf32> to vector<1000x128xf32>
    %add3A_30 = arith.addf %add3A, %get3A_29 : vector<1000x128xf32>
    %add3A_31 = arith.addf %add3A_30, %dot_general3A_16 : vector<1000x128xf32>
    %get3A_32 = arith.constant 0 : index
    %get3A_33 = arith.constant 0 : index
    %get3A_34 = vector.load %arg7[%get3A_32, %get3A_33] : memref<128x128xf32, #tpu.memory_space<vmem>>, vector<128x128xf32>
    %dot_general3A_35 = arith.constant dense<0.000000e+00> : vector<1000x128xf32>
    %dot_general3A_36 = tpu.matmul %add3A_31, %get3A_34, %dot_general3A_35 {dimension_numbers = #tpu.dot_dimension_numbers<[1], [0], [0], [1], [0, 0, 1, 1], [], []>, transpose_lhs_hint = false} : vector<1000x128xf32>, vector<128x128xf32>, vector<1000x128xf32> -> vector<1000x128xf32>
    %get3A_37 = arith.constant 0 : index
    %get3A_38 = arith.constant 0 : index
    %get3A_39 = vector.load %arg8[%get3A_37, %get3A_38] : memref<1x128xf32, #tpu.memory_space<vmem>>, vector<1x128xf32>
    %add3A_40 = vector.broadcast %get3A_39 : vector<1x128xf32> to vector<1000x128xf32>
    %add3A_41 = arith.addf %dot_general3A_36, %add3A_40 : vector<1000x128xf32>
    %max3A = arith.constant 0.000000e+00 : f32
    %max3A_42 = vector.broadcast %max3A : f32 to vector<1000x128xf32>
    %max3A_43 = arith.maximumf %add3A_41, %max3A_42 : vector<1000x128xf32>
    %swap3A = arith.constant 0 : index
    %swap3A_44 = arith.constant 0 : index
    %swap3A_45 = vector.load %arg9[%swap3A, %swap3A_44] : memref<1000x128xf32, #tpu.memory_space<vmem>>, vector<1000x128xf32>
    tpu.vector_store %arg9[%swap3A, %swap3A_44], %max3A_43 {strides = array<i32>} : memref<1000x128xf32, #tpu.memory_space<vmem>>, vector<1000x128xf32>,
    return
  }
  func.func @transform_0(%arg0: i32) -> (i32, i32) {
    %c0_i32 = arith.constant 0 : i32
    %c0_i32_0 = arith.constant 0 : i32
    return %arg0, %c0_i32 : i32, i32
  }
  func.func @transform_1(%arg0: i32) -> (i32, i32, i32) {
    %c0_i32 = arith.constant 0 : i32
    %c0_i32_0 = arith.constant 0 : i32
    %c0_i32_1 = arith.constant 0 : i32
    return %c0_i32, %arg0, %c0_i32_0 : i32, i32, i32
  }
  func.func @transform_2(%arg0: i32) -> (i32, i32) {
    %c0_i32 = arith.constant 0 : i32
    %c0_i32_0 = arith.constant 0 : i32
    %c0_i32_1 = arith.constant 0 : i32
    return %c0_i32, %c0_i32_0 : i32, i32
  }
  func.func @transform_3(%arg0: i32) -> (i32, i32) {
    %c0_i32 = arith.constant 0 : i32
    %c0_i32_0 = arith.constant 0 : i32
    %c0_i32_1 = arith.constant 0 : i32
    return %c0_i32, %c0_i32_0 : i32, i32
  }
  func.func @transform_4(%arg0: i32) -> (i32, i32) {
    %c0_i32 = arith.constant 0 : i32
    %c0_i32_0 = arith.constant 0 : i32
    return %arg0, %c0_i32 : i32, i32
  }
  func.func @transform_5(%arg0: i32) -> (i32, i32) {
    %c0_i32 = arith.constant 0 : i32
    %c0_i32_0 = arith.constant 0 : i32
    %c0_i32_1 = arith.constant 0 : i32
    return %c0_i32, %c0_i32_0 : i32, i32
  }
  func.func @transform_6(%arg0: i32) -> (i32, i32) {
    %c0_i32 = arith.constant 0 : i32
    %c0_i32_0 = arith.constant 0 : i32
    %c0_i32_1 = arith.constant 0 : i32
    return %c0_i32, %c0_i32_0 : i32, i32
  }
  func.func @transform_7(%arg0: i32) -> (i32, i32) {
    %c0_i32 = arith.constant 0 : i32
    %c0_i32_0 = arith.constant 0 : i32
    %c0_i32_1 = arith.constant 0 : i32
    return %c0_i32, %c0_i32_0 : i32, i32
  }
  func.func @transform_8(%arg0: i32) -> (i32, i32) {
    %c0_i32 = arith.constant 0 : i32
    %c0_i32_0 = arith.constant 0 : i32
    return %arg0, %c0_i32 : i32, i32
  }
}

module attributes {stable_mosaic.version = 14 : i64} {
  func.func @_heads_body(%arg0: i32, %arg1: memref<1000x128xf32, #tpu.memory_space<vmem>>, %arg2: memref<1000x64xf32, #tpu.memory_space<vmem>>, %arg3: memref<1000x16xf32, #tpu.memory_space<vmem>>, %arg4: memref<128x64xf32, #tpu.memory_space<vmem>>, %arg5: memref<1x64xf32, #tpu.memory_space<vmem>>, %arg6: memref<128x64xf32, #tpu.memory_space<vmem>>, %arg7: memref<1x64xf32, #tpu.memory_space<vmem>>, %arg8: memref<64x128xf32, #tpu.memory_space<vmem>>, %arg9: memref<16x128xf32, #tpu.memory_space<vmem>>, %arg10: memref<1000x64xf32, #tpu.memory_space<vmem>>, %arg11: memref<1000x64xf32, #tpu.memory_space<vmem>>, %arg12: memref<1000x128xf32, #tpu.memory_space<vmem>>) attributes {dimension_semantics = [#tpu.dimension_semantics<arbitrary>], iteration_bounds = array<i64: 10>, scalar_prefetch = 0 : i64, scratch_operands = 0 : i64, tpu.core_type = #tpu.core_type<tc>, window_params = [{transform_indices = @transform_0, window_bounds = array<i64: 1000, 128>}, {transform_indices = @transform_1, window_bounds = array<i64: 1000, 64>}, {transform_indices = @transform_2, window_bounds = array<i64: 1000, 16>}, {pipeline_mode = #tpu.pipeline_mode<synchronous>, transform_indices = @transform_3, window_bounds = array<i64: 128, 64>}, {pipeline_mode = #tpu.pipeline_mode<synchronous>, transform_indices = @transform_4, window_bounds = array<i64: 1, 64>}, {pipeline_mode = #tpu.pipeline_mode<synchronous>, transform_indices = @transform_5, window_bounds = array<i64: 128, 64>}, {pipeline_mode = #tpu.pipeline_mode<synchronous>, transform_indices = @transform_6, window_bounds = array<i64: 1, 64>}, {pipeline_mode = #tpu.pipeline_mode<synchronous>, transform_indices = @transform_7, window_bounds = array<i64: 64, 128>}, {pipeline_mode = #tpu.pipeline_mode<synchronous>, transform_indices = @transform_8, window_bounds = array<i64: 16, 128>}, {transform_indices = @transform_9, window_bounds = array<i64: 1000, 64>}, {transform_indices = @transform_10, window_bounds = array<i64: 1000, 64>}, {transform_indices = @transform_11, window_bounds = array<i64: 1000, 128>}]} {
    %get3A = arith.constant 0 : index
    %get3A_0 = arith.constant 0 : index
    %get3A_1 = vector.load %arg1[%get3A, %get3A_0] : memref<1000x128xf32, #tpu.memory_space<vmem>>, vector<1000x128xf32>
    %get3A_2 = arith.constant 0 : index
    %get3A_3 = arith.constant 0 : index
    %get3A_4 = vector.load %arg4[%get3A_2, %get3A_3] : memref<128x64xf32, #tpu.memory_space<vmem>>, vector<128x64xf32>
    %dot_general3A = arith.constant dense<0.000000e+00> : vector<1000x64xf32>
    %dot_general3A_5 = tpu.matmul %get3A_1, %get3A_4, %dot_general3A {dimension_numbers = #tpu.dot_dimension_numbers<[1], [0], [0], [1], [0, 0, 1, 1], [], []>, transpose_lhs_hint = false} : vector<1000x128xf32>, vector<128x64xf32>, vector<1000x64xf32> -> vector<1000x64xf32>
    %get3A_6 = arith.constant 0 : index
    %get3A_7 = arith.constant 0 : index
    %get3A_8 = vector.load %arg5[%get3A_6, %get3A_7] : memref<1x64xf32, #tpu.memory_space<vmem>>, vector<1x64xf32>
    %add3A = vector.broadcast %get3A_8 : vector<1x64xf32> to vector<1000x64xf32>
    %add3A_9 = arith.addf %dot_general3A_5, %add3A : vector<1000x64xf32>
    %get3A_10 = arith.constant 0 : index
    %get3A_11 = arith.constant 0 : index
    %get3A_12 = vector.load %arg6[%get3A_10, %get3A_11] : memref<128x64xf32, #tpu.memory_space<vmem>>, vector<128x64xf32>
    %dot_general3A_13 = arith.constant dense<0.000000e+00> : vector<1000x64xf32>
    %dot_general3A_14 = tpu.matmul %get3A_1, %get3A_12, %dot_general3A_13 {dimension_numbers = #tpu.dot_dimension_numbers<[1], [0], [0], [1], [0, 0, 1, 1], [], []>, transpose_lhs_hint = false} : vector<1000x128xf32>, vector<128x64xf32>, vector<1000x64xf32> -> vector<1000x64xf32>
    %get3A_15 = arith.constant 0 : index
    %get3A_16 = arith.constant 0 : index
    %get3A_17 = vector.load %arg7[%get3A_15, %get3A_16] : memref<1x64xf32, #tpu.memory_space<vmem>>, vector<1x64xf32>
    %add3A_18 = vector.broadcast %get3A_17 : vector<1x64xf32> to vector<1000x64xf32>
    %add3A_19 = arith.addf %dot_general3A_14, %add3A_18 : vector<1000x64xf32>
    %swap3A = arith.constant 0 : index
    %swap3A_20 = arith.constant 0 : index
    %swap3A_21 = vector.load %arg10[%swap3A, %swap3A_20] : memref<1000x64xf32, #tpu.memory_space<vmem>>, vector<1000x64xf32>
    tpu.vector_store %arg10[%swap3A, %swap3A_20], %add3A_9 {strides = array<i32>} : memref<1000x64xf32, #tpu.memory_space<vmem>>, vector<1000x64xf32>,
    %swap3A_22 = arith.constant 0 : index
    %swap3A_23 = arith.constant 0 : index
    %swap3A_24 = vector.load %arg11[%swap3A_22, %swap3A_23] : memref<1000x64xf32, #tpu.memory_space<vmem>>, vector<1000x64xf32>
    tpu.vector_store %arg11[%swap3A_22, %swap3A_23], %add3A_19 {strides = array<i32>} : memref<1000x64xf32, #tpu.memory_space<vmem>>, vector<1000x64xf32>,
    %exp3A = math.exp %add3A_19 : vector<1000x64xf32>
    %get3A_25 = arith.constant 0 : index
    %get3A_26 = arith.constant 0 : index
    %get3A_27 = vector.load %arg2[%get3A_25, %get3A_26] : memref<1000x64xf32, #tpu.memory_space<vmem>>, vector<1000x64xf32>
    %mul3A = arith.mulf %exp3A, %get3A_27 : vector<1000x64xf32>
    %add3A_28 = arith.addf %mul3A, %add3A_9 : vector<1000x64xf32>
    %get3A_29 = arith.constant 0 : index
    %get3A_30 = arith.constant 0 : index
    %get3A_31 = vector.load %arg8[%get3A_29, %get3A_30] : memref<64x128xf32, #tpu.memory_space<vmem>>, vector<64x128xf32>
    %dot_general3A_32 = arith.constant dense<0.000000e+00> : vector<1000x128xf32>
    %dot_general3A_33 = tpu.matmul %add3A_28, %get3A_31, %dot_general3A_32 {dimension_numbers = #tpu.dot_dimension_numbers<[1], [0], [0], [1], [0, 0, 1, 1], [], []>, transpose_lhs_hint = false} : vector<1000x64xf32>, vector<64x128xf32>, vector<1000x128xf32> -> vector<1000x128xf32>
    %get3A_34 = arith.constant 0 : index
    %get3A_35 = arith.constant 0 : index
    %get3A_36 = vector.load %arg3[%get3A_34, %get3A_35] : memref<1000x16xf32, #tpu.memory_space<vmem>>, vector<1000x16xf32>
    %get3A_37 = arith.constant 0 : index
    %get3A_38 = arith.constant 0 : index
    %get3A_39 = vector.load %arg9[%get3A_37, %get3A_38] : memref<16x128xf32, #tpu.memory_space<vmem>>, vector<16x128xf32>
    %dot_general3A_40 = arith.constant dense<0.000000e+00> : vector<1000x128xf32>
    %dot_general3A_41 = tpu.matmul %get3A_36, %get3A_39, %dot_general3A_40 {dimension_numbers = #tpu.dot_dimension_numbers<[1], [0], [0], [1], [0, 0, 1, 1], [], []>, transpose_lhs_hint = false} : vector<1000x16xf32>, vector<16x128xf32>, vector<1000x128xf32> -> vector<1000x128xf32>
    %add3A_42 = arith.addf %dot_general3A_33, %dot_general3A_41 : vector<1000x128xf32>
    %max3A = arith.constant 0.000000e+00 : f32
    %max3A_43 = vector.broadcast %max3A : f32 to vector<1000x128xf32>
    %max3A_44 = arith.maximumf %add3A_42, %max3A_43 : vector<1000x128xf32>
    %swap3A_45 = arith.constant 0 : index
    %swap3A_46 = arith.constant 0 : index
    %swap3A_47 = vector.load %arg12[%swap3A_45, %swap3A_46] : memref<1000x128xf32, #tpu.memory_space<vmem>>, vector<1000x128xf32>
    tpu.vector_store %arg12[%swap3A_45, %swap3A_46], %max3A_44 {strides = array<i32>} : memref<1000x128xf32, #tpu.memory_space<vmem>>, vector<1000x128xf32>,
    return
  }
  func.func @transform_0(%arg0: i32) -> (i32, i32) {
    %c0_i32 = arith.constant 0 : i32
    %c0_i32_0 = arith.constant 0 : i32
    return %arg0, %c0_i32 : i32, i32
  }
  func.func @transform_1(%arg0: i32) -> (i32, i32) {
    %c0_i32 = arith.constant 0 : i32
    %c0_i32_0 = arith.constant 0 : i32
    return %arg0, %c0_i32 : i32, i32
  }
  func.func @transform_2(%arg0: i32) -> (i32, i32) {
    %c0_i32 = arith.constant 0 : i32
    %c0_i32_0 = arith.constant 0 : i32
    return %arg0, %c0_i32 : i32, i32
  }
  func.func @transform_3(%arg0: i32) -> (i32, i32) {
    %c0_i32 = arith.constant 0 : i32
    %c0_i32_0 = arith.constant 0 : i32
    %c0_i32_1 = arith.constant 0 : i32
    return %c0_i32, %c0_i32_0 : i32, i32
  }
  func.func @transform_4(%arg0: i32) -> (i32, i32) {
    %c0_i32 = arith.constant 0 : i32
    %c0_i32_0 = arith.constant 0 : i32
    %c0_i32_1 = arith.constant 0 : i32
    return %c0_i32, %c0_i32_0 : i32, i32
  }
  func.func @transform_5(%arg0: i32) -> (i32, i32) {
    %c0_i32 = arith.constant 0 : i32
    %c0_i32_0 = arith.constant 0 : i32
    %c0_i32_1 = arith.constant 0 : i32
    return %c0_i32, %c0_i32_0 : i32, i32
  }
  func.func @transform_6(%arg0: i32) -> (i32, i32) {
    %c0_i32 = arith.constant 0 : i32
    %c0_i32_0 = arith.constant 0 : i32
    %c0_i32_1 = arith.constant 0 : i32
    return %c0_i32, %c0_i32_0 : i32, i32
  }
  func.func @transform_7(%arg0: i32) -> (i32, i32) {
    %c0_i32 = arith.constant 0 : i32
    %c0_i32_0 = arith.constant 0 : i32
    %c0_i32_1 = arith.constant 0 : i32
    return %c0_i32, %c0_i32_0 : i32, i32
  }
  func.func @transform_8(%arg0: i32) -> (i32, i32) {
    %c0_i32 = arith.constant 0 : i32
    %c0_i32_0 = arith.constant 0 : i32
    %c0_i32_1 = arith.constant 0 : i32
    return %c0_i32, %c0_i32_0 : i32, i32
  }
  func.func @transform_9(%arg0: i32) -> (i32, i32) {
    %c0_i32 = arith.constant 0 : i32
    %c0_i32_0 = arith.constant 0 : i32
    return %arg0, %c0_i32 : i32, i32
  }
  func.func @transform_10(%arg0: i32) -> (i32, i32) {
    %c0_i32 = arith.constant 0 : i32
    %c0_i32_0 = arith.constant 0 : i32
    return %arg0, %c0_i32 : i32, i32
  }
  func.func @transform_11(%arg0: i32) -> (i32, i32) {
    %c0_i32 = arith.constant 0 : i32
    %c0_i32_0 = arith.constant 0 : i32
    return %arg0, %c0_i32 : i32, i32
  }
}

module attributes {stable_mosaic.version = 14 : i64} {
  func.func @_decup_body(%arg0: i32, %arg1: memref<1000x128xf32, #tpu.memory_space<vmem>>, %arg2: memref<2x1000x128xf32, #tpu.memory_space<vmem>>, %arg3: memref<128x128xf32, #tpu.memory_space<vmem>>, %arg4: memref<1x128xf32, #tpu.memory_space<vmem>>, %arg5: memref<1000x128xf32, #tpu.memory_space<vmem>>) attributes {dimension_semantics = [#tpu.dimension_semantics<arbitrary>], iteration_bounds = array<i64: 10>, scalar_prefetch = 0 : i64, scratch_operands = 0 : i64, tpu.core_type = #tpu.core_type<tc>, window_params = [{transform_indices = @transform_0, window_bounds = array<i64: 1000, 128>}, {transform_indices = @transform_1, window_bounds = array<i64: 2, 1000, 128>}, {pipeline_mode = #tpu.pipeline_mode<synchronous>, transform_indices = @transform_2, window_bounds = array<i64: 128, 128>}, {pipeline_mode = #tpu.pipeline_mode<synchronous>, transform_indices = @transform_3, window_bounds = array<i64: 1, 128>}, {transform_indices = @transform_4, window_bounds = array<i64: 1000, 128>}]} {
    %get3A = arith.constant 0 : index
    %get3A_0 = arith.constant 0 : index
    %get3A_1 = vector.load %arg1[%get3A, %get3A_0] : memref<1000x128xf32, #tpu.memory_space<vmem>>, vector<1000x128xf32>
    %get3A_2 = arith.constant 0 : index
    %get3A_3 = arith.constant 0 : index
    %get3A_4 = arith.constant 0 : index
    %get3A_5 = vector.load %arg2[%get3A_2, %get3A_3, %get3A_4] : memref<2x1000x128xf32, #tpu.memory_space<vmem>>, vector<1x1000x128xf32>
    %get3A_6 = vector.shape_cast %get3A_5 : vector<1x1000x128xf32> to vector<1000x128xf32>
    %add3A = arith.addf %get3A_1, %get3A_6 : vector<1000x128xf32>
    %get3A_7 = arith.constant 1 : index
    %get3A_8 = arith.constant 0 : index
    %get3A_9 = arith.constant 0 : index
    %get3A_10 = vector.load %arg2[%get3A_7, %get3A_8, %get3A_9] : memref<2x1000x128xf32, #tpu.memory_space<vmem>>, vector<1x1000x128xf32>
    %get3A_11 = vector.shape_cast %get3A_10 : vector<1x1000x128xf32> to vector<1000x128xf32>
    %add3A_12 = arith.addf %add3A, %get3A_11 : vector<1000x128xf32>
    %get3A_13 = arith.constant 0 : index
    %get3A_14 = arith.constant 0 : index
    %get3A_15 = vector.load %arg3[%get3A_13, %get3A_14] : memref<128x128xf32, #tpu.memory_space<vmem>>, vector<128x128xf32>
    %dot_general3A = arith.constant dense<0.000000e+00> : vector<1000x128xf32>
    %dot_general3A_16 = tpu.matmul %add3A_12, %get3A_15, %dot_general3A {dimension_numbers = #tpu.dot_dimension_numbers<[1], [0], [0], [1], [0, 0, 1, 1], [], []>, transpose_lhs_hint = false} : vector<1000x128xf32>, vector<128x128xf32>, vector<1000x128xf32> -> vector<1000x128xf32>
    %get3A_17 = arith.constant 0 : index
    %get3A_18 = arith.constant 0 : index
    %get3A_19 = vector.load %arg4[%get3A_17, %get3A_18] : memref<1x128xf32, #tpu.memory_space<vmem>>, vector<1x128xf32>
    %add3A_20 = vector.broadcast %get3A_19 : vector<1x128xf32> to vector<1000x128xf32>
    %add3A_21 = arith.addf %dot_general3A_16, %add3A_20 : vector<1000x128xf32>
    %max3A = arith.constant 0.000000e+00 : f32
    %max3A_22 = vector.broadcast %max3A : f32 to vector<1000x128xf32>
    %max3A_23 = arith.maximumf %add3A_21, %max3A_22 : vector<1000x128xf32>
    %swap3A = arith.constant 0 : index
    %swap3A_24 = arith.constant 0 : index
    %swap3A_25 = vector.load %arg5[%swap3A, %swap3A_24] : memref<1000x128xf32, #tpu.memory_space<vmem>>, vector<1000x128xf32>
    tpu.vector_store %arg5[%swap3A, %swap3A_24], %max3A_23 {strides = array<i32>} : memref<1000x128xf32, #tpu.memory_space<vmem>>, vector<1000x128xf32>,
    return
  }
  func.func @transform_0(%arg0: i32) -> (i32, i32) {
    %c0_i32 = arith.constant 0 : i32
    %c0_i32_0 = arith.constant 0 : i32
    return %arg0, %c0_i32 : i32, i32
  }
  func.func @transform_1(%arg0: i32) -> (i32, i32, i32) {
    %c0_i32 = arith.constant 0 : i32
    %c0_i32_0 = arith.constant 0 : i32
    %c0_i32_1 = arith.constant 0 : i32
    return %c0_i32, %arg0, %c0_i32_0 : i32, i32, i32
  }
  func.func @transform_2(%arg0: i32) -> (i32, i32) {
    %c0_i32 = arith.constant 0 : i32
    %c0_i32_0 = arith.constant 0 : i32
    %c0_i32_1 = arith.constant 0 : i32
    return %c0_i32, %c0_i32_0 : i32, i32
  }
  func.func @transform_3(%arg0: i32) -> (i32, i32) {
    %c0_i32 = arith.constant 0 : i32
    %c0_i32_0 = arith.constant 0 : i32
    %c0_i32_1 = arith.constant 0 : i32
    return %c0_i32, %c0_i32_0 : i32, i32
  }
  func.func @transform_4(%arg0: i32) -> (i32, i32) {
    %c0_i32 = arith.constant 0 : i32
    %c0_i32_0 = arith.constant 0 : i32
    return %arg0, %c0_i32 : i32, i32
  }
}

module attributes {stable_mosaic.version = 14 : i64} {
  func.func @_final_body(%arg0: i32, %arg1: memref<1000x128xf32, #tpu.memory_space<vmem>>, %arg2: memref<128x64xf32, #tpu.memory_space<vmem>>, %arg3: memref<1x64xf32, #tpu.memory_space<vmem>>, %arg4: memref<128x128xf32, #tpu.memory_space<vmem>>, %arg5: memref<1000x64xf32, #tpu.memory_space<vmem>>, %arg6: memref<1000x128xf32, #tpu.memory_space<vmem>>) attributes {dimension_semantics = [#tpu.dimension_semantics<arbitrary>], iteration_bounds = array<i64: 10>, scalar_prefetch = 0 : i64, scratch_operands = 0 : i64, tpu.core_type = #tpu.core_type<tc>, window_params = [{transform_indices = @transform_0, window_bounds = array<i64: 1000, 128>}, {pipeline_mode = #tpu.pipeline_mode<synchronous>, transform_indices = @transform_1, window_bounds = array<i64: 128, 64>}, {pipeline_mode = #tpu.pipeline_mode<synchronous>, transform_indices = @transform_2, window_bounds = array<i64: 1, 64>}, {pipeline_mode = #tpu.pipeline_mode<synchronous>, transform_indices = @transform_3, window_bounds = array<i64: 128, 128>}, {transform_indices = @transform_4, window_bounds = array<i64: 1000, 64>}, {transform_indices = @transform_5, window_bounds = array<i64: 1000, 128>}]} {
    %get3A = arith.constant 0 : index
    %get3A_0 = arith.constant 0 : index
    %get3A_1 = vector.load %arg1[%get3A, %get3A_0] : memref<1000x128xf32, #tpu.memory_space<vmem>>, vector<1000x128xf32>
    %get3A_2 = arith.constant 0 : index
    %get3A_3 = arith.constant 0 : index
    %get3A_4 = vector.load %arg2[%get3A_2, %get3A_3] : memref<128x64xf32, #tpu.memory_space<vmem>>, vector<128x64xf32>
    %dot_general3A = arith.constant dense<0.000000e+00> : vector<1000x64xf32>
    %dot_general3A_5 = tpu.matmul %get3A_1, %get3A_4, %dot_general3A {dimension_numbers = #tpu.dot_dimension_numbers<[1], [0], [0], [1], [0, 0, 1, 1], [], []>, transpose_lhs_hint = false} : vector<1000x128xf32>, vector<128x64xf32>, vector<1000x64xf32> -> vector<1000x64xf32>
    %get3A_6 = arith.constant 0 : index
    %get3A_7 = arith.constant 0 : index
    %get3A_8 = vector.load %arg3[%get3A_6, %get3A_7] : memref<1x64xf32, #tpu.memory_space<vmem>>, vector<1x64xf32>
    %add3A = vector.broadcast %get3A_8 : vector<1x64xf32> to vector<1000x64xf32>
    %add3A_9 = arith.addf %dot_general3A_5, %add3A : vector<1000x64xf32>
    %swap3A = arith.constant 0 : index
    %swap3A_10 = arith.constant 0 : index
    %swap3A_11 = vector.load %arg5[%swap3A, %swap3A_10] : memref<1000x64xf32, #tpu.memory_space<vmem>>, vector<1000x64xf32>
    tpu.vector_store %arg5[%swap3A, %swap3A_10], %add3A_9 {strides = array<i32>} : memref<1000x64xf32, #tpu.memory_space<vmem>>, vector<1000x64xf32>,
    %get3A_12 = arith.constant 0 : index
    %get3A_13 = arith.constant 0 : index
    %get3A_14 = vector.load %arg4[%get3A_12, %get3A_13] : memref<128x128xf32, #tpu.memory_space<vmem>>, vector<128x128xf32>
    %dot_general3A_15 = arith.constant dense<0.000000e+00> : vector<1000x128xf32>
    %dot_general3A_16 = tpu.matmul %get3A_1, %get3A_14, %dot_general3A_15 {dimension_numbers = #tpu.dot_dimension_numbers<[1], [0], [0], [1], [0, 0, 1, 1], [], []>, transpose_lhs_hint = false} : vector<1000x128xf32>, vector<128x128xf32>, vector<1000x128xf32> -> vector<1000x128xf32>
    %swap3A_17 = arith.constant 0 : index
    %swap3A_18 = arith.constant 0 : index
    %swap3A_19 = vector.load %arg6[%swap3A_17, %swap3A_18] : memref<1000x128xf32, #tpu.memory_space<vmem>>, vector<1000x128xf32>
    tpu.vector_store %arg6[%swap3A_17, %swap3A_18], %dot_general3A_16 {strides = array<i32>} : memref<1000x128xf32, #tpu.memory_space<vmem>>, vector<1000x128xf32>,
    return
  }
  func.func @transform_0(%arg0: i32) -> (i32, i32) {
    %c0_i32 = arith.constant 0 : i32
    %c0_i32_0 = arith.constant 0 : i32
    return %arg0, %c0_i32 : i32, i32
  }
  func.func @transform_1(%arg0: i32) -> (i32, i32) {
    %c0_i32 = arith.constant 0 : i32
    %c0_i32_0 = arith.constant 0 : i32
    %c0_i32_1 = arith.constant 0 : i32
    return %c0_i32, %c0_i32_0 : i32, i32
  }
  func.func @transform_2(%arg0: i32) -> (i32, i32) {
    %c0_i32 = arith.constant 0 : i32
    %c0_i32_0 = arith.constant 0 : i32
    %c0_i32_1 = arith.constant 0 : i32
    return %c0_i32, %c0_i32_0 : i32, i32
  }
  func.func @transform_3(%arg0: i32) -> (i32, i32) {
    %c0_i32 = arith.constant 0 : i32
    %c0_i32_0 = arith.constant 0 : i32
    %c0_i32_1 = arith.constant 0 : i32
    return %c0_i32, %c0_i32_0 : i32, i32
  }
  func.func @transform_4(%arg0: i32) -> (i32, i32) {
    %c0_i32 = arith.constant 0 : i32
    %c0_i32_0 = arith.constant 0 : i32
    return %arg0, %c0_i32 : i32, i32
  }
  func.func @transform_5(%arg0: i32) -> (i32, i32) {
    %c0_i32 = arith.constant 0 : i32
    %c0_i32_0 = arith.constant 0 : i32
    return %arg0, %c0_i32 : i32, i32
  }
}

</mosaic_0001>

<sc_bundles>
// kernel: kernel.27.cloned.1.call-start
scs
__scs_entry_jumppad:
0x0: {  	(pc) =	sbr.rel $0x88, $3  }
0x1: {  	(tag) =	ssettag $0x0;
	lr =	simm.s32 $0x1  }
0x2: {  	[smem:$0x3F88] =	sst lr;
	_ =	strace $0xD0000000  }
0x3: {  	_ = 	snop  }
0x4: {  	_ = 	snop  }
0x5: {  	_ = 	snop  }
0x6: {  	_ = 	snop  }
0x7: {  	_ = 	snop  }
__scs_overlays_trampoline_lowered:
0x8: {  	[smem:$0x3F97] =	sst s0  }
0x9: {  	[smem:$0x3F98] =	sst s1  }
0xa: {  	[smem:$0x3F99] =	sst s2  }
0xb: {  	[smem:$0x3F9A] =	sst s3  }
0xc: {  	[smem:$0x3F9B] =	sst s4  }
0xd: {  	[smem:$0x3F9C] =	sst s5  }
0xe: {  	[smem:$0x3F9D] =	sst s6  }
0xf: {  	[smem:$0x3F9E] =	sst s7  }
0x10: {  	[smem:$0x3F9F] =	sst s8  }
0x11: {  	[smem:$0x3FA0] =	sst s9;
	s0 =	simm.s32 @!p0 $0x0  }
0x12: {  	s1 =	sld [smem:$0x3F86];
	s0 =	simm.s32 @p0 $0x1  }
0x13: {  	[smem:$0x3FA1] =	sst s0;
	s0 =	simm.s32 @!p1 $0x0  }
0x14: {  	s2 =	sld [smem:$0x3F85];
	s0 =	simm.s32 @p1 $0x1  }
0x15: {  	[smem:$0x3FA2] =	sst s0;
	s0 =	simm.s32 @!p2 $0x0  }
0x16: {  	s3 =	sld [smem:$0x3FDB];
	s0 =	simm.s32 @p2 $0x1  }
0x17: {  	s4 =	simm.s32 $0x1BF5;
	[smem:$0x3FA4] =	sst s0  }
0x18: {  	s0 =	sld [smem:$0x3F87];
	_ =	swait.ge [sflag:s4], $0x0  }
0x19: {  	s7 =	sld [smem:$0x3F88]  }
0x1a: {  	s8 =	sadd.s32 $0xFFFFE003, lr  }
0x1b: {  	s9 =	sadd.s32 $0xFFFFFEF7, lr;
	s5 =	simm.s32 $0xFFFFFFFF;
	p2 =	slt.u32 s8, $0xFFFFF086  }
0x1c: {  	p1 =	slt.u32 s9, $0xF7A;
	s5 =	simm.s32 @!p2 $0x0  }
0x1d: {  	s5 =	simm.s32 @p1 $0x1;
	p0 =	seq.s32 s7, s2  }
0x1e: {  	s7 =	smul.u32 @!p0 $0xF7A, s2;
	p2 =	seq.s32 @!p0 s5, $0x0  }
0x1f: {  	s9 =	smul.u32 $0xF7A, s1;
	s8 =	simm.s32 @!p0 $0x1BF5;
	p2 =	por !p2, p0  }
0x20: {  	[sflag:s8] =	ssyncset.s32 @!p0 $0xFFFFF086;
	s6 =	sadd.s32 @!p0 s3, s7;
	s7 =	simm.s32 @!p0 $0x108  }
0x21: {  	s3 =	sadd.s32 s3, s9;
	s6 =	sadd.s32 @!p0 $0x88, s6;
	s7 =	simm.s32 @p2 $0x1082  }
0x22: {  	[simem:s7], [sflag:s8] =	dma.local @!p0 [hbm:s6], $0xF7A  }
0x23: {  	s9 =	sor.u32 $0xD0000000, s2;
	s6 =	simm.s32 $0x108;
	_ =	swait.ge @!p0 [sflag:s8], $0x0  }
0x24: {  	s3 =	sadd.s32 $0x88, s3;
	s6 =	simm.s32 @!p1 $0x1082;
	[sflag:s4] =	ssyncset.s32 $0xFFFFF086  }
0x25: {  	[simem:s6], [sflag:s4] =	dma.local [hbm:s3], $0xF7A  }
0x26: {  	[smem:$0x3F88] =	sst s1;
	(tag) =	ssettag s2;
	_ =	strace s9  }
0x27: {  	s1 =	sld [smem:$0x3F98]  }
0x28: {  	s2 =	sld [smem:$0x3F99]  }
0x29: {  	s4 =	sld [smem:$0x3F9B]  }
0x2a: {  	p0 =	seq.s32 s5, $0x0;
	s5 =	sld [smem:$0x3F9C]  }
0x2b: {  	s6 =	sld [smem:$0x3F9D]  }
0x2c: {  	s7 =	sld [smem:$0x3F9E]  }
0x2d: {  	s3 =	simm.s32 $0x108;
	s8 =	sld [smem:$0x3F9F]  }
0x2e: {  	s3 =	simm.s32 @!p0 $0x1082;
	s9 =	sld [smem:$0x3FA0]  }
0x2f: {  	lr =	sadd.s32 s0, s3;
	s0 =	sld [smem:$0x3F97]  }
0x30: {  	s3 =	sld [smem:$0x3F9A]  }
0x31: {  	[smem:$0x3FA3] =	sst s10  }
0x32: {  	s10 =	sld [smem:$0x3FA1];
	_ =	sdelay $0x3  }
0x33: {  	p0 =	seq.s32 s10, $0x1;
	s10 =	sld [smem:$0x3FA3];
	_ =	sdelay $0x3  }
0x34: {  	[smem:$0x3FA3] =	sst s10  }
0x35: {  	s10 =	sld [smem:$0x3FA2];
	_ =	sdelay $0x3  }
0x36: {  	p1 =	seq.s32 s10, $0x1;
	s10 =	sld [smem:$0x3FA3];
	_ =	sdelay $0x3  }
0x37: {  	[smem:$0x3FA3] =	sst s10  }
0x38: {  	s10 =	sld [smem:$0x3FA4]  }
0x39: {  	_ = 	snop;
	(pc) =	sbr.ind lr, $3  }
0x3a: {  	_ = 	snop  }
0x3b: {  	_ = 	snop  }
0x3c: {  	p2 =	seq.s32 s10, $0x1;
	s10 =	sld [smem:$0x3FA3]  }
0x3d: {  	_ =	shalt  }
0x3e: {  	_ =	shalt  }
0x3f: {  	_ =	shalt  }
0x40: {  	_ =	shalt  }
0x41: {  	_ =	shalt  }
0x42: {  	_ =	shalt  }
0x43: {  	_ =	shalt  }
0x44: {  	_ =	shalt  }
0x45: {  	_ =	shalt  }
0x46: {  	_ =	shalt  }
0x47: {  	_ =	shalt  }
0x48: {  	_ =	shalt  }
0x49: {  	_ =	shalt  }
0x4a: {  	_ =	shalt  }
0x4b: {  	_ =	shalt  }
0x4c: {  	_ =	shalt  }
0x4d: {  	_ =	shalt  }
0x4e: {  	_ =	shalt  }
0x4f: {  	_ =	shalt  }
0x50: {  	_ =	shalt  }
0x51: {  	_ =	shalt  }
0x52: {  	_ =	shalt  }
0x53: {  	_ =	shalt  }
0x54: {  	_ =	shalt  }
0x55: {  	_ =	shalt  }
0x56: {  	_ =	shalt  }
0x57: {  	_ =	shalt  }
0x58: {  	_ =	shalt  }
0x59: {  	_ =	shalt  }
0x5a: {  	_ =	shalt  }
0x5b: {  	_ =	shalt  }
0x5c: {  	_ =	shalt  }
0x5d: {  	_ =	shalt  }
0x5e: {  	_ =	shalt  }
0x5f: {  	_ =	shalt  }
0x60: {  	_ =	shalt  }
0x61: {  	_ =	shalt  }
0x62: {  	_ =	shalt  }
0x63: {  	_ =	shalt  }
0x64: {  	_ =	shalt  }
0x65: {  	_ =	shalt  }
0x66: {  	_ =	shalt  }
0x67: {  	_ =	shalt  }
0x68: {  	_ =	shalt  }
0x69: {  	_ =	shalt  }
0x6a: {  	_ =	shalt  }
0x6b: {  	_ =	shalt  }
0x6c: {  	_ =	shalt  }
0x6d: {  	_ =	shalt  }
0x6e: {  	_ =	shalt  }
0x6f: {  	_ =	shalt  }
0x70: {  	_ =	shalt  }
0x71: {  	_ =	shalt  }
0x72: {  	_ =	shalt  }
0x73: {  	_ =	shalt  }
0x74: {  	_ =	shalt  }
0x75: {  	_ =	shalt  }
0x76: {  	_ =	shalt  }
0x77: {  	_ =	shalt  }
0x78: {  	_ =	shalt  }
0x79: {  	_ =	shalt  }
0x7a: {  	_ =	shalt  }
0x7b: {  	_ =	shalt  }
0x7c: {  	_ =	shalt  }
0x7d: {  	_ =	shalt  }
0x7e: {  	_ =	shalt  }
0x7f: {  	_ =	shalt  }
0x80: {  	_ =	shalt  }
0x81: {  	_ =	shalt  }
0x82: {  	_ =	shalt  }
0x83: {  	_ =	shalt  }
0x84: {  	_ =	shalt  }
0x85: {  	_ =	shalt  }
0x86: {  	_ =	shalt  }
0x87: {  	_ =	shalt  }
.Lfunc_end0:
.L_simem_size_0:
called_computation_lowered:
.L_overlay_start_0:
0x88: {  	s2 =	sld [smem:$0x3FD9]  }
0x89: {  	s3 =	sld [smem:$0x3FFE];
	_ =	sdelay $0x1  }
0x8a: {  	s1 =	srdreg.scid  }
0x8b: {  	s0 =	sand.u32 $0x1, s1  }
0x8c: {  	s14 =	sshll.u32 s0, $0xA;
	s2 =	sadd.s32 s3, s2  }
0x8d: {  	s2 =	sadd.s32 s2, s14  }
0x8e: {  	[smem:$0x3FAF] =	sst s2  }
0x8f: {  	_ = 	snop  }
0x90: {  	s2 =	sld [smem:$0x3FD0];
	_ =	sdelay $0x2  }
0x91: {  	s15 =	simm.s32 $0xA;
	s4 =	simm.s32 $0x10  }
0x92: {  	[smem:s4], [sflag:s15] =	dma.local [hbm:s2], $0x1  }
0x93: {  	_ =	swait.eq [sflag:s15], $0x1  }
0x94: {  	[sflag:s15] =	ssyncset.done $0x0  }
0x95: {  	[sflag:s15] =	ssyncadd.s32 $0xFFFFFFFF  }
0x96: {  	s16 =	sld [smem:$0x12];
	(tm) =	ssettm $0x1  }
0x97: {  	s17 =	sld [smem:$0x3FFB];
	_ =	sdelay $0x3  }
0x98: {  	_ =	strace s17  }
0x99: {  	s3 =	sld [smem:$0x3FFC];
	_ =	sdelay $0x3  }
0x9a: {  	_ =	strace s3  }
0x9b: {  	s3 =	sld [smem:$0x3FFD];
	_ =	sdelay $0x3  }
0x9c: {  	_ =	strace s3  }
0x9d: {  	_ =	strace $0x8FFFFFFF  }
0x9e: {  	s18 =	sld [smem:$0x3FDB];
	_ =	sdelay $0x1  }
0x9f: {  	s19 =	simm.s32 $_scs_section_size  }
0xa0: {  	s5 =	simm.s32 $_size__tile_overlayer_lowered;
	s6 =	simm.s32 $_tile_overlayer_lowered  }
0xa1: {  	s22 =	simm.s32 $0x1BFF;
	s21 =	sshll.u32 s6, $0x1;
	s3 =	sadd.s32 s19, s18  }
0xa2: {  	s7 =	simm.s32 $0x0;
	s20 =	sshll.u32 s5, $0x1;
	s5 =	sadd.s32 s21, s3  }
0xa3: {  	[timem:s7], [sflag:s22] =	dma.local [hbm:s5], s20  }
0xa4: {  	_ =	swait.ge [sflag:s22], s20  }
0xa5: {  	s4 =	ssub.s32 $0x0, s20;
	[sflag:s22] =	ssyncset.done $0x0  }
0xa6: {  	[sflag:s22] =	ssyncadd.s32 s4;
	_ =	sdelay $0x1  }
0xa7: {  	s23 =	simm.s32 $0x1B8B  }
0xa8: {  	_ =	swait.ge [sflag:s23], $0x1  }
0xa9: {  	[sflag:s23] =	ssyncset.done $0x0  }
0xaa: {  	s25 =	simm.s32 $0x1B8E;
	s24 =	sld [smem:$0x3FFE];
	[sflag:s23] =	ssyncadd.s32 $0xFFFFFFFF  }
0xab: {  	s26 =	simm.s32 $execute0_lowered;
	[smem:$0x3FD2] =	sst s25  }
0xac: {  	s5 =	sshll.u32 s26, $0x1;
	_ =	strace $0x80000046;
	[dreg:$0x1] =	wrdreg $0xFFFFFFFF  }
0xad: {  	s28 =	simm.s32 $_size_execute0_lowered;
	s3 =	sadd.s32 s3, s5;
	[dreg:$0x0] =	wrdreg $0x0  }
0xae: {  	s5 =	sshll.u32 s28, $0x1;
	[dreg:$0x2] =	wrdreg s3  }
0xaf: {  	[dreg:$0x3] =	wrdreg s5  }
0xb0: {  	[dreg:$0x4] =	wrdreg $0xC0  }
0xb1: {  	_ =	task [dreg:s7], $0x5FFFF  }
0xb2: {  	[dreg:$0x1] =	wrdreg $0xFFFFFFFF  }
0xb3: {  	[dreg:$0x0] =	wrdreg $0x60  }
0xb4: {  	[dreg:$0x2] =	wrdreg s24  }
0xb5: {  	[dreg:$0x3] =	wrdreg s16  }
0xb6: {  	[dreg:$0x4] =	wrdreg $0x90000  }
0xb7: {  	[dreg:$0x5] =	wrdreg $0x9  }
0xb8: {  	_ =	task.clear_ibuf [dreg:s7], $0x6FFFF;
	_ =	strace $0x90000046  }
0xb9: {  	s29 =	simm.s32 $0x9;
	_ =	strace $0x80000048  }
0xba: {  	_ =	swait.ge [sflag:s29], $0x1  }
0xbb: {  	[sflag:s29] =	ssyncadd.s32 $0xFFFFFFFF  }
0xbc: {  	_ =	strace $0x90000048  }
0xbd: {  	_ =	sfence  }
0xbe: {  	s30 =	sld [smem:$0x0];
	_ =	sdelay $0x2  }
0xbf: {  	s31 =	sshll.u32 s1, $0xD;
	s1 =	sshrl.u32 s1, $0x2  }
0xc0: {  	s3 =	sand.u32 $0x4000, s31;
	s1 =	sadd.s32 s1, s30  }
0xc1: {  	s0 =	sor.u32 s3, s0;
	s1 =	sshll.u32 s1, $0x11  }
0xc2: {  	s0 =	sor.u32 s1, s0  }
0xc3: {  	s0 =	sadd.s32 $0x8F2B, s0  }
0xc4: {  	[sflag:s0] =	ssyncadd.remote.s32 $0x1  }
0xc5: {  	_ =	sfence.sel $0xFFFF  }
0xc6: {  	[dreg:$0x0] =	wrdreg $0xFFFFFFFF;
	(pc) =	sbr.abs _section_cstart, $3  }
0xc7: {  	[dreg:$0x1] =	wrdreg $0xFFFFFFFF  }
0xc8: {  	_ =	task.clear_ibuf [dreg:s7], $0x2FFFF;
	_ =	strace $0x9FFFFFFF  }
0xc9: {  	(tm) =	ssettm $0x7FFFFFFF  }
tec
execute0_lowered:
.L_overlay_start_1:
0x0: {  	(tag) =	ssettag $0x1  }
0x1: {  	s6 =	rddreg [dreg:$0x0]  }
0x2: {  	s0 =	srdreg.scid;
	s10 =	rddreg [dreg:$0x1]  }
0x3: {  	s2 =	rddreg [dreg:$0x2];
	s3 =	simm.s32 $0x0;
	s15 =	simm.s32 $0x2  }
0x4: {  	s16 =	simm.s32 $0x2800;
	s17 =	simm.s32 $0x80;
	s5 =	sand.u32 $0x1, s0  }
0x5: {  	s18 =	simm.s32 $0x1;
	s0 =	stileid.u32;
	s7 =	smul.u32 $0x13C000, s5  }
0x6: {  	[smem:$0x7FF] =	sst s3;
	s4 =	sadd.s32 $0x3AA00, s6;
	s8 =	smul.u32 $0x13C00, s0  }
0x7: {  	s1 =	sshll.u32 s5, $0x4;
	s9 =	smul.u32 $0x4F000, s0;
	s29 =	ssub.s32 $0x2, s5  }
0x8: {  	s19 =	sshll.u32 s0, $0x6;
	s1 =	sor.u32 s0, s1;
	s31 =	sshrl.u32 s29, $0x1  }
0x9: {  	s19 =	sor.u32 $0x1C02, s19;
	s11 =	smul.u32 $0x500, s1;
	s1 =	rddreg [dreg:$0x3]  }
0xa: {  	_ =	strace $0x80000047;
	s7 =	sadd.s32 s8, s7;
	s30 =	sshrl.u32 s9, $0x2  }
0xb: {  	s14 =	ssub.s32 s29, s31;
	s7 =	sshrl.u32 s7, $0x3;
	s5 =	sadd.s32 s30, s2  }
0xc: {  	s12 =	sadd.s32 s11, s6;
	s13 =	sadd.s32 s7, s6;
	s6 =	sadd.s32 $0x4000, s5  }
0xd: {  	s7 =	sadd.s32 $0x8000, s5;
	s8 =	sadd.s32 $0xC000, s5;
	s9 =	sadd.s32 $0x10000, s5  }
0xe: {  	s10 =	sadd.s32 s10, s11;
	s20 =	sshrl.u32 s5, $0x3;
	s11 =	sadd.s32 $0x9800, s12  }
0xf: {  	v0 =	vimm.f32 $0.0e+00;
	s12 =	sadd.s32 $0x173200, s13;
	s13 =	smax.u32 s14, $0x1;
	s14 =	simm.s32 $0x5000  }
.LBB2_1:
0x10: {  	s21 =	simm.s32 $0x0;
	s22 =	simm.s32 $0x200  }
.LBB2_2:
0x11: {  	p0 =	sne.s32 s22, $0xFE00;
	[tilespmem:s21+$0x5070] =	vst v0  }
0x12: {  	[tilespmem:s21+$0x5000] =	vst v0  }
0x13: {  	[tilespmem:s21+$0x5010] =	vst v0  }
.Ltmp0:
0x14: {  	[tilespmem:s21+$0x5020] =	vst v0;
	(pc) =	sbr.rel @p0 .LBB2_2-.Ltmp0, $4  }
0x15: {  	[tilespmem:s21+$0x5030] =	vst v0  }
0x16: {  	[tilespmem:s21+$0x5040] =	vst v0  }
0x17: {  	[tilespmem:s21+$0x5050] =	vst v0  }
0x18: {  	[tilespmem:s21+$0x5060] =	vst v0;
	s21 =	sshra.s32 s22, $0x2;
	s22 =	sadd.s32 $0x200, s22  }
0x19: {  	[tilespmem:s21+$0x5070] =	vst v0  }
0x1a: {  	[tilespmem:s21+$0x5000] =	vst v0  }
0x1b: {  	[tilespmem:s21+$0x5010] =	vst v0  }
0x1c: {  	[tilespmem:s21+$0x5020] =	vst v0  }
0x1d: {  	[tilespmem:s21+$0x5030] =	vst v0  }
0x1e: {  	[tilespmem:s21+$0x5040] =	vst v0  }
0x1f: {  	[tilespmem:s21+$0x5050] =	vst v0  }
0x20: {  	[tilespmem:s21+$0x5060] =	vst v0  }
0x21: {  	[spmem:s5] =	stream.linear.scatter [tilespmem:s14], [sflag:$0x2], $0x4000, $0x38;
	[tilespmem:$0x1CC00] =	vst v63  }
0x22: {  	_ =	swait.ge [sflag:s15], $0x4000  }
0x23: {  	[sflag:s15] =	ssyncset.done $0x0  }
0x24: {  	[sflag:s15] =	ssyncadd.s32 $0xFFFFC000  }
0x25: {  	[spmem:s6] =	stream.linear.scatter [tilespmem:s14], [sflag:$0x2], $0x4000, $0x38;
	[tilespmem:$0x1CC00] =	vst v63  }
0x26: {  	_ =	swait.ge [sflag:s15], $0x4000  }
0x27: {  	[sflag:s15] =	ssyncset.done $0x0  }
0x28: {  	[sflag:s15] =	ssyncadd.s32 $0xFFFFC000  }
0x29: {  	[spmem:s7] =	stream.linear.scatter [tilespmem:s14], [sflag:$0x2], $0x4000, $0x38;
	[tilespmem:$0x1CC00] =	vst v63  }
0x2a: {  	_ =	swait.ge [sflag:s15], $0x4000  }
0x2b: {  	[sflag:s15] =	ssyncset.done $0x0  }
0x2c: {  	[sflag:s15] =	ssyncadd.s32 $0xFFFFC000  }
0x2d: {  	[spmem:s8] =	stream.linear.scatter [tilespmem:s14], [sflag:$0x2], $0x4000, $0x38;
	[tilespmem:$0x1CC00] =	vst v63  }
0x2e: {  	_ =	swait.ge [sflag:s15], $0x4000  }
0x2f: {  	[sflag:s15] =	ssyncset.done $0x0  }
0x30: {  	[sflag:s15] =	ssyncadd.s32 $0xFFFFC000  }
0x31: {  	[spmem:s9] =	stream.linear.scatter [tilespmem:s14], [sflag:$0x2], $0x3C00, $0x38;
	[tilespmem:$0x1CC00] =	vst v63  }
0x32: {  	_ =	swait.ge [sflag:s15], $0x3C00  }
0x33: {  	[sflag:s15] =	ssyncset.done $0x0  }
0x34: {  	s29 =	simm.s32 $0x0;
	[sflag:s15] =	ssyncadd.s32 $0xFFFFC400  }
0x35: {  	[tilespmem:s29], [sflag:$0x2] =	stream.linear.gather [hbm4b:s10+s29], $0x2780, $0x38;
	[tilespmem:$0x1CC00] =	vst v63  }
0x36: {  	_ =	swait.ge [sflag:s15], $0x2780  }
0x37: {  	[sflag:s15] =	ssyncset.done $0x0  }
0x38: {  	[sflag:s15] =	ssyncadd.s32 $0xFFFFD880  }
0x39: {  	[tilespmem:s16], [sflag:$0x2] =	stream.linear.gather [hbm4b:s11+s29], $0x2780, $0x38;
	[tilespmem:$0x1CC00] =	vst v63  }
0x3a: {  	_ =	swait.ge [sflag:s15], $0x2780  }
0x3b: {  	[sflag:s15] =	ssyncset.done $0x0  }
0x3c: {  	[sflag:s15] =	ssyncadd.s32 $0xFFFFD880  }
0x3d: {  	s30 =	simm.s32 $0x0;
	[bflag:$0x0] =	sbarrier.arrive $0xFFFF  }
0x3e: {  	[tilespmem:s14], [sflag:$0x1] =	stream.indirect.gather [hbm4b:s4+s17], $0x80, s30, s17, $0xb8;
	[tilespmem:$0x1CC00] =	vst v63  }
0x3f: {  	_ =	swait.ge [sflag:s18], $0x4000  }
0x40: {  	[sflag:s18] =	ssyncset.done $0x0  }
0x41: {  	s31 =	simm.s32 $0x2800;
	[sflag:s18] =	ssyncadd.s32 $0xFFFFC000  }
0x42: {  	[spmem:s2] =	stream.indirect.scatter.add.f32 [tilespmem:s14], [sflag:$0x2], $0x80, s31, s17, $0xb8;
	[tilespmem:$0x1CC00] =	vst v63  }
0x43: {  	_ =	swait.ge [sflag:s15], $0x4000  }
0x44: {  	s21 =	simm.s32 $0x200;
	s22 =	simm.s32 $0x400;
	[sflag:s15] =	ssyncset.done $0x0  }
.LBB2_4:
0x45: {  	s23 =	sshra.s32 s21, $0x2  }
0x46: {  	[sflag:s15] =	ssyncadd.s32 $0xFFFFC000;
	s21 =	smov.u32 s22;
	s24 =	sadd.s32 $0x200, s22  }
0x47: {  	[tilespmem:s14], [sflag:$0x1] =	stream.indirect.gather [hbm4b:s4+s17], $0x80, s23, s17, $0xb8;
	[tilespmem:$0x1CC00] =	vst v63  }
0x48: {  	p0 =	sne.s32 s22, $0x9C00;
	_ =	swait.ge [sflag:s18], $0x4000  }
.Ltmp1:
0x49: {  	[sflag:s18] =	ssyncset.done $0x0;
	(pc) =	sbr.rel @p0 .LBB2_4-.Ltmp1, $4  }
0x4a: {  	s22 =	sadd.s32 $0x2800, s23;
	[sflag:s18] =	ssyncadd.s32 $0xFFFFC000  }
0x4b: {  	[spmem:s2] =	stream.indirect.scatter.add.f32 [tilespmem:s14], [sflag:$0x2], $0x80, s22, s17, $0xb8;
	[tilespmem:$0x1CC00] =	vst v63  }
0x4c: {  	_ =	swait.ge [sflag:s15], $0x4000  }
0x4d: {  	s22 =	smov.u32 s24;
	[sflag:s15] =	ssyncset.done $0x0  }
0x4e: {  	s21 =	sshra.s32 s21, $0x2;
	[sflag:s15] =	ssyncadd.s32 $0xFFFFC000  }
0x4f: {  	[tilespmem:s14], [sflag:$0x1] =	stream.indirect.gather [hbm4b:s4+s17], $0x80, s21, s17, $0xb8;
	[tilespmem:$0x1CC00] =	vst v63  }
0x50: {  	_ =	swait.ge [sflag:s18], $0x4000  }
0x51: {  	[sflag:s18] =	ssyncset.done $0x0  }
0x52: {  	s21 =	sadd.s32 $0x2800, s21;
	[sflag:s18] =	ssyncadd.s32 $0xFFFFC000  }
0x53: {  	[spmem:s2] =	stream.indirect.scatter.add.f32 [tilespmem:s14], [sflag:$0x2], $0x80, s21, s17, $0xb8;
	[tilespmem:$0x1CC00] =	vst v63  }
0x54: {  	_ =	swait.ge [sflag:s15], $0x4000  }
0x55: {  	s3 =	sadd.s32 $0x1, s3;
	[sflag:s15] =	ssyncset.done $0x0  }
0x56: {  	p0 =	sne.s32 s3, s13;
	[sflag:s15] =	ssyncadd.s32 $0xFFFFC000  }
.Ltmp2:
0x57: {  	[bflag:$0x0] =	sbarrier.arrive $0xFFFF;
	(pc) =	sbr.rel @p0 .LBB2_1-.Ltmp2, $4  }
0x58: {  	[hbm:s12], [sflag:s19] =	dma.local [spmem:s20], $0x2780  }
0x59: {  	_ =	swait.ge [sflag:s15], $0x2780  }
0x5a: {  	[sflag:s15] =	ssyncset.done $0x0  }
0x5b: {  	[sflag:s15] =	ssyncadd.s32 $0xFFFFD880  }
0x5c: {  	_ =	sfence.sel $0x180000  }
0x5d: {  	[bflag:$0x0] =	sbarrier.arrive $0xFFFF  }
0x5e: {  	p0 =	sne.s32 s0, $0x0;
	_ =	strace $0x90000047  }
0x5f: {  	s0 =	sadd.s32 @!p0 $0x100000, s1;
	[bflag:$0x2] =	sbarrier.arrive $0xFFFF  }
0x60: {  	[sflag:s0] =	ssyncadd.tile.s32 @!p0 $0x1;
	_ =	shalt  }
.Lfunc_end2:
_tile_overlayer_lowered:
.L_overlay_start_2:
0x61: {  	(tag) =	ssettag $0x2  }
0x62: {  	s0 =	rddreg [dreg:$0x0];
	s2 =	stileid.u32  }
0x63: {  	s1 =	rddreg [dreg:$0x1];
	p0 =	sne.s32 s2, $0x0  }
0x64: {  	s3 =	rddreg [dreg:$0x2];
	[bflag:$0x3] =	sbarrier.arrive $0xFFFF;
	s2 =	simm.s32 @!p0 $0x1C02  }
0x65: {  	[timem:s3], [sflag:s2] =	dma.local @!p0 [hbm:s0], s1  }
0x66: {  	s0 =	simm.s32 @!p0 $0x2  }
0x67: {  	_ =	swait.ge @!p0 [sflag:s0], s1  }
0x68: {  	s1 =	ssub.s32 @!p0 $0x0, s1;
	[sflag:s0] =	ssyncset.done @!p0 $0x0  }
0x69: {  	[sflag:s0] =	ssyncadd.s32 @!p0 s1  }
0x6a: {  	[bflag:$0x3] =	sbarrier.arrive $0xFFFF  }
0x6b: {  	_ =	shalt  }

// kernel: kernel.30.cloned.1.call-start
scs
__scs_entry_jumppad:
0x0: {  	(pc) =	sbr.rel $0x88, $3  }
0x1: {  	(tag) =	ssettag $0x0;
	lr =	simm.s32 $0x1  }
0x2: {  	[smem:$0x3F88] =	sst lr;
	_ =	strace $0xD0000000  }
0x3: {  	_ = 	snop  }
0x4: {  	_ = 	snop  }
0x5: {  	_ = 	snop  }
0x6: {  	_ = 	snop  }
0x7: {  	_ = 	snop  }
__scs_overlays_trampoline_lowered:
0x8: {  	[smem:$0x3F97] =	sst s0  }
0x9: {  	[smem:$0x3F98] =	sst s1  }
0xa: {  	[smem:$0x3F99] =	sst s2  }
0xb: {  	[smem:$0x3F9A] =	sst s3  }
0xc: {  	[smem:$0x3F9B] =	sst s4  }
0xd: {  	[smem:$0x3F9C] =	sst s5  }
0xe: {  	[smem:$0x3F9D] =	sst s6  }
0xf: {  	[smem:$0x3F9E] =	sst s7  }
0x10: {  	[smem:$0x3F9F] =	sst s8  }
0x11: {  	[smem:$0x3FA0] =	sst s9;
	s0 =	simm.s32 @!p0 $0x0  }
0x12: {  	s1 =	sld [smem:$0x3F86];
	s0 =	simm.s32 @p0 $0x1  }
0x13: {  	[smem:$0x3FA1] =	sst s0;
	s0 =	simm.s32 @!p1 $0x0  }
0x14: {  	s2 =	sld [smem:$0x3F85];
	s0 =	simm.s32 @p1 $0x1  }
0x15: {  	[smem:$0x3FA2] =	sst s0;
	s0 =	simm.s32 @!p2 $0x0  }
0x16: {  	s3 =	sld [smem:$0x3FDB];
	s0 =	simm.s32 @p2 $0x1  }
0x17: {  	s4 =	simm.s32 $0x1BF5;
	[smem:$0x3FA4] =	sst s0  }
0x18: {  	s0 =	sld [smem:$0x3F87];
	_ =	swait.ge [sflag:s4], $0x0  }
0x19: {  	s7 =	sld [smem:$0x3F88]  }
0x1a: {  	s8 =	sadd.s32 $0xFFFFE003, lr  }
0x1b: {  	s9 =	sadd.s32 $0xFFFFFEF7, lr;
	s5 =	simm.s32 $0xFFFFFFFF;
	p2 =	slt.u32 s8, $0xFFFFF086  }
0x1c: {  	p1 =	slt.u32 s9, $0xF7A;
	s5 =	simm.s32 @!p2 $0x0  }
0x1d: {  	s5 =	simm.s32 @p1 $0x1;
	p0 =	seq.s32 s7, s2  }
0x1e: {  	s7 =	smul.u32 @!p0 $0xF7A, s2;
	p2 =	seq.s32 @!p0 s5, $0x0  }
0x1f: {  	s9 =	smul.u32 $0xF7A, s1;
	s8 =	simm.s32 @!p0 $0x1BF5;
	p2 =	por !p2, p0  }
0x20: {  	[sflag:s8] =	ssyncset.s32 @!p0 $0xFFFFF086;
	s6 =	sadd.s32 @!p0 s3, s7;
	s7 =	simm.s32 @!p0 $0x108  }
0x21: {  	s3 =	sadd.s32 s3, s9;
	s6 =	sadd.s32 @!p0 $0x88, s6;
	s7 =	simm.s32 @p2 $0x1082  }
0x22: {  	[simem:s7], [sflag:s8] =	dma.local @!p0 [hbm:s6], $0xF7A  }
0x23: {  	s9 =	sor.u32 $0xD0000000, s2;
	s6 =	simm.s32 $0x108;
	_ =	swait.ge @!p0 [sflag:s8], $0x0  }
0x24: {  	s3 =	sadd.s32 $0x88, s3;
	s6 =	simm.s32 @!p1 $0x1082;
	[sflag:s4] =	ssyncset.s32 $0xFFFFF086  }
0x25: {  	[simem:s6], [sflag:s4] =	dma.local [hbm:s3], $0xF7A  }
0x26: {  	[smem:$0x3F88] =	sst s1;
	(tag) =	ssettag s2;
	_ =	strace s9  }
0x27: {  	s1 =	sld [smem:$0x3F98]  }
0x28: {  	s2 =	sld [smem:$0x3F99]  }
0x29: {  	s4 =	sld [smem:$0x3F9B]  }
0x2a: {  	p0 =	seq.s32 s5, $0x0;
	s5 =	sld [smem:$0x3F9C]  }
0x2b: {  	s6 =	sld [smem:$0x3F9D]  }
0x2c: {  	s7 =	sld [smem:$0x3F9E]  }
0x2d: {  	s3 =	simm.s32 $0x108;
	s8 =	sld [smem:$0x3F9F]  }
0x2e: {  	s3 =	simm.s32 @!p0 $0x1082;
	s9 =	sld [smem:$0x3FA0]  }
0x2f: {  	lr =	sadd.s32 s0, s3;
	s0 =	sld [smem:$0x3F97]  }
0x30: {  	s3 =	sld [smem:$0x3F9A]  }
0x31: {  	[smem:$0x3FA3] =	sst s10  }
0x32: {  	s10 =	sld [smem:$0x3FA1];
	_ =	sdelay $0x3  }
0x33: {  	p0 =	seq.s32 s10, $0x1;
	s10 =	sld [smem:$0x3FA3];
	_ =	sdelay $0x3  }
0x34: {  	[smem:$0x3FA3] =	sst s10  }
0x35: {  	s10 =	sld [smem:$0x3FA2];
	_ =	sdelay $0x3  }
0x36: {  	p1 =	seq.s32 s10, $0x1;
	s10 =	sld [smem:$0x3FA3];
	_ =	sdelay $0x3  }
0x37: {  	[smem:$0x3FA3] =	sst s10  }
0x38: {  	s10 =	sld [smem:$0x3FA4]  }
0x39: {  	_ = 	snop;
	(pc) =	sbr.ind lr, $3  }
0x3a: {  	_ = 	snop  }
0x3b: {  	_ = 	snop  }
0x3c: {  	p2 =	seq.s32 s10, $0x1;
	s10 =	sld [smem:$0x3FA3]  }
0x3d: {  	_ =	shalt  }
0x3e: {  	_ =	shalt  }
0x3f: {  	_ =	shalt  }
0x40: {  	_ =	shalt  }
0x41: {  	_ =	shalt  }
0x42: {  	_ =	shalt  }
0x43: {  	_ =	shalt  }
0x44: {  	_ =	shalt  }
0x45: {  	_ =	shalt  }
0x46: {  	_ =	shalt  }
0x47: {  	_ =	shalt  }
0x48: {  	_ =	shalt  }
0x49: {  	_ =	shalt  }
0x4a: {  	_ =	shalt  }
0x4b: {  	_ =	shalt  }
0x4c: {  	_ =	shalt  }
0x4d: {  	_ =	shalt  }
0x4e: {  	_ =	shalt  }
0x4f: {  	_ =	shalt  }
0x50: {  	_ =	shalt  }
0x51: {  	_ =	shalt  }
0x52: {  	_ =	shalt  }
0x53: {  	_ =	shalt  }
0x54: {  	_ =	shalt  }
0x55: {  	_ =	shalt  }
0x56: {  	_ =	shalt  }
0x57: {  	_ =	shalt  }
0x58: {  	_ =	shalt  }
0x59: {  	_ =	shalt  }
0x5a: {  	_ =	shalt  }
0x5b: {  	_ =	shalt  }
0x5c: {  	_ =	shalt  }
0x5d: {  	_ =	shalt  }
0x5e: {  	_ =	shalt  }
0x5f: {  	_ =	shalt  }
0x60: {  	_ =	shalt  }
0x61: {  	_ =	shalt  }
0x62: {  	_ =	shalt  }
0x63: {  	_ =	shalt  }
0x64: {  	_ =	shalt  }
0x65: {  	_ =	shalt  }
0x66: {  	_ =	shalt  }
0x67: {  	_ =	shalt  }
0x68: {  	_ =	shalt  }
0x69: {  	_ =	shalt  }
0x6a: {  	_ =	shalt  }
0x6b: {  	_ =	shalt  }
0x6c: {  	_ =	shalt  }
0x6d: {  	_ =	shalt  }
0x6e: {  	_ =	shalt  }
0x6f: {  	_ =	shalt  }
0x70: {  	_ =	shalt  }
0x71: {  	_ =	shalt  }
0x72: {  	_ =	shalt  }
0x73: {  	_ =	shalt  }
0x74: {  	_ =	shalt  }
0x75: {  	_ =	shalt  }
0x76: {  	_ =	shalt  }
0x77: {  	_ =	shalt  }
0x78: {  	_ =	shalt  }
0x79: {  	_ =	shalt  }
0x7a: {  	_ =	shalt  }
0x7b: {  	_ =	shalt  }
0x7c: {  	_ =	shalt  }
0x7d: {  	_ =	shalt  }
0x7e: {  	_ =	shalt  }
0x7f: {  	_ =	shalt  }
0x80: {  	_ =	shalt  }
0x81: {  	_ =	shalt  }
0x82: {  	_ =	shalt  }
0x83: {  	_ =	shalt  }
0x84: {  	_ =	shalt  }
0x85: {  	_ =	shalt  }
0x86: {  	_ =	shalt  }
0x87: {  	_ =	shalt  }
.Lfunc_end0:
.L_simem_size_0:
called_computation.1_lowered:
.L_overlay_start_0:
0x88: {  	s2 =	sld [smem:$0x3FD9]  }
0x89: {  	s3 =	sld [smem:$0x3FFE];
	_ =	sdelay $0x1  }
0x8a: {  	s1 =	srdreg.scid  }
0x8b: {  	s0 =	sand.u32 $0x1, s1  }
0x8c: {  	s14 =	sshll.u32 s0, $0xA;
	s2 =	sadd.s32 s3, s2  }
0x8d: {  	s2 =	sadd.s32 s2, s14  }
0x8e: {  	[smem:$0x3FAF] =	sst s2  }
0x8f: {  	_ = 	snop  }
0x90: {  	s2 =	sld [smem:$0x3FD0];
	_ =	sdelay $0x2  }
0x91: {  	s15 =	simm.s32 $0xA;
	s4 =	simm.s32 $0x10  }
0x92: {  	[smem:s4], [sflag:s15] =	dma.local [hbm:s2], $0x1  }
0x93: {  	_ =	swait.eq [sflag:s15], $0x1  }
0x94: {  	[sflag:s15] =	ssyncset.done $0x0  }
0x95: {  	[sflag:s15] =	ssyncadd.s32 $0xFFFFFFFF  }
0x96: {  	s16 =	sld [smem:$0x12];
	(tm) =	ssettm $0x1  }
0x97: {  	s17 =	sld [smem:$0x3FFB];
	_ =	sdelay $0x3  }
0x98: {  	_ =	strace s17  }
0x99: {  	s3 =	sld [smem:$0x3FFC];
	_ =	sdelay $0x3  }
0x9a: {  	_ =	strace s3  }
0x9b: {  	s3 =	sld [smem:$0x3FFD];
	_ =	sdelay $0x3  }
0x9c: {  	_ =	strace s3  }
0x9d: {  	_ =	strace $0x8FFFFFFF  }
0x9e: {  	s18 =	sld [smem:$0x3FDB];
	_ =	sdelay $0x1  }
0x9f: {  	s19 =	simm.s32 $_scs_section_size  }
0xa0: {  	s5 =	simm.s32 $_size__tile_overlayer_lowered;
	s6 =	simm.s32 $_tile_overlayer_lowered  }
0xa1: {  	s22 =	simm.s32 $0x1BFF;
	s21 =	sshll.u32 s6, $0x1;
	s3 =	sadd.s32 s19, s18  }
0xa2: {  	s7 =	simm.s32 $0x0;
	s20 =	sshll.u32 s5, $0x1;
	s5 =	sadd.s32 s21, s3  }
0xa3: {  	[timem:s7], [sflag:s22] =	dma.local [hbm:s5], s20  }
0xa4: {  	_ =	swait.ge [sflag:s22], s20  }
0xa5: {  	s4 =	ssub.s32 $0x0, s20;
	[sflag:s22] =	ssyncset.done $0x0  }
0xa6: {  	[sflag:s22] =	ssyncadd.s32 s4;
	_ =	sdelay $0x1  }
0xa7: {  	s23 =	simm.s32 $0x1B8B  }
0xa8: {  	_ =	swait.ge [sflag:s23], $0x1  }
0xa9: {  	[sflag:s23] =	ssyncset.done $0x0  }
0xaa: {  	s25 =	simm.s32 $0x1B8E;
	s24 =	sld [smem:$0x3FFE];
	[sflag:s23] =	ssyncadd.s32 $0xFFFFFFFF  }
0xab: {  	s26 =	simm.s32 $execute0_lowered;
	[smem:$0x3FD2] =	sst s25  }
0xac: {  	s5 =	sshll.u32 s26, $0x1;
	_ =	strace $0x80000049;
	[dreg:$0x1] =	wrdreg $0xFFFFFFFF  }
0xad: {  	s28 =	simm.s32 $_size_execute0_lowered;
	s3 =	sadd.s32 s3, s5;
	[dreg:$0x0] =	wrdreg $0x0  }
0xae: {  	s5 =	sshll.u32 s28, $0x1;
	[dreg:$0x2] =	wrdreg s3  }
0xaf: {  	[dreg:$0x3] =	wrdreg s5  }
0xb0: {  	[dreg:$0x4] =	wrdreg $0xC0  }
0xb1: {  	_ =	task [dreg:s7], $0x5FFFF  }
0xb2: {  	[dreg:$0x1] =	wrdreg $0xFFFFFFFF  }
0xb3: {  	[dreg:$0x0] =	wrdreg $0x60  }
0xb4: {  	[dreg:$0x2] =	wrdreg s24  }
0xb5: {  	[dreg:$0x3] =	wrdreg s16  }
0xb6: {  	[dreg:$0x4] =	wrdreg $0x90000  }
0xb7: {  	[dreg:$0x5] =	wrdreg $0x9  }
0xb8: {  	_ =	task.clear_ibuf [dreg:s7], $0x6FFFF;
	_ =	strace $0x90000049  }
0xb9: {  	s29 =	simm.s32 $0x9;
	_ =	strace $0x8000004B  }
0xba: {  	_ =	swait.ge [sflag:s29], $0x1  }
0xbb: {  	[sflag:s29] =	ssyncadd.s32 $0xFFFFFFFF  }
0xbc: {  	_ =	strace $0x9000004B  }
0xbd: {  	_ =	sfence  }
0xbe: {  	s30 =	sld [smem:$0x0];
	_ =	sdelay $0x2  }
0xbf: {  	s31 =	sshll.u32 s1, $0xD;
	s1 =	sshrl.u32 s1, $0x2  }
0xc0: {  	s3 =	sand.u32 $0x4000, s31;
	s1 =	sadd.s32 s1, s30  }
0xc1: {  	s0 =	sor.u32 s3, s0;
	s1 =	sshll.u32 s1, $0x11  }
0xc2: {  	s0 =	sor.u32 s1, s0  }
0xc3: {  	s0 =	sadd.s32 $0x8F2B, s0  }
0xc4: {  	[sflag:s0] =	ssyncadd.remote.s32 $0x1  }
0xc5: {  	_ =	sfence.sel $0xFFFF  }
0xc6: {  	[dreg:$0x0] =	wrdreg $0xFFFFFFFF;
	(pc) =	sbr.abs _section_cstart, $3  }
0xc7: {  	[dreg:$0x1] =	wrdreg $0xFFFFFFFF  }
0xc8: {  	_ =	task.clear_ibuf [dreg:s7], $0x2FFFF;
	_ =	strace $0x9FFFFFFF  }
0xc9: {  	(tm) =	ssettm $0x7FFFFFFF  }
tec
execute0_lowered:
.L_overlay_start_1:
0x0: {  	(tag) =	ssettag $0x1  }
0x1: {  	s6 =	rddreg [dreg:$0x0]  }
0x2: {  	s0 =	srdreg.scid;
	s10 =	rddreg [dreg:$0x1]  }
0x3: {  	s2 =	rddreg [dreg:$0x2];
	s3 =	simm.s32 $0x0;
	s15 =	simm.s32 $0x2  }
0x4: {  	s16 =	simm.s32 $0x2800;
	s17 =	simm.s32 $0x80;
	s5 =	sand.u32 $0x1, s0  }
0x5: {  	s18 =	simm.s32 $0x1;
	s0 =	stileid.u32;
	s7 =	smul.u32 $0x13C000, s5  }
0x6: {  	[smem:$0x7FF] =	sst s3;
	s4 =	sadd.s32 $0x3AA00, s6;
	s8 =	smul.u32 $0x13C00, s0  }
0x7: {  	s1 =	sshll.u32 s5, $0x4;
	s9 =	smul.u32 $0x4F000, s0;
	s29 =	ssub.s32 $0x2, s5  }
0x8: {  	s19 =	sshll.u32 s0, $0x6;
	s1 =	sor.u32 s0, s1;
	s31 =	sshrl.u32 s29, $0x1  }
0x9: {  	s19 =	sor.u32 $0x1C02, s19;
	s11 =	smul.u32 $0x500, s1;
	s1 =	rddreg [dreg:$0x3]  }
0xa: {  	_ =	strace $0x8000004A;
	s7 =	sadd.s32 s8, s7;
	s30 =	sshrl.u32 s9, $0x2  }
0xb: {  	s14 =	ssub.s32 s29, s31;
	s7 =	sshrl.u32 s7, $0x3;
	s5 =	sadd.s32 s30, s2  }
0xc: {  	s12 =	sadd.s32 s11, s6;
	s13 =	sadd.s32 s7, s6;
	s6 =	sadd.s32 $0x4000, s5  }
0xd: {  	s7 =	sadd.s32 $0x8000, s5;
	s8 =	sadd.s32 $0xC000, s5;
	s9 =	sadd.s32 $0x10000, s5  }
0xe: {  	s10 =	sadd.s32 s10, s11;
	s20 =	sshrl.u32 s5, $0x3;
	s11 =	sadd.s32 $0x9800, s12  }
0xf: {  	v0 =	vimm.f32 $0.0e+00;
	s12 =	sadd.s32 $0x173200, s13;
	s13 =	smax.u32 s14, $0x1;
	s14 =	simm.s32 $0x5000  }
.LBB2_1:
0x10: {  	s21 =	simm.s32 $0x0;
	s22 =	simm.s32 $0x200  }
.LBB2_2:
0x11: {  	p0 =	sne.s32 s22, $0xFE00;
	[tilespmem:s21+$0x5070] =	vst v0  }
0x12: {  	[tilespmem:s21+$0x5000] =	vst v0  }
0x13: {  	[tilespmem:s21+$0x5010] =	vst v0  }
.Ltmp0:
0x14: {  	[tilespmem:s21+$0x5020] =	vst v0;
	(pc) =	sbr.rel @p0 .LBB2_2-.Ltmp0, $4  }
0x15: {  	[tilespmem:s21+$0x5030] =	vst v0  }
0x16: {  	[tilespmem:s21+$0x5040] =	vst v0  }
0x17: {  	[tilespmem:s21+$0x5050] =	vst v0  }
0x18: {  	[tilespmem:s21+$0x5060] =	vst v0;
	s21 =	sshra.s32 s22, $0x2;
	s22 =	sadd.s32 $0x200, s22  }
0x19: {  	[tilespmem:s21+$0x5070] =	vst v0  }
0x1a: {  	[tilespmem:s21+$0x5000] =	vst v0  }
0x1b: {  	[tilespmem:s21+$0x5010] =	vst v0  }
0x1c: {  	[tilespmem:s21+$0x5020] =	vst v0  }
0x1d: {  	[tilespmem:s21+$0x5030] =	vst v0  }
0x1e: {  	[tilespmem:s21+$0x5040] =	vst v0  }
0x1f: {  	[tilespmem:s21+$0x5050] =	vst v0  }
0x20: {  	[tilespmem:s21+$0x5060] =	vst v0  }
0x21: {  	[spmem:s5] =	stream.linear.scatter [tilespmem:s14], [sflag:$0x2], $0x4000, $0x38;
	[tilespmem:$0x1CC00] =	vst v63  }
0x22: {  	_ =	swait.ge [sflag:s15], $0x4000  }
0x23: {  	[sflag:s15] =	ssyncset.done $0x0  }
0x24: {  	[sflag:s15] =	ssyncadd.s32 $0xFFFFC000  }
0x25: {  	[spmem:s6] =	stream.linear.scatter [tilespmem:s14], [sflag:$0x2], $0x4000, $0x38;
	[tilespmem:$0x1CC00] =	vst v63  }
0x26: {  	_ =	swait.ge [sflag:s15], $0x4000  }
0x27: {  	[sflag:s15] =	ssyncset.done $0x0  }
0x28: {  	[sflag:s15] =	ssyncadd.s32 $0xFFFFC000  }
0x29: {  	[spmem:s7] =	stream.linear.scatter [tilespmem:s14], [sflag:$0x2], $0x4000, $0x38;
	[tilespmem:$0x1CC00] =	vst v63  }
0x2a: {  	_ =	swait.ge [sflag:s15], $0x4000  }
0x2b: {  	[sflag:s15] =	ssyncset.done $0x0  }
0x2c: {  	[sflag:s15] =	ssyncadd.s32 $0xFFFFC000  }
0x2d: {  	[spmem:s8] =	stream.linear.scatter [tilespmem:s14], [sflag:$0x2], $0x4000, $0x38;
	[tilespmem:$0x1CC00] =	vst v63  }
0x2e: {  	_ =	swait.ge [sflag:s15], $0x4000  }
0x2f: {  	[sflag:s15] =	ssyncset.done $0x0  }
0x30: {  	[sflag:s15] =	ssyncadd.s32 $0xFFFFC000  }
0x31: {  	[spmem:s9] =	stream.linear.scatter [tilespmem:s14], [sflag:$0x2], $0x3C00, $0x38;
	[tilespmem:$0x1CC00] =	vst v63  }
0x32: {  	_ =	swait.ge [sflag:s15], $0x3C00  }
0x33: {  	[sflag:s15] =	ssyncset.done $0x0  }
0x34: {  	s29 =	simm.s32 $0x0;
	[sflag:s15] =	ssyncadd.s32 $0xFFFFC400  }
0x35: {  	[tilespmem:s29], [sflag:$0x2] =	stream.linear.gather [hbm4b:s10+s29], $0x2780, $0x38;
	[tilespmem:$0x1CC00] =	vst v63  }
0x36: {  	_ =	swait.ge [sflag:s15], $0x2780  }
0x37: {  	[sflag:s15] =	ssyncset.done $0x0  }
0x38: {  	[sflag:s15] =	ssyncadd.s32 $0xFFFFD880  }
0x39: {  	[tilespmem:s16], [sflag:$0x2] =	stream.linear.gather [hbm4b:s11+s29], $0x2780, $0x38;
	[tilespmem:$0x1CC00] =	vst v63  }
0x3a: {  	_ =	swait.ge [sflag:s15], $0x2780  }
0x3b: {  	[sflag:s15] =	ssyncset.done $0x0  }
0x3c: {  	[sflag:s15] =	ssyncadd.s32 $0xFFFFD880  }
0x3d: {  	s30 =	simm.s32 $0x0;
	[bflag:$0x0] =	sbarrier.arrive $0xFFFF  }
0x3e: {  	[tilespmem:s14], [sflag:$0x1] =	stream.indirect.gather [hbm4b:s4+s17], $0x80, s30, s17, $0xb8;
	[tilespmem:$0x1CC00] =	vst v63  }
0x3f: {  	_ =	swait.ge [sflag:s18], $0x4000  }
0x40: {  	[sflag:s18] =	ssyncset.done $0x0  }
0x41: {  	s31 =	simm.s32 $0x2800;
	[sflag:s18] =	ssyncadd.s32 $0xFFFFC000  }
0x42: {  	[spmem:s2] =	stream.indirect.scatter.add.f32 [tilespmem:s14], [sflag:$0x2], $0x80, s31, s17, $0xb8;
	[tilespmem:$0x1CC00] =	vst v63  }
0x43: {  	_ =	swait.ge [sflag:s15], $0x4000  }
0x44: {  	s21 =	simm.s32 $0x200;
	s22 =	simm.s32 $0x400;
	[sflag:s15] =	ssyncset.done $0x0  }
.LBB2_4:
0x45: {  	s23 =	sshra.s32 s21, $0x2  }
0x46: {  	[sflag:s15] =	ssyncadd.s32 $0xFFFFC000;
	s21 =	smov.u32 s22;
	s24 =	sadd.s32 $0x200, s22  }
0x47: {  	[tilespmem:s14], [sflag:$0x1] =	stream.indirect.gather [hbm4b:s4+s17], $0x80, s23, s17, $0xb8;
	[tilespmem:$0x1CC00] =	vst v63  }
0x48: {  	p0 =	sne.s32 s22, $0x9C00;
	_ =	swait.ge [sflag:s18], $0x4000  }
.Ltmp1:
0x49: {  	[sflag:s18] =	ssyncset.done $0x0;
	(pc) =	sbr.rel @p0 .LBB2_4-.Ltmp1, $4  }
0x4a: {  	s22 =	sadd.s32 $0x2800, s23;
	[sflag:s18] =	ssyncadd.s32 $0xFFFFC000  }
0x4b: {  	[spmem:s2] =	stream.indirect.scatter.add.f32 [tilespmem:s14], [sflag:$0x2], $0x80, s22, s17, $0xb8;
	[tilespmem:$0x1CC00] =	vst v63  }
0x4c: {  	_ =	swait.ge [sflag:s15], $0x4000  }
0x4d: {  	s22 =	smov.u32 s24;
	[sflag:s15] =	ssyncset.done $0x0  }
0x4e: {  	s21 =	sshra.s32 s21, $0x2;
	[sflag:s15] =	ssyncadd.s32 $0xFFFFC000  }
0x4f: {  	[tilespmem:s14], [sflag:$0x1] =	stream.indirect.gather [hbm4b:s4+s17], $0x80, s21, s17, $0xb8;
	[tilespmem:$0x1CC00] =	vst v63  }
0x50: {  	_ =	swait.ge [sflag:s18], $0x4000  }
0x51: {  	[sflag:s18] =	ssyncset.done $0x0  }
0x52: {  	s21 =	sadd.s32 $0x2800, s21;
	[sflag:s18] =	ssyncadd.s32 $0xFFFFC000  }
0x53: {  	[spmem:s2] =	stream.indirect.scatter.add.f32 [tilespmem:s14], [sflag:$0x2], $0x80, s21, s17, $0xb8;
	[tilespmem:$0x1CC00] =	vst v63  }
0x54: {  	_ =	swait.ge [sflag:s15], $0x4000  }
0x55: {  	s3 =	sadd.s32 $0x1, s3;
	[sflag:s15] =	ssyncset.done $0x0  }
0x56: {  	p0 =	sne.s32 s3, s13;
	[sflag:s15] =	ssyncadd.s32 $0xFFFFC000  }
.Ltmp2:
0x57: {  	[bflag:$0x0] =	sbarrier.arrive $0xFFFF;
	(pc) =	sbr.rel @p0 .LBB2_1-.Ltmp2, $4  }
0x58: {  	[hbm:s12], [sflag:s19] =	dma.local [spmem:s20], $0x2780  }
0x59: {  	_ =	swait.ge [sflag:s15], $0x2780  }
0x5a: {  	[sflag:s15] =	ssyncset.done $0x0  }
0x5b: {  	[sflag:s15] =	ssyncadd.s32 $0xFFFFD880  }
0x5c: {  	_ =	sfence.sel $0x180000  }
0x5d: {  	[bflag:$0x0] =	sbarrier.arrive $0xFFFF  }
0x5e: {  	p0 =	sne.s32 s0, $0x0;
	_ =	strace $0x9000004A  }
0x5f: {  	s0 =	sadd.s32 @!p0 $0x100000, s1;
	[bflag:$0x2] =	sbarrier.arrive $0xFFFF  }
0x60: {  	[sflag:s0] =	ssyncadd.tile.s32 @!p0 $0x1;
	_ =	shalt  }
.Lfunc_end2:
_tile_overlayer_lowered:
.L_overlay_start_2:
0x61: {  	(tag) =	ssettag $0x2  }
0x62: {  	s0 =	rddreg [dreg:$0x0];
	s2 =	stileid.u32  }
0x63: {  	s1 =	rddreg [dreg:$0x1];
	p0 =	sne.s32 s2, $0x0  }
0x64: {  	s3 =	rddreg [dreg:$0x2];
	[bflag:$0x3] =	sbarrier.arrive $0xFFFF;
	s2 =	simm.s32 @!p0 $0x1C02  }
0x65: {  	[timem:s3], [sflag:s2] =	dma.local @!p0 [hbm:s0], s1  }
0x66: {  	s0 =	simm.s32 @!p0 $0x2  }
0x67: {  	_ =	swait.ge @!p0 [sflag:s0], s1  }
0x68: {  	s1 =	ssub.s32 @!p0 $0x0, s1;
	[sflag:s0] =	ssyncset.done @!p0 $0x0  }
0x69: {  	[sflag:s0] =	ssyncadd.s32 @!p0 s1  }
0x6a: {  	[bflag:$0x3] =	sbarrier.arrive $0xFFFF  }
0x6b: {  	_ =	shalt  }

// kernel: kernel.33.cloned.1.call-start
scs
__scs_entry_jumppad:
0x0: {  	(pc) =	sbr.rel $0x88, $3  }
0x1: {  	(tag) =	ssettag $0x0;
	lr =	simm.s32 $0x1  }
0x2: {  	[smem:$0x3F88] =	sst lr;
	_ =	strace $0xD0000000  }
0x3: {  	_ = 	snop  }
0x4: {  	_ = 	snop  }
0x5: {  	_ = 	snop  }
0x6: {  	_ = 	snop  }
0x7: {  	_ = 	snop  }
__scs_overlays_trampoline_lowered:
0x8: {  	[smem:$0x3F97] =	sst s0  }
0x9: {  	[smem:$0x3F98] =	sst s1  }
0xa: {  	[smem:$0x3F99] =	sst s2  }
0xb: {  	[smem:$0x3F9A] =	sst s3  }
0xc: {  	[smem:$0x3F9B] =	sst s4  }
0xd: {  	[smem:$0x3F9C] =	sst s5  }
0xe: {  	[smem:$0x3F9D] =	sst s6  }
0xf: {  	[smem:$0x3F9E] =	sst s7  }
0x10: {  	[smem:$0x3F9F] =	sst s8  }
0x11: {  	[smem:$0x3FA0] =	sst s9;
	s0 =	simm.s32 @!p0 $0x0  }
0x12: {  	s1 =	sld [smem:$0x3F86];
	s0 =	simm.s32 @p0 $0x1  }
0x13: {  	[smem:$0x3FA1] =	sst s0;
	s0 =	simm.s32 @!p1 $0x0  }
0x14: {  	s2 =	sld [smem:$0x3F85];
	s0 =	simm.s32 @p1 $0x1  }
0x15: {  	[smem:$0x3FA2] =	sst s0;
	s0 =	simm.s32 @!p2 $0x0  }
0x16: {  	s3 =	sld [smem:$0x3FDB];
	s0 =	simm.s32 @p2 $0x1  }
0x17: {  	s4 =	simm.s32 $0x1BF5;
	[smem:$0x3FA4] =	sst s0  }
0x18: {  	s0 =	sld [smem:$0x3F87];
	_ =	swait.ge [sflag:s4], $0x0  }
0x19: {  	s7 =	sld [smem:$0x3F88]  }
0x1a: {  	s8 =	sadd.s32 $0xFFFFE003, lr  }
0x1b: {  	s9 =	sadd.s32 $0xFFFFFEF7, lr;
	s5 =	simm.s32 $0xFFFFFFFF;
	p2 =	slt.u32 s8, $0xFFFFF086  }
0x1c: {  	p1 =	slt.u32 s9, $0xF7A;
	s5 =	simm.s32 @!p2 $0x0  }
0x1d: {  	s5 =	simm.s32 @p1 $0x1;
	p0 =	seq.s32 s7, s2  }
0x1e: {  	s7 =	smul.u32 @!p0 $0xF7A, s2;
	p2 =	seq.s32 @!p0 s5, $0x0  }
0x1f: {  	s9 =	smul.u32 $0xF7A, s1;
	s8 =	simm.s32 @!p0 $0x1BF5;
	p2 =	por !p2, p0  }
0x20: {  	[sflag:s8] =	ssyncset.s32 @!p0 $0xFFFFF086;
	s6 =	sadd.s32 @!p0 s3, s7;
	s7 =	simm.s32 @!p0 $0x108  }
0x21: {  	s3 =	sadd.s32 s3, s9;
	s6 =	sadd.s32 @!p0 $0x88, s6;
	s7 =	simm.s32 @p2 $0x1082  }
0x22: {  	[simem:s7], [sflag:s8] =	dma.local @!p0 [hbm:s6], $0xF7A  }
0x23: {  	s9 =	sor.u32 $0xD0000000, s2;
	s6 =	simm.s32 $0x108;
	_ =	swait.ge @!p0 [sflag:s8], $0x0  }
0x24: {  	s3 =	sadd.s32 $0x88, s3;
	s6 =	simm.s32 @!p1 $0x1082;
	[sflag:s4] =	ssyncset.s32 $0xFFFFF086  }
0x25: {  	[simem:s6], [sflag:s4] =	dma.local [hbm:s3], $0xF7A  }
0x26: {  	[smem:$0x3F88] =	sst s1;
	(tag) =	ssettag s2;
	_ =	strace s9  }
0x27: {  	s1 =	sld [smem:$0x3F98]  }
0x28: {  	s2 =	sld [smem:$0x3F99]  }
0x29: {  	s4 =	sld [smem:$0x3F9B]  }
0x2a: {  	p0 =	seq.s32 s5, $0x0;
	s5 =	sld [smem:$0x3F9C]  }
0x2b: {  	s6 =	sld [smem:$0x3F9D]  }
0x2c: {  	s7 =	sld [smem:$0x3F9E]  }
0x2d: {  	s3 =	simm.s32 $0x108;
	s8 =	sld [smem:$0x3F9F]  }
0x2e: {  	s3 =	simm.s32 @!p0 $0x1082;
	s9 =	sld [smem:$0x3FA0]  }
0x2f: {  	lr =	sadd.s32 s0, s3;
	s0 =	sld [smem:$0x3F97]  }
0x30: {  	s3 =	sld [smem:$0x3F9A]  }
0x31: {  	[smem:$0x3FA3] =	sst s10  }
0x32: {  	s10 =	sld [smem:$0x3FA1];
	_ =	sdelay $0x3  }
0x33: {  	p0 =	seq.s32 s10, $0x1;
	s10 =	sld [smem:$0x3FA3];
	_ =	sdelay $0x3  }
0x34: {  	[smem:$0x3FA3] =	sst s10  }
0x35: {  	s10 =	sld [smem:$0x3FA2];
	_ =	sdelay $0x3  }
0x36: {  	p1 =	seq.s32 s10, $0x1;
	s10 =	sld [smem:$0x3FA3];
	_ =	sdelay $0x3  }
0x37: {  	[smem:$0x3FA3] =	sst s10  }
0x38: {  	s10 =	sld [smem:$0x3FA4]  }
0x39: {  	_ = 	snop;
	(pc) =	sbr.ind lr, $3  }
0x3a: {  	_ = 	snop  }
0x3b: {  	_ = 	snop  }
0x3c: {  	p2 =	seq.s32 s10, $0x1;
	s10 =	sld [smem:$0x3FA3]  }
0x3d: {  	_ =	shalt  }
0x3e: {  	_ =	shalt  }
0x3f: {  	_ =	shalt  }
0x40: {  	_ =	shalt  }
0x41: {  	_ =	shalt  }
0x42: {  	_ =	shalt  }
0x43: {  	_ =	shalt  }
0x44: {  	_ =	shalt  }
0x45: {  	_ =	shalt  }
0x46: {  	_ =	shalt  }
0x47: {  	_ =	shalt  }
0x48: {  	_ =	shalt  }
0x49: {  	_ =	shalt  }
0x4a: {  	_ =	shalt  }
0x4b: {  	_ =	shalt  }
0x4c: {  	_ =	shalt  }
0x4d: {  	_ =	shalt  }
0x4e: {  	_ =	shalt  }
0x4f: {  	_ =	shalt  }
0x50: {  	_ =	shalt  }
0x51: {  	_ =	shalt  }
0x52: {  	_ =	shalt  }
0x53: {  	_ =	shalt  }
0x54: {  	_ =	shalt  }
0x55: {  	_ =	shalt  }
0x56: {  	_ =	shalt  }
0x57: {  	_ =	shalt  }
0x58: {  	_ =	shalt  }
0x59: {  	_ =	shalt  }
0x5a: {  	_ =	shalt  }
0x5b: {  	_ =	shalt  }
0x5c: {  	_ =	shalt  }
0x5d: {  	_ =	shalt  }
0x5e: {  	_ =	shalt  }
0x5f: {  	_ =	shalt  }
0x60: {  	_ =	shalt  }
0x61: {  	_ =	shalt  }
0x62: {  	_ =	shalt  }
0x63: {  	_ =	shalt  }
0x64: {  	_ =	shalt  }
0x65: {  	_ =	shalt  }
0x66: {  	_ =	shalt  }
0x67: {  	_ =	shalt  }
0x68: {  	_ =	shalt  }
0x69: {  	_ =	shalt  }
0x6a: {  	_ =	shalt  }
0x6b: {  	_ =	shalt  }
0x6c: {  	_ =	shalt  }
0x6d: {  	_ =	shalt  }
0x6e: {  	_ =	shalt  }
0x6f: {  	_ =	shalt  }
0x70: {  	_ =	shalt  }
0x71: {  	_ =	shalt  }
0x72: {  	_ =	shalt  }
0x73: {  	_ =	shalt  }
0x74: {  	_ =	shalt  }
0x75: {  	_ =	shalt  }
0x76: {  	_ =	shalt  }
0x77: {  	_ =	shalt  }
0x78: {  	_ =	shalt  }
0x79: {  	_ =	shalt  }
0x7a: {  	_ =	shalt  }
0x7b: {  	_ =	shalt  }
0x7c: {  	_ =	shalt  }
0x7d: {  	_ =	shalt  }
0x7e: {  	_ =	shalt  }
0x7f: {  	_ =	shalt  }
0x80: {  	_ =	shalt  }
0x81: {  	_ =	shalt  }
0x82: {  	_ =	shalt  }
0x83: {  	_ =	shalt  }
0x84: {  	_ =	shalt  }
0x85: {  	_ =	shalt  }
0x86: {  	_ =	shalt  }
0x87: {  	_ =	shalt  }
.Lfunc_end0:
.L_simem_size_0:
called_computation.2_lowered:
.L_overlay_start_0:
0x88: {  	s2 =	sld [smem:$0x3FD9]  }
0x89: {  	s3 =	sld [smem:$0x3FFE];
	_ =	sdelay $0x1  }
0x8a: {  	s1 =	srdreg.scid  }
0x8b: {  	s0 =	sand.u32 $0x1, s1  }
0x8c: {  	s14 =	sshll.u32 s0, $0xA;
	s2 =	sadd.s32 s3, s2  }
0x8d: {  	s2 =	sadd.s32 s2, s14  }
0x8e: {  	[smem:$0x3FAF] =	sst s2  }
0x8f: {  	_ = 	snop  }
0x90: {  	s2 =	sld [smem:$0x3FD0];
	_ =	sdelay $0x2  }
0x91: {  	s15 =	simm.s32 $0xA;
	s4 =	simm.s32 $0x10  }
0x92: {  	[smem:s4], [sflag:s15] =	dma.local [hbm:s2], $0x1  }
0x93: {  	_ =	swait.eq [sflag:s15], $0x1  }
0x94: {  	[sflag:s15] =	ssyncset.done $0x0  }
0x95: {  	[sflag:s15] =	ssyncadd.s32 $0xFFFFFFFF  }
0x96: {  	s16 =	sld [smem:$0x12];
	(tm) =	ssettm $0x1  }
0x97: {  	s17 =	sld [smem:$0x3FFB];
	_ =	sdelay $0x3  }
0x98: {  	_ =	strace s17  }
0x99: {  	s3 =	sld [smem:$0x3FFC];
	_ =	sdelay $0x3  }
0x9a: {  	_ =	strace s3  }
0x9b: {  	s3 =	sld [smem:$0x3FFD];
	_ =	sdelay $0x3  }
0x9c: {  	_ =	strace s3  }
0x9d: {  	_ =	strace $0x8FFFFFFF  }
0x9e: {  	s18 =	sld [smem:$0x3FDB];
	_ =	sdelay $0x1  }
0x9f: {  	s19 =	simm.s32 $_scs_section_size  }
0xa0: {  	s5 =	simm.s32 $_size__tile_overlayer_lowered;
	s6 =	simm.s32 $_tile_overlayer_lowered  }
0xa1: {  	s22 =	simm.s32 $0x1BFF;
	s21 =	sshll.u32 s6, $0x1;
	s3 =	sadd.s32 s19, s18  }
0xa2: {  	s7 =	simm.s32 $0x0;
	s20 =	sshll.u32 s5, $0x1;
	s5 =	sadd.s32 s21, s3  }
0xa3: {  	[timem:s7], [sflag:s22] =	dma.local [hbm:s5], s20  }
0xa4: {  	_ =	swait.ge [sflag:s22], s20  }
0xa5: {  	s4 =	ssub.s32 $0x0, s20;
	[sflag:s22] =	ssyncset.done $0x0  }
0xa6: {  	[sflag:s22] =	ssyncadd.s32 s4;
	_ =	sdelay $0x1  }
0xa7: {  	s23 =	simm.s32 $0x1B8B  }
0xa8: {  	_ =	swait.ge [sflag:s23], $0x1  }
0xa9: {  	[sflag:s23] =	ssyncset.done $0x0  }
0xaa: {  	s25 =	simm.s32 $0x1B8E;
	s24 =	sld [smem:$0x3FFE];
	[sflag:s23] =	ssyncadd.s32 $0xFFFFFFFF  }
0xab: {  	s26 =	simm.s32 $execute0_lowered;
	[smem:$0x3FD2] =	sst s25  }
0xac: {  	s5 =	sshll.u32 s26, $0x1;
	_ =	strace $0x8000004C;
	[dreg:$0x1] =	wrdreg $0xFFFFFFFF  }
0xad: {  	s28 =	simm.s32 $_size_execute0_lowered;
	s3 =	sadd.s32 s3, s5;
	[dreg:$0x0] =	wrdreg $0x0  }
0xae: {  	s5 =	sshll.u32 s28, $0x1;
	[dreg:$0x2] =	wrdreg s3  }
0xaf: {  	[dreg:$0x3] =	wrdreg s5  }
0xb0: {  	[dreg:$0x4] =	wrdreg $0xC0  }
0xb1: {  	_ =	task [dreg:s7], $0x5FFFF  }
0xb2: {  	[dreg:$0x1] =	wrdreg $0xFFFFFFFF  }
0xb3: {  	[dreg:$0x0] =	wrdreg $0x60  }
0xb4: {  	[dreg:$0x2] =	wrdreg s24  }
0xb5: {  	[dreg:$0x3] =	wrdreg s16  }
0xb6: {  	[dreg:$0x4] =	wrdreg $0x90000  }
0xb7: {  	[dreg:$0x5] =	wrdreg $0x9  }
0xb8: {  	_ =	task.clear_ibuf [dreg:s7], $0x6FFFF;
	_ =	strace $0x9000004C  }
0xb9: {  	s29 =	simm.s32 $0x9;
	_ =	strace $0x8000004E  }
0xba: {  	_ =	swait.ge [sflag:s29], $0x1  }
0xbb: {  	[sflag:s29] =	ssyncadd.s32 $0xFFFFFFFF  }
0xbc: {  	_ =	strace $0x9000004E  }
0xbd: {  	_ =	sfence  }
0xbe: {  	s30 =	sld [smem:$0x0];
	_ =	sdelay $0x2  }
0xbf: {  	s31 =	sshll.u32 s1, $0xD;
	s1 =	sshrl.u32 s1, $0x2  }
0xc0: {  	s3 =	sand.u32 $0x4000, s31;
	s1 =	sadd.s32 s1, s30  }
0xc1: {  	s0 =	sor.u32 s3, s0;
	s1 =	sshll.u32 s1, $0x11  }
0xc2: {  	s0 =	sor.u32 s1, s0  }
0xc3: {  	s0 =	sadd.s32 $0x8F2B, s0  }
0xc4: {  	[sflag:s0] =	ssyncadd.remote.s32 $0x1  }
0xc5: {  	_ =	sfence.sel $0xFFFF  }
0xc6: {  	[dreg:$0x0] =	wrdreg $0xFFFFFFFF;
	(pc) =	sbr.abs _section_cstart, $3  }
0xc7: {  	[dreg:$0x1] =	wrdreg $0xFFFFFFFF  }
0xc8: {  	_ =	task.clear_ibuf [dreg:s7], $0x2FFFF;
	_ =	strace $0x9FFFFFFF  }
0xc9: {  	(tm) =	ssettm $0x7FFFFFFF  }
tec
execute0_lowered:
.L_overlay_start_1:
0x0: {  	(tag) =	ssettag $0x1  }
0x1: {  	s6 =	rddreg [dreg:$0x0]  }
0x2: {  	s0 =	srdreg.scid;
	s10 =	rddreg [dreg:$0x1]  }
0x3: {  	s2 =	rddreg [dreg:$0x2];
	s3 =	simm.s32 $0x0;
	s15 =	simm.s32 $0x2  }
0x4: {  	s16 =	simm.s32 $0x2800;
	s17 =	simm.s32 $0x80;
	s5 =	sand.u32 $0x1, s0  }
0x5: {  	s18 =	simm.s32 $0x1;
	s0 =	stileid.u32;
	s7 =	smul.u32 $0x13C000, s5  }
0x6: {  	[smem:$0x7FF] =	sst s3;
	s4 =	sadd.s32 $0x3AA00, s6;
	s8 =	smul.u32 $0x13C00, s0  }
0x7: {  	s1 =	sshll.u32 s5, $0x4;
	s9 =	smul.u32 $0x4F000, s0;
	s29 =	ssub.s32 $0x2, s5  }
0x8: {  	s19 =	sshll.u32 s0, $0x6;
	s1 =	sor.u32 s0, s1;
	s31 =	sshrl.u32 s29, $0x1  }
0x9: {  	s19 =	sor.u32 $0x1C02, s19;
	s11 =	smul.u32 $0x500, s1;
	s1 =	rddreg [dreg:$0x3]  }
0xa: {  	_ =	strace $0x8000004D;
	s7 =	sadd.s32 s8, s7;
	s30 =	sshrl.u32 s9, $0x2  }
0xb: {  	s14 =	ssub.s32 s29, s31;
	s7 =	sshrl.u32 s7, $0x3;
	s5 =	sadd.s32 s30, s2  }
0xc: {  	s12 =	sadd.s32 s11, s6;
	s13 =	sadd.s32 s7, s6;
	s6 =	sadd.s32 $0x4000, s5  }
0xd: {  	s7 =	sadd.s32 $0x8000, s5;
	s8 =	sadd.s32 $0xC000, s5;
	s9 =	sadd.s32 $0x10000, s5  }
0xe: {  	s10 =	sadd.s32 s10, s11;
	s20 =	sshrl.u32 s5, $0x3;
	s11 =	sadd.s32 $0x9800, s12  }
0xf: {  	v0 =	vimm.f32 $0.0e+00;
	s12 =	sadd.s32 $0x173200, s13;
	s13 =	smax.u32 s14, $0x1;
	s14 =	simm.s32 $0x5000  }
.LBB2_1:
0x10: {  	s21 =	simm.s32 $0x0;
	s22 =	simm.s32 $0x200  }
.LBB2_2:
0x11: {  	p0 =	sne.s32 s22, $0xFE00;
	[tilespmem:s21+$0x5070] =	vst v0  }
0x12: {  	[tilespmem:s21+$0x5000] =	vst v0  }
0x13: {  	[tilespmem:s21+$0x5010] =	vst v0  }
.Ltmp0:
0x14: {  	[tilespmem:s21+$0x5020] =	vst v0;
	(pc) =	sbr.rel @p0 .LBB2_2-.Ltmp0, $4  }
0x15: {  	[tilespmem:s21+$0x5030] =	vst v0  }
0x16: {  	[tilespmem:s21+$0x5040] =	vst v0  }
0x17: {  	[tilespmem:s21+$0x5050] =	vst v0  }
0x18: {  	[tilespmem:s21+$0x5060] =	vst v0;
	s21 =	sshra.s32 s22, $0x2;
	s22 =	sadd.s32 $0x200, s22  }
0x19: {  	[tilespmem:s21+$0x5070] =	vst v0  }
0x1a: {  	[tilespmem:s21+$0x5000] =	vst v0  }
0x1b: {  	[tilespmem:s21+$0x5010] =	vst v0  }
0x1c: {  	[tilespmem:s21+$0x5020] =	vst v0  }
0x1d: {  	[tilespmem:s21+$0x5030] =	vst v0  }
0x1e: {  	[tilespmem:s21+$0x5040] =	vst v0  }
0x1f: {  	[tilespmem:s21+$0x5050] =	vst v0  }
0x20: {  	[tilespmem:s21+$0x5060] =	vst v0  }
0x21: {  	[spmem:s5] =	stream.linear.scatter [tilespmem:s14], [sflag:$0x2], $0x4000, $0x38;
	[tilespmem:$0x1CC00] =	vst v63  }
0x22: {  	_ =	swait.ge [sflag:s15], $0x4000  }
0x23: {  	[sflag:s15] =	ssyncset.done $0x0  }
0x24: {  	[sflag:s15] =	ssyncadd.s32 $0xFFFFC000  }
0x25: {  	[spmem:s6] =	stream.linear.scatter [tilespmem:s14], [sflag:$0x2], $0x4000, $0x38;
	[tilespmem:$0x1CC00] =	vst v63  }
0x26: {  	_ =	swait.ge [sflag:s15], $0x4000  }
0x27: {  	[sflag:s15] =	ssyncset.done $0x0  }
0x28: {  	[sflag:s15] =	ssyncadd.s32 $0xFFFFC000  }
0x29: {  	[spmem:s7] =	stream.linear.scatter [tilespmem:s14], [sflag:$0x2], $0x4000, $0x38;
	[tilespmem:$0x1CC00] =	vst v63  }
0x2a: {  	_ =	swait.ge [sflag:s15], $0x4000  }
0x2b: {  	[sflag:s15] =	ssyncset.done $0x0  }
0x2c: {  	[sflag:s15] =	ssyncadd.s32 $0xFFFFC000  }
0x2d: {  	[spmem:s8] =	stream.linear.scatter [tilespmem:s14], [sflag:$0x2], $0x4000, $0x38;
	[tilespmem:$0x1CC00] =	vst v63  }
0x2e: {  	_ =	swait.ge [sflag:s15], $0x4000  }
0x2f: {  	[sflag:s15] =	ssyncset.done $0x0  }
0x30: {  	[sflag:s15] =	ssyncadd.s32 $0xFFFFC000  }
0x31: {  	[spmem:s9] =	stream.linear.scatter [tilespmem:s14], [sflag:$0x2], $0x3C00, $0x38;
	[tilespmem:$0x1CC00] =	vst v63  }
0x32: {  	_ =	swait.ge [sflag:s15], $0x3C00  }
0x33: {  	[sflag:s15] =	ssyncset.done $0x0  }
0x34: {  	s29 =	simm.s32 $0x0;
	[sflag:s15] =	ssyncadd.s32 $0xFFFFC400  }
0x35: {  	[tilespmem:s29], [sflag:$0x2] =	stream.linear.gather [hbm4b:s10+s29], $0x2780, $0x38;
	[tilespmem:$0x1CC00] =	vst v63  }
0x36: {  	_ =	swait.ge [sflag:s15], $0x2780  }
0x37: {  	[sflag:s15] =	ssyncset.done $0x0  }
0x38: {  	[sflag:s15] =	ssyncadd.s32 $0xFFFFD880  }
0x39: {  	[tilespmem:s16], [sflag:$0x2] =	stream.linear.gather [hbm4b:s11+s29], $0x2780, $0x38;
	[tilespmem:$0x1CC00] =	vst v63  }
0x3a: {  	_ =	swait.ge [sflag:s15], $0x2780  }
0x3b: {  	[sflag:s15] =	ssyncset.done $0x0  }
0x3c: {  	[sflag:s15] =	ssyncadd.s32 $0xFFFFD880  }
0x3d: {  	s30 =	simm.s32 $0x0;
	[bflag:$0x0] =	sbarrier.arrive $0xFFFF  }
0x3e: {  	[tilespmem:s14], [sflag:$0x1] =	stream.indirect.gather [hbm4b:s4+s17], $0x80, s30, s17, $0xb8;
	[tilespmem:$0x1CC00] =	vst v63  }
0x3f: {  	_ =	swait.ge [sflag:s18], $0x4000  }
0x40: {  	[sflag:s18] =	ssyncset.done $0x0  }
0x41: {  	s31 =	simm.s32 $0x2800;
	[sflag:s18] =	ssyncadd.s32 $0xFFFFC000  }
0x42: {  	[spmem:s2] =	stream.indirect.scatter.add.f32 [tilespmem:s14], [sflag:$0x2], $0x80, s31, s17, $0xb8;
	[tilespmem:$0x1CC00] =	vst v63  }
0x43: {  	_ =	swait.ge [sflag:s15], $0x4000  }
0x44: {  	s21 =	simm.s32 $0x200;
	s22 =	simm.s32 $0x400;
	[sflag:s15] =	ssyncset.done $0x0  }
.LBB2_4:
0x45: {  	s23 =	sshra.s32 s21, $0x2  }
0x46: {  	[sflag:s15] =	ssyncadd.s32 $0xFFFFC000;
	s21 =	smov.u32 s22;
	s24 =	sadd.s32 $0x200, s22  }
0x47: {  	[tilespmem:s14], [sflag:$0x1] =	stream.indirect.gather [hbm4b:s4+s17], $0x80, s23, s17, $0xb8;
	[tilespmem:$0x1CC00] =	vst v63  }
0x48: {  	p0 =	sne.s32 s22, $0x9C00;
	_ =	swait.ge [sflag:s18], $0x4000  }
.Ltmp1:
0x49: {  	[sflag:s18] =	ssyncset.done $0x0;
	(pc) =	sbr.rel @p0 .LBB2_4-.Ltmp1, $4  }
0x4a: {  	s22 =	sadd.s32 $0x2800, s23;
	[sflag:s18] =	ssyncadd.s32 $0xFFFFC000  }
0x4b: {  	[spmem:s2] =	stream.indirect.scatter.add.f32 [tilespmem:s14], [sflag:$0x2], $0x80, s22, s17, $0xb8;
	[tilespmem:$0x1CC00] =	vst v63  }
0x4c: {  	_ =	swait.ge [sflag:s15], $0x4000  }
0x4d: {  	s22 =	smov.u32 s24;
	[sflag:s15] =	ssyncset.done $0x0  }
0x4e: {  	s21 =	sshra.s32 s21, $0x2;
	[sflag:s15] =	ssyncadd.s32 $0xFFFFC000  }
0x4f: {  	[tilespmem:s14], [sflag:$0x1] =	stream.indirect.gather [hbm4b:s4+s17], $0x80, s21, s17, $0xb8;
	[tilespmem:$0x1CC00] =	vst v63  }
0x50: {  	_ =	swait.ge [sflag:s18], $0x4000  }
0x51: {  	[sflag:s18] =	ssyncset.done $0x0  }
0x52: {  	s21 =	sadd.s32 $0x2800, s21;
	[sflag:s18] =	ssyncadd.s32 $0xFFFFC000  }
0x53: {  	[spmem:s2] =	stream.indirect.scatter.add.f32 [tilespmem:s14], [sflag:$0x2], $0x80, s21, s17, $0xb8;
	[tilespmem:$0x1CC00] =	vst v63  }
0x54: {  	_ =	swait.ge [sflag:s15], $0x4000  }
0x55: {  	s3 =	sadd.s32 $0x1, s3;
	[sflag:s15] =	ssyncset.done $0x0  }
0x56: {  	p0 =	sne.s32 s3, s13;
	[sflag:s15] =	ssyncadd.s32 $0xFFFFC000  }
.Ltmp2:
0x57: {  	[bflag:$0x0] =	sbarrier.arrive $0xFFFF;
	(pc) =	sbr.rel @p0 .LBB2_1-.Ltmp2, $4  }
0x58: {  	[hbm:s12], [sflag:s19] =	dma.local [spmem:s20], $0x2780  }
0x59: {  	_ =	swait.ge [sflag:s15], $0x2780  }
0x5a: {  	[sflag:s15] =	ssyncset.done $0x0  }
0x5b: {  	[sflag:s15] =	ssyncadd.s32 $0xFFFFD880  }
0x5c: {  	_ =	sfence.sel $0x180000  }
0x5d: {  	[bflag:$0x0] =	sbarrier.arrive $0xFFFF  }
0x5e: {  	p0 =	sne.s32 s0, $0x0;
	_ =	strace $0x9000004D  }
0x5f: {  	s0 =	sadd.s32 @!p0 $0x100000, s1;
	[bflag:$0x2] =	sbarrier.arrive $0xFFFF  }
0x60: {  	[sflag:s0] =	ssyncadd.tile.s32 @!p0 $0x1;
	_ =	shalt  }
.Lfunc_end2:
_tile_overlayer_lowered:
.L_overlay_start_2:
0x61: {  	(tag) =	ssettag $0x2  }
0x62: {  	s0 =	rddreg [dreg:$0x0];
	s2 =	stileid.u32  }
0x63: {  	s1 =	rddreg [dreg:$0x1];
	p0 =	sne.s32 s2, $0x0  }
0x64: {  	s3 =	rddreg [dreg:$0x2];
	[bflag:$0x3] =	sbarrier.arrive $0xFFFF;
	s2 =	simm.s32 @!p0 $0x1C02  }
0x65: {  	[timem:s3], [sflag:s2] =	dma.local @!p0 [hbm:s0], s1  }
0x66: {  	s0 =	simm.s32 @!p0 $0x2  }
0x67: {  	_ =	swait.ge @!p0 [sflag:s0], s1  }
0x68: {  	s1 =	ssub.s32 @!p0 $0x0, s1;
	[sflag:s0] =	ssyncset.done @!p0 $0x0  }
0x69: {  	[sflag:s0] =	ssyncadd.s32 @!p0 s1  }
0x6a: {  	[bflag:$0x3] =	sbarrier.arrive $0xFFFF  }
0x6b: {  	_ =	shalt  }

// kernel: kernel.36.cloned.1.call-start
scs
__scs_entry_jumppad:
0x0: {  	(pc) =	sbr.rel $0x88, $3  }
0x1: {  	(tag) =	ssettag $0x0;
	lr =	simm.s32 $0x1  }
0x2: {  	[smem:$0x3F88] =	sst lr;
	_ =	strace $0xD0000000  }
0x3: {  	_ = 	snop  }
0x4: {  	_ = 	snop  }
0x5: {  	_ = 	snop  }
0x6: {  	_ = 	snop  }
0x7: {  	_ = 	snop  }
__scs_overlays_trampoline_lowered:
0x8: {  	[smem:$0x3F97] =	sst s0  }
0x9: {  	[smem:$0x3F98] =	sst s1  }
0xa: {  	[smem:$0x3F99] =	sst s2  }
0xb: {  	[smem:$0x3F9A] =	sst s3  }
0xc: {  	[smem:$0x3F9B] =	sst s4  }
0xd: {  	[smem:$0x3F9C] =	sst s5  }
0xe: {  	[smem:$0x3F9D] =	sst s6  }
0xf: {  	[smem:$0x3F9E] =	sst s7  }
0x10: {  	[smem:$0x3F9F] =	sst s8  }
0x11: {  	[smem:$0x3FA0] =	sst s9;
	s0 =	simm.s32 @!p0 $0x0  }
0x12: {  	s1 =	sld [smem:$0x3F86];
	s0 =	simm.s32 @p0 $0x1  }
0x13: {  	[smem:$0x3FA1] =	sst s0;
	s0 =	simm.s32 @!p1 $0x0  }
0x14: {  	s2 =	sld [smem:$0x3F85];
	s0 =	simm.s32 @p1 $0x1  }
0x15: {  	[smem:$0x3FA2] =	sst s0;
	s0 =	simm.s32 @!p2 $0x0  }
0x16: {  	s3 =	sld [smem:$0x3FDB];
	s0 =	simm.s32 @p2 $0x1  }
0x17: {  	s4 =	simm.s32 $0x1BF5;
	[smem:$0x3FA4] =	sst s0  }
0x18: {  	s0 =	sld [smem:$0x3F87];
	_ =	swait.ge [sflag:s4], $0x0  }
0x19: {  	s7 =	sld [smem:$0x3F88]  }
0x1a: {  	s8 =	sadd.s32 $0xFFFFE003, lr  }
0x1b: {  	s9 =	sadd.s32 $0xFFFFFEF7, lr;
	s5 =	simm.s32 $0xFFFFFFFF;
	p2 =	slt.u32 s8, $0xFFFFF086  }
0x1c: {  	p1 =	slt.u32 s9, $0xF7A;
	s5 =	simm.s32 @!p2 $0x0  }
0x1d: {  	s5 =	simm.s32 @p1 $0x1;
	p0 =	seq.s32 s7, s2  }
0x1e: {  	s7 =	smul.u32 @!p0 $0xF7A, s2;
	p2 =	seq.s32 @!p0 s5, $0x0  }
0x1f: {  	s9 =	smul.u32 $0xF7A, s1;
	s8 =	simm.s32 @!p0 $0x1BF5;
	p2 =	por !p2, p0  }
0x20: {  	[sflag:s8] =	ssyncset.s32 @!p0 $0xFFFFF086;
	s6 =	sadd.s32 @!p0 s3, s7;
	s7 =	simm.s32 @!p0 $0x108  }
0x21: {  	s3 =	sadd.s32 s3, s9;
	s6 =	sadd.s32 @!p0 $0x88, s6;
	s7 =	simm.s32 @p2 $0x1082  }
0x22: {  	[simem:s7], [sflag:s8] =	dma.local @!p0 [hbm:s6], $0xF7A  }
0x23: {  	s9 =	sor.u32 $0xD0000000, s2;
	s6 =	simm.s32 $0x108;
	_ =	swait.ge @!p0 [sflag:s8], $0x0  }
0x24: {  	s3 =	sadd.s32 $0x88, s3;
	s6 =	simm.s32 @!p1 $0x1082;
	[sflag:s4] =	ssyncset.s32 $0xFFFFF086  }
0x25: {  	[simem:s6], [sflag:s4] =	dma.local [hbm:s3], $0xF7A  }
0x26: {  	[smem:$0x3F88] =	sst s1;
	(tag) =	ssettag s2;
	_ =	strace s9  }
0x27: {  	s1 =	sld [smem:$0x3F98]  }
0x28: {  	s2 =	sld [smem:$0x3F99]  }
0x29: {  	s4 =	sld [smem:$0x3F9B]  }
0x2a: {  	p0 =	seq.s32 s5, $0x0;
	s5 =	sld [smem:$0x3F9C]  }
0x2b: {  	s6 =	sld [smem:$0x3F9D]  }
0x2c: {  	s7 =	sld [smem:$0x3F9E]  }
0x2d: {  	s3 =	simm.s32 $0x108;
	s8 =	sld [smem:$0x3F9F]  }
0x2e: {  	s3 =	simm.s32 @!p0 $0x1082;
	s9 =	sld [smem:$0x3FA0]  }
0x2f: {  	lr =	sadd.s32 s0, s3;
	s0 =	sld [smem:$0x3F97]  }
0x30: {  	s3 =	sld [smem:$0x3F9A]  }
0x31: {  	[smem:$0x3FA3] =	sst s10  }
0x32: {  	s10 =	sld [smem:$0x3FA1];
	_ =	sdelay $0x3  }
0x33: {  	p0 =	seq.s32 s10, $0x1;
	s10 =	sld [smem:$0x3FA3];
	_ =	sdelay $0x3  }
0x34: {  	[smem:$0x3FA3] =	sst s10  }
0x35: {  	s10 =	sld [smem:$0x3FA2];
	_ =	sdelay $0x3  }
0x36: {  	p1 =	seq.s32 s10, $0x1;
	s10 =	sld [smem:$0x3FA3];
	_ =	sdelay $0x3  }
0x37: {  	[smem:$0x3FA3] =	sst s10  }
0x38: {  	s10 =	sld [smem:$0x3FA4]  }
0x39: {  	_ = 	snop;
	(pc) =	sbr.ind lr, $3  }
0x3a: {  	_ = 	snop  }
0x3b: {  	_ = 	snop  }
0x3c: {  	p2 =	seq.s32 s10, $0x1;
	s10 =	sld [smem:$0x3FA3]  }
0x3d: {  	_ =	shalt  }
0x3e: {  	_ =	shalt  }
0x3f: {  	_ =	shalt  }
0x40: {  	_ =	shalt  }
0x41: {  	_ =	shalt  }
0x42: {  	_ =	shalt  }
0x43: {  	_ =	shalt  }
0x44: {  	_ =	shalt  }
0x45: {  	_ =	shalt  }
0x46: {  	_ =	shalt  }
0x47: {  	_ =	shalt  }
0x48: {  	_ =	shalt  }
0x49: {  	_ =	shalt  }
0x4a: {  	_ =	shalt  }
0x4b: {  	_ =	shalt  }
0x4c: {  	_ =	shalt  }
0x4d: {  	_ =	shalt  }
0x4e: {  	_ =	shalt  }
0x4f: {  	_ =	shalt  }
0x50: {  	_ =	shalt  }
0x51: {  	_ =	shalt  }
0x52: {  	_ =	shalt  }
0x53: {  	_ =	shalt  }
0x54: {  	_ =	shalt  }
0x55: {  	_ =	shalt  }
0x56: {  	_ =	shalt  }
0x57: {  	_ =	shalt  }
0x58: {  	_ =	shalt  }
0x59: {  	_ =	shalt  }
0x5a: {  	_ =	shalt  }
0x5b: {  	_ =	shalt  }
0x5c: {  	_ =	shalt  }
0x5d: {  	_ =	shalt  }
0x5e: {  	_ =	shalt  }
0x5f: {  	_ =	shalt  }
0x60: {  	_ =	shalt  }
0x61: {  	_ =	shalt  }
0x62: {  	_ =	shalt  }
0x63: {  	_ =	shalt  }
0x64: {  	_ =	shalt  }
0x65: {  	_ =	shalt  }
0x66: {  	_ =	shalt  }
0x67: {  	_ =	shalt  }
0x68: {  	_ =	shalt  }
0x69: {  	_ =	shalt  }
0x6a: {  	_ =	shalt  }
0x6b: {  	_ =	shalt  }
0x6c: {  	_ =	shalt  }
0x6d: {  	_ =	shalt  }
0x6e: {  	_ =	shalt  }
0x6f: {  	_ =	shalt  }
0x70: {  	_ =	shalt  }
0x71: {  	_ =	shalt  }
0x72: {  	_ =	shalt  }
0x73: {  	_ =	shalt  }
0x74: {  	_ =	shalt  }
0x75: {  	_ =	shalt  }
0x76: {  	_ =	shalt  }
0x77: {  	_ =	shalt  }
0x78: {  	_ =	shalt  }
0x79: {  	_ =	shalt  }
0x7a: {  	_ =	shalt  }
0x7b: {  	_ =	shalt  }
0x7c: {  	_ =	shalt  }
0x7d: {  	_ =	shalt  }
0x7e: {  	_ =	shalt  }
0x7f: {  	_ =	shalt  }
0x80: {  	_ =	shalt  }
0x81: {  	_ =	shalt  }
0x82: {  	_ =	shalt  }
0x83: {  	_ =	shalt  }
0x84: {  	_ =	shalt  }
0x85: {  	_ =	shalt  }
0x86: {  	_ =	shalt  }
0x87: {  	_ =	shalt  }
.Lfunc_end0:
.L_simem_size_0:
called_computation.3_lowered:
.L_overlay_start_0:
0x88: {  	s2 =	sld [smem:$0x3FD9]  }
0x89: {  	s3 =	sld [smem:$0x3FFE];
	_ =	sdelay $0x1  }
0x8a: {  	s1 =	srdreg.scid  }
0x8b: {  	s0 =	sand.u32 $0x1, s1  }
0x8c: {  	s14 =	sshll.u32 s0, $0xA;
	s2 =	sadd.s32 s3, s2  }
0x8d: {  	s2 =	sadd.s32 s2, s14  }
0x8e: {  	[smem:$0x3FAF] =	sst s2  }
0x8f: {  	_ = 	snop  }
0x90: {  	s2 =	sld [smem:$0x3FD0];
	_ =	sdelay $0x2  }
0x91: {  	s15 =	simm.s32 $0xA;
	s4 =	simm.s32 $0x10  }
0x92: {  	[smem:s4], [sflag:s15] =	dma.local [hbm:s2], $0x1  }
0x93: {  	_ =	swait.eq [sflag:s15], $0x1  }
0x94: {  	[sflag:s15] =	ssyncset.done $0x0  }
0x95: {  	[sflag:s15] =	ssyncadd.s32 $0xFFFFFFFF  }
0x96: {  	s16 =	sld [smem:$0x12];
	(tm) =	ssettm $0x1  }
0x97: {  	s17 =	sld [smem:$0x3FFB];
	_ =	sdelay $0x3  }
0x98: {  	_ =	strace s17  }
0x99: {  	s3 =	sld [smem:$0x3FFC];
	_ =	sdelay $0x3  }
0x9a: {  	_ =	strace s3  }
0x9b: {  	s3 =	sld [smem:$0x3FFD];
	_ =	sdelay $0x3  }
0x9c: {  	_ =	strace s3  }
0x9d: {  	_ =	strace $0x8FFFFFFF  }
0x9e: {  	s18 =	sld [smem:$0x3FDB];
	_ =	sdelay $0x1  }
0x9f: {  	s19 =	simm.s32 $_scs_section_size  }
0xa0: {  	s5 =	simm.s32 $_size__tile_overlayer_lowered;
	s6 =	simm.s32 $_tile_overlayer_lowered  }
0xa1: {  	s22 =	simm.s32 $0x1BFF;
	s21 =	sshll.u32 s6, $0x1;
	s3 =	sadd.s32 s19, s18  }
0xa2: {  	s7 =	simm.s32 $0x0;
	s20 =	sshll.u32 s5, $0x1;
	s5 =	sadd.s32 s21, s3  }
0xa3: {  	[timem:s7], [sflag:s22] =	dma.local [hbm:s5], s20  }
0xa4: {  	_ =	swait.ge [sflag:s22], s20  }
0xa5: {  	s4 =	ssub.s32 $0x0, s20;
	[sflag:s22] =	ssyncset.done $0x0  }
0xa6: {  	[sflag:s22] =	ssyncadd.s32 s4;
	_ =	sdelay $0x1  }
0xa7: {  	s23 =	simm.s32 $0x1B8B  }
0xa8: {  	_ =	swait.ge [sflag:s23], $0x1  }
0xa9: {  	[sflag:s23] =	ssyncset.done $0x0  }
0xaa: {  	s25 =	simm.s32 $0x1B8E;
	s24 =	sld [smem:$0x3FFE];
	[sflag:s23] =	ssyncadd.s32 $0xFFFFFFFF  }
0xab: {  	s26 =	simm.s32 $execute0_lowered;
	[smem:$0x3FD2] =	sst s25  }
0xac: {  	s5 =	sshll.u32 s26, $0x1;
	_ =	strace $0x8000004F;
	[dreg:$0x1] =	wrdreg $0xFFFFFFFF  }
0xad: {  	s28 =	simm.s32 $_size_execute0_lowered;
	s3 =	sadd.s32 s3, s5;
	[dreg:$0x0] =	wrdreg $0x0  }
0xae: {  	s5 =	sshll.u32 s28, $0x1;
	[dreg:$0x2] =	wrdreg s3  }
0xaf: {  	[dreg:$0x3] =	wrdreg s5  }
0xb0: {  	[dreg:$0x4] =	wrdreg $0xC0  }
0xb1: {  	_ =	task [dreg:s7], $0x5FFFF  }
0xb2: {  	[dreg:$0x1] =	wrdreg $0xFFFFFFFF  }
0xb3: {  	[dreg:$0x0] =	wrdreg $0x60  }
0xb4: {  	[dreg:$0x2] =	wrdreg s24  }
0xb5: {  	[dreg:$0x3] =	wrdreg s16  }
0xb6: {  	[dreg:$0x4] =	wrdreg $0x90000  }
0xb7: {  	[dreg:$0x5] =	wrdreg $0x9  }
0xb8: {  	_ =	task.clear_ibuf [dreg:s7], $0x6FFFF;
	_ =	strace $0x9000004F  }
0xb9: {  	s29 =	simm.s32 $0x9;
	_ =	strace $0x80000051  }
0xba: {  	_ =	swait.ge [sflag:s29], $0x1  }
0xbb: {  	[sflag:s29] =	ssyncadd.s32 $0xFFFFFFFF  }
0xbc: {  	_ =	strace $0x90000051  }
0xbd: {  	_ =	sfence  }
0xbe: {  	s30 =	sld [smem:$0x0];
	_ =	sdelay $0x2  }
0xbf: {  	s31 =	sshll.u32 s1, $0xD;
	s1 =	sshrl.u32 s1, $0x2  }
0xc0: {  	s3 =	sand.u32 $0x4000, s31;
	s1 =	sadd.s32 s1, s30  }
0xc1: {  	s0 =	sor.u32 s3, s0;
	s1 =	sshll.u32 s1, $0x11  }
0xc2: {  	s0 =	sor.u32 s1, s0  }
0xc3: {  	s0 =	sadd.s32 $0x8F2B, s0  }
0xc4: {  	[sflag:s0] =	ssyncadd.remote.s32 $0x1  }
0xc5: {  	_ =	sfence.sel $0xFFFF  }
0xc6: {  	[dreg:$0x0] =	wrdreg $0xFFFFFFFF;
	(pc) =	sbr.abs _section_cstart, $3  }
0xc7: {  	[dreg:$0x1] =	wrdreg $0xFFFFFFFF  }
0xc8: {  	_ =	task.clear_ibuf [dreg:s7], $0x2FFFF;
	_ =	strace $0x9FFFFFFF  }
0xc9: {  	(tm) =	ssettm $0x7FFFFFFF  }
tec
execute0_lowered:
.L_overlay_start_1:
0x0: {  	(tag) =	ssettag $0x1  }
0x1: {  	s6 =	rddreg [dreg:$0x0]  }
0x2: {  	s0 =	srdreg.scid;
	s10 =	rddreg [dreg:$0x1]  }
0x3: {  	s2 =	rddreg [dreg:$0x2];
	s3 =	simm.s32 $0x0;
	s15 =	simm.s32 $0x2  }
0x4: {  	s16 =	simm.s32 $0x2800;
	s17 =	simm.s32 $0x80;
	s5 =	sand.u32 $0x1, s0  }
0x5: {  	s18 =	simm.s32 $0x1;
	s0 =	stileid.u32;
	s7 =	smul.u32 $0x13C000, s5  }
0x6: {  	[smem:$0x7FF] =	sst s3;
	s4 =	sadd.s32 $0x3AA00, s6;
	s8 =	smul.u32 $0x13C00, s0  }
0x7: {  	s1 =	sshll.u32 s5, $0x4;
	s9 =	smul.u32 $0x4F000, s0;
	s29 =	ssub.s32 $0x2, s5  }
0x8: {  	s19 =	sshll.u32 s0, $0x6;
	s1 =	sor.u32 s0, s1;
	s31 =	sshrl.u32 s29, $0x1  }
0x9: {  	s19 =	sor.u32 $0x1C02, s19;
	s11 =	smul.u32 $0x500, s1;
	s1 =	rddreg [dreg:$0x3]  }
0xa: {  	_ =	strace $0x80000050;
	s7 =	sadd.s32 s8, s7;
	s30 =	sshrl.u32 s9, $0x2  }
0xb: {  	s14 =	ssub.s32 s29, s31;
	s7 =	sshrl.u32 s7, $0x3;
	s5 =	sadd.s32 s30, s2  }
0xc: {  	s12 =	sadd.s32 s11, s6;
	s13 =	sadd.s32 s7, s6;
	s6 =	sadd.s32 $0x4000, s5  }
0xd: {  	s7 =	sadd.s32 $0x8000, s5;
	s8 =	sadd.s32 $0xC000, s5;
	s9 =	sadd.s32 $0x10000, s5  }
0xe: {  	s10 =	sadd.s32 s10, s11;
	s20 =	sshrl.u32 s5, $0x3;
	s11 =	sadd.s32 $0x9800, s12  }
0xf: {  	v0 =	vimm.f32 $0.0e+00;
	s12 =	sadd.s32 $0x173200, s13;
	s13 =	smax.u32 s14, $0x1;
	s14 =	simm.s32 $0x5000  }
.LBB2_1:
0x10: {  	s21 =	simm.s32 $0x0;
	s22 =	simm.s32 $0x200  }
.LBB2_2:
0x11: {  	p0 =	sne.s32 s22, $0xFE00;
	[tilespmem:s21+$0x5070] =	vst v0  }
0x12: {  	[tilespmem:s21+$0x5000] =	vst v0  }
0x13: {  	[tilespmem:s21+$0x5010] =	vst v0  }
.Ltmp0:
0x14: {  	[tilespmem:s21+$0x5020] =	vst v0;
	(pc) =	sbr.rel @p0 .LBB2_2-.Ltmp0, $4  }
0x15: {  	[tilespmem:s21+$0x5030] =	vst v0  }
0x16: {  	[tilespmem:s21+$0x5040] =	vst v0  }
0x17: {  	[tilespmem:s21+$0x5050] =	vst v0  }
0x18: {  	[tilespmem:s21+$0x5060] =	vst v0;
	s21 =	sshra.s32 s22, $0x2;
	s22 =	sadd.s32 $0x200, s22  }
0x19: {  	[tilespmem:s21+$0x5070] =	vst v0  }
0x1a: {  	[tilespmem:s21+$0x5000] =	vst v0  }
0x1b: {  	[tilespmem:s21+$0x5010] =	vst v0  }
0x1c: {  	[tilespmem:s21+$0x5020] =	vst v0  }
0x1d: {  	[tilespmem:s21+$0x5030] =	vst v0  }
0x1e: {  	[tilespmem:s21+$0x5040] =	vst v0  }
0x1f: {  	[tilespmem:s21+$0x5050] =	vst v0  }
0x20: {  	[tilespmem:s21+$0x5060] =	vst v0  }
0x21: {  	[spmem:s5] =	stream.linear.scatter [tilespmem:s14], [sflag:$0x2], $0x4000, $0x38;
	[tilespmem:$0x1CC00] =	vst v63  }
0x22: {  	_ =	swait.ge [sflag:s15], $0x4000  }
0x23: {  	[sflag:s15] =	ssyncset.done $0x0  }
0x24: {  	[sflag:s15] =	ssyncadd.s32 $0xFFFFC000  }
0x25: {  	[spmem:s6] =	stream.linear.scatter [tilespmem:s14], [sflag:$0x2], $0x4000, $0x38;
	[tilespmem:$0x1CC00] =	vst v63  }
0x26: {  	_ =	swait.ge [sflag:s15], $0x4000  }
0x27: {  	[sflag:s15] =	ssyncset.done $0x0  }
0x28: {  	[sflag:s15] =	ssyncadd.s32 $0xFFFFC000  }
0x29: {  	[spmem:s7] =	stream.linear.scatter [tilespmem:s14], [sflag:$0x2], $0x4000, $0x38;
	[tilespmem:$0x1CC00] =	vst v63  }
0x2a: {  	_ =	swait.ge [sflag:s15], $0x4000  }
0x2b: {  	[sflag:s15] =	ssyncset.done $0x0  }
0x2c: {  	[sflag:s15] =	ssyncadd.s32 $0xFFFFC000  }
0x2d: {  	[spmem:s8] =	stream.linear.scatter [tilespmem:s14], [sflag:$0x2], $0x4000, $0x38;
	[tilespmem:$0x1CC00] =	vst v63  }
0x2e: {  	_ =	swait.ge [sflag:s15], $0x4000  }
0x2f: {  	[sflag:s15] =	ssyncset.done $0x0  }
0x30: {  	[sflag:s15] =	ssyncadd.s32 $0xFFFFC000  }
0x31: {  	[spmem:s9] =	stream.linear.scatter [tilespmem:s14], [sflag:$0x2], $0x3C00, $0x38;
	[tilespmem:$0x1CC00] =	vst v63  }
0x32: {  	_ =	swait.ge [sflag:s15], $0x3C00  }
0x33: {  	[sflag:s15] =	ssyncset.done $0x0  }
0x34: {  	s29 =	simm.s32 $0x0;
	[sflag:s15] =	ssyncadd.s32 $0xFFFFC400  }
0x35: {  	[tilespmem:s29], [sflag:$0x2] =	stream.linear.gather [hbm4b:s10+s29], $0x2780, $0x38;
	[tilespmem:$0x1CC00] =	vst v63  }
0x36: {  	_ =	swait.ge [sflag:s15], $0x2780  }
0x37: {  	[sflag:s15] =	ssyncset.done $0x0  }
0x38: {  	[sflag:s15] =	ssyncadd.s32 $0xFFFFD880  }
0x39: {  	[tilespmem:s16], [sflag:$0x2] =	stream.linear.gather [hbm4b:s11+s29], $0x2780, $0x38;
	[tilespmem:$0x1CC00] =	vst v63  }
0x3a: {  	_ =	swait.ge [sflag:s15], $0x2780  }
0x3b: {  	[sflag:s15] =	ssyncset.done $0x0  }
0x3c: {  	[sflag:s15] =	ssyncadd.s32 $0xFFFFD880  }
0x3d: {  	s30 =	simm.s32 $0x0;
	[bflag:$0x0] =	sbarrier.arrive $0xFFFF  }
0x3e: {  	[tilespmem:s14], [sflag:$0x1] =	stream.indirect.gather [hbm4b:s4+s17], $0x80, s30, s17, $0xb8;
	[tilespmem:$0x1CC00] =	vst v63  }
0x3f: {  	_ =	swait.ge [sflag:s18], $0x4000  }
0x40: {  	[sflag:s18] =	ssyncset.done $0x0  }
0x41: {  	s31 =	simm.s32 $0x2800;
	[sflag:s18] =	ssyncadd.s32 $0xFFFFC000  }
0x42: {  	[spmem:s2] =	stream.indirect.scatter.add.f32 [tilespmem:s14], [sflag:$0x2], $0x80, s31, s17, $0xb8;
	[tilespmem:$0x1CC00] =	vst v63  }
0x43: {  	_ =	swait.ge [sflag:s15], $0x4000  }
0x44: {  	s21 =	simm.s32 $0x200;
	s22 =	simm.s32 $0x400;
	[sflag:s15] =	ssyncset.done $0x0  }
.LBB2_4:
0x45: {  	s23 =	sshra.s32 s21, $0x2  }
0x46: {  	[sflag:s15] =	ssyncadd.s32 $0xFFFFC000;
	s21 =	smov.u32 s22;
	s24 =	sadd.s32 $0x200, s22  }
0x47: {  	[tilespmem:s14], [sflag:$0x1] =	stream.indirect.gather [hbm4b:s4+s17], $0x80, s23, s17, $0xb8;
	[tilespmem:$0x1CC00] =	vst v63  }
0x48: {  	p0 =	sne.s32 s22, $0x9C00;
	_ =	swait.ge [sflag:s18], $0x4000  }
.Ltmp1:
0x49: {  	[sflag:s18] =	ssyncset.done $0x0;
	(pc) =	sbr.rel @p0 .LBB2_4-.Ltmp1, $4  }
0x4a: {  	s22 =	sadd.s32 $0x2800, s23;
	[sflag:s18] =	ssyncadd.s32 $0xFFFFC000  }
0x4b: {  	[spmem:s2] =	stream.indirect.scatter.add.f32 [tilespmem:s14], [sflag:$0x2], $0x80, s22, s17, $0xb8;
	[tilespmem:$0x1CC00] =	vst v63  }
0x4c: {  	_ =	swait.ge [sflag:s15], $0x4000  }
0x4d: {  	s22 =	smov.u32 s24;
	[sflag:s15] =	ssyncset.done $0x0  }
0x4e: {  	s21 =	sshra.s32 s21, $0x2;
	[sflag:s15] =	ssyncadd.s32 $0xFFFFC000  }
0x4f: {  	[tilespmem:s14], [sflag:$0x1] =	stream.indirect.gather [hbm4b:s4+s17], $0x80, s21, s17, $0xb8;
	[tilespmem:$0x1CC00] =	vst v63  }
0x50: {  	_ =	swait.ge [sflag:s18], $0x4000  }
0x51: {  	[sflag:s18] =	ssyncset.done $0x0  }
0x52: {  	s21 =	sadd.s32 $0x2800, s21;
	[sflag:s18] =	ssyncadd.s32 $0xFFFFC000  }
0x53: {  	[spmem:s2] =	stream.indirect.scatter.add.f32 [tilespmem:s14], [sflag:$0x2], $0x80, s21, s17, $0xb8;
	[tilespmem:$0x1CC00] =	vst v63  }
0x54: {  	_ =	swait.ge [sflag:s15], $0x4000  }
0x55: {  	s3 =	sadd.s32 $0x1, s3;
	[sflag:s15] =	ssyncset.done $0x0  }
0x56: {  	p0 =	sne.s32 s3, s13;
	[sflag:s15] =	ssyncadd.s32 $0xFFFFC000  }
.Ltmp2:
0x57: {  	[bflag:$0x0] =	sbarrier.arrive $0xFFFF;
	(pc) =	sbr.rel @p0 .LBB2_1-.Ltmp2, $4  }
0x58: {  	[hbm:s12], [sflag:s19] =	dma.local [spmem:s20], $0x2780  }
0x59: {  	_ =	swait.ge [sflag:s15], $0x2780  }
0x5a: {  	[sflag:s15] =	ssyncset.done $0x0  }
0x5b: {  	[sflag:s15] =	ssyncadd.s32 $0xFFFFD880  }
0x5c: {  	_ =	sfence.sel $0x180000  }
0x5d: {  	[bflag:$0x0] =	sbarrier.arrive $0xFFFF  }
0x5e: {  	p0 =	sne.s32 s0, $0x0;
	_ =	strace $0x90000050  }
0x5f: {  	s0 =	sadd.s32 @!p0 $0x100000, s1;
	[bflag:$0x2] =	sbarrier.arrive $0xFFFF  }
0x60: {  	[sflag:s0] =	ssyncadd.tile.s32 @!p0 $0x1;
	_ =	shalt  }
.Lfunc_end2:
_tile_overlayer_lowered:
.L_overlay_start_2:
0x61: {  	(tag) =	ssettag $0x2  }
0x62: {  	s0 =	rddreg [dreg:$0x0];
	s2 =	stileid.u32  }
0x63: {  	s1 =	rddreg [dreg:$0x1];
	p0 =	sne.s32 s2, $0x0  }
0x64: {  	s3 =	rddreg [dreg:$0x2];
	[bflag:$0x3] =	sbarrier.arrive $0xFFFF;
	s2 =	simm.s32 @!p0 $0x1C02  }
0x65: {  	[timem:s3], [sflag:s2] =	dma.local @!p0 [hbm:s0], s1  }
0x66: {  	s0 =	simm.s32 @!p0 $0x2  }
0x67: {  	_ =	swait.ge @!p0 [sflag:s0], s1  }
0x68: {  	s1 =	ssub.s32 @!p0 $0x0, s1;
	[sflag:s0] =	ssyncset.done @!p0 $0x0  }
0x69: {  	[sflag:s0] =	ssyncadd.s32 @!p0 s1  }
0x6a: {  	[bflag:$0x3] =	sbarrier.arrive $0xFFFF  }
0x6b: {  	_ =	shalt  }

// kernel: kernel.39.cloned.1.call-start
scs
__scs_entry_jumppad:
0x0: {  	(pc) =	sbr.rel $0x88, $3  }
0x1: {  	(tag) =	ssettag $0x0;
	lr =	simm.s32 $0x1  }
0x2: {  	[smem:$0x3F88] =	sst lr;
	_ =	strace $0xD0000000  }
0x3: {  	_ = 	snop  }
0x4: {  	_ = 	snop  }
0x5: {  	_ = 	snop  }
0x6: {  	_ = 	snop  }
0x7: {  	_ = 	snop  }
__scs_overlays_trampoline_lowered:
0x8: {  	[smem:$0x3F97] =	sst s0  }
0x9: {  	[smem:$0x3F98] =	sst s1  }
0xa: {  	[smem:$0x3F99] =	sst s2  }
0xb: {  	[smem:$0x3F9A] =	sst s3  }
0xc: {  	[smem:$0x3F9B] =	sst s4  }
0xd: {  	[smem:$0x3F9C] =	sst s5  }
0xe: {  	[smem:$0x3F9D] =	sst s6  }
0xf: {  	[smem:$0x3F9E] =	sst s7  }
0x10: {  	[smem:$0x3F9F] =	sst s8  }
0x11: {  	[smem:$0x3FA0] =	sst s9;
	s0 =	simm.s32 @!p0 $0x0  }
0x12: {  	s1 =	sld [smem:$0x3F86];
	s0 =	simm.s32 @p0 $0x1  }
0x13: {  	[smem:$0x3FA1] =	sst s0;
	s0 =	simm.s32 @!p1 $0x0  }
0x14: {  	s2 =	sld [smem:$0x3F85];
	s0 =	simm.s32 @p1 $0x1  }
0x15: {  	[smem:$0x3FA2] =	sst s0;
	s0 =	simm.s32 @!p2 $0x0  }
0x16: {  	s3 =	sld [smem:$0x3FDB];
	s0 =	simm.s32 @p2 $0x1  }
0x17: {  	s4 =	simm.s32 $0x1BF5;
	[smem:$0x3FA4] =	sst s0  }
0x18: {  	s0 =	sld [smem:$0x3F87];
	_ =	swait.ge [sflag:s4], $0x0  }
0x19: {  	s7 =	sld [smem:$0x3F88]  }
0x1a: {  	s8 =	sadd.s32 $0xFFFFE003, lr  }
0x1b: {  	s9 =	sadd.s32 $0xFFFFFEF7, lr;
	s5 =	simm.s32 $0xFFFFFFFF;
	p2 =	slt.u32 s8, $0xFFFFF086  }
0x1c: {  	p1 =	slt.u32 s9, $0xF7A;
	s5 =	simm.s32 @!p2 $0x0  }
0x1d: {  	s5 =	simm.s32 @p1 $0x1;
	p0 =	seq.s32 s7, s2  }
0x1e: {  	s7 =	smul.u32 @!p0 $0xF7A, s2;
	p2 =	seq.s32 @!p0 s5, $0x0  }
0x1f: {  	s9 =	smul.u32 $0xF7A, s1;
	s8 =	simm.s32 @!p0 $0x1BF5;
	p2 =	por !p2, p0  }
0x20: {  	[sflag:s8] =	ssyncset.s32 @!p0 $0xFFFFF086;
	s6 =	sadd.s32 @!p0 s3, s7;
	s7 =	simm.s32 @!p0 $0x108  }
0x21: {  	s3 =	sadd.s32 s3, s9;
	s6 =	sadd.s32 @!p0 $0x88, s6;
	s7 =	simm.s32 @p2 $0x1082  }
0x22: {  	[simem:s7], [sflag:s8] =	dma.local @!p0 [hbm:s6], $0xF7A  }
0x23: {  	s9 =	sor.u32 $0xD0000000, s2;
	s6 =	simm.s32 $0x108;
	_ =	swait.ge @!p0 [sflag:s8], $0x0  }
0x24: {  	s3 =	sadd.s32 $0x88, s3;
	s6 =	simm.s32 @!p1 $0x1082;
	[sflag:s4] =	ssyncset.s32 $0xFFFFF086  }
0x25: {  	[simem:s6], [sflag:s4] =	dma.local [hbm:s3], $0xF7A  }
0x26: {  	[smem:$0x3F88] =	sst s1;
	(tag) =	ssettag s2;
	_ =	strace s9  }
0x27: {  	s1 =	sld [smem:$0x3F98]  }
0x28: {  	s2 =	sld [smem:$0x3F99]  }
0x29: {  	s4 =	sld [smem:$0x3F9B]  }
0x2a: {  	p0 =	seq.s32 s5, $0x0;
	s5 =	sld [smem:$0x3F9C]  }
0x2b: {  	s6 =	sld [smem:$0x3F9D]  }
0x2c: {  	s7 =	sld [smem:$0x3F9E]  }
0x2d: {  	s3 =	simm.s32 $0x108;
	s8 =	sld [smem:$0x3F9F]  }
0x2e: {  	s3 =	simm.s32 @!p0 $0x1082;
	s9 =	sld [smem:$0x3FA0]  }
0x2f: {  	lr =	sadd.s32 s0, s3;
	s0 =	sld [smem:$0x3F97]  }
0x30: {  	s3 =	sld [smem:$0x3F9A]  }
0x31: {  	[smem:$0x3FA3] =	sst s10  }
0x32: {  	s10 =	sld [smem:$0x3FA1];
	_ =	sdelay $0x3  }
0x33: {  	p0 =	seq.s32 s10, $0x1;
	s10 =	sld [smem:$0x3FA3];
	_ =	sdelay $0x3  }
0x34: {  	[smem:$0x3FA3] =	sst s10  }
0x35: {  	s10 =	sld [smem:$0x3FA2];
	_ =	sdelay $0x3  }
0x36: {  	p1 =	seq.s32 s10, $0x1;
	s10 =	sld [smem:$0x3FA3];
	_ =	sdelay $0x3  }
0x37: {  	[smem:$0x3FA3] =	sst s10  }
0x38: {  	s10 =	sld [smem:$0x3FA4]  }
0x39: {  	_ = 	snop;
	(pc) =	sbr.ind lr, $3  }
0x3a: {  	_ = 	snop  }
0x3b: {  	_ = 	snop  }
0x3c: {  	p2 =	seq.s32 s10, $0x1;
	s10 =	sld [smem:$0x3FA3]  }
0x3d: {  	_ =	shalt  }
0x3e: {  	_ =	shalt  }
0x3f: {  	_ =	shalt  }
0x40: {  	_ =	shalt  }
0x41: {  	_ =	shalt  }
0x42: {  	_ =	shalt  }
0x43: {  	_ =	shalt  }
0x44: {  	_ =	shalt  }
0x45: {  	_ =	shalt  }
0x46: {  	_ =	shalt  }
0x47: {  	_ =	shalt  }
0x48: {  	_ =	shalt  }
0x49: {  	_ =	shalt  }
0x4a: {  	_ =	shalt  }
0x4b: {  	_ =	shalt  }
0x4c: {  	_ =	shalt  }
0x4d: {  	_ =	shalt  }
0x4e: {  	_ =	shalt  }
0x4f: {  	_ =	shalt  }
0x50: {  	_ =	shalt  }
0x51: {  	_ =	shalt  }
0x52: {  	_ =	shalt  }
0x53: {  	_ =	shalt  }
0x54: {  	_ =	shalt  }
0x55: {  	_ =	shalt  }
0x56: {  	_ =	shalt  }
0x57: {  	_ =	shalt  }
0x58: {  	_ =	shalt  }
0x59: {  	_ =	shalt  }
0x5a: {  	_ =	shalt  }
0x5b: {  	_ =	shalt  }
0x5c: {  	_ =	shalt  }
0x5d: {  	_ =	shalt  }
0x5e: {  	_ =	shalt  }
0x5f: {  	_ =	shalt  }
0x60: {  	_ =	shalt  }
0x61: {  	_ =	shalt  }
0x62: {  	_ =	shalt  }
0x63: {  	_ =	shalt  }
0x64: {  	_ =	shalt  }
0x65: {  	_ =	shalt  }
0x66: {  	_ =	shalt  }
0x67: {  	_ =	shalt  }
0x68: {  	_ =	shalt  }
0x69: {  	_ =	shalt  }
0x6a: {  	_ =	shalt  }
0x6b: {  	_ =	shalt  }
0x6c: {  	_ =	shalt  }
0x6d: {  	_ =	shalt  }
0x6e: {  	_ =	shalt  }
0x6f: {  	_ =	shalt  }
0x70: {  	_ =	shalt  }
0x71: {  	_ =	shalt  }
0x72: {  	_ =	shalt  }
0x73: {  	_ =	shalt  }
0x74: {  	_ =	shalt  }
0x75: {  	_ =	shalt  }
0x76: {  	_ =	shalt  }
0x77: {  	_ =	shalt  }
0x78: {  	_ =	shalt  }
0x79: {  	_ =	shalt  }
0x7a: {  	_ =	shalt  }
0x7b: {  	_ =	shalt  }
0x7c: {  	_ =	shalt  }
0x7d: {  	_ =	shalt  }
0x7e: {  	_ =	shalt  }
0x7f: {  	_ =	shalt  }
0x80: {  	_ =	shalt  }
0x81: {  	_ =	shalt  }
0x82: {  	_ =	shalt  }
0x83: {  	_ =	shalt  }
0x84: {  	_ =	shalt  }
0x85: {  	_ =	shalt  }
0x86: {  	_ =	shalt  }
0x87: {  	_ =	shalt  }
.Lfunc_end0:
.L_simem_size_0:
called_computation.4_lowered:
.L_overlay_start_0:
0x88: {  	s2 =	sld [smem:$0x3FD9]  }
0x89: {  	s3 =	sld [smem:$0x3FFE];
	_ =	sdelay $0x1  }
0x8a: {  	s1 =	srdreg.scid  }
0x8b: {  	s0 =	sand.u32 $0x1, s1  }
0x8c: {  	s14 =	sshll.u32 s0, $0xA;
	s2 =	sadd.s32 s3, s2  }
0x8d: {  	s2 =	sadd.s32 s2, s14  }
0x8e: {  	[smem:$0x3FAF] =	sst s2  }
0x8f: {  	_ = 	snop  }
0x90: {  	s2 =	sld [smem:$0x3FD0];
	_ =	sdelay $0x2  }
0x91: {  	s15 =	simm.s32 $0xA;
	s4 =	simm.s32 $0x10  }
0x92: {  	[smem:s4], [sflag:s15] =	dma.local [hbm:s2], $0x1  }
0x93: {  	_ =	swait.eq [sflag:s15], $0x1  }
0x94: {  	[sflag:s15] =	ssyncset.done $0x0  }
0x95: {  	[sflag:s15] =	ssyncadd.s32 $0xFFFFFFFF  }
0x96: {  	s16 =	sld [smem:$0x13];
	(tm) =	ssettm $0x1  }
0x97: {  	s17 =	sld [smem:$0x3FFB];
	_ =	sdelay $0x3  }
0x98: {  	_ =	strace s17  }
0x99: {  	s3 =	sld [smem:$0x3FFC];
	_ =	sdelay $0x3  }
0x9a: {  	_ =	strace s3  }
0x9b: {  	s3 =	sld [smem:$0x3FFD];
	_ =	sdelay $0x3  }
0x9c: {  	_ =	strace s3  }
0x9d: {  	_ =	strace $0x8FFFFFFF  }
0x9e: {  	s18 =	sld [smem:$0x3FDB];
	_ =	sdelay $0x1  }
0x9f: {  	s19 =	simm.s32 $_scs_section_size  }
0xa0: {  	s5 =	simm.s32 $_size__tile_overlayer_lowered;
	s6 =	simm.s32 $_tile_overlayer_lowered  }
0xa1: {  	s22 =	simm.s32 $0x1BFF;
	s21 =	sshll.u32 s6, $0x1;
	s3 =	sadd.s32 s19, s18  }
0xa2: {  	s7 =	simm.s32 $0x0;
	s20 =	sshll.u32 s5, $0x1;
	s5 =	sadd.s32 s21, s3  }
0xa3: {  	[timem:s7], [sflag:s22] =	dma.local [hbm:s5], s20  }
0xa4: {  	_ =	swait.ge [sflag:s22], s20  }
0xa5: {  	s4 =	ssub.s32 $0x0, s20;
	[sflag:s22] =	ssyncset.done $0x0  }
0xa6: {  	[sflag:s22] =	ssyncadd.s32 s4;
	_ =	sdelay $0x1  }
0xa7: {  	s23 =	simm.s32 $0x1B8B  }
0xa8: {  	_ =	swait.ge [sflag:s23], $0x1  }
0xa9: {  	[sflag:s23] =	ssyncset.done $0x0  }
0xaa: {  	s25 =	simm.s32 $0x1B8E;
	s24 =	sld [smem:$0x3FFE];
	[sflag:s23] =	ssyncadd.s32 $0xFFFFFFFF  }
0xab: {  	s26 =	simm.s32 $execute0_lowered;
	[smem:$0x3FD2] =	sst s25  }
0xac: {  	s5 =	sshll.u32 s26, $0x1;
	_ =	strace $0x80000052;
	[dreg:$0x1] =	wrdreg $0xFFFFFFFF  }
0xad: {  	s28 =	simm.s32 $_size_execute0_lowered;
	s3 =	sadd.s32 s3, s5;
	[dreg:$0x0] =	wrdreg $0x0  }
0xae: {  	s5 =	sshll.u32 s28, $0x1;
	[dreg:$0x2] =	wrdreg s3  }
0xaf: {  	[dreg:$0x3] =	wrdreg s5  }
0xb0: {  	[dreg:$0x4] =	wrdreg $0xC0  }
0xb1: {  	_ =	task [dreg:s7], $0x5FFFF  }
0xb2: {  	[dreg:$0x1] =	wrdreg $0xFFFFFFFF  }
0xb3: {  	[dreg:$0x0] =	wrdreg $0x60  }
0xb4: {  	[dreg:$0x2] =	wrdreg s16  }
0xb5: {  	[dreg:$0x3] =	wrdreg s24  }
0xb6: {  	[dreg:$0x4] =	wrdreg $0x90000  }
0xb7: {  	[dreg:$0x5] =	wrdreg $0x9  }
0xb8: {  	_ =	task.clear_ibuf [dreg:s7], $0x6FFFF;
	_ =	strace $0x90000052  }
0xb9: {  	s29 =	simm.s32 $0x9;
	_ =	strace $0x80000054  }
0xba: {  	_ =	swait.ge [sflag:s29], $0x1  }
0xbb: {  	[sflag:s29] =	ssyncadd.s32 $0xFFFFFFFF  }
0xbc: {  	_ =	strace $0x90000054  }
0xbd: {  	_ =	sfence  }
0xbe: {  	s30 =	sld [smem:$0x0];
	_ =	sdelay $0x2  }
0xbf: {  	s31 =	sshll.u32 s1, $0xD;
	s1 =	sshrl.u32 s1, $0x2  }
0xc0: {  	s3 =	sand.u32 $0x4000, s31;
	s1 =	sadd.s32 s1, s30  }
0xc1: {  	s0 =	sor.u32 s3, s0;
	s1 =	sshll.u32 s1, $0x11  }
0xc2: {  	s0 =	sor.u32 s1, s0  }
0xc3: {  	s0 =	sadd.s32 $0x8F2B, s0  }
0xc4: {  	[sflag:s0] =	ssyncadd.remote.s32 $0x1  }
0xc5: {  	_ =	sfence.sel $0xFFFF  }
0xc6: {  	[dreg:$0x0] =	wrdreg $0xFFFFFFFF;
	(pc) =	sbr.abs _section_cstart, $3  }
0xc7: {  	[dreg:$0x1] =	wrdreg $0xFFFFFFFF  }
0xc8: {  	_ =	task.clear_ibuf [dreg:s7], $0x2FFFF;
	_ =	strace $0x9FFFFFFF  }
0xc9: {  	(tm) =	ssettm $0x7FFFFFFF  }
tec
execute0_lowered:
.L_overlay_start_1:
0x0: {  	(tag) =	ssettag $0x1  }
0x1: {  	s2 =	rddreg [dreg:$0x0]  }
0x2: {  	s6 =	rddreg [dreg:$0x1]  }
0x3: {  	s0 =	srdreg.scid;
	s3 =	rddreg [dreg:$0x2];
	s4 =	simm.s32 $0x0  }
0x4: {  	s14 =	simm.s32 $0x5000;
	s15 =	simm.s32 $0x2;
	s5 =	sand.u32 $0x1, s0  }
0x5: {  	s16 =	simm.s32 $0x2800;
	s0 =	stileid.u32;
	s8 =	smul.u32 $0x13C000, s5  }
0x6: {  	s17 =	simm.s32 $0x80;
	s18 =	simm.s32 $0x1;
	s9 =	smul.u32 $0x13C00, s0  }
0x7: {  	[smem:$0x7FF] =	sst s4;
	s1 =	sshll.u32 s5, $0x4;
	s10 =	smul.u32 $0x4F000, s0  }
0x8: {  	s29 =	ssub.s32 $0x2, s5;
	s19 =	sshll.u32 s0, $0x6;
	s1 =	sor.u32 s0, s1  }
0x9: {  	s31 =	sshrl.u32 s29, $0x1;
	s19 =	sor.u32 $0x1C02, s19;
	s7 =	smul.u32 $0x500, s1  }
0xa: {  	s1 =	rddreg [dreg:$0x3];
	_ =	strace $0x80000053;
	s30 =	sshrl.u32 s10, $0x2  }
0xb: {  	s28 =	sadd.s32 s9, s8;
	s13 =	ssub.s32 s29, s31;
	s5 =	sadd.s32 s30, s3  }
0xc: {  	s13 =	smax.u32 s13, $0x1;
	s11 =	sadd.s32 s7, s6;
	s7 =	sshrl.u32 s28, $0x3  }
0xd: {  	s8 =	sadd.s32 $0xC000, s5;
	s9 =	sadd.s32 $0x10000, s5;
	s20 =	sshrl.u32 s5, $0x3  }
0xe: {  	s12 =	sadd.s32 s7, s6;
	s6 =	sadd.s32 $0x4000, s5;
	s7 =	sadd.s32 $0x8000, s5  }
0xf: {  	v0 =	vimm.f32 $0.0e+00;
	s10 =	sadd.s32 $0x1C2C00, s11;
	s11 =	sadd.s32 $0x9800, s11;
	s12 =	sadd.s32 $0x61C00, s12  }
.LBB2_1:
0x10: {  	s21 =	simm.s32 $0x0;
	s22 =	simm.s32 $0x200  }
.LBB2_2:
0x11: {  	p0 =	sne.s32 s22, $0xFE00;
	[tilespmem:s21+$0x5070] =	vst v0  }
0x12: {  	[tilespmem:s21+$0x5000] =	vst v0  }
0x13: {  	[tilespmem:s21+$0x5010] =	vst v0  }
.Ltmp0:
0x14: {  	[tilespmem:s21+$0x5020] =	vst v0;
	(pc) =	sbr.rel @p0 .LBB2_2-.Ltmp0, $4  }
0x15: {  	[tilespmem:s21+$0x5030] =	vst v0  }
0x16: {  	[tilespmem:s21+$0x5040] =	vst v0  }
0x17: {  	[tilespmem:s21+$0x5050] =	vst v0  }
0x18: {  	[tilespmem:s21+$0x5060] =	vst v0;
	s21 =	sshra.s32 s22, $0x2;
	s22 =	sadd.s32 $0x200, s22  }
0x19: {  	[tilespmem:s21+$0x5070] =	vst v0  }
0x1a: {  	[tilespmem:s21+$0x5000] =	vst v0  }
0x1b: {  	[tilespmem:s21+$0x5010] =	vst v0  }
0x1c: {  	[tilespmem:s21+$0x5020] =	vst v0  }
0x1d: {  	[tilespmem:s21+$0x5030] =	vst v0  }
0x1e: {  	[tilespmem:s21+$0x5040] =	vst v0  }
0x1f: {  	[tilespmem:s21+$0x5050] =	vst v0  }
0x20: {  	[tilespmem:s21+$0x5060] =	vst v0  }
0x21: {  	[spmem:s5] =	stream.linear.scatter [tilespmem:s14], [sflag:$0x2], $0x4000, $0x38;
	[tilespmem:$0x1CC00] =	vst v63  }
0x22: {  	_ =	swait.ge [sflag:s15], $0x4000  }
0x23: {  	[sflag:s15] =	ssyncset.done $0x0  }
0x24: {  	[sflag:s15] =	ssyncadd.s32 $0xFFFFC000  }
0x25: {  	[spmem:s6] =	stream.linear.scatter [tilespmem:s14], [sflag:$0x2], $0x4000, $0x38;
	[tilespmem:$0x1CC00] =	vst v63  }
0x26: {  	_ =	swait.ge [sflag:s15], $0x4000  }
0x27: {  	[sflag:s15] =	ssyncset.done $0x0  }
0x28: {  	[sflag:s15] =	ssyncadd.s32 $0xFFFFC000  }
0x29: {  	[spmem:s7] =	stream.linear.scatter [tilespmem:s14], [sflag:$0x2], $0x4000, $0x38;
	[tilespmem:$0x1CC00] =	vst v63  }
0x2a: {  	_ =	swait.ge [sflag:s15], $0x4000  }
0x2b: {  	[sflag:s15] =	ssyncset.done $0x0  }
0x2c: {  	[sflag:s15] =	ssyncadd.s32 $0xFFFFC000  }
0x2d: {  	[spmem:s8] =	stream.linear.scatter [tilespmem:s14], [sflag:$0x2], $0x4000, $0x38;
	[tilespmem:$0x1CC00] =	vst v63  }
0x2e: {  	_ =	swait.ge [sflag:s15], $0x4000  }
0x2f: {  	[sflag:s15] =	ssyncset.done $0x0  }
0x30: {  	[sflag:s15] =	ssyncadd.s32 $0xFFFFC000  }
0x31: {  	[spmem:s9] =	stream.linear.scatter [tilespmem:s14], [sflag:$0x2], $0x3C00, $0x38;
	[tilespmem:$0x1CC00] =	vst v63  }
0x32: {  	_ =	swait.ge [sflag:s15], $0x3C00  }
0x33: {  	[sflag:s15] =	ssyncset.done $0x0  }
0x34: {  	s29 =	simm.s32 $0x0;
	[sflag:s15] =	ssyncadd.s32 $0xFFFFC400  }
0x35: {  	[tilespmem:s29], [sflag:$0x2] =	stream.linear.gather [hbm4b:s10+s29], $0x2780, $0x38;
	[tilespmem:$0x1CC00] =	vst v63  }
0x36: {  	_ =	swait.ge [sflag:s15], $0x2780  }
0x37: {  	[sflag:s15] =	ssyncset.done $0x0  }
0x38: {  	[sflag:s15] =	ssyncadd.s32 $0xFFFFD880  }
0x39: {  	[tilespmem:s16], [sflag:$0x2] =	stream.linear.gather [hbm4b:s11+s29], $0x2780, $0x38;
	[tilespmem:$0x1CC00] =	vst v63  }
0x3a: {  	_ =	swait.ge [sflag:s15], $0x2780  }
0x3b: {  	[sflag:s15] =	ssyncset.done $0x0  }
0x3c: {  	[sflag:s15] =	ssyncadd.s32 $0xFFFFD880  }
0x3d: {  	s30 =	simm.s32 $0x0;
	[bflag:$0x0] =	sbarrier.arrive $0xFFFF  }
0x3e: {  	[tilespmem:s14], [sflag:$0x1] =	stream.indirect.gather [hbm4b:s2+s17], $0x80, s30, s17, $0xb8;
	[tilespmem:$0x1CC00] =	vst v63  }
0x3f: {  	_ =	swait.ge [sflag:s18], $0x4000  }
0x40: {  	[sflag:s18] =	ssyncset.done $0x0  }
0x41: {  	s31 =	simm.s32 $0x2800;
	[sflag:s18] =	ssyncadd.s32 $0xFFFFC000  }
0x42: {  	[spmem:s3] =	stream.indirect.scatter.add.f32 [tilespmem:s14], [sflag:$0x2], $0x80, s31, s17, $0xb8;
	[tilespmem:$0x1CC00] =	vst v63  }
0x43: {  	_ =	swait.ge [sflag:s15], $0x4000  }
0x44: {  	s21 =	simm.s32 $0x200;
	s22 =	simm.s32 $0x400;
	[sflag:s15] =	ssyncset.done $0x0  }
.LBB2_4:
0x45: {  	s23 =	sshra.s32 s21, $0x2  }
0x46: {  	[sflag:s15] =	ssyncadd.s32 $0xFFFFC000;
	s21 =	smov.u32 s22;
	s24 =	sadd.s32 $0x200, s22  }
0x47: {  	[tilespmem:s14], [sflag:$0x1] =	stream.indirect.gather [hbm4b:s2+s17], $0x80, s23, s17, $0xb8;
	[tilespmem:$0x1CC00] =	vst v63  }
0x48: {  	p0 =	sne.s32 s22, $0x9C00;
	_ =	swait.ge [sflag:s18], $0x4000  }
.Ltmp1:
0x49: {  	[sflag:s18] =	ssyncset.done $0x0;
	(pc) =	sbr.rel @p0 .LBB2_4-.Ltmp1, $4  }
0x4a: {  	s22 =	sadd.s32 $0x2800, s23;
	[sflag:s18] =	ssyncadd.s32 $0xFFFFC000  }
0x4b: {  	[spmem:s3] =	stream.indirect.scatter.add.f32 [tilespmem:s14], [sflag:$0x2], $0x80, s22, s17, $0xb8;
	[tilespmem:$0x1CC00] =	vst v63  }
0x4c: {  	_ =	swait.ge [sflag:s15], $0x4000  }
0x4d: {  	s22 =	smov.u32 s24;
	[sflag:s15] =	ssyncset.done $0x0  }
0x4e: {  	s21 =	sshra.s32 s21, $0x2;
	[sflag:s15] =	ssyncadd.s32 $0xFFFFC000  }
0x4f: {  	[tilespmem:s14], [sflag:$0x1] =	stream.indirect.gather [hbm4b:s2+s17], $0x80, s21, s17, $0xb8;
	[tilespmem:$0x1CC00] =	vst v63  }
0x50: {  	_ =	swait.ge [sflag:s18], $0x4000  }
0x51: {  	[sflag:s18] =	ssyncset.done $0x0  }
0x52: {  	s21 =	sadd.s32 $0x2800, s21;
	[sflag:s18] =	ssyncadd.s32 $0xFFFFC000  }
0x53: {  	[spmem:s3] =	stream.indirect.scatter.add.f32 [tilespmem:s14], [sflag:$0x2], $0x80, s21, s17, $0xb8;
	[tilespmem:$0x1CC00] =	vst v63  }
0x54: {  	_ =	swait.ge [sflag:s15], $0x4000  }
0x55: {  	s4 =	sadd.s32 $0x1, s4;
	[sflag:s15] =	ssyncset.done $0x0  }
0x56: {  	p0 =	sne.s32 s4, s13;
	[sflag:s15] =	ssyncadd.s32 $0xFFFFC000  }
.Ltmp2:
0x57: {  	[bflag:$0x0] =	sbarrier.arrive $0xFFFF;
	(pc) =	sbr.rel @p0 .LBB2_1-.Ltmp2, $4  }
0x58: {  	[hbm:s12], [sflag:s19] =	dma.local [spmem:s20], $0x2780  }
0x59: {  	_ =	swait.ge [sflag:s15], $0x2780  }
0x5a: {  	[sflag:s15] =	ssyncset.done $0x0  }
0x5b: {  	[sflag:s15] =	ssyncadd.s32 $0xFFFFD880  }
0x5c: {  	_ =	sfence.sel $0x180000  }
0x5d: {  	[bflag:$0x0] =	sbarrier.arrive $0xFFFF  }
0x5e: {  	p0 =	sne.s32 s0, $0x0;
	_ =	strace $0x90000053  }
0x5f: {  	s0 =	sadd.s32 @!p0 $0x100000, s1;
	[bflag:$0x2] =	sbarrier.arrive $0xFFFF  }
0x60: {  	[sflag:s0] =	ssyncadd.tile.s32 @!p0 $0x1;
	_ =	shalt  }
.Lfunc_end2:
_tile_overlayer_lowered:
.L_overlay_start_2:
0x61: {  	(tag) =	ssettag $0x2  }
0x62: {  	s0 =	rddreg [dreg:$0x0];
	s2 =	stileid.u32  }
0x63: {  	s1 =	rddreg [dreg:$0x1];
	p0 =	sne.s32 s2, $0x0  }
0x64: {  	s3 =	rddreg [dreg:$0x2];
	[bflag:$0x3] =	sbarrier.arrive $0xFFFF;
	s2 =	simm.s32 @!p0 $0x1C02  }
0x65: {  	[timem:s3], [sflag:s2] =	dma.local @!p0 [hbm:s0], s1  }
0x66: {  	s0 =	simm.s32 @!p0 $0x2  }
0x67: {  	_ =	swait.ge @!p0 [sflag:s0], s1  }
0x68: {  	s1 =	ssub.s32 @!p0 $0x0, s1;
	[sflag:s0] =	ssyncset.done @!p0 $0x0  }
0x69: {  	[sflag:s0] =	ssyncadd.s32 @!p0 s1  }
0x6a: {  	[bflag:$0x3] =	sbarrier.arrive $0xFFFF  }
0x6b: {  	_ =	shalt  }

// kernel: kernel.42.cloned.1.call-start
scs
__scs_entry_jumppad:
0x0: {  	(pc) =	sbr.rel $0x88, $3  }
0x1: {  	(tag) =	ssettag $0x0;
	lr =	simm.s32 $0x1  }
0x2: {  	[smem:$0x3F88] =	sst lr;
	_ =	strace $0xD0000000  }
0x3: {  	_ = 	snop  }
0x4: {  	_ = 	snop  }
0x5: {  	_ = 	snop  }
0x6: {  	_ = 	snop  }
0x7: {  	_ = 	snop  }
__scs_overlays_trampoline_lowered:
0x8: {  	[smem:$0x3F97] =	sst s0  }
0x9: {  	[smem:$0x3F98] =	sst s1  }
0xa: {  	[smem:$0x3F99] =	sst s2  }
0xb: {  	[smem:$0x3F9A] =	sst s3  }
0xc: {  	[smem:$0x3F9B] =	sst s4  }
0xd: {  	[smem:$0x3F9C] =	sst s5  }
0xe: {  	[smem:$0x3F9D] =	sst s6  }
0xf: {  	[smem:$0x3F9E] =	sst s7  }
0x10: {  	[smem:$0x3F9F] =	sst s8  }
0x11: {  	[smem:$0x3FA0] =	sst s9;
	s0 =	simm.s32 @!p0 $0x0  }
0x12: {  	s1 =	sld [smem:$0x3F86];
	s0 =	simm.s32 @p0 $0x1  }
0x13: {  	[smem:$0x3FA1] =	sst s0;
	s0 =	simm.s32 @!p1 $0x0  }
0x14: {  	s2 =	sld [smem:$0x3F85];
	s0 =	simm.s32 @p1 $0x1  }
0x15: {  	[smem:$0x3FA2] =	sst s0;
	s0 =	simm.s32 @!p2 $0x0  }
0x16: {  	s3 =	sld [smem:$0x3FDB];
	s0 =	simm.s32 @p2 $0x1  }
0x17: {  	s4 =	simm.s32 $0x1BF5;
	[smem:$0x3FA4] =	sst s0  }
0x18: {  	s0 =	sld [smem:$0x3F87];
	_ =	swait.ge [sflag:s4], $0x0  }
0x19: {  	s7 =	sld [smem:$0x3F88]  }
0x1a: {  	s8 =	sadd.s32 $0xFFFFE003, lr  }
0x1b: {  	s9 =	sadd.s32 $0xFFFFFEF7, lr;
	s5 =	simm.s32 $0xFFFFFFFF;
	p2 =	slt.u32 s8, $0xFFFFF086  }
0x1c: {  	p1 =	slt.u32 s9, $0xF7A;
	s5 =	simm.s32 @!p2 $0x0  }
0x1d: {  	s5 =	simm.s32 @p1 $0x1;
	p0 =	seq.s32 s7, s2  }
0x1e: {  	s7 =	smul.u32 @!p0 $0xF7A, s2;
	p2 =	seq.s32 @!p0 s5, $0x0  }
0x1f: {  	s9 =	smul.u32 $0xF7A, s1;
	s8 =	simm.s32 @!p0 $0x1BF5;
	p2 =	por !p2, p0  }
0x20: {  	[sflag:s8] =	ssyncset.s32 @!p0 $0xFFFFF086;
	s6 =	sadd.s32 @!p0 s3, s7;
	s7 =	simm.s32 @!p0 $0x108  }
0x21: {  	s3 =	sadd.s32 s3, s9;
	s6 =	sadd.s32 @!p0 $0x88, s6;
	s7 =	simm.s32 @p2 $0x1082  }
0x22: {  	[simem:s7], [sflag:s8] =	dma.local @!p0 [hbm:s6], $0xF7A  }
0x23: {  	s9 =	sor.u32 $0xD0000000, s2;
	s6 =	simm.s32 $0x108;
	_ =	swait.ge @!p0 [sflag:s8], $0x0  }
0x24: {  	s3 =	sadd.s32 $0x88, s3;
	s6 =	simm.s32 @!p1 $0x1082;
	[sflag:s4] =	ssyncset.s32 $0xFFFFF086  }
0x25: {  	[simem:s6], [sflag:s4] =	dma.local [hbm:s3], $0xF7A  }
0x26: {  	[smem:$0x3F88] =	sst s1;
	(tag) =	ssettag s2;
	_ =	strace s9  }
0x27: {  	s1 =	sld [smem:$0x3F98]  }
0x28: {  	s2 =	sld [smem:$0x3F99]  }
0x29: {  	s4 =	sld [smem:$0x3F9B]  }
0x2a: {  	p0 =	seq.s32 s5, $0x0;
	s5 =	sld [smem:$0x3F9C]  }
0x2b: {  	s6 =	sld [smem:$0x3F9D]  }
0x2c: {  	s7 =	sld [smem:$0x3F9E]  }
0x2d: {  	s3 =	simm.s32 $0x108;
	s8 =	sld [smem:$0x3F9F]  }
0x2e: {  	s3 =	simm.s32 @!p0 $0x1082;
	s9 =	sld [smem:$0x3FA0]  }
0x2f: {  	lr =	sadd.s32 s0, s3;
	s0 =	sld [smem:$0x3F97]  }
0x30: {  	s3 =	sld [smem:$0x3F9A]  }
0x31: {  	[smem:$0x3FA3] =	sst s10  }
0x32: {  	s10 =	sld [smem:$0x3FA1];
	_ =	sdelay $0x3  }
0x33: {  	p0 =	seq.s32 s10, $0x1;
	s10 =	sld [smem:$0x3FA3];
	_ =	sdelay $0x3  }
0x34: {  	[smem:$0x3FA3] =	sst s10  }
0x35: {  	s10 =	sld [smem:$0x3FA2];
	_ =	sdelay $0x3  }
0x36: {  	p1 =	seq.s32 s10, $0x1;
	s10 =	sld [smem:$0x3FA3];
	_ =	sdelay $0x3  }
0x37: {  	[smem:$0x3FA3] =	sst s10  }
0x38: {  	s10 =	sld [smem:$0x3FA4]  }
0x39: {  	_ = 	snop;
	(pc) =	sbr.ind lr, $3  }
0x3a: {  	_ = 	snop  }
0x3b: {  	_ = 	snop  }
0x3c: {  	p2 =	seq.s32 s10, $0x1;
	s10 =	sld [smem:$0x3FA3]  }
0x3d: {  	_ =	shalt  }
0x3e: {  	_ =	shalt  }
0x3f: {  	_ =	shalt  }
0x40: {  	_ =	shalt  }
0x41: {  	_ =	shalt  }
0x42: {  	_ =	shalt  }
0x43: {  	_ =	shalt  }
0x44: {  	_ =	shalt  }
0x45: {  	_ =	shalt  }
0x46: {  	_ =	shalt  }
0x47: {  	_ =	shalt  }
0x48: {  	_ =	shalt  }
0x49: {  	_ =	shalt  }
0x4a: {  	_ =	shalt  }
0x4b: {  	_ =	shalt  }
0x4c: {  	_ =	shalt  }
0x4d: {  	_ =	shalt  }
0x4e: {  	_ =	shalt  }
0x4f: {  	_ =	shalt  }
0x50: {  	_ =	shalt  }
0x51: {  	_ =	shalt  }
0x52: {  	_ =	shalt  }
0x53: {  	_ =	shalt  }
0x54: {  	_ =	shalt  }
0x55: {  	_ =	shalt  }
0x56: {  	_ =	shalt  }
0x57: {  	_ =	shalt  }
0x58: {  	_ =	shalt  }
0x59: {  	_ =	shalt  }
0x5a: {  	_ =	shalt  }
0x5b: {  	_ =	shalt  }
0x5c: {  	_ =	shalt  }
0x5d: {  	_ =	shalt  }
0x5e: {  	_ =	shalt  }
0x5f: {  	_ =	shalt  }
0x60: {  	_ =	shalt  }
0x61: {  	_ =	shalt  }
0x62: {  	_ =	shalt  }
0x63: {  	_ =	shalt  }
0x64: {  	_ =	shalt  }
0x65: {  	_ =	shalt  }
0x66: {  	_ =	shalt  }
0x67: {  	_ =	shalt  }
0x68: {  	_ =	shalt  }
0x69: {  	_ =	shalt  }
0x6a: {  	_ =	shalt  }
0x6b: {  	_ =	shalt  }
0x6c: {  	_ =	shalt  }
0x6d: {  	_ =	shalt  }
0x6e: {  	_ =	shalt  }
0x6f: {  	_ =	shalt  }
0x70: {  	_ =	shalt  }
0x71: {  	_ =	shalt  }
0x72: {  	_ =	shalt  }
0x73: {  	_ =	shalt  }
0x74: {  	_ =	shalt  }
0x75: {  	_ =	shalt  }
0x76: {  	_ =	shalt  }
0x77: {  	_ =	shalt  }
0x78: {  	_ =	shalt  }
0x79: {  	_ =	shalt  }
0x7a: {  	_ =	shalt  }
0x7b: {  	_ =	shalt  }
0x7c: {  	_ =	shalt  }
0x7d: {  	_ =	shalt  }
0x7e: {  	_ =	shalt  }
0x7f: {  	_ =	shalt  }
0x80: {  	_ =	shalt  }
0x81: {  	_ =	shalt  }
0x82: {  	_ =	shalt  }
0x83: {  	_ =	shalt  }
0x84: {  	_ =	shalt  }
0x85: {  	_ =	shalt  }
0x86: {  	_ =	shalt  }
0x87: {  	_ =	shalt  }
.Lfunc_end0:
.L_simem_size_0:
called_computation.5_lowered:
.L_overlay_start_0:
0x88: {  	s2 =	sld [smem:$0x3FD9]  }
0x89: {  	s3 =	sld [smem:$0x3FFE];
	_ =	sdelay $0x1  }
0x8a: {  	s1 =	srdreg.scid  }
0x8b: {  	s0 =	sand.u32 $0x1, s1  }
0x8c: {  	s14 =	sshll.u32 s0, $0xA;
	s2 =	sadd.s32 s3, s2  }
0x8d: {  	s2 =	sadd.s32 s2, s14  }
0x8e: {  	[smem:$0x3FAF] =	sst s2  }
0x8f: {  	_ = 	snop  }
0x90: {  	s2 =	sld [smem:$0x3FD0];
	_ =	sdelay $0x2  }
0x91: {  	s15 =	simm.s32 $0xA;
	s4 =	simm.s32 $0x10  }
0x92: {  	[smem:s4], [sflag:s15] =	dma.local [hbm:s2], $0x1  }
0x93: {  	_ =	swait.eq [sflag:s15], $0x1  }
0x94: {  	[sflag:s15] =	ssyncset.done $0x0  }
0x95: {  	[sflag:s15] =	ssyncadd.s32 $0xFFFFFFFF  }
0x96: {  	s16 =	sld [smem:$0x13];
	(tm) =	ssettm $0x1  }
0x97: {  	s17 =	sld [smem:$0x3FFB];
	_ =	sdelay $0x3  }
0x98: {  	_ =	strace s17  }
0x99: {  	s3 =	sld [smem:$0x3FFC];
	_ =	sdelay $0x3  }
0x9a: {  	_ =	strace s3  }
0x9b: {  	s3 =	sld [smem:$0x3FFD];
	_ =	sdelay $0x3  }
0x9c: {  	_ =	strace s3  }
0x9d: {  	_ =	strace $0x8FFFFFFF  }
0x9e: {  	s18 =	sld [smem:$0x3FDB];
	_ =	sdelay $0x1  }
0x9f: {  	s19 =	simm.s32 $_scs_section_size  }
0xa0: {  	s5 =	simm.s32 $_size__tile_overlayer_lowered;
	s6 =	simm.s32 $_tile_overlayer_lowered  }
0xa1: {  	s22 =	simm.s32 $0x1BFF;
	s21 =	sshll.u32 s6, $0x1;
	s3 =	sadd.s32 s19, s18  }
0xa2: {  	s7 =	simm.s32 $0x0;
	s20 =	sshll.u32 s5, $0x1;
	s5 =	sadd.s32 s21, s3  }
0xa3: {  	[timem:s7], [sflag:s22] =	dma.local [hbm:s5], s20  }
0xa4: {  	_ =	swait.ge [sflag:s22], s20  }
0xa5: {  	s4 =	ssub.s32 $0x0, s20;
	[sflag:s22] =	ssyncset.done $0x0  }
0xa6: {  	[sflag:s22] =	ssyncadd.s32 s4;
	_ =	sdelay $0x1  }
0xa7: {  	s23 =	simm.s32 $0x1B8B  }
0xa8: {  	_ =	swait.ge [sflag:s23], $0x1  }
0xa9: {  	[sflag:s23] =	ssyncset.done $0x0  }
0xaa: {  	s25 =	simm.s32 $0x1B8E;
	s24 =	sld [smem:$0x3FFE];
	[sflag:s23] =	ssyncadd.s32 $0xFFFFFFFF  }
0xab: {  	s26 =	simm.s32 $execute0_lowered;
	[smem:$0x3FD2] =	sst s25  }
0xac: {  	s5 =	sshll.u32 s26, $0x1;
	_ =	strace $0x80000055;
	[dreg:$0x1] =	wrdreg $0xFFFFFFFF  }
0xad: {  	s28 =	simm.s32 $_size_execute0_lowered;
	s3 =	sadd.s32 s3, s5;
	[dreg:$0x0] =	wrdreg $0x0  }
0xae: {  	s5 =	sshll.u32 s28, $0x1;
	[dreg:$0x2] =	wrdreg s3  }
0xaf: {  	[dreg:$0x3] =	wrdreg s5  }
0xb0: {  	[dreg:$0x4] =	wrdreg $0xC0  }
0xb1: {  	_ =	task [dreg:s7], $0x5FFFF  }
0xb2: {  	[dreg:$0x1] =	wrdreg $0xFFFFFFFF  }
0xb3: {  	[dreg:$0x0] =	wrdreg $0x60  }
0xb4: {  	[dreg:$0x2] =	wrdreg s16  }
0xb5: {  	[dreg:$0x3] =	wrdreg s24  }
0xb6: {  	[dreg:$0x4] =	wrdreg $0x90000  }
0xb7: {  	[dreg:$0x5] =	wrdreg $0x9  }
0xb8: {  	_ =	task.clear_ibuf [dreg:s7], $0x6FFFF;
	_ =	strace $0x90000055  }
0xb9: {  	s29 =	simm.s32 $0x9;
	_ =	strace $0x80000057  }
0xba: {  	_ =	swait.ge [sflag:s29], $0x1  }
0xbb: {  	[sflag:s29] =	ssyncadd.s32 $0xFFFFFFFF  }
0xbc: {  	_ =	strace $0x90000057  }
0xbd: {  	_ =	sfence  }
0xbe: {  	s30 =	sld [smem:$0x0];
	_ =	sdelay $0x2  }
0xbf: {  	s31 =	sshll.u32 s1, $0xD;
	s1 =	sshrl.u32 s1, $0x2  }
0xc0: {  	s3 =	sand.u32 $0x4000, s31;
	s1 =	sadd.s32 s1, s30  }
0xc1: {  	s0 =	sor.u32 s3, s0;
	s1 =	sshll.u32 s1, $0x11  }
0xc2: {  	s0 =	sor.u32 s1, s0  }
0xc3: {  	s0 =	sadd.s32 $0x8F2B, s0  }
0xc4: {  	[sflag:s0] =	ssyncadd.remote.s32 $0x1  }
0xc5: {  	_ =	sfence.sel $0xFFFF  }
0xc6: {  	[dreg:$0x0] =	wrdreg $0xFFFFFFFF;
	(pc) =	sbr.abs _section_cstart, $3  }
0xc7: {  	[dreg:$0x1] =	wrdreg $0xFFFFFFFF  }
0xc8: {  	_ =	task.clear_ibuf [dreg:s7], $0x2FFFF;
	_ =	strace $0x9FFFFFFF  }
0xc9: {  	(tm) =	ssettm $0x7FFFFFFF  }
tec
execute0_lowered:
.L_overlay_start_1:
0x0: {  	(tag) =	ssettag $0x1  }
0x1: {  	s2 =	rddreg [dreg:$0x0]  }
0x2: {  	s6 =	rddreg [dreg:$0x1]  }
0x3: {  	s0 =	srdreg.scid;
	s3 =	rddreg [dreg:$0x2];
	s4 =	simm.s32 $0x0  }
0x4: {  	s14 =	simm.s32 $0x5000;
	s15 =	simm.s32 $0x2;
	s5 =	sand.u32 $0x1, s0  }
0x5: {  	s16 =	simm.s32 $0x2800;
	s0 =	stileid.u32;
	s8 =	smul.u32 $0x13C000, s5  }
0x6: {  	s17 =	simm.s32 $0x80;
	s18 =	simm.s32 $0x1;
	s9 =	smul.u32 $0x13C00, s0  }
0x7: {  	[smem:$0x7FF] =	sst s4;
	s1 =	sshll.u32 s5, $0x4;
	s10 =	smul.u32 $0x4F000, s0  }
0x8: {  	s29 =	ssub.s32 $0x2, s5;
	s19 =	sshll.u32 s0, $0x6;
	s1 =	sor.u32 s0, s1  }
0x9: {  	s31 =	sshrl.u32 s29, $0x1;
	s19 =	sor.u32 $0x1C02, s19;
	s7 =	smul.u32 $0x500, s1  }
0xa: {  	s1 =	rddreg [dreg:$0x3];
	_ =	strace $0x80000056;
	s30 =	sshrl.u32 s10, $0x2  }
0xb: {  	s28 =	sadd.s32 s9, s8;
	s13 =	ssub.s32 s29, s31;
	s5 =	sadd.s32 s30, s3  }
0xc: {  	s13 =	smax.u32 s13, $0x1;
	s11 =	sadd.s32 s7, s6;
	s7 =	sshrl.u32 s28, $0x3  }
0xd: {  	s8 =	sadd.s32 $0xC000, s5;
	s9 =	sadd.s32 $0x10000, s5;
	s20 =	sshrl.u32 s5, $0x3  }
0xe: {  	s12 =	sadd.s32 s7, s6;
	s6 =	sadd.s32 $0x4000, s5;
	s7 =	sadd.s32 $0x8000, s5  }
0xf: {  	v0 =	vimm.f32 $0.0e+00;
	s10 =	sadd.s32 $0x1C2C00, s11;
	s11 =	sadd.s32 $0x9800, s11;
	s12 =	sadd.s32 $0x61C00, s12  }
.LBB2_1:
0x10: {  	s21 =	simm.s32 $0x0;
	s22 =	simm.s32 $0x200  }
.LBB2_2:
0x11: {  	p0 =	sne.s32 s22, $0xFE00;
	[tilespmem:s21+$0x5070] =	vst v0  }
0x12: {  	[tilespmem:s21+$0x5000] =	vst v0  }
0x13: {  	[tilespmem:s21+$0x5010] =	vst v0  }
.Ltmp0:
0x14: {  	[tilespmem:s21+$0x5020] =	vst v0;
	(pc) =	sbr.rel @p0 .LBB2_2-.Ltmp0, $4  }
0x15: {  	[tilespmem:s21+$0x5030] =	vst v0  }
0x16: {  	[tilespmem:s21+$0x5040] =	vst v0  }
0x17: {  	[tilespmem:s21+$0x5050] =	vst v0  }
0x18: {  	[tilespmem:s21+$0x5060] =	vst v0;
	s21 =	sshra.s32 s22, $0x2;
	s22 =	sadd.s32 $0x200, s22  }
0x19: {  	[tilespmem:s21+$0x5070] =	vst v0  }
0x1a: {  	[tilespmem:s21+$0x5000] =	vst v0  }
0x1b: {  	[tilespmem:s21+$0x5010] =	vst v0  }
0x1c: {  	[tilespmem:s21+$0x5020] =	vst v0  }
0x1d: {  	[tilespmem:s21+$0x5030] =	vst v0  }
0x1e: {  	[tilespmem:s21+$0x5040] =	vst v0  }
0x1f: {  	[tilespmem:s21+$0x5050] =	vst v0  }
0x20: {  	[tilespmem:s21+$0x5060] =	vst v0  }
0x21: {  	[spmem:s5] =	stream.linear.scatter [tilespmem:s14], [sflag:$0x2], $0x4000, $0x38;
	[tilespmem:$0x1CC00] =	vst v63  }
0x22: {  	_ =	swait.ge [sflag:s15], $0x4000  }
0x23: {  	[sflag:s15] =	ssyncset.done $0x0  }
0x24: {  	[sflag:s15] =	ssyncadd.s32 $0xFFFFC000  }
0x25: {  	[spmem:s6] =	stream.linear.scatter [tilespmem:s14], [sflag:$0x2], $0x4000, $0x38;
	[tilespmem:$0x1CC00] =	vst v63  }
0x26: {  	_ =	swait.ge [sflag:s15], $0x4000  }
0x27: {  	[sflag:s15] =	ssyncset.done $0x0  }
0x28: {  	[sflag:s15] =	ssyncadd.s32 $0xFFFFC000  }
0x29: {  	[spmem:s7] =	stream.linear.scatter [tilespmem:s14], [sflag:$0x2], $0x4000, $0x38;
	[tilespmem:$0x1CC00] =	vst v63  }
0x2a: {  	_ =	swait.ge [sflag:s15], $0x4000  }
0x2b: {  	[sflag:s15] =	ssyncset.done $0x0  }
0x2c: {  	[sflag:s15] =	ssyncadd.s32 $0xFFFFC000  }
0x2d: {  	[spmem:s8] =	stream.linear.scatter [tilespmem:s14], [sflag:$0x2], $0x4000, $0x38;
	[tilespmem:$0x1CC00] =	vst v63  }
0x2e: {  	_ =	swait.ge [sflag:s15], $0x4000  }
0x2f: {  	[sflag:s15] =	ssyncset.done $0x0  }
0x30: {  	[sflag:s15] =	ssyncadd.s32 $0xFFFFC000  }
0x31: {  	[spmem:s9] =	stream.linear.scatter [tilespmem:s14], [sflag:$0x2], $0x3C00, $0x38;
	[tilespmem:$0x1CC00] =	vst v63  }
0x32: {  	_ =	swait.ge [sflag:s15], $0x3C00  }
0x33: {  	[sflag:s15] =	ssyncset.done $0x0  }
0x34: {  	s29 =	simm.s32 $0x0;
	[sflag:s15] =	ssyncadd.s32 $0xFFFFC400  }
0x35: {  	[tilespmem:s29], [sflag:$0x2] =	stream.linear.gather [hbm4b:s10+s29], $0x2780, $0x38;
	[tilespmem:$0x1CC00] =	vst v63  }
0x36: {  	_ =	swait.ge [sflag:s15], $0x2780  }
0x37: {  	[sflag:s15] =	ssyncset.done $0x0  }
0x38: {  	[sflag:s15] =	ssyncadd.s32 $0xFFFFD880  }
0x39: {  	[tilespmem:s16], [sflag:$0x2] =	stream.linear.gather [hbm4b:s11+s29], $0x2780, $0x38;
	[tilespmem:$0x1CC00] =	vst v63  }
0x3a: {  	_ =	swait.ge [sflag:s15], $0x2780  }
0x3b: {  	[sflag:s15] =	ssyncset.done $0x0  }
0x3c: {  	[sflag:s15] =	ssyncadd.s32 $0xFFFFD880  }
0x3d: {  	s30 =	simm.s32 $0x0;
	[bflag:$0x0] =	sbarrier.arrive $0xFFFF  }
0x3e: {  	[tilespmem:s14], [sflag:$0x1] =	stream.indirect.gather [hbm4b:s2+s17], $0x80, s30, s17, $0xb8;
	[tilespmem:$0x1CC00] =	vst v63  }
0x3f: {  	_ =	swait.ge [sflag:s18], $0x4000  }
0x40: {  	[sflag:s18] =	ssyncset.done $0x0  }
0x41: {  	s31 =	simm.s32 $0x2800;
	[sflag:s18] =	ssyncadd.s32 $0xFFFFC000  }
0x42: {  	[spmem:s3] =	stream.indirect.scatter.add.f32 [tilespmem:s14], [sflag:$0x2], $0x80, s31, s17, $0xb8;
	[tilespmem:$0x1CC00] =	vst v63  }
0x43: {  	_ =	swait.ge [sflag:s15], $0x4000  }
0x44: {  	s21 =	simm.s32 $0x200;
	s22 =	simm.s32 $0x400;
	[sflag:s15] =	ssyncset.done $0x0  }
.LBB2_4:
0x45: {  	s23 =	sshra.s32 s21, $0x2  }
0x46: {  	[sflag:s15] =	ssyncadd.s32 $0xFFFFC000;
	s21 =	smov.u32 s22;
	s24 =	sadd.s32 $0x200, s22  }
0x47: {  	[tilespmem:s14], [sflag:$0x1] =	stream.indirect.gather [hbm4b:s2+s17], $0x80, s23, s17, $0xb8;
	[tilespmem:$0x1CC00] =	vst v63  }
0x48: {  	p0 =	sne.s32 s22, $0x9C00;
	_ =	swait.ge [sflag:s18], $0x4000  }
.Ltmp1:
0x49: {  	[sflag:s18] =	ssyncset.done $0x0;
	(pc) =	sbr.rel @p0 .LBB2_4-.Ltmp1, $4  }
0x4a: {  	s22 =	sadd.s32 $0x2800, s23;
	[sflag:s18] =	ssyncadd.s32 $0xFFFFC000  }
0x4b: {  	[spmem:s3] =	stream.indirect.scatter.add.f32 [tilespmem:s14], [sflag:$0x2], $0x80, s22, s17, $0xb8;
	[tilespmem:$0x1CC00] =	vst v63  }
0x4c: {  	_ =	swait.ge [sflag:s15], $0x4000  }
0x4d: {  	s22 =	smov.u32 s24;
	[sflag:s15] =	ssyncset.done $0x0  }
0x4e: {  	s21 =	sshra.s32 s21, $0x2;
	[sflag:s15] =	ssyncadd.s32 $0xFFFFC000  }
0x4f: {  	[tilespmem:s14], [sflag:$0x1] =	stream.indirect.gather [hbm4b:s2+s17], $0x80, s21, s17, $0xb8;
	[tilespmem:$0x1CC00] =	vst v63  }
0x50: {  	_ =	swait.ge [sflag:s18], $0x4000  }
0x51: {  	[sflag:s18] =	ssyncset.done $0x0  }
0x52: {  	s21 =	sadd.s32 $0x2800, s21;
	[sflag:s18] =	ssyncadd.s32 $0xFFFFC000  }
0x53: {  	[spmem:s3] =	stream.indirect.scatter.add.f32 [tilespmem:s14], [sflag:$0x2], $0x80, s21, s17, $0xb8;
	[tilespmem:$0x1CC00] =	vst v63  }
0x54: {  	_ =	swait.ge [sflag:s15], $0x4000  }
0x55: {  	s4 =	sadd.s32 $0x1, s4;
	[sflag:s15] =	ssyncset.done $0x0  }
0x56: {  	p0 =	sne.s32 s4, s13;
	[sflag:s15] =	ssyncadd.s32 $0xFFFFC000  }
.Ltmp2:
0x57: {  	[bflag:$0x0] =	sbarrier.arrive $0xFFFF;
	(pc) =	sbr.rel @p0 .LBB2_1-.Ltmp2, $4  }
0x58: {  	[hbm:s12], [sflag:s19] =	dma.local [spmem:s20], $0x2780  }
0x59: {  	_ =	swait.ge [sflag:s15], $0x2780  }
0x5a: {  	[sflag:s15] =	ssyncset.done $0x0  }
0x5b: {  	[sflag:s15] =	ssyncadd.s32 $0xFFFFD880  }
0x5c: {  	_ =	sfence.sel $0x180000  }
0x5d: {  	[bflag:$0x0] =	sbarrier.arrive $0xFFFF  }
0x5e: {  	p0 =	sne.s32 s0, $0x0;
	_ =	strace $0x90000056  }
0x5f: {  	s0 =	sadd.s32 @!p0 $0x100000, s1;
	[bflag:$0x2] =	sbarrier.arrive $0xFFFF  }
0x60: {  	[sflag:s0] =	ssyncadd.tile.s32 @!p0 $0x1;
	_ =	shalt  }
.Lfunc_end2:
_tile_overlayer_lowered:
.L_overlay_start_2:
0x61: {  	(tag) =	ssettag $0x2  }
0x62: {  	s0 =	rddreg [dreg:$0x0];
	s2 =	stileid.u32  }
0x63: {  	s1 =	rddreg [dreg:$0x1];
	p0 =	sne.s32 s2, $0x0  }
0x64: {  	s3 =	rddreg [dreg:$0x2];
	[bflag:$0x3] =	sbarrier.arrive $0xFFFF;
	s2 =	simm.s32 @!p0 $0x1C02  }
0x65: {  	[timem:s3], [sflag:s2] =	dma.local @!p0 [hbm:s0], s1  }
0x66: {  	s0 =	simm.s32 @!p0 $0x2  }
0x67: {  	_ =	swait.ge @!p0 [sflag:s0], s1  }
0x68: {  	s1 =	ssub.s32 @!p0 $0x0, s1;
	[sflag:s0] =	ssyncset.done @!p0 $0x0  }
0x69: {  	[sflag:s0] =	ssyncadd.s32 @!p0 s1  }
0x6a: {  	[bflag:$0x3] =	sbarrier.arrive $0xFFFF  }
0x6b: {  	_ =	shalt  }

// kernel: kernel.45.cloned.1.call-start
scs
__scs_entry_jumppad:
0x0: {  	(pc) =	sbr.rel $0x88, $3  }
0x1: {  	(tag) =	ssettag $0x0;
	lr =	simm.s32 $0x1  }
0x2: {  	[smem:$0x3F88] =	sst lr;
	_ =	strace $0xD0000000  }
0x3: {  	_ = 	snop  }
0x4: {  	_ = 	snop  }
0x5: {  	_ = 	snop  }
0x6: {  	_ = 	snop  }
0x7: {  	_ = 	snop  }
__scs_overlays_trampoline_lowered:
0x8: {  	[smem:$0x3F97] =	sst s0  }
0x9: {  	[smem:$0x3F98] =	sst s1  }
0xa: {  	[smem:$0x3F99] =	sst s2  }
0xb: {  	[smem:$0x3F9A] =	sst s3  }
0xc: {  	[smem:$0x3F9B] =	sst s4  }
0xd: {  	[smem:$0x3F9C] =	sst s5  }
0xe: {  	[smem:$0x3F9D] =	sst s6  }
0xf: {  	[smem:$0x3F9E] =	sst s7  }
0x10: {  	[smem:$0x3F9F] =	sst s8  }
0x11: {  	[smem:$0x3FA0] =	sst s9;
	s0 =	simm.s32 @!p0 $0x0  }
0x12: {  	s1 =	sld [smem:$0x3F86];
	s0 =	simm.s32 @p0 $0x1  }
0x13: {  	[smem:$0x3FA1] =	sst s0;
	s0 =	simm.s32 @!p1 $0x0  }
0x14: {  	s2 =	sld [smem:$0x3F85];
	s0 =	simm.s32 @p1 $0x1  }
0x15: {  	[smem:$0x3FA2] =	sst s0;
	s0 =	simm.s32 @!p2 $0x0  }
0x16: {  	s3 =	sld [smem:$0x3FDB];
	s0 =	simm.s32 @p2 $0x1  }
0x17: {  	s4 =	simm.s32 $0x1BF5;
	[smem:$0x3FA4] =	sst s0  }
0x18: {  	s0 =	sld [smem:$0x3F87];
	_ =	swait.ge [sflag:s4], $0x0  }
0x19: {  	s7 =	sld [smem:$0x3F88]  }
0x1a: {  	s8 =	sadd.s32 $0xFFFFE003, lr  }
0x1b: {  	s9 =	sadd.s32 $0xFFFFFEF7, lr;
	s5 =	simm.s32 $0xFFFFFFFF;
	p2 =	slt.u32 s8, $0xFFFFF086  }
0x1c: {  	p1 =	slt.u32 s9, $0xF7A;
	s5 =	simm.s32 @!p2 $0x0  }
0x1d: {  	s5 =	simm.s32 @p1 $0x1;
	p0 =	seq.s32 s7, s2  }
0x1e: {  	s7 =	smul.u32 @!p0 $0xF7A, s2;
	p2 =	seq.s32 @!p0 s5, $0x0  }
0x1f: {  	s9 =	smul.u32 $0xF7A, s1;
	s8 =	simm.s32 @!p0 $0x1BF5;
	p2 =	por !p2, p0  }
0x20: {  	[sflag:s8] =	ssyncset.s32 @!p0 $0xFFFFF086;
	s6 =	sadd.s32 @!p0 s3, s7;
	s7 =	simm.s32 @!p0 $0x108  }
0x21: {  	s3 =	sadd.s32 s3, s9;
	s6 =	sadd.s32 @!p0 $0x88, s6;
	s7 =	simm.s32 @p2 $0x1082  }
0x22: {  	[simem:s7], [sflag:s8] =	dma.local @!p0 [hbm:s6], $0xF7A  }
0x23: {  	s9 =	sor.u32 $0xD0000000, s2;
	s6 =	simm.s32 $0x108;
	_ =	swait.ge @!p0 [sflag:s8], $0x0  }
0x24: {  	s3 =	sadd.s32 $0x88, s3;
	s6 =	simm.s32 @!p1 $0x1082;
	[sflag:s4] =	ssyncset.s32 $0xFFFFF086  }
0x25: {  	[simem:s6], [sflag:s4] =	dma.local [hbm:s3], $0xF7A  }
0x26: {  	[smem:$0x3F88] =	sst s1;
	(tag) =	ssettag s2;
	_ =	strace s9  }
0x27: {  	s1 =	sld [smem:$0x3F98]  }
0x28: {  	s2 =	sld [smem:$0x3F99]  }
0x29: {  	s4 =	sld [smem:$0x3F9B]  }
0x2a: {  	p0 =	seq.s32 s5, $0x0;
	s5 =	sld [smem:$0x3F9C]  }
0x2b: {  	s6 =	sld [smem:$0x3F9D]  }
0x2c: {  	s7 =	sld [smem:$0x3F9E]  }
0x2d: {  	s3 =	simm.s32 $0x108;
	s8 =	sld [smem:$0x3F9F]  }
0x2e: {  	s3 =	simm.s32 @!p0 $0x1082;
	s9 =	sld [smem:$0x3FA0]  }
0x2f: {  	lr =	sadd.s32 s0, s3;
	s0 =	sld [smem:$0x3F97]  }
0x30: {  	s3 =	sld [smem:$0x3F9A]  }
0x31: {  	[smem:$0x3FA3] =	sst s10  }
0x32: {  	s10 =	sld [smem:$0x3FA1];
	_ =	sdelay $0x3  }
0x33: {  	p0 =	seq.s32 s10, $0x1;
	s10 =	sld [smem:$0x3FA3];
	_ =	sdelay $0x3  }
0x34: {  	[smem:$0x3FA3] =	sst s10  }
0x35: {  	s10 =	sld [smem:$0x3FA2];
	_ =	sdelay $0x3  }
0x36: {  	p1 =	seq.s32 s10, $0x1;
	s10 =	sld [smem:$0x3FA3];
	_ =	sdelay $0x3  }
0x37: {  	[smem:$0x3FA3] =	sst s10  }
0x38: {  	s10 =	sld [smem:$0x3FA4]  }
0x39: {  	_ = 	snop;
	(pc) =	sbr.ind lr, $3  }
0x3a: {  	_ = 	snop  }
0x3b: {  	_ = 	snop  }
0x3c: {  	p2 =	seq.s32 s10, $0x1;
	s10 =	sld [smem:$0x3FA3]  }
0x3d: {  	_ =	shalt  }
0x3e: {  	_ =	shalt  }
0x3f: {  	_ =	shalt  }
0x40: {  	_ =	shalt  }
0x41: {  	_ =	shalt  }
0x42: {  	_ =	shalt  }
0x43: {  	_ =	shalt  }
0x44: {  	_ =	shalt  }
0x45: {  	_ =	shalt  }
0x46: {  	_ =	shalt  }
0x47: {  	_ =	shalt  }
0x48: {  	_ =	shalt  }
0x49: {  	_ =	shalt  }
0x4a: {  	_ =	shalt  }
0x4b: {  	_ =	shalt  }
0x4c: {  	_ =	shalt  }
0x4d: {  	_ =	shalt  }
0x4e: {  	_ =	shalt  }
0x4f: {  	_ =	shalt  }
0x50: {  	_ =	shalt  }
0x51: {  	_ =	shalt  }
0x52: {  	_ =	shalt  }
0x53: {  	_ =	shalt  }
0x54: {  	_ =	shalt  }
0x55: {  	_ =	shalt  }
0x56: {  	_ =	shalt  }
0x57: {  	_ =	shalt  }
0x58: {  	_ =	shalt  }
0x59: {  	_ =	shalt  }
0x5a: {  	_ =	shalt  }
0x5b: {  	_ =	shalt  }
0x5c: {  	_ =	shalt  }
0x5d: {  	_ =	shalt  }
0x5e: {  	_ =	shalt  }
0x5f: {  	_ =	shalt  }
0x60: {  	_ =	shalt  }
0x61: {  	_ =	shalt  }
0x62: {  	_ =	shalt  }
0x63: {  	_ =	shalt  }
0x64: {  	_ =	shalt  }
0x65: {  	_ =	shalt  }
0x66: {  	_ =	shalt  }
0x67: {  	_ =	shalt  }
0x68: {  	_ =	shalt  }
0x69: {  	_ =	shalt  }
0x6a: {  	_ =	shalt  }
0x6b: {  	_ =	shalt  }
0x6c: {  	_ =	shalt  }
0x6d: {  	_ =	shalt  }
0x6e: {  	_ =	shalt  }
0x6f: {  	_ =	shalt  }
0x70: {  	_ =	shalt  }
0x71: {  	_ =	shalt  }
0x72: {  	_ =	shalt  }
0x73: {  	_ =	shalt  }
0x74: {  	_ =	shalt  }
0x75: {  	_ =	shalt  }
0x76: {  	_ =	shalt  }
0x77: {  	_ =	shalt  }
0x78: {  	_ =	shalt  }
0x79: {  	_ =	shalt  }
0x7a: {  	_ =	shalt  }
0x7b: {  	_ =	shalt  }
0x7c: {  	_ =	shalt  }
0x7d: {  	_ =	shalt  }
0x7e: {  	_ =	shalt  }
0x7f: {  	_ =	shalt  }
0x80: {  	_ =	shalt  }
0x81: {  	_ =	shalt  }
0x82: {  	_ =	shalt  }
0x83: {  	_ =	shalt  }
0x84: {  	_ =	shalt  }
0x85: {  	_ =	shalt  }
0x86: {  	_ =	shalt  }
0x87: {  	_ =	shalt  }
.Lfunc_end0:
.L_simem_size_0:
called_computation.6_lowered:
.L_overlay_start_0:
0x88: {  	s2 =	sld [smem:$0x3FD9]  }
0x89: {  	s3 =	sld [smem:$0x3FFE];
	_ =	sdelay $0x1  }
0x8a: {  	s1 =	srdreg.scid  }
0x8b: {  	s0 =	sand.u32 $0x1, s1  }
0x8c: {  	s14 =	sshll.u32 s0, $0xA;
	s2 =	sadd.s32 s3, s2  }
0x8d: {  	s2 =	sadd.s32 s2, s14  }
0x8e: {  	[smem:$0x3FAF] =	sst s2  }
0x8f: {  	_ = 	snop  }
0x90: {  	s2 =	sld [smem:$0x3FD0];
	_ =	sdelay $0x2  }
0x91: {  	s15 =	simm.s32 $0xA;
	s4 =	simm.s32 $0x10  }
0x92: {  	[smem:s4], [sflag:s15] =	dma.local [hbm:s2], $0x1  }
0x93: {  	_ =	swait.eq [sflag:s15], $0x1  }
0x94: {  	[sflag:s15] =	ssyncset.done $0x0  }
0x95: {  	[sflag:s15] =	ssyncadd.s32 $0xFFFFFFFF  }
0x96: {  	s16 =	sld [smem:$0x13];
	(tm) =	ssettm $0x1  }
0x97: {  	s17 =	sld [smem:$0x3FFB];
	_ =	sdelay $0x3  }
0x98: {  	_ =	strace s17  }
0x99: {  	s3 =	sld [smem:$0x3FFC];
	_ =	sdelay $0x3  }
0x9a: {  	_ =	strace s3  }
0x9b: {  	s3 =	sld [smem:$0x3FFD];
	_ =	sdelay $0x3  }
0x9c: {  	_ =	strace s3  }
0x9d: {  	_ =	strace $0x8FFFFFFF  }
0x9e: {  	s18 =	sld [smem:$0x3FDB];
	_ =	sdelay $0x1  }
0x9f: {  	s19 =	simm.s32 $_scs_section_size  }
0xa0: {  	s5 =	simm.s32 $_size__tile_overlayer_lowered;
	s6 =	simm.s32 $_tile_overlayer_lowered  }
0xa1: {  	s22 =	simm.s32 $0x1BFF;
	s21 =	sshll.u32 s6, $0x1;
	s3 =	sadd.s32 s19, s18  }
0xa2: {  	s7 =	simm.s32 $0x0;
	s20 =	sshll.u32 s5, $0x1;
	s5 =	sadd.s32 s21, s3  }
0xa3: {  	[timem:s7], [sflag:s22] =	dma.local [hbm:s5], s20  }
0xa4: {  	_ =	swait.ge [sflag:s22], s20  }
0xa5: {  	s4 =	ssub.s32 $0x0, s20;
	[sflag:s22] =	ssyncset.done $0x0  }
0xa6: {  	[sflag:s22] =	ssyncadd.s32 s4;
	_ =	sdelay $0x1  }
0xa7: {  	s23 =	simm.s32 $0x1B8B  }
0xa8: {  	_ =	swait.ge [sflag:s23], $0x1  }
0xa9: {  	[sflag:s23] =	ssyncset.done $0x0  }
0xaa: {  	s25 =	simm.s32 $0x1B8E;
	s24 =	sld [smem:$0x3FFE];
	[sflag:s23] =	ssyncadd.s32 $0xFFFFFFFF  }
0xab: {  	s26 =	simm.s32 $execute0_lowered;
	[smem:$0x3FD2] =	sst s25  }
0xac: {  	s5 =	sshll.u32 s26, $0x1;
	_ =	strace $0x80000058;
	[dreg:$0x1] =	wrdreg $0xFFFFFFFF  }
0xad: {  	s28 =	simm.s32 $_size_execute0_lowered;
	s3 =	sadd.s32 s3, s5;
	[dreg:$0x0] =	wrdreg $0x0  }
0xae: {  	s5 =	sshll.u32 s28, $0x1;
	[dreg:$0x2] =	wrdreg s3  }
0xaf: {  	[dreg:$0x3] =	wrdreg s5  }
0xb0: {  	[dreg:$0x4] =	wrdreg $0xC0  }
0xb1: {  	_ =	task [dreg:s7], $0x5FFFF  }
0xb2: {  	[dreg:$0x1] =	wrdreg $0xFFFFFFFF  }
0xb3: {  	[dreg:$0x0] =	wrdreg $0x60  }
0xb4: {  	[dreg:$0x2] =	wrdreg s16  }
0xb5: {  	[dreg:$0x3] =	wrdreg s24  }
0xb6: {  	[dreg:$0x4] =	wrdreg $0x90000  }
0xb7: {  	[dreg:$0x5] =	wrdreg $0x9  }
0xb8: {  	_ =	task.clear_ibuf [dreg:s7], $0x6FFFF;
	_ =	strace $0x90000058  }
0xb9: {  	s29 =	simm.s32 $0x9;
	_ =	strace $0x8000005A  }
0xba: {  	_ =	swait.ge [sflag:s29], $0x1  }
0xbb: {  	[sflag:s29] =	ssyncadd.s32 $0xFFFFFFFF  }
0xbc: {  	_ =	strace $0x9000005A  }
0xbd: {  	_ =	sfence  }
0xbe: {  	s30 =	sld [smem:$0x0];
	_ =	sdelay $0x2  }
0xbf: {  	s31 =	sshll.u32 s1, $0xD;
	s1 =	sshrl.u32 s1, $0x2  }
0xc0: {  	s3 =	sand.u32 $0x4000, s31;
	s1 =	sadd.s32 s1, s30  }
0xc1: {  	s0 =	sor.u32 s3, s0;
	s1 =	sshll.u32 s1, $0x11  }
0xc2: {  	s0 =	sor.u32 s1, s0  }
0xc3: {  	s0 =	sadd.s32 $0x8F2B, s0  }
0xc4: {  	[sflag:s0] =	ssyncadd.remote.s32 $0x1  }
0xc5: {  	_ =	sfence.sel $0xFFFF  }
0xc6: {  	[dreg:$0x0] =	wrdreg $0xFFFFFFFF;
	(pc) =	sbr.abs _section_cstart, $3  }
0xc7: {  	[dreg:$0x1] =	wrdreg $0xFFFFFFFF  }
0xc8: {  	_ =	task.clear_ibuf [dreg:s7], $0x2FFFF;
	_ =	strace $0x9FFFFFFF  }
0xc9: {  	(tm) =	ssettm $0x7FFFFFFF  }
tec
execute0_lowered:
.L_overlay_start_1:
0x0: {  	(tag) =	ssettag $0x1  }
0x1: {  	s2 =	rddreg [dreg:$0x0]  }
0x2: {  	s6 =	rddreg [dreg:$0x1]  }
0x3: {  	s0 =	srdreg.scid;
	s3 =	rddreg [dreg:$0x2];
	s4 =	simm.s32 $0x0  }
0x4: {  	s14 =	simm.s32 $0x5000;
	s15 =	simm.s32 $0x2;
	s5 =	sand.u32 $0x1, s0  }
0x5: {  	s16 =	simm.s32 $0x2800;
	s0 =	stileid.u32;
	s8 =	smul.u32 $0x13C000, s5  }
0x6: {  	s17 =	simm.s32 $0x80;
	s18 =	simm.s32 $0x1;
	s9 =	smul.u32 $0x13C00, s0  }
0x7: {  	[smem:$0x7FF] =	sst s4;
	s1 =	sshll.u32 s5, $0x4;
	s10 =	smul.u32 $0x4F000, s0  }
0x8: {  	s29 =	ssub.s32 $0x2, s5;
	s19 =	sshll.u32 s0, $0x6;
	s1 =	sor.u32 s0, s1  }
0x9: {  	s31 =	sshrl.u32 s29, $0x1;
	s19 =	sor.u32 $0x1C02, s19;
	s7 =	smul.u32 $0x500, s1  }
0xa: {  	s1 =	rddreg [dreg:$0x3];
	_ =	strace $0x80000059;
	s30 =	sshrl.u32 s10, $0x2  }
0xb: {  	s28 =	sadd.s32 s9, s8;
	s13 =	ssub.s32 s29, s31;
	s5 =	sadd.s32 s30, s3  }
0xc: {  	s13 =	smax.u32 s13, $0x1;
	s11 =	sadd.s32 s7, s6;
	s7 =	sshrl.u32 s28, $0x3  }
0xd: {  	s8 =	sadd.s32 $0xC000, s5;
	s9 =	sadd.s32 $0x10000, s5;
	s20 =	sshrl.u32 s5, $0x3  }
0xe: {  	s12 =	sadd.s32 s7, s6;
	s6 =	sadd.s32 $0x4000, s5;
	s7 =	sadd.s32 $0x8000, s5  }
0xf: {  	v0 =	vimm.f32 $0.0e+00;
	s10 =	sadd.s32 $0x1C2C00, s11;
	s11 =	sadd.s32 $0x9800, s11;
	s12 =	sadd.s32 $0x61C00, s12  }
.LBB2_1:
0x10: {  	s21 =	simm.s32 $0x0;
	s22 =	simm.s32 $0x200  }
.LBB2_2:
0x11: {  	p0 =	sne.s32 s22, $0xFE00;
	[tilespmem:s21+$0x5070] =	vst v0  }
0x12: {  	[tilespmem:s21+$0x5000] =	vst v0  }
0x13: {  	[tilespmem:s21+$0x5010] =	vst v0  }
.Ltmp0:
0x14: {  	[tilespmem:s21+$0x5020] =	vst v0;
	(pc) =	sbr.rel @p0 .LBB2_2-.Ltmp0, $4  }
0x15: {  	[tilespmem:s21+$0x5030] =	vst v0  }
0x16: {  	[tilespmem:s21+$0x5040] =	vst v0  }
0x17: {  	[tilespmem:s21+$0x5050] =	vst v0  }
0x18: {  	[tilespmem:s21+$0x5060] =	vst v0;
	s21 =	sshra.s32 s22, $0x2;
	s22 =	sadd.s32 $0x200, s22  }
0x19: {  	[tilespmem:s21+$0x5070] =	vst v0  }
0x1a: {  	[tilespmem:s21+$0x5000] =	vst v0  }
0x1b: {  	[tilespmem:s21+$0x5010] =	vst v0  }
0x1c: {  	[tilespmem:s21+$0x5020] =	vst v0  }
0x1d: {  	[tilespmem:s21+$0x5030] =	vst v0  }
0x1e: {  	[tilespmem:s21+$0x5040] =	vst v0  }
0x1f: {  	[tilespmem:s21+$0x5050] =	vst v0  }
0x20: {  	[tilespmem:s21+$0x5060] =	vst v0  }
0x21: {  	[spmem:s5] =	stream.linear.scatter [tilespmem:s14], [sflag:$0x2], $0x4000, $0x38;
	[tilespmem:$0x1CC00] =	vst v63  }
0x22: {  	_ =	swait.ge [sflag:s15], $0x4000  }
0x23: {  	[sflag:s15] =	ssyncset.done $0x0  }
0x24: {  	[sflag:s15] =	ssyncadd.s32 $0xFFFFC000  }
0x25: {  	[spmem:s6] =	stream.linear.scatter [tilespmem:s14], [sflag:$0x2], $0x4000, $0x38;
	[tilespmem:$0x1CC00] =	vst v63  }
0x26: {  	_ =	swait.ge [sflag:s15], $0x4000  }
0x27: {  	[sflag:s15] =	ssyncset.done $0x0  }
0x28: {  	[sflag:s15] =	ssyncadd.s32 $0xFFFFC000  }
0x29: {  	[spmem:s7] =	stream.linear.scatter [tilespmem:s14], [sflag:$0x2], $0x4000, $0x38;
	[tilespmem:$0x1CC00] =	vst v63  }
0x2a: {  	_ =	swait.ge [sflag:s15], $0x4000  }
0x2b: {  	[sflag:s15] =	ssyncset.done $0x0  }
0x2c: {  	[sflag:s15] =	ssyncadd.s32 $0xFFFFC000  }
0x2d: {  	[spmem:s8] =	stream.linear.scatter [tilespmem:s14], [sflag:$0x2], $0x4000, $0x38;
	[tilespmem:$0x1CC00] =	vst v63  }
0x2e: {  	_ =	swait.ge [sflag:s15], $0x4000  }
0x2f: {  	[sflag:s15] =	ssyncset.done $0x0  }
0x30: {  	[sflag:s15] =	ssyncadd.s32 $0xFFFFC000  }
0x31: {  	[spmem:s9] =	stream.linear.scatter [tilespmem:s14], [sflag:$0x2], $0x3C00, $0x38;
	[tilespmem:$0x1CC00] =	vst v63  }
0x32: {  	_ =	swait.ge [sflag:s15], $0x3C00  }
0x33: {  	[sflag:s15] =	ssyncset.done $0x0  }
0x34: {  	s29 =	simm.s32 $0x0;
	[sflag:s15] =	ssyncadd.s32 $0xFFFFC400  }
0x35: {  	[tilespmem:s29], [sflag:$0x2] =	stream.linear.gather [hbm4b:s10+s29], $0x2780, $0x38;
	[tilespmem:$0x1CC00] =	vst v63  }
0x36: {  	_ =	swait.ge [sflag:s15], $0x2780  }
0x37: {  	[sflag:s15] =	ssyncset.done $0x0  }
0x38: {  	[sflag:s15] =	ssyncadd.s32 $0xFFFFD880  }
0x39: {  	[tilespmem:s16], [sflag:$0x2] =	stream.linear.gather [hbm4b:s11+s29], $0x2780, $0x38;
	[tilespmem:$0x1CC00] =	vst v63  }
0x3a: {  	_ =	swait.ge [sflag:s15], $0x2780  }
0x3b: {  	[sflag:s15] =	ssyncset.done $0x0  }
0x3c: {  	[sflag:s15] =	ssyncadd.s32 $0xFFFFD880  }
0x3d: {  	s30 =	simm.s32 $0x0;
	[bflag:$0x0] =	sbarrier.arrive $0xFFFF  }
0x3e: {  	[tilespmem:s14], [sflag:$0x1] =	stream.indirect.gather [hbm4b:s2+s17], $0x80, s30, s17, $0xb8;
	[tilespmem:$0x1CC00] =	vst v63  }
0x3f: {  	_ =	swait.ge [sflag:s18], $0x4000  }
0x40: {  	[sflag:s18] =	ssyncset.done $0x0  }
0x41: {  	s31 =	simm.s32 $0x2800;
	[sflag:s18] =	ssyncadd.s32 $0xFFFFC000  }
0x42: {  	[spmem:s3] =	stream.indirect.scatter.add.f32 [tilespmem:s14], [sflag:$0x2], $0x80, s31, s17, $0xb8;
	[tilespmem:$0x1CC00] =	vst v63  }
0x43: {  	_ =	swait.ge [sflag:s15], $0x4000  }
0x44: {  	s21 =	simm.s32 $0x200;
	s22 =	simm.s32 $0x400;
	[sflag:s15] =	ssyncset.done $0x0  }
.LBB2_4:
0x45: {  	s23 =	sshra.s32 s21, $0x2  }
0x46: {  	[sflag:s15] =	ssyncadd.s32 $0xFFFFC000;
	s21 =	smov.u32 s22;
	s24 =	sadd.s32 $0x200, s22  }
0x47: {  	[tilespmem:s14], [sflag:$0x1] =	stream.indirect.gather [hbm4b:s2+s17], $0x80, s23, s17, $0xb8;
	[tilespmem:$0x1CC00] =	vst v63  }
0x48: {  	p0 =	sne.s32 s22, $0x9C00;
	_ =	swait.ge [sflag:s18], $0x4000  }
.Ltmp1:
0x49: {  	[sflag:s18] =	ssyncset.done $0x0;
	(pc) =	sbr.rel @p0 .LBB2_4-.Ltmp1, $4  }
0x4a: {  	s22 =	sadd.s32 $0x2800, s23;
	[sflag:s18] =	ssyncadd.s32 $0xFFFFC000  }
0x4b: {  	[spmem:s3] =	stream.indirect.scatter.add.f32 [tilespmem:s14], [sflag:$0x2], $0x80, s22, s17, $0xb8;
	[tilespmem:$0x1CC00] =	vst v63  }
0x4c: {  	_ =	swait.ge [sflag:s15], $0x4000  }
0x4d: {  	s22 =	smov.u32 s24;
	[sflag:s15] =	ssyncset.done $0x0  }
0x4e: {  	s21 =	sshra.s32 s21, $0x2;
	[sflag:s15] =	ssyncadd.s32 $0xFFFFC000  }
0x4f: {  	[tilespmem:s14], [sflag:$0x1] =	stream.indirect.gather [hbm4b:s2+s17], $0x80, s21, s17, $0xb8;
	[tilespmem:$0x1CC00] =	vst v63  }
0x50: {  	_ =	swait.ge [sflag:s18], $0x4000  }
0x51: {  	[sflag:s18] =	ssyncset.done $0x0  }
0x52: {  	s21 =	sadd.s32 $0x2800, s21;
	[sflag:s18] =	ssyncadd.s32 $0xFFFFC000  }
0x53: {  	[spmem:s3] =	stream.indirect.scatter.add.f32 [tilespmem:s14], [sflag:$0x2], $0x80, s21, s17, $0xb8;
	[tilespmem:$0x1CC00] =	vst v63  }
0x54: {  	_ =	swait.ge [sflag:s15], $0x4000  }
0x55: {  	s4 =	sadd.s32 $0x1, s4;
	[sflag:s15] =	ssyncset.done $0x0  }
0x56: {  	p0 =	sne.s32 s4, s13;
	[sflag:s15] =	ssyncadd.s32 $0xFFFFC000  }
.Ltmp2:
0x57: {  	[bflag:$0x0] =	sbarrier.arrive $0xFFFF;
	(pc) =	sbr.rel @p0 .LBB2_1-.Ltmp2, $4  }
0x58: {  	[hbm:s12], [sflag:s19] =	dma.local [spmem:s20], $0x2780  }
0x59: {  	_ =	swait.ge [sflag:s15], $0x2780  }
0x5a: {  	[sflag:s15] =	ssyncset.done $0x0  }
0x5b: {  	[sflag:s15] =	ssyncadd.s32 $0xFFFFD880  }
0x5c: {  	_ =	sfence.sel $0x180000  }
0x5d: {  	[bflag:$0x0] =	sbarrier.arrive $0xFFFF  }
0x5e: {  	p0 =	sne.s32 s0, $0x0;
	_ =	strace $0x90000059  }
0x5f: {  	s0 =	sadd.s32 @!p0 $0x100000, s1;
	[bflag:$0x2] =	sbarrier.arrive $0xFFFF  }
0x60: {  	[sflag:s0] =	ssyncadd.tile.s32 @!p0 $0x1;
	_ =	shalt  }
.Lfunc_end2:
_tile_overlayer_lowered:
.L_overlay_start_2:
0x61: {  	(tag) =	ssettag $0x2  }
0x62: {  	s0 =	rddreg [dreg:$0x0];
	s2 =	stileid.u32  }
0x63: {  	s1 =	rddreg [dreg:$0x1];
	p0 =	sne.s32 s2, $0x0  }
0x64: {  	s3 =	rddreg [dreg:$0x2];
	[bflag:$0x3] =	sbarrier.arrive $0xFFFF;
	s2 =	simm.s32 @!p0 $0x1C02  }
0x65: {  	[timem:s3], [sflag:s2] =	dma.local @!p0 [hbm:s0], s1  }
0x66: {  	s0 =	simm.s32 @!p0 $0x2  }
0x67: {  	_ =	swait.ge @!p0 [sflag:s0], s1  }
0x68: {  	s1 =	ssub.s32 @!p0 $0x0, s1;
	[sflag:s0] =	ssyncset.done @!p0 $0x0  }
0x69: {  	[sflag:s0] =	ssyncadd.s32 @!p0 s1  }
0x6a: {  	[bflag:$0x3] =	sbarrier.arrive $0xFFFF  }
0x6b: {  	_ =	shalt  }

// kernel: kernel.48.cloned.1.call-start
scs
__scs_entry_jumppad:
0x0: {  	(pc) =	sbr.rel $0x88, $3  }
0x1: {  	(tag) =	ssettag $0x0;
	lr =	simm.s32 $0x1  }
0x2: {  	[smem:$0x3F88] =	sst lr;
	_ =	strace $0xD0000000  }
0x3: {  	_ = 	snop  }
0x4: {  	_ = 	snop  }
0x5: {  	_ = 	snop  }
0x6: {  	_ = 	snop  }
0x7: {  	_ = 	snop  }
__scs_overlays_trampoline_lowered:
0x8: {  	[smem:$0x3F97] =	sst s0  }
0x9: {  	[smem:$0x3F98] =	sst s1  }
0xa: {  	[smem:$0x3F99] =	sst s2  }
0xb: {  	[smem:$0x3F9A] =	sst s3  }
0xc: {  	[smem:$0x3F9B] =	sst s4  }
0xd: {  	[smem:$0x3F9C] =	sst s5  }
0xe: {  	[smem:$0x3F9D] =	sst s6  }
0xf: {  	[smem:$0x3F9E] =	sst s7  }
0x10: {  	[smem:$0x3F9F] =	sst s8  }
0x11: {  	[smem:$0x3FA0] =	sst s9;
	s0 =	simm.s32 @!p0 $0x0  }
0x12: {  	s1 =	sld [smem:$0x3F86];
	s0 =	simm.s32 @p0 $0x1  }
0x13: {  	[smem:$0x3FA1] =	sst s0;
	s0 =	simm.s32 @!p1 $0x0  }
0x14: {  	s2 =	sld [smem:$0x3F85];
	s0 =	simm.s32 @p1 $0x1  }
0x15: {  	[smem:$0x3FA2] =	sst s0;
	s0 =	simm.s32 @!p2 $0x0  }
0x16: {  	s3 =	sld [smem:$0x3FDB];
	s0 =	simm.s32 @p2 $0x1  }
0x17: {  	s4 =	simm.s32 $0x1BF5;
	[smem:$0x3FA4] =	sst s0  }
0x18: {  	s0 =	sld [smem:$0x3F87];
	_ =	swait.ge [sflag:s4], $0x0  }
0x19: {  	s7 =	sld [smem:$0x3F88]  }
0x1a: {  	s8 =	sadd.s32 $0xFFFFE003, lr  }
0x1b: {  	s9 =	sadd.s32 $0xFFFFFEF7, lr;
	s5 =	simm.s32 $0xFFFFFFFF;
	p2 =	slt.u32 s8, $0xFFFFF086  }
0x1c: {  	p1 =	slt.u32 s9, $0xF7A;
	s5 =	simm.s32 @!p2 $0x0  }
0x1d: {  	s5 =	simm.s32 @p1 $0x1;
	p0 =	seq.s32 s7, s2  }
0x1e: {  	s7 =	smul.u32 @!p0 $0xF7A, s2;
	p2 =	seq.s32 @!p0 s5, $0x0  }
0x1f: {  	s9 =	smul.u32 $0xF7A, s1;
	s8 =	simm.s32 @!p0 $0x1BF5;
	p2 =	por !p2, p0  }
0x20: {  	[sflag:s8] =	ssyncset.s32 @!p0 $0xFFFFF086;
	s6 =	sadd.s32 @!p0 s3, s7;
	s7 =	simm.s32 @!p0 $0x108  }
0x21: {  	s3 =	sadd.s32 s3, s9;
	s6 =	sadd.s32 @!p0 $0x88, s6;
	s7 =	simm.s32 @p2 $0x1082  }
0x22: {  	[simem:s7], [sflag:s8] =	dma.local @!p0 [hbm:s6], $0xF7A  }
0x23: {  	s9 =	sor.u32 $0xD0000000, s2;
	s6 =	simm.s32 $0x108;
	_ =	swait.ge @!p0 [sflag:s8], $0x0  }
0x24: {  	s3 =	sadd.s32 $0x88, s3;
	s6 =	simm.s32 @!p1 $0x1082;
	[sflag:s4] =	ssyncset.s32 $0xFFFFF086  }
0x25: {  	[simem:s6], [sflag:s4] =	dma.local [hbm:s3], $0xF7A  }
0x26: {  	[smem:$0x3F88] =	sst s1;
	(tag) =	ssettag s2;
	_ =	strace s9  }
0x27: {  	s1 =	sld [smem:$0x3F98]  }
0x28: {  	s2 =	sld [smem:$0x3F99]  }
0x29: {  	s4 =	sld [smem:$0x3F9B]  }
0x2a: {  	p0 =	seq.s32 s5, $0x0;
	s5 =	sld [smem:$0x3F9C]  }
0x2b: {  	s6 =	sld [smem:$0x3F9D]  }
0x2c: {  	s7 =	sld [smem:$0x3F9E]  }
0x2d: {  	s3 =	simm.s32 $0x108;
	s8 =	sld [smem:$0x3F9F]  }
0x2e: {  	s3 =	simm.s32 @!p0 $0x1082;
	s9 =	sld [smem:$0x3FA0]  }
0x2f: {  	lr =	sadd.s32 s0, s3;
	s0 =	sld [smem:$0x3F97]  }
0x30: {  	s3 =	sld [smem:$0x3F9A]  }
0x31: {  	[smem:$0x3FA3] =	sst s10  }
0x32: {  	s10 =	sld [smem:$0x3FA1];
	_ =	sdelay $0x3  }
0x33: {  	p0 =	seq.s32 s10, $0x1;
	s10 =	sld [smem:$0x3FA3];
	_ =	sdelay $0x3  }
0x34: {  	[smem:$0x3FA3] =	sst s10  }
0x35: {  	s10 =	sld [smem:$0x3FA2];
	_ =	sdelay $0x3  }
0x36: {  	p1 =	seq.s32 s10, $0x1;
	s10 =	sld [smem:$0x3FA3];
	_ =	sdelay $0x3  }
0x37: {  	[smem:$0x3FA3] =	sst s10  }
0x38: {  	s10 =	sld [smem:$0x3FA4]  }
0x39: {  	_ = 	snop;
	(pc) =	sbr.ind lr, $3  }
0x3a: {  	_ = 	snop  }
0x3b: {  	_ = 	snop  }
0x3c: {  	p2 =	seq.s32 s10, $0x1;
	s10 =	sld [smem:$0x3FA3]  }
0x3d: {  	_ =	shalt  }
0x3e: {  	_ =	shalt  }
0x3f: {  	_ =	shalt  }
0x40: {  	_ =	shalt  }
0x41: {  	_ =	shalt  }
0x42: {  	_ =	shalt  }
0x43: {  	_ =	shalt  }
0x44: {  	_ =	shalt  }
0x45: {  	_ =	shalt  }
0x46: {  	_ =	shalt  }
0x47: {  	_ =	shalt  }
0x48: {  	_ =	shalt  }
0x49: {  	_ =	shalt  }
0x4a: {  	_ =	shalt  }
0x4b: {  	_ =	shalt  }
0x4c: {  	_ =	shalt  }
0x4d: {  	_ =	shalt  }
0x4e: {  	_ =	shalt  }
0x4f: {  	_ =	shalt  }
0x50: {  	_ =	shalt  }
0x51: {  	_ =	shalt  }
0x52: {  	_ =	shalt  }
0x53: {  	_ =	shalt  }
0x54: {  	_ =	shalt  }
0x55: {  	_ =	shalt  }
0x56: {  	_ =	shalt  }
0x57: {  	_ =	shalt  }
0x58: {  	_ =	shalt  }
0x59: {  	_ =	shalt  }
0x5a: {  	_ =	shalt  }
0x5b: {  	_ =	shalt  }
0x5c: {  	_ =	shalt  }
0x5d: {  	_ =	shalt  }
0x5e: {  	_ =	shalt  }
0x5f: {  	_ =	shalt  }
0x60: {  	_ =	shalt  }
0x61: {  	_ =	shalt  }
0x62: {  	_ =	shalt  }
0x63: {  	_ =	shalt  }
0x64: {  	_ =	shalt  }
0x65: {  	_ =	shalt  }
0x66: {  	_ =	shalt  }
0x67: {  	_ =	shalt  }
0x68: {  	_ =	shalt  }
0x69: {  	_ =	shalt  }
0x6a: {  	_ =	shalt  }
0x6b: {  	_ =	shalt  }
0x6c: {  	_ =	shalt  }
0x6d: {  	_ =	shalt  }
0x6e: {  	_ =	shalt  }
0x6f: {  	_ =	shalt  }
0x70: {  	_ =	shalt  }
0x71: {  	_ =	shalt  }
0x72: {  	_ =	shalt  }
0x73: {  	_ =	shalt  }
0x74: {  	_ =	shalt  }
0x75: {  	_ =	shalt  }
0x76: {  	_ =	shalt  }
0x77: {  	_ =	shalt  }
0x78: {  	_ =	shalt  }
0x79: {  	_ =	shalt  }
0x7a: {  	_ =	shalt  }
0x7b: {  	_ =	shalt  }
0x7c: {  	_ =	shalt  }
0x7d: {  	_ =	shalt  }
0x7e: {  	_ =	shalt  }
0x7f: {  	_ =	shalt  }
0x80: {  	_ =	shalt  }
0x81: {  	_ =	shalt  }
0x82: {  	_ =	shalt  }
0x83: {  	_ =	shalt  }
0x84: {  	_ =	shalt  }
0x85: {  	_ =	shalt  }
0x86: {  	_ =	shalt  }
0x87: {  	_ =	shalt  }
.Lfunc_end0:
.L_simem_size_0:
called_computation.7_lowered:
.L_overlay_start_0:
0x88: {  	s2 =	sld [smem:$0x3FD9]  }
0x89: {  	s3 =	sld [smem:$0x3FFE];
	_ =	sdelay $0x1  }
0x8a: {  	s1 =	srdreg.scid  }
0x8b: {  	s0 =	sand.u32 $0x1, s1  }
0x8c: {  	s14 =	sshll.u32 s0, $0xA;
	s2 =	sadd.s32 s3, s2  }
0x8d: {  	s2 =	sadd.s32 s2, s14  }
0x8e: {  	[smem:$0x3FAF] =	sst s2  }
0x8f: {  	_ = 	snop  }
0x90: {  	s2 =	sld [smem:$0x3FD0];
	_ =	sdelay $0x2  }
0x91: {  	s15 =	simm.s32 $0xA;
	s4 =	simm.s32 $0x10  }
0x92: {  	[smem:s4], [sflag:s15] =	dma.local [hbm:s2], $0x1  }
0x93: {  	_ =	swait.eq [sflag:s15], $0x1  }
0x94: {  	[sflag:s15] =	ssyncset.done $0x0  }
0x95: {  	[sflag:s15] =	ssyncadd.s32 $0xFFFFFFFF  }
0x96: {  	s16 =	sld [smem:$0x13];
	(tm) =	ssettm $0x1  }
0x97: {  	s17 =	sld [smem:$0x3FFB];
	_ =	sdelay $0x3  }
0x98: {  	_ =	strace s17  }
0x99: {  	s3 =	sld [smem:$0x3FFC];
	_ =	sdelay $0x3  }
0x9a: {  	_ =	strace s3  }
0x9b: {  	s3 =	sld [smem:$0x3FFD];
	_ =	sdelay $0x3  }
0x9c: {  	_ =	strace s3  }
0x9d: {  	_ =	strace $0x8FFFFFFF  }
0x9e: {  	s18 =	sld [smem:$0x3FDB];
	_ =	sdelay $0x1  }
0x9f: {  	s19 =	simm.s32 $_scs_section_size  }
0xa0: {  	s5 =	simm.s32 $_size__tile_overlayer_lowered;
	s6 =	simm.s32 $_tile_overlayer_lowered  }
0xa1: {  	s22 =	simm.s32 $0x1BFF;
	s21 =	sshll.u32 s6, $0x1;
	s3 =	sadd.s32 s19, s18  }
0xa2: {  	s7 =	simm.s32 $0x0;
	s20 =	sshll.u32 s5, $0x1;
	s5 =	sadd.s32 s21, s3  }
0xa3: {  	[timem:s7], [sflag:s22] =	dma.local [hbm:s5], s20  }
0xa4: {  	_ =	swait.ge [sflag:s22], s20  }
0xa5: {  	s4 =	ssub.s32 $0x0, s20;
	[sflag:s22] =	ssyncset.done $0x0  }
0xa6: {  	[sflag:s22] =	ssyncadd.s32 s4;
	_ =	sdelay $0x1  }
0xa7: {  	s23 =	simm.s32 $0x1B8B  }
0xa8: {  	_ =	swait.ge [sflag:s23], $0x1  }
0xa9: {  	[sflag:s23] =	ssyncset.done $0x0  }
0xaa: {  	s25 =	simm.s32 $0x1B8E;
	s24 =	sld [smem:$0x3FFE];
	[sflag:s23] =	ssyncadd.s32 $0xFFFFFFFF  }
0xab: {  	s26 =	simm.s32 $execute0_lowered;
	[smem:$0x3FD2] =	sst s25  }
0xac: {  	s5 =	sshll.u32 s26, $0x1;
	_ =	strace $0x8000005B;
	[dreg:$0x1] =	wrdreg $0xFFFFFFFF  }
0xad: {  	s28 =	simm.s32 $_size_execute0_lowered;
	s3 =	sadd.s32 s3, s5;
	[dreg:$0x0] =	wrdreg $0x0  }
0xae: {  	s5 =	sshll.u32 s28, $0x1;
	[dreg:$0x2] =	wrdreg s3  }
0xaf: {  	[dreg:$0x3] =	wrdreg s5  }
0xb0: {  	[dreg:$0x4] =	wrdreg $0xC0  }
0xb1: {  	_ =	task [dreg:s7], $0x5FFFF  }
0xb2: {  	[dreg:$0x1] =	wrdreg $0xFFFFFFFF  }
0xb3: {  	[dreg:$0x0] =	wrdreg $0x60  }
0xb4: {  	[dreg:$0x2] =	wrdreg s16  }
0xb5: {  	[dreg:$0x3] =	wrdreg s24  }
0xb6: {  	[dreg:$0x4] =	wrdreg $0x90000  }
0xb7: {  	[dreg:$0x5] =	wrdreg $0x9  }
0xb8: {  	_ =	task.clear_ibuf [dreg:s7], $0x6FFFF;
	_ =	strace $0x9000005B  }
0xb9: {  	s29 =	simm.s32 $0x9;
	_ =	strace $0x8000005D  }
0xba: {  	_ =	swait.ge [sflag:s29], $0x1  }
0xbb: {  	[sflag:s29] =	ssyncadd.s32 $0xFFFFFFFF  }
0xbc: {  	_ =	strace $0x9000005D  }
0xbd: {  	_ =	sfence  }
0xbe: {  	s30 =	sld [smem:$0x0];
	_ =	sdelay $0x2  }
0xbf: {  	s31 =	sshll.u32 s1, $0xD;
	s1 =	sshrl.u32 s1, $0x2  }
0xc0: {  	s3 =	sand.u32 $0x4000, s31;
	s1 =	sadd.s32 s1, s30  }
0xc1: {  	s0 =	sor.u32 s3, s0;
	s1 =	sshll.u32 s1, $0x11  }
0xc2: {  	s0 =	sor.u32 s1, s0  }
0xc3: {  	s0 =	sadd.s32 $0x8F2B, s0  }
0xc4: {  	[sflag:s0] =	ssyncadd.remote.s32 $0x1  }
0xc5: {  	_ =	sfence.sel $0xFFFF  }
0xc6: {  	[dreg:$0x0] =	wrdreg $0xFFFFFFFF;
	(pc) =	sbr.abs _section_cstart, $3  }
0xc7: {  	[dreg:$0x1] =	wrdreg $0xFFFFFFFF  }
0xc8: {  	_ =	task.clear_ibuf [dreg:s7], $0x2FFFF;
	_ =	strace $0x9FFFFFFF  }
0xc9: {  	(tm) =	ssettm $0x7FFFFFFF  }
tec
execute0_lowered:
.L_overlay_start_1:
0x0: {  	(tag) =	ssettag $0x1  }
0x1: {  	s2 =	rddreg [dreg:$0x0]  }
0x2: {  	s6 =	rddreg [dreg:$0x1]  }
0x3: {  	s0 =	srdreg.scid;
	s3 =	rddreg [dreg:$0x2];
	s4 =	simm.s32 $0x0  }
0x4: {  	s14 =	simm.s32 $0x5000;
	s15 =	simm.s32 $0x2;
	s5 =	sand.u32 $0x1, s0  }
0x5: {  	s16 =	simm.s32 $0x2800;
	s0 =	stileid.u32;
	s8 =	smul.u32 $0x13C000, s5  }
0x6: {  	s17 =	simm.s32 $0x80;
	s18 =	simm.s32 $0x1;
	s9 =	smul.u32 $0x13C00, s0  }
0x7: {  	[smem:$0x7FF] =	sst s4;
	s1 =	sshll.u32 s5, $0x4;
	s10 =	smul.u32 $0x4F000, s0  }
0x8: {  	s29 =	ssub.s32 $0x2, s5;
	s19 =	sshll.u32 s0, $0x6;
	s1 =	sor.u32 s0, s1  }
0x9: {  	s31 =	sshrl.u32 s29, $0x1;
	s19 =	sor.u32 $0x1C02, s19;
	s7 =	smul.u32 $0x500, s1  }
0xa: {  	s1 =	rddreg [dreg:$0x3];
	_ =	strace $0x8000005C;
	s30 =	sshrl.u32 s10, $0x2  }
0xb: {  	s28 =	sadd.s32 s9, s8;
	s13 =	ssub.s32 s29, s31;
	s5 =	sadd.s32 s30, s3  }
0xc: {  	s13 =	smax.u32 s13, $0x1;
	s11 =	sadd.s32 s7, s6;
	s7 =	sshrl.u32 s28, $0x3  }
0xd: {  	s8 =	sadd.s32 $0xC000, s5;
	s9 =	sadd.s32 $0x10000, s5;
	s20 =	sshrl.u32 s5, $0x3  }
0xe: {  	s12 =	sadd.s32 s7, s6;
	s6 =	sadd.s32 $0x4000, s5;
	s7 =	sadd.s32 $0x8000, s5  }
0xf: {  	v0 =	vimm.f32 $0.0e+00;
	s10 =	sadd.s32 $0x1C2C00, s11;
	s11 =	sadd.s32 $0x9800, s11;
	s12 =	sadd.s32 $0x61C00, s12  }
.LBB2_1:
0x10: {  	s21 =	simm.s32 $0x0;
	s22 =	simm.s32 $0x200  }
.LBB2_2:
0x11: {  	p0 =	sne.s32 s22, $0xFE00;
	[tilespmem:s21+$0x5070] =	vst v0  }
0x12: {  	[tilespmem:s21+$0x5000] =	vst v0  }
0x13: {  	[tilespmem:s21+$0x5010] =	vst v0  }
.Ltmp0:
0x14: {  	[tilespmem:s21+$0x5020] =	vst v0;
	(pc) =	sbr.rel @p0 .LBB2_2-.Ltmp0, $4  }
0x15: {  	[tilespmem:s21+$0x5030] =	vst v0  }
0x16: {  	[tilespmem:s21+$0x5040] =	vst v0  }
0x17: {  	[tilespmem:s21+$0x5050] =	vst v0  }
0x18: {  	[tilespmem:s21+$0x5060] =	vst v0;
	s21 =	sshra.s32 s22, $0x2;
	s22 =	sadd.s32 $0x200, s22  }
0x19: {  	[tilespmem:s21+$0x5070] =	vst v0  }
0x1a: {  	[tilespmem:s21+$0x5000] =	vst v0  }
0x1b: {  	[tilespmem:s21+$0x5010] =	vst v0  }
0x1c: {  	[tilespmem:s21+$0x5020] =	vst v0  }
0x1d: {  	[tilespmem:s21+$0x5030] =	vst v0  }
0x1e: {  	[tilespmem:s21+$0x5040] =	vst v0  }
0x1f: {  	[tilespmem:s21+$0x5050] =	vst v0  }
0x20: {  	[tilespmem:s21+$0x5060] =	vst v0  }
0x21: {  	[spmem:s5] =	stream.linear.scatter [tilespmem:s14], [sflag:$0x2], $0x4000, $0x38;
	[tilespmem:$0x1CC00] =	vst v63  }
0x22: {  	_ =	swait.ge [sflag:s15], $0x4000  }
0x23: {  	[sflag:s15] =	ssyncset.done $0x0  }
0x24: {  	[sflag:s15] =	ssyncadd.s32 $0xFFFFC000  }
0x25: {  	[spmem:s6] =	stream.linear.scatter [tilespmem:s14], [sflag:$0x2], $0x4000, $0x38;
	[tilespmem:$0x1CC00] =	vst v63  }
0x26: {  	_ =	swait.ge [sflag:s15], $0x4000  }
0x27: {  	[sflag:s15] =	ssyncset.done $0x0  }
0x28: {  	[sflag:s15] =	ssyncadd.s32 $0xFFFFC000  }
0x29: {  	[spmem:s7] =	stream.linear.scatter [tilespmem:s14], [sflag:$0x2], $0x4000, $0x38;
	[tilespmem:$0x1CC00] =	vst v63  }
0x2a: {  	_ =	swait.ge [sflag:s15], $0x4000  }
0x2b: {  	[sflag:s15] =	ssyncset.done $0x0  }
0x2c: {  	[sflag:s15] =	ssyncadd.s32 $0xFFFFC000  }
0x2d: {  	[spmem:s8] =	stream.linear.scatter [tilespmem:s14], [sflag:$0x2], $0x4000, $0x38;
	[tilespmem:$0x1CC00] =	vst v63  }
0x2e: {  	_ =	swait.ge [sflag:s15], $0x4000  }
0x2f: {  	[sflag:s15] =	ssyncset.done $0x0  }
0x30: {  	[sflag:s15] =	ssyncadd.s32 $0xFFFFC000  }
0x31: {  	[spmem:s9] =	stream.linear.scatter [tilespmem:s14], [sflag:$0x2], $0x3C00, $0x38;
	[tilespmem:$0x1CC00] =	vst v63  }
0x32: {  	_ =	swait.ge [sflag:s15], $0x3C00  }
0x33: {  	[sflag:s15] =	ssyncset.done $0x0  }
0x34: {  	s29 =	simm.s32 $0x0;
	[sflag:s15] =	ssyncadd.s32 $0xFFFFC400  }
0x35: {  	[tilespmem:s29], [sflag:$0x2] =	stream.linear.gather [hbm4b:s10+s29], $0x2780, $0x38;
	[tilespmem:$0x1CC00] =	vst v63  }
0x36: {  	_ =	swait.ge [sflag:s15], $0x2780  }
0x37: {  	[sflag:s15] =	ssyncset.done $0x0  }
0x38: {  	[sflag:s15] =	ssyncadd.s32 $0xFFFFD880  }
0x39: {  	[tilespmem:s16], [sflag:$0x2] =	stream.linear.gather [hbm4b:s11+s29], $0x2780, $0x38;
	[tilespmem:$0x1CC00] =	vst v63  }
0x3a: {  	_ =	swait.ge [sflag:s15], $0x2780  }
0x3b: {  	[sflag:s15] =	ssyncset.done $0x0  }
0x3c: {  	[sflag:s15] =	ssyncadd.s32 $0xFFFFD880  }
0x3d: {  	s30 =	simm.s32 $0x0;
	[bflag:$0x0] =	sbarrier.arrive $0xFFFF  }
0x3e: {  	[tilespmem:s14], [sflag:$0x1] =	stream.indirect.gather [hbm4b:s2+s17], $0x80, s30, s17, $0xb8;
	[tilespmem:$0x1CC00] =	vst v63  }
0x3f: {  	_ =	swait.ge [sflag:s18], $0x4000  }
0x40: {  	[sflag:s18] =	ssyncset.done $0x0  }
0x41: {  	s31 =	simm.s32 $0x2800;
	[sflag:s18] =	ssyncadd.s32 $0xFFFFC000  }
0x42: {  	[spmem:s3] =	stream.indirect.scatter.add.f32 [tilespmem:s14], [sflag:$0x2], $0x80, s31, s17, $0xb8;
	[tilespmem:$0x1CC00] =	vst v63  }
0x43: {  	_ =	swait.ge [sflag:s15], $0x4000  }
0x44: {  	s21 =	simm.s32 $0x200;
	s22 =	simm.s32 $0x400;
	[sflag:s15] =	ssyncset.done $0x0  }
.LBB2_4:
0x45: {  	s23 =	sshra.s32 s21, $0x2  }
0x46: {  	[sflag:s15] =	ssyncadd.s32 $0xFFFFC000;
	s21 =	smov.u32 s22;
	s24 =	sadd.s32 $0x200, s22  }
0x47: {  	[tilespmem:s14], [sflag:$0x1] =	stream.indirect.gather [hbm4b:s2+s17], $0x80, s23, s17, $0xb8;
	[tilespmem:$0x1CC00] =	vst v63  }
0x48: {  	p0 =	sne.s32 s22, $0x9C00;
	_ =	swait.ge [sflag:s18], $0x4000  }
.Ltmp1:
0x49: {  	[sflag:s18] =	ssyncset.done $0x0;
	(pc) =	sbr.rel @p0 .LBB2_4-.Ltmp1, $4  }
0x4a: {  	s22 =	sadd.s32 $0x2800, s23;
	[sflag:s18] =	ssyncadd.s32 $0xFFFFC000  }
0x4b: {  	[spmem:s3] =	stream.indirect.scatter.add.f32 [tilespmem:s14], [sflag:$0x2], $0x80, s22, s17, $0xb8;
	[tilespmem:$0x1CC00] =	vst v63  }
0x4c: {  	_ =	swait.ge [sflag:s15], $0x4000  }
0x4d: {  	s22 =	smov.u32 s24;
	[sflag:s15] =	ssyncset.done $0x0  }
0x4e: {  	s21 =	sshra.s32 s21, $0x2;
	[sflag:s15] =	ssyncadd.s32 $0xFFFFC000  }
0x4f: {  	[tilespmem:s14], [sflag:$0x1] =	stream.indirect.gather [hbm4b:s2+s17], $0x80, s21, s17, $0xb8;
	[tilespmem:$0x1CC00] =	vst v63  }
0x50: {  	_ =	swait.ge [sflag:s18], $0x4000  }
0x51: {  	[sflag:s18] =	ssyncset.done $0x0  }
0x52: {  	s21 =	sadd.s32 $0x2800, s21;
	[sflag:s18] =	ssyncadd.s32 $0xFFFFC000  }
0x53: {  	[spmem:s3] =	stream.indirect.scatter.add.f32 [tilespmem:s14], [sflag:$0x2], $0x80, s21, s17, $0xb8;
	[tilespmem:$0x1CC00] =	vst v63  }
0x54: {  	_ =	swait.ge [sflag:s15], $0x4000  }
0x55: {  	s4 =	sadd.s32 $0x1, s4;
	[sflag:s15] =	ssyncset.done $0x0  }
0x56: {  	p0 =	sne.s32 s4, s13;
	[sflag:s15] =	ssyncadd.s32 $0xFFFFC000  }
.Ltmp2:
0x57: {  	[bflag:$0x0] =	sbarrier.arrive $0xFFFF;
	(pc) =	sbr.rel @p0 .LBB2_1-.Ltmp2, $4  }
0x58: {  	[hbm:s12], [sflag:s19] =	dma.local [spmem:s20], $0x2780  }
0x59: {  	_ =	swait.ge [sflag:s15], $0x2780  }
0x5a: {  	[sflag:s15] =	ssyncset.done $0x0  }
0x5b: {  	[sflag:s15] =	ssyncadd.s32 $0xFFFFD880  }
0x5c: {  	_ =	sfence.sel $0x180000  }
0x5d: {  	[bflag:$0x0] =	sbarrier.arrive $0xFFFF  }
0x5e: {  	p0 =	sne.s32 s0, $0x0;
	_ =	strace $0x9000005C  }
0x5f: {  	s0 =	sadd.s32 @!p0 $0x100000, s1;
	[bflag:$0x2] =	sbarrier.arrive $0xFFFF  }
0x60: {  	[sflag:s0] =	ssyncadd.tile.s32 @!p0 $0x1;
	_ =	shalt  }
.Lfunc_end2:
_tile_overlayer_lowered:
.L_overlay_start_2:
0x61: {  	(tag) =	ssettag $0x2  }
0x62: {  	s0 =	rddreg [dreg:$0x0];
	s2 =	stileid.u32  }
0x63: {  	s1 =	rddreg [dreg:$0x1];
	p0 =	sne.s32 s2, $0x0  }
0x64: {  	s3 =	rddreg [dreg:$0x2];
	[bflag:$0x3] =	sbarrier.arrive $0xFFFF;
	s2 =	simm.s32 @!p0 $0x1C02  }
0x65: {  	[timem:s3], [sflag:s2] =	dma.local @!p0 [hbm:s0], s1  }
0x66: {  	s0 =	simm.s32 @!p0 $0x2  }
0x67: {  	_ =	swait.ge @!p0 [sflag:s0], s1  }
0x68: {  	s1 =	ssub.s32 @!p0 $0x0, s1;
	[sflag:s0] =	ssyncset.done @!p0 $0x0  }
0x69: {  	[sflag:s0] =	ssyncadd.s32 @!p0 s1  }
0x6a: {  	[bflag:$0x3] =	sbarrier.arrive $0xFFFF  }
0x6b: {  	_ =	shalt  }

// kernel: kernel.51.cloned.1.call-start
scs
__scs_entry_jumppad:
0x0: {  	(pc) =	sbr.rel $0x88, $3  }
0x1: {  	(tag) =	ssettag $0x0;
	lr =	simm.s32 $0x1  }
0x2: {  	[smem:$0x3F88] =	sst lr;
	_ =	strace $0xD0000000  }
0x3: {  	_ = 	snop  }
0x4: {  	_ = 	snop  }
0x5: {  	_ = 	snop  }
0x6: {  	_ = 	snop  }
0x7: {  	_ = 	snop  }
__scs_overlays_trampoline_lowered:
0x8: {  	[smem:$0x3F97] =	sst s0  }
0x9: {  	[smem:$0x3F98] =	sst s1  }
0xa: {  	[smem:$0x3F99] =	sst s2  }
0xb: {  	[smem:$0x3F9A] =	sst s3  }
0xc: {  	[smem:$0x3F9B] =	sst s4  }
0xd: {  	[smem:$0x3F9C] =	sst s5  }
0xe: {  	[smem:$0x3F9D] =	sst s6  }
0xf: {  	[smem:$0x3F9E] =	sst s7  }
0x10: {  	[smem:$0x3F9F] =	sst s8  }
0x11: {  	[smem:$0x3FA0] =	sst s9;
	s0 =	simm.s32 @!p0 $0x0  }
0x12: {  	s1 =	sld [smem:$0x3F86];
	s0 =	simm.s32 @p0 $0x1  }
0x13: {  	[smem:$0x3FA1] =	sst s0;
	s0 =	simm.s32 @!p1 $0x0  }
0x14: {  	s2 =	sld [smem:$0x3F85];
	s0 =	simm.s32 @p1 $0x1  }
0x15: {  	[smem:$0x3FA2] =	sst s0;
	s0 =	simm.s32 @!p2 $0x0  }
0x16: {  	s3 =	sld [smem:$0x3FDB];
	s0 =	simm.s32 @p2 $0x1  }
0x17: {  	s4 =	simm.s32 $0x1BF5;
	[smem:$0x3FA4] =	sst s0  }
0x18: {  	s0 =	sld [smem:$0x3F87];
	_ =	swait.ge [sflag:s4], $0x0  }
0x19: {  	s7 =	sld [smem:$0x3F88]  }
0x1a: {  	s8 =	sadd.s32 $0xFFFFE003, lr  }
0x1b: {  	s9 =	sadd.s32 $0xFFFFFEF7, lr;
	s5 =	simm.s32 $0xFFFFFFFF;
	p2 =	slt.u32 s8, $0xFFFFF086  }
0x1c: {  	p1 =	slt.u32 s9, $0xF7A;
	s5 =	simm.s32 @!p2 $0x0  }
0x1d: {  	s5 =	simm.s32 @p1 $0x1;
	p0 =	seq.s32 s7, s2  }
0x1e: {  	s7 =	smul.u32 @!p0 $0xF7A, s2;
	p2 =	seq.s32 @!p0 s5, $0x0  }
0x1f: {  	s9 =	smul.u32 $0xF7A, s1;
	s8 =	simm.s32 @!p0 $0x1BF5;
	p2 =	por !p2, p0  }
0x20: {  	[sflag:s8] =	ssyncset.s32 @!p0 $0xFFFFF086;
	s6 =	sadd.s32 @!p0 s3, s7;
	s7 =	simm.s32 @!p0 $0x108  }
0x21: {  	s3 =	sadd.s32 s3, s9;
	s6 =	sadd.s32 @!p0 $0x88, s6;
	s7 =	simm.s32 @p2 $0x1082  }
0x22: {  	[simem:s7], [sflag:s8] =	dma.local @!p0 [hbm:s6], $0xF7A  }
0x23: {  	s9 =	sor.u32 $0xD0000000, s2;
	s6 =	simm.s32 $0x108;
	_ =	swait.ge @!p0 [sflag:s8], $0x0  }
0x24: {  	s3 =	sadd.s32 $0x88, s3;
	s6 =	simm.s32 @!p1 $0x1082;
	[sflag:s4] =	ssyncset.s32 $0xFFFFF086  }
0x25: {  	[simem:s6], [sflag:s4] =	dma.local [hbm:s3], $0xF7A  }
0x26: {  	[smem:$0x3F88] =	sst s1;
	(tag) =	ssettag s2;
	_ =	strace s9  }
0x27: {  	s1 =	sld [smem:$0x3F98]  }
0x28: {  	s2 =	sld [smem:$0x3F99]  }
0x29: {  	s4 =	sld [smem:$0x3F9B]  }
0x2a: {  	p0 =	seq.s32 s5, $0x0;
	s5 =	sld [smem:$0x3F9C]  }
0x2b: {  	s6 =	sld [smem:$0x3F9D]  }
0x2c: {  	s7 =	sld [smem:$0x3F9E]  }
0x2d: {  	s3 =	simm.s32 $0x108;
	s8 =	sld [smem:$0x3F9F]  }
0x2e: {  	s3 =	simm.s32 @!p0 $0x1082;
	s9 =	sld [smem:$0x3FA0]  }
0x2f: {  	lr =	sadd.s32 s0, s3;
	s0 =	sld [smem:$0x3F97]  }
0x30: {  	s3 =	sld [smem:$0x3F9A]  }
0x31: {  	[smem:$0x3FA3] =	sst s10  }
0x32: {  	s10 =	sld [smem:$0x3FA1];
	_ =	sdelay $0x3  }
0x33: {  	p0 =	seq.s32 s10, $0x1;
	s10 =	sld [smem:$0x3FA3];
	_ =	sdelay $0x3  }
0x34: {  	[smem:$0x3FA3] =	sst s10  }
0x35: {  	s10 =	sld [smem:$0x3FA2];
	_ =	sdelay $0x3  }
0x36: {  	p1 =	seq.s32 s10, $0x1;
	s10 =	sld [smem:$0x3FA3];
	_ =	sdelay $0x3  }
0x37: {  	[smem:$0x3FA3] =	sst s10  }
0x38: {  	s10 =	sld [smem:$0x3FA4]  }
0x39: {  	_ = 	snop;
	(pc) =	sbr.ind lr, $3  }
0x3a: {  	_ = 	snop  }
0x3b: {  	_ = 	snop  }
0x3c: {  	p2 =	seq.s32 s10, $0x1;
	s10 =	sld [smem:$0x3FA3]  }
0x3d: {  	_ =	shalt  }
0x3e: {  	_ =	shalt  }
0x3f: {  	_ =	shalt  }
0x40: {  	_ =	shalt  }
0x41: {  	_ =	shalt  }
0x42: {  	_ =	shalt  }
0x43: {  	_ =	shalt  }
0x44: {  	_ =	shalt  }
0x45: {  	_ =	shalt  }
0x46: {  	_ =	shalt  }
0x47: {  	_ =	shalt  }
0x48: {  	_ =	shalt  }
0x49: {  	_ =	shalt  }
0x4a: {  	_ =	shalt  }
0x4b: {  	_ =	shalt  }
0x4c: {  	_ =	shalt  }
0x4d: {  	_ =	shalt  }
0x4e: {  	_ =	shalt  }
0x4f: {  	_ =	shalt  }
0x50: {  	_ =	shalt  }
0x51: {  	_ =	shalt  }
0x52: {  	_ =	shalt  }
0x53: {  	_ =	shalt  }
0x54: {  	_ =	shalt  }
0x55: {  	_ =	shalt  }
0x56: {  	_ =	shalt  }
0x57: {  	_ =	shalt  }
0x58: {  	_ =	shalt  }
0x59: {  	_ =	shalt  }
0x5a: {  	_ =	shalt  }
0x5b: {  	_ =	shalt  }
0x5c: {  	_ =	shalt  }
0x5d: {  	_ =	shalt  }
0x5e: {  	_ =	shalt  }
0x5f: {  	_ =	shalt  }
0x60: {  	_ =	shalt  }
0x61: {  	_ =	shalt  }
0x62: {  	_ =	shalt  }
0x63: {  	_ =	shalt  }
0x64: {  	_ =	shalt  }
0x65: {  	_ =	shalt  }
0x66: {  	_ =	shalt  }
0x67: {  	_ =	shalt  }
0x68: {  	_ =	shalt  }
0x69: {  	_ =	shalt  }
0x6a: {  	_ =	shalt  }
0x6b: {  	_ =	shalt  }
0x6c: {  	_ =	shalt  }
0x6d: {  	_ =	shalt  }
0x6e: {  	_ =	shalt  }
0x6f: {  	_ =	shalt  }
0x70: {  	_ =	shalt  }
0x71: {  	_ =	shalt  }
0x72: {  	_ =	shalt  }
0x73: {  	_ =	shalt  }
0x74: {  	_ =	shalt  }
0x75: {  	_ =	shalt  }
0x76: {  	_ =	shalt  }
0x77: {  	_ =	shalt  }
0x78: {  	_ =	shalt  }
0x79: {  	_ =	shalt  }
0x7a: {  	_ =	shalt  }
0x7b: {  	_ =	shalt  }
0x7c: {  	_ =	shalt  }
0x7d: {  	_ =	shalt  }
0x7e: {  	_ =	shalt  }
0x7f: {  	_ =	shalt  }
0x80: {  	_ =	shalt  }
0x81: {  	_ =	shalt  }
0x82: {  	_ =	shalt  }
0x83: {  	_ =	shalt  }
0x84: {  	_ =	shalt  }
0x85: {  	_ =	shalt  }
0x86: {  	_ =	shalt  }
0x87: {  	_ =	shalt  }
.Lfunc_end0:
.L_simem_size_0:
called_computation.8_lowered:
.L_overlay_start_0:
0x88: {  	s2 =	sld [smem:$0x3FD9]  }
0x89: {  	s3 =	sld [smem:$0x3FFE];
	_ =	sdelay $0x1  }
0x8a: {  	s1 =	srdreg.scid  }
0x8b: {  	s0 =	sand.u32 $0x1, s1  }
0x8c: {  	s14 =	sshll.u32 s0, $0xA;
	s2 =	sadd.s32 s3, s2  }
0x8d: {  	s2 =	sadd.s32 s2, s14  }
0x8e: {  	[smem:$0x3FAF] =	sst s2  }
0x8f: {  	_ = 	snop  }
0x90: {  	s2 =	sld [smem:$0x3FD0];
	_ =	sdelay $0x2  }
0x91: {  	s15 =	simm.s32 $0xA;
	s4 =	simm.s32 $0x10  }
0x92: {  	[smem:s4], [sflag:s15] =	dma.local [hbm:s2], $0x1  }
0x93: {  	_ =	swait.eq [sflag:s15], $0x1  }
0x94: {  	[sflag:s15] =	ssyncset.done $0x0  }
0x95: {  	[sflag:s15] =	ssyncadd.s32 $0xFFFFFFFF  }
0x96: {  	s16 =	sld [smem:$0x13];
	(tm) =	ssettm $0x1  }
0x97: {  	s17 =	sld [smem:$0x3FFB];
	_ =	sdelay $0x3  }
0x98: {  	_ =	strace s17  }
0x99: {  	s3 =	sld [smem:$0x3FFC];
	_ =	sdelay $0x3  }
0x9a: {  	_ =	strace s3  }
0x9b: {  	s3 =	sld [smem:$0x3FFD];
	_ =	sdelay $0x3  }
0x9c: {  	_ =	strace s3  }
0x9d: {  	_ =	strace $0x8FFFFFFF  }
0x9e: {  	s18 =	sld [smem:$0x3FDB];
	_ =	sdelay $0x1  }
0x9f: {  	s19 =	simm.s32 $_scs_section_size  }
0xa0: {  	s5 =	simm.s32 $_size__tile_overlayer_lowered;
	s6 =	simm.s32 $_tile_overlayer_lowered  }
0xa1: {  	s22 =	simm.s32 $0x1BFF;
	s21 =	sshll.u32 s6, $0x1;
	s3 =	sadd.s32 s19, s18  }
0xa2: {  	s7 =	simm.s32 $0x0;
	s20 =	sshll.u32 s5, $0x1;
	s5 =	sadd.s32 s21, s3  }
0xa3: {  	[timem:s7], [sflag:s22] =	dma.local [hbm:s5], s20  }
0xa4: {  	_ =	swait.ge [sflag:s22], s20  }
0xa5: {  	s4 =	ssub.s32 $0x0, s20;
	[sflag:s22] =	ssyncset.done $0x0  }
0xa6: {  	[sflag:s22] =	ssyncadd.s32 s4;
	_ =	sdelay $0x1  }
0xa7: {  	s23 =	simm.s32 $0x1B8B  }
0xa8: {  	_ =	swait.ge [sflag:s23], $0x1  }
0xa9: {  	[sflag:s23] =	ssyncset.done $0x0  }
0xaa: {  	s25 =	simm.s32 $0x1B8E;
	s24 =	sld [smem:$0x3FFE];
	[sflag:s23] =	ssyncadd.s32 $0xFFFFFFFF  }
0xab: {  	s26 =	simm.s32 $execute0_lowered;
	[smem:$0x3FD2] =	sst s25  }
0xac: {  	s5 =	sshll.u32 s26, $0x1;
	_ =	strace $0x8000005E;
	[dreg:$0x1] =	wrdreg $0xFFFFFFFF  }
0xad: {  	s28 =	simm.s32 $_size_execute0_lowered;
	s3 =	sadd.s32 s3, s5;
	[dreg:$0x0] =	wrdreg $0x0  }
0xae: {  	s5 =	sshll.u32 s28, $0x1;
	[dreg:$0x2] =	wrdreg s3  }
0xaf: {  	[dreg:$0x3] =	wrdreg s5  }
0xb0: {  	[dreg:$0x4] =	wrdreg $0xC0  }
0xb1: {  	_ =	task [dreg:s7], $0x5FFFF  }
0xb2: {  	[dreg:$0x1] =	wrdreg $0xFFFFFFFF  }
0xb3: {  	[dreg:$0x0] =	wrdreg $0x60  }
0xb4: {  	[dreg:$0x2] =	wrdreg s16  }
0xb5: {  	[dreg:$0x3] =	wrdreg s24  }
0xb6: {  	[dreg:$0x4] =	wrdreg $0x9  }
0xb7: {  	_ =	task.clear_ibuf [dreg:s7], $0x5FFFF;
	_ =	strace $0x9000005E  }
0xb8: {  	s29 =	simm.s32 $0x9;
	_ =	strace $0x80000060  }
0xb9: {  	_ =	swait.ge [sflag:s29], $0x1  }
0xba: {  	[sflag:s29] =	ssyncadd.s32 $0xFFFFFFFF  }
0xbb: {  	_ =	strace $0x90000060  }
0xbc: {  	_ =	sfence  }
0xbd: {  	s30 =	sld [smem:$0x0];
	_ =	sdelay $0x2  }
0xbe: {  	s31 =	sshll.u32 s1, $0xD;
	s1 =	sshrl.u32 s1, $0x2  }
0xbf: {  	s3 =	sand.u32 $0x4000, s31;
	s1 =	sadd.s32 s1, s30  }
0xc0: {  	s0 =	sor.u32 s3, s0;
	s1 =	sshll.u32 s1, $0x11  }
0xc1: {  	s0 =	sor.u32 s1, s0  }
0xc2: {  	s0 =	sadd.s32 $0x8F2B, s0  }
0xc3: {  	[sflag:s0] =	ssyncadd.remote.s32 $0x1  }
0xc4: {  	_ =	sfence.sel $0xFFFF  }
0xc5: {  	[dreg:$0x0] =	wrdreg $0xFFFFFFFF;
	(pc) =	sbr.abs _section_cstart, $3  }
0xc6: {  	[dreg:$0x1] =	wrdreg $0xFFFFFFFF  }
0xc7: {  	_ =	task.clear_ibuf [dreg:s7], $0x2FFFF;
	_ =	strace $0x9FFFFFFF  }
0xc8: {  	(tm) =	ssettm $0x7FFFFFFF  }
0xc9: {  	_ =	shalt  }
tec
execute0_lowered:
.L_overlay_start_1:
0x0: {  	(tag) =	ssettag $0x1  }
0x1: {  	s0 =	srdreg.scid;
	s2 =	rddreg [dreg:$0x0]  }
0x2: {  	s6 =	rddreg [dreg:$0x1];
	s1 =	stileid.u32;
	s3 =	simm.s32 $0x0  }
0x3: {  	s10 =	simm.s32 $0x3;
	s11 =	simm.s32 $0x2800;
	s12 =	simm.s32 $0x11000  }
0x4: {  	s13 =	simm.s32 $0x80;
	s14 =	simm.s32 $0x5000;
	s15 =	simm.s32 $0x9000  }
0x5: {  	s16 =	simm.s32 $0x1;
	s17 =	simm.s32 $0x2;
	s5 =	sand.u32 $0x1, s0  }
0x6: {  	s18 =	simm.s32 $0xD000;
	s0 =	rddreg [dreg:$0x2];
	s4 =	sshll.u32 s5, $0x4  }
0x7: {  	s19 =	simm.s32 $0x0;
	[smem:$0x7FF] =	sst s3;
	s8 =	sor.u32 s1, s4  }
0x8: {  	_ =	strace $0x8000005F;
	s9 =	ssub.s32 $0x2, s5;
	s7 =	smul.u32 $0x500, s8  }
0x9: {  	s5 =	sadd.s32 $0x1CCC00, s6;
	s4 =	sadd.s32 $0xB0C00, s6;
	s31 =	sshrl.u32 s9, $0x1  }
0xa: {  	s9 =	ssub.s32 s9, s31;
	s8 =	smul.u32 $0x2780, s8;
	s7 =	sadd.s32 s7, s6  }
0xb: {  	s9 =	smax.u32 s9, $0x1;
	s6 =	sadd.s32 $0x1C2C00, s7;
	s7 =	sadd.s32 $0x9800, s7  }
.LBB2_1:
0xc: {  	[tilespmem:s3], [sflag:$0x3] =	stream.linear.gather [hbm4b:s6+s3], $0x2780, $0x38;
	[tilespmem:$0x11080] =	vst v63  }
0xd: {  	_ =	swait.ge [sflag:s10], $0x2780  }
0xe: {  	[sflag:s10] =	ssyncset.done $0x0  }
0xf: {  	[sflag:s10] =	ssyncadd.s32 $0xFFFFD880  }
0x10: {  	[tilespmem:s11], [sflag:$0x3] =	stream.linear.gather [hbm4b:s7+s3], $0x2780, $0x38;
	[tilespmem:$0x11080] =	vst v63  }
0x11: {  	_ =	swait.ge [sflag:s10], $0x2780  }
0x12: {  	[sflag:s10] =	ssyncset.done $0x0  }
0x13: {  	[sflag:s10] =	ssyncadd.s32 $0xFFFFD880  }
0x14: {  	[tilespmem:s12], [sflag:$0x3] =	stream.linear.gather [hbm4b:s4+s3], $0x80, $0x38;
	[tilespmem:$0x11080] =	vst v63  }
0x15: {  	_ =	swait.ge [sflag:s10], $0x80  }
0x16: {  	[sflag:s10] =	ssyncset.done $0x0  }
0x17: {  	[sflag:s10] =	ssyncadd.s32 $0xFFFFFF80  }
0x18: {  	v0 =	vld [tilespmem:$0x11000]  }
0x19: {  	s20 =	simm.s32 $0x0  }
.LBB2_2:
0x1a: {  	s21 =	sshll.u32 s20, $0x7  }
0x1b: {  	[tilespmem:s14], [sflag:$0x1] =	stream.indirect.gather [hbm4b:s2+s13], $0x80, s21, s13, $0xb8;
	[tilespmem:$0x11080] =	vst v63  }
0x1c: {  	s22 =	sadd.s32 $0x2800, s21  }
0x1d: {  	[tilespmem:s15], [sflag:$0x2] =	stream.indirect.gather [hbm4b:s2+s13], $0x80, s22, s13, $0xb8;
	[tilespmem:$0x11080] =	vst v63  }
0x1e: {  	_ =	swait.ge [sflag:s16], $0x4000  }
0x1f: {  	[sflag:s16] =	ssyncset.done $0x0  }
0x20: {  	[sflag:s16] =	ssyncadd.s32 $0xFFFFC000  }
0x21: {  	_ =	swait.ge [sflag:s17], $0x4000  }
0x22: {  	[sflag:s17] =	ssyncset.done $0x0  }
0x23: {  	s22 =	simm.s32 $0x0;
	[sflag:s17] =	ssyncadd.s32 $0xFFFFC000  }
0x24: {  	v1 =	vld [tilespmem:s22+$0x5000]  }
0x25: {  	v2 =	vld [tilespmem:s22+$0x9000];
	_ =	sdelay $0x2  }
0x26: {  	s23 =	simm.s32 $0x200  }
.LBB2_3:
0x27: {  	s24 =	sshra.s32 s23, $0x2;
	p0 =	sne.s32 s23, $0xFE00  }
.Ltmp0:
0x28: {  	s23 =	sadd.s32 $0x200, s23;
	v3 =	vadd.f32 v2, v1;
	v1 =	vld [tilespmem:s24+$0x5000];
	(pc) =	sbr.rel @p0 .LBB2_3-.Ltmp0, $3  }
0x29: {  	v2 =	vld [tilespmem:s24+$0x9000]  }
0x2a: {  	v3 =	vadd.f32 v3, v0;
	_ =	sdelay $0x1  }
0x2b: {  	[tilespmem:s22+$0xD000] =	vst v3;
	s22 =	smov.u32 s24  }
0x2c: {  	_ = 	snop  }
0x2d: {  	v1 =	vadd.f32 v2, v1;
	_ =	sdelay $0x1  }
0x2e: {  	s21 =	sadd.s32 s8, s21;
	s20 =	sadd.s32 $0x1, s20;
	v1 =	vadd.f32 v1, v0  }
0x2f: {  	s21 =	sshll.u32 s21, $0x4;
	p0 =	sne.s32 s20, $0x4F  }
.Ltmp1:
0x30: {  	s21 =	sadd.s32 s5, s21;
	[tilespmem:s22+$0xD000] =	vst v1;
	(pc) =	sbr.rel @p0 .LBB2_2-.Ltmp1, $4  }
0x31: {  	[hbm4b:s21+s3] =	stream.linear.scatter [tilespmem:s18], [sflag:$0x3], $0x4000, $0x38;
	[tilespmem:$0x11080] =	vst v63  }
0x32: {  	_ =	swait.ge [sflag:s10], $0x4000  }
0x33: {  	[sflag:s10] =	ssyncset.done $0x0  }
0x34: {  	[sflag:s10] =	ssyncadd.s32 $0xFFFFC000  }
0x35: {  	s19 =	sadd.s32 $0x1, s19  }
0x36: {  	p0 =	sne.s32 s19, s9  }
.Ltmp2:
0x37: {  	_ = 	snop;
	(pc) =	sbr.rel @p0 .LBB2_1-.Ltmp2, $1  }
0x38: {  	_ =	sdelay $0x3  }
0x39: {  	_ =	sfence.sel $0x180000  }
0x3a: {  	[bflag:$0x0] =	sbarrier.arrive $0xFFFF  }
0x3b: {  	p0 =	sne.s32 s1, $0x0;
	_ =	strace $0x9000005F  }
0x3c: {  	s0 =	sadd.s32 @!p0 $0x100000, s0;
	[bflag:$0x2] =	sbarrier.arrive $0xFFFF  }
0x3d: {  	[sflag:s0] =	ssyncadd.tile.s32 @!p0 $0x1;
	_ =	shalt  }
.Lfunc_end2:
_tile_overlayer_lowered:
.L_overlay_start_2:
0x3e: {  	(tag) =	ssettag $0x2  }
0x3f: {  	s0 =	rddreg [dreg:$0x0];
	s2 =	stileid.u32  }
0x40: {  	s1 =	rddreg [dreg:$0x1];
	p0 =	sne.s32 s2, $0x0  }
0x41: {  	s3 =	rddreg [dreg:$0x2];
	[bflag:$0x3] =	sbarrier.arrive $0xFFFF;
	s2 =	simm.s32 @!p0 $0x1C03  }
0x42: {  	[timem:s3], [sflag:s2] =	dma.local @!p0 [hbm:s0], s1  }
0x43: {  	s0 =	simm.s32 @!p0 $0x3  }
0x44: {  	_ =	swait.ge @!p0 [sflag:s0], s1  }
0x45: {  	s1 =	ssub.s32 @!p0 $0x0, s1;
	[sflag:s0] =	ssyncset.done @!p0 $0x0  }
0x46: {  	[sflag:s0] =	ssyncadd.s32 @!p0 s1  }
0x47: {  	[bflag:$0x3] =	sbarrier.arrive $0xFFFF  }
0x48: {  	_ =	shalt  }

</sc_bundles>
